<compile_context>
chip_gen: v7x
topology: tpu7x:2x2x1
jax: 0.10.2.dev20260603
libtpu: 0.0.44.dev20260713+nightly
codegen_flags: <defaults>
</compile_context>

<pallas_src>
import functools

import jax
import jax.numpy as jnp
from jax import lax
from jax.experimental import pallas as pl
from jax.experimental.pallas import tpu as pltpu
from jax.experimental.pallas import tpu_sc as plsc

_B, _L, _D = 4096, 200, 64
_DP = 128
_NC, _NS = 2, 16
_NW = _NC * _NS
_SEQ_W = _B // _NW
_IA, _IB = 128, _L - 128
_NBUF = 3


def _body(x_hbm, tok_hbm, pos_hbm, out_hbm, ia0, ia1, ia2, ib0, ib1, ib2,
          r0, r1, r2, pos_v, g0, g1, g2, s0, s1, s2):
    idxa = (ia0, ia1, ia2)
    idxb = (ib0, ib1, ib2)
    rows = (r0, r1, r2)
    sem_g = (g0, g1, g2)
    sem_st = (s0, s1, s2)
    wid = lax.axis_index("s") * _NC + lax.axis_index("c")
    seq0 = wid * _SEQ_W
    base = seq0 * _L
    pltpu.sync_copy(pos_hbm.at[pl.ds(0, _L)], pos_v)

    def fire_gather(b, j):
        r0_ = base + j * _L
        pltpu.sync_copy(x_hbm.at[pl.ds(r0_, _IA)], idxa[b])
        pltpu.sync_copy(x_hbm.at[pl.ds(r0_ + _IA, _IB)], idxb[b])
        pltpu.async_copy(tok_hbm.at[idxa[b]], rows[b].at[pl.ds(0, _IA)],
                         sem_g[b])
        pltpu.async_copy(tok_hbm.at[idxb[b]], rows[b].at[pl.ds(_IA, _IB)],
                         sem_g[b])

    def wait_store(b):
        pltpu.make_async_copy(rows[b], out_hbm.at[seq0], sem_st[b]).wait()

    def process(b, j):
        buf = rows[b]
        pltpu.make_async_copy(tok_hbm.at[idxa[b]], buf.at[pl.ds(0, _IA)],
                              sem_g[b]).wait()
        pltpu.make_async_copy(tok_hbm.at[idxb[b]], buf.at[pl.ds(_IA, _IB)],
                              sem_g[b]).wait()

        @plsc.parallel_loop(0, _L, step=1, unroll=8)
        def _add(r):
            for c in range(_D // 16):
                s = pl.ds(c * 16, 16)
                buf[r, s] = buf[r, s] + pos_v[r, s]

        pltpu.async_copy(buf, out_hbm.at[seq0 + j], sem_st[b])

    fire_gather(0, 0)
    fire_gather(1, 1)
    process(0, 0)
    fire_gather(2, 2)
    process(1, 1)
    wait_store(0)
    fire_gather(0, 3)
    process(2, 2)

    @pl.loop(3, _SEQ_W - 5, step=_NBUF)
    def _grp(g):
        for b in range(_NBUF):
            j = g + b
            fb = (b + 1) % _NBUF
            wait_store(fb)
            fire_gather(fb, j + 1)
            process(b, j)

    for j in range(_SEQ_W - 5, _SEQ_W):
        b = j % _NBUF
        if j + 1 < _SEQ_W:
            fb = (j + 1) % _NBUF
            wait_store(fb)
            fire_gather(fb, j + 1)
        process(b, j)
    for b in range(_NBUF):
        wait_store(b)


_V = 1000000
_TCHUNK = 16384


def _fmt_body(tt_ref, out_ref):
    eye = jnp.eye(_D, dtype=jnp.float32)
    res = jax.lax.dot_general(tt_ref[...], eye, (((0,), (0,)), ((), ())),
                              preferred_element_type=jnp.float32)
    out_ref[...] = jnp.concatenate((res, res), axis=1)


_tc_fmt = pl.pallas_call(
    _fmt_body,
    out_shape=jax.ShapeDtypeStruct((_V, _DP), jnp.float32),
    grid=((_V + _TCHUNK - 1) // _TCHUNK,),
    in_specs=[pl.BlockSpec((_D, _TCHUNK), lambda i: (0, i))],
    out_specs=pl.BlockSpec((_TCHUNK, _DP), lambda i: (i, 0)),
)


_sc_embed = functools.partial(
    pl.kernel,
    mesh=plsc.VectorSubcoreMesh(core_axis_name="c", subcore_axis_name="s"),
    out_type=jax.ShapeDtypeStruct((_B, _L, _DP), jnp.float32),
    scratch_types=(
        [pltpu.VMEM((_IA,), jnp.int32) for _ in range(_NBUF)]
        + [pltpu.VMEM((_IB,), jnp.int32) for _ in range(_NBUF)]
        + [pltpu.VMEM((_L, _DP), jnp.float32) for _ in range(_NBUF)]
        + [pltpu.VMEM((_L, _D), jnp.float32)]
        + [pltpu.SemaphoreType.DMA for _ in range(2 * _NBUF)]
    ),
)(_body)


@jax.jit
def kernel(x, token_table, pos_table):
    xf = x.reshape(-1)
    tpad = _tc_fmt(token_table.T)
    out = _sc_embed(xf, tpad, pos_table)
    return out[..., :_D]

# --- scband reference (transcript-rebuilt; emitter-appended) ---
"""Pipeline reference for scband-token-embedding-7842610282653 (READ-ONLY COPY).

The authoritative reference and input builder live on the scoring server;
editing this copy changes nothing except your own understanding.
"""

import jax, jax.numpy as jnp
import numpy as np

NUM_VOCAB = 1000000
MAX_LEN = 200
D_MODEL = 64
BATCH = 4096
SEQ_LEN = 200

def setup_inputs(seed: int = 0) -> dict:
    key = jax.random.key(seed)
    k1, k2, k3 = jax.random.split(key, 3)
    x = jax.random.randint(k1, (BATCH, SEQ_LEN), 0, NUM_VOCAB, dtype=jnp.int64 if jax.config.jax_enable_x64 else jnp.int32).astype(jnp.int32)
    token_table = jax.random.normal(k2, (NUM_VOCAB, D_MODEL), dtype=jnp.float32)
    pos_table = jax.random.normal(k3, (MAX_LEN + 1, D_MODEL), dtype=jnp.float32)
    return {"x": x, "token_table": token_table, "pos_table": pos_table}

def reference(x, token_table, pos_table):
    # positions = arange(0, seq_len)[None, :]
    positions = jnp.arange(x.shape[1])[None, :]
    tok = jnp.take(token_table, x, axis=0)          # [B, L, D]
    pos = jnp.take(pos_table, positions, axis=0)    # [1, L, D]
    return tok + pos

if __name__ == "__main__":
    import jax
    _d = setup_inputs()
    print(jax.jit(kernel)(*tuple(_d.values())))

</pallas_src>

<mosaic_0001>
#map = affine_map<(d0, d1) -> (0)>
#map1 = affine_map<(d0, d1) -> (0, 0)>
#map2 = affine_map<(d0, d1) -> (0, 0, 0)>
module attributes {stable_mosaic.version = 14 : i64} {
  func.func @_body(%arg0: i32, %arg1: i32, %arg2: memref<819200xi32, #tpu.memory_space<hbm>>, %arg3: memref<1000000x128xf32, #tpu.memory_space<hbm>>, %arg4: memref<201x64xf32, #tpu.memory_space<hbm>>, %arg5: memref<4096x200x128xf32, #tpu.memory_space<hbm>>, %arg6: memref<128xi32, #tpu.memory_space<vmem>>, %arg7: memref<128xi32, #tpu.memory_space<vmem>>, %arg8: memref<128xi32, #tpu.memory_space<vmem>>, %arg9: memref<72xi32, #tpu.memory_space<vmem>>, %arg10: memref<72xi32, #tpu.memory_space<vmem>>, %arg11: memref<72xi32, #tpu.memory_space<vmem>>, %arg12: memref<200x128xf32, #tpu.memory_space<vmem>>, %arg13: memref<200x128xf32, #tpu.memory_space<vmem>>, %arg14: memref<200x128xf32, #tpu.memory_space<vmem>>, %arg15: memref<200x64xf32, #tpu.memory_space<vmem>>, %arg16: memref<!tpu.dma_semaphore, #tpu.memory_space<semaphore_mem>>, %arg17: memref<!tpu.dma_semaphore, #tpu.memory_space<semaphore_mem>>, %arg18: memref<!tpu.dma_semaphore, #tpu.memory_space<semaphore_mem>>, %arg19: memref<!tpu.dma_semaphore, #tpu.memory_space<semaphore_mem>>, %arg20: memref<!tpu.dma_semaphore, #tpu.memory_space<semaphore_mem>>, %arg21: memref<!tpu.dma_semaphore, #tpu.memory_space<semaphore_mem>>) attributes {dimension_semantics = [#tpu.dimension_semantics<core_parallel>, #tpu.dimension_semantics<subcore_parallel>], iteration_bounds = array<i64: 2, 16>, scalar_prefetch = 0 : i64, scratch_operands = 16 : i64, tpu.core_type = #tpu.core_type<sc_vector_subcore>, window_params = [{transform_indices = #map}, {transform_indices = #map1}, {transform_indices = #map1}, {transform_indices = #map2}]} {
    %mul3A = arith.constant 2 : i32
    %mul3A_0 = arith.muli %arg1, %mul3A : i32
    %add3A = arith.addi %mul3A_0, %arg0 : i32
    %mul3A_1 = arith.constant 128 : i32
    %mul3A_2 = arith.muli %add3A, %mul3A_1 : i32
    %mul3A_3 = arith.constant 200 : i32
    %mul3A_4 = arith.muli %mul3A_2, %mul3A_3 : i32
    "tpu.region"() ({
      %run_scoped3A = tpu.sem_alloc : memref<!tpu.dma_semaphore, #tpu.memory_space<semaphore_mem>>
      %dma_start3A_398 = arith.constant 0 : i32
      %dma_start3A_399 = arith.constant 0 : i32
      %dma_start3A_400 = tpu.memref_slice %arg4[%dma_start3A_398, %dma_start3A_399] : memref<201x64xf32, #tpu.memory_space<hbm>> -> memref<200x64xf32, #tpu.memory_space<hbm>>
      %dma_start3A_401 = arith.constant 0 : i32
      %dma_start3A_402 = arith.constant 0 : i32
      %dma_start3A_403 = tpu.memref_slice %arg4[%dma_start3A_401, %dma_start3A_402] : memref<201x64xf32, #tpu.memory_space<hbm>> -> memref<200x64xf32, #tpu.memory_space<hbm>>
      tpu.enqueue_dma source(%dma_start3A_403 : memref<200x64xf32, #tpu.memory_space<hbm>>) target(%arg15 : memref<200x64xf32, #tpu.memory_space<vmem>>) target_semaphore(%run_scoped3A : memref<!tpu.dma_semaphore, #tpu.memory_space<semaphore_mem>>)
      %dma_wait3A_404 = arith.constant 0 : i32
      %dma_wait3A_405 = arith.constant 0 : i32
      %dma_wait3A_406 = tpu.memref_slice %arg4[%dma_wait3A_404, %dma_wait3A_405] : memref<201x64xf32, #tpu.memory_space<hbm>> -> memref<200x64xf32, #tpu.memory_space<hbm>>
      %dma_wait3A_407 = arith.constant 0 : i32
      %dma_wait3A_408 = arith.constant 0 : i32
      %dma_wait3A_409 = tpu.memref_slice %arg4[%dma_wait3A_407, %dma_wait3A_408] : memref<201x64xf32, #tpu.memory_space<hbm>> -> memref<200x64xf32, #tpu.memory_space<hbm>>
      tpu.wait_dma2 semaphore(%run_scoped3A : memref<!tpu.dma_semaphore, #tpu.memory_space<semaphore_mem>>) src(%dma_wait3A_409 : memref<200x64xf32, #tpu.memory_space<hbm>>) dst(%arg15 : memref<200x64xf32, #tpu.memory_space<vmem>>)
      tpu.yield
    }) : () -> ()
    %add3A_5 = arith.constant 0 : i32
    %add3A_6 = arith.addi %mul3A_4, %add3A_5 : i32
    "tpu.region"() ({
      %run_scoped3A = tpu.sem_alloc : memref<!tpu.dma_semaphore, #tpu.memory_space<semaphore_mem>>
      %dma_start3A_398 = tpu.memref_slice %arg2[%add3A_6] : memref<819200xi32, #tpu.memory_space<hbm>> -> memref<128xi32, #tpu.memory_space<hbm>>
      %dma_start3A_399 = tpu.memref_slice %arg2[%add3A_6] : memref<819200xi32, #tpu.memory_space<hbm>> -> memref<128xi32, #tpu.memory_space<hbm>>
      tpu.enqueue_dma source(%dma_start3A_399 : memref<128xi32, #tpu.memory_space<hbm>>) target(%arg6 : memref<128xi32, #tpu.memory_space<vmem>>) target_semaphore(%run_scoped3A : memref<!tpu.dma_semaphore, #tpu.memory_space<semaphore_mem>>)
      %dma_wait3A_400 = tpu.memref_slice %arg2[%add3A_6] : memref<819200xi32, #tpu.memory_space<hbm>> -> memref<128xi32, #tpu.memory_space<hbm>>
      %dma_wait3A_401 = tpu.memref_slice %arg2[%add3A_6] : memref<819200xi32, #tpu.memory_space<hbm>> -> memref<128xi32, #tpu.memory_space<hbm>>
      tpu.wait_dma2 semaphore(%run_scoped3A : memref<!tpu.dma_semaphore, #tpu.memory_space<semaphore_mem>>) src(%dma_wait3A_401 : memref<128xi32, #tpu.memory_space<hbm>>) dst(%arg6 : memref<128xi32, #tpu.memory_space<vmem>>)
      tpu.yield
    }) : () -> ()
    %add3A_7 = arith.constant 128 : i32
    %add3A_8 = arith.addi %add3A_6, %add3A_7 : i32
    "tpu.region"() ({
      %run_scoped3A = tpu.sem_alloc : memref<!tpu.dma_semaphore, #tpu.memory_space<semaphore_mem>>
      %dma_start3A_398 = tpu.memref_slice %arg2[%add3A_8] : memref<819200xi32, #tpu.memory_space<hbm>> -> memref<72xi32, #tpu.memory_space<hbm>>
      %dma_start3A_399 = tpu.memref_slice %arg2[%add3A_8] : memref<819200xi32, #tpu.memory_space<hbm>> -> memref<72xi32, #tpu.memory_space<hbm>>
      tpu.enqueue_dma source(%dma_start3A_399 : memref<72xi32, #tpu.memory_space<hbm>>) target(%arg9 : memref<72xi32, #tpu.memory_space<vmem>>) target_semaphore(%run_scoped3A : memref<!tpu.dma_semaphore, #tpu.memory_space<semaphore_mem>>)
      %dma_wait3A_400 = tpu.memref_slice %arg2[%add3A_8] : memref<819200xi32, #tpu.memory_space<hbm>> -> memref<72xi32, #tpu.memory_space<hbm>>
      %dma_wait3A_401 = tpu.memref_slice %arg2[%add3A_8] : memref<819200xi32, #tpu.memory_space<hbm>> -> memref<72xi32, #tpu.memory_space<hbm>>
      tpu.wait_dma2 semaphore(%run_scoped3A : memref<!tpu.dma_semaphore, #tpu.memory_space<semaphore_mem>>) src(%dma_wait3A_401 : memref<72xi32, #tpu.memory_space<hbm>>) dst(%arg9 : memref<72xi32, #tpu.memory_space<vmem>>)
      tpu.yield
    }) : () -> ()
    %dma_start3A = arith.constant 0 : i32
    %dma_start3A_9 = arith.constant 0 : i32
    %dma_start3A_10 = tpu.memref_slice %arg12[%dma_start3A, %dma_start3A_9] : memref<200x128xf32, #tpu.memory_space<vmem>> -> memref<128x128xf32, #tpu.memory_space<vmem>>
    %dma_start3A_11 = arith.constant 0 : i32
    %dma_start3A_12 = arith.constant 0 : i32
    %dma_start3A_13 = tpu.memref_slice %arg3[%dma_start3A_11, %dma_start3A_12] : memref<1000000x128xf32, #tpu.memory_space<hbm>> -> memref<1000000x128xf32, #tpu.memory_space<hbm>>
    tpu.enqueue_indirect_dma source(%dma_start3A_13 : memref<1000000x128xf32, #tpu.memory_space<hbm>>) target(%dma_start3A_10 : memref<128x128xf32, #tpu.memory_space<vmem>>) offsets(%arg6 : memref<128xi32, #tpu.memory_space<vmem>>) semaphore(%arg16 : memref<!tpu.dma_semaphore, #tpu.memory_space<semaphore_mem>>)
    %dma_start3A_14 = arith.constant 128 : i32
    %dma_start3A_15 = arith.constant 0 : i32
    %dma_start3A_16 = tpu.memref_slice %arg12[%dma_start3A_14, %dma_start3A_15] : memref<200x128xf32, #tpu.memory_space<vmem>> -> memref<72x128xf32, #tpu.memory_space<vmem>>
    %dma_start3A_17 = arith.constant 0 : i32
    %dma_start3A_18 = arith.constant 0 : i32
    %dma_start3A_19 = tpu.memref_slice %arg3[%dma_start3A_17, %dma_start3A_18] : memref<1000000x128xf32, #tpu.memory_space<hbm>> -> memref<1000000x128xf32, #tpu.memory_space<hbm>>
    tpu.enqueue_indirect_dma source(%dma_start3A_19 : memref<1000000x128xf32, #tpu.memory_space<hbm>>) target(%dma_start3A_16 : memref<72x128xf32, #tpu.memory_space<vmem>>) offsets(%arg9 : memref<72xi32, #tpu.memory_space<vmem>>) semaphore(%arg16 : memref<!tpu.dma_semaphore, #tpu.memory_space<semaphore_mem>>)
    %add3A_20 = arith.constant 200 : i32
    %add3A_21 = arith.addi %mul3A_4, %add3A_20 : i32
    "tpu.region"() ({
      %run_scoped3A = tpu.sem_alloc : memref<!tpu.dma_semaphore, #tpu.memory_space<semaphore_mem>>
      %dma_start3A_398 = tpu.memref_slice %arg2[%add3A_21] : memref<819200xi32, #tpu.memory_space<hbm>> -> memref<128xi32, #tpu.memory_space<hbm>>
      %dma_start3A_399 = tpu.memref_slice %arg2[%add3A_21] : memref<819200xi32, #tpu.memory_space<hbm>> -> memref<128xi32, #tpu.memory_space<hbm>>
      tpu.enqueue_dma source(%dma_start3A_399 : memref<128xi32, #tpu.memory_space<hbm>>) target(%arg7 : memref<128xi32, #tpu.memory_space<vmem>>) target_semaphore(%run_scoped3A : memref<!tpu.dma_semaphore, #tpu.memory_space<semaphore_mem>>)
      %dma_wait3A_400 = tpu.memref_slice %arg2[%add3A_21] : memref<819200xi32, #tpu.memory_space<hbm>> -> memref<128xi32, #tpu.memory_space<hbm>>
      %dma_wait3A_401 = tpu.memref_slice %arg2[%add3A_21] : memref<819200xi32, #tpu.memory_space<hbm>> -> memref<128xi32, #tpu.memory_space<hbm>>
      tpu.wait_dma2 semaphore(%run_scoped3A : memref<!tpu.dma_semaphore, #tpu.memory_space<semaphore_mem>>) src(%dma_wait3A_401 : memref<128xi32, #tpu.memory_space<hbm>>) dst(%arg7 : memref<128xi32, #tpu.memory_space<vmem>>)
      tpu.yield
    }) : () -> ()
    %add3A_22 = arith.constant 128 : i32
    %add3A_23 = arith.addi %add3A_21, %add3A_22 : i32
    "tpu.region"() ({
      %run_scoped3A = tpu.sem_alloc : memref<!tpu.dma_semaphore, #tpu.memory_space<semaphore_mem>>
      %dma_start3A_398 = tpu.memref_slice %arg2[%add3A_23] : memref<819200xi32, #tpu.memory_space<hbm>> -> memref<72xi32, #tpu.memory_space<hbm>>
      %dma_start3A_399 = tpu.memref_slice %arg2[%add3A_23] : memref<819200xi32, #tpu.memory_space<hbm>> -> memref<72xi32, #tpu.memory_space<hbm>>
      tpu.enqueue_dma source(%dma_start3A_399 : memref<72xi32, #tpu.memory_space<hbm>>) target(%arg10 : memref<72xi32, #tpu.memory_space<vmem>>) target_semaphore(%run_scoped3A : memref<!tpu.dma_semaphore, #tpu.memory_space<semaphore_mem>>)
      %dma_wait3A_400 = tpu.memref_slice %arg2[%add3A_23] : memref<819200xi32, #tpu.memory_space<hbm>> -> memref<72xi32, #tpu.memory_space<hbm>>
      %dma_wait3A_401 = tpu.memref_slice %arg2[%add3A_23] : memref<819200xi32, #tpu.memory_space<hbm>> -> memref<72xi32, #tpu.memory_space<hbm>>
      tpu.wait_dma2 semaphore(%run_scoped3A : memref<!tpu.dma_semaphore, #tpu.memory_space<semaphore_mem>>) src(%dma_wait3A_401 : memref<72xi32, #tpu.memory_space<hbm>>) dst(%arg10 : memref<72xi32, #tpu.memory_space<vmem>>)
      tpu.yield
    }) : () -> ()
    %dma_start3A_24 = arith.constant 0 : i32
    %dma_start3A_25 = arith.constant 0 : i32
    %dma_start3A_26 = tpu.memref_slice %arg13[%dma_start3A_24, %dma_start3A_25] : memref<200x128xf32, #tpu.memory_space<vmem>> -> memref<128x128xf32, #tpu.memory_space<vmem>>
    %dma_start3A_27 = arith.constant 0 : i32
    %dma_start3A_28 = arith.constant 0 : i32
    %dma_start3A_29 = tpu.memref_slice %arg3[%dma_start3A_27, %dma_start3A_28] : memref<1000000x128xf32, #tpu.memory_space<hbm>> -> memref<1000000x128xf32, #tpu.memory_space<hbm>>
    tpu.enqueue_indirect_dma source(%dma_start3A_29 : memref<1000000x128xf32, #tpu.memory_space<hbm>>) target(%dma_start3A_26 : memref<128x128xf32, #tpu.memory_space<vmem>>) offsets(%arg7 : memref<128xi32, #tpu.memory_space<vmem>>) semaphore(%arg17 : memref<!tpu.dma_semaphore, #tpu.memory_space<semaphore_mem>>)
    %dma_start3A_30 = arith.constant 128 : i32
    %dma_start3A_31 = arith.constant 0 : i32
    %dma_start3A_32 = tpu.memref_slice %arg13[%dma_start3A_30, %dma_start3A_31] : memref<200x128xf32, #tpu.memory_space<vmem>> -> memref<72x128xf32, #tpu.memory_space<vmem>>
    %dma_start3A_33 = arith.constant 0 : i32
    %dma_start3A_34 = arith.constant 0 : i32
    %dma_start3A_35 = tpu.memref_slice %arg3[%dma_start3A_33, %dma_start3A_34] : memref<1000000x128xf32, #tpu.memory_space<hbm>> -> memref<1000000x128xf32, #tpu.memory_space<hbm>>
    tpu.enqueue_indirect_dma source(%dma_start3A_35 : memref<1000000x128xf32, #tpu.memory_space<hbm>>) target(%dma_start3A_32 : memref<72x128xf32, #tpu.memory_space<vmem>>) offsets(%arg10 : memref<72xi32, #tpu.memory_space<vmem>>) semaphore(%arg17 : memref<!tpu.dma_semaphore, #tpu.memory_space<semaphore_mem>>)
    %dma_wait3A = arith.constant 0 : i32
    %dma_wait3A_36 = arith.constant 0 : i32
    %dma_wait3A_37 = tpu.memref_slice %arg12[%dma_wait3A, %dma_wait3A_36] : memref<200x128xf32, #tpu.memory_space<vmem>> -> memref<128x128xf32, #tpu.memory_space<vmem>>
    %dma_wait3A_38 = arith.constant 0 : i32
    %dma_wait3A_39 = arith.constant 0 : i32
    %dma_wait3A_40 = tpu.memref_slice %arg3[%dma_wait3A_38, %dma_wait3A_39] : memref<1000000x128xf32, #tpu.memory_space<hbm>> -> memref<1000000x128xf32, #tpu.memory_space<hbm>>
    tpu.wait_indirect_dma semaphore(%arg16 : memref<!tpu.dma_semaphore, #tpu.memory_space<semaphore_mem>>) src(%dma_wait3A_40 : memref<1000000x128xf32, #tpu.memory_space<hbm>>) dst(%dma_wait3A_37 : memref<128x128xf32, #tpu.memory_space<vmem>>)
    %dma_wait3A_41 = arith.constant 128 : i32
    %dma_wait3A_42 = arith.constant 0 : i32
    %dma_wait3A_43 = tpu.memref_slice %arg12[%dma_wait3A_41, %dma_wait3A_42] : memref<200x128xf32, #tpu.memory_space<vmem>> -> memref<72x128xf32, #tpu.memory_space<vmem>>
    %dma_wait3A_44 = arith.constant 0 : i32
    %dma_wait3A_45 = arith.constant 0 : i32
    %dma_wait3A_46 = tpu.memref_slice %arg3[%dma_wait3A_44, %dma_wait3A_45] : memref<1000000x128xf32, #tpu.memory_space<hbm>> -> memref<1000000x128xf32, #tpu.memory_space<hbm>>
    tpu.wait_indirect_dma semaphore(%arg16 : memref<!tpu.dma_semaphore, #tpu.memory_space<semaphore_mem>>) src(%dma_wait3A_46 : memref<1000000x128xf32, #tpu.memory_space<hbm>>) dst(%dma_wait3A_43 : memref<72x128xf32, #tpu.memory_space<vmem>>)
    %parallel_loop3A = arith.constant 0 : i32
    %parallel_loop3A_47 = arith.constant 200 : i32
    %parallel_loop3A_48 = arith.constant 1 : i32
    scf.for %parallel_loop3A_398 = %parallel_loop3A to %parallel_loop3A_47 step %parallel_loop3A_48  : i32 {
      %parallel_loop3A_399 = arith.index_cast %parallel_loop3A_398 : i32 to index
      %parallel_loop3A_400 = arith.constant 0 : index
      %parallel_loop3A_401 = tpu.vector_load %arg12[%parallel_loop3A_399, %parallel_loop3A_400] {strides = array<i32>} : memref<200x128xf32, #tpu.memory_space<vmem>>, vector<1x16xf32>,
      %parallel_loop3A_402 = vector.shape_cast %parallel_loop3A_401 : vector<1x16xf32> to vector<16xf32>
      %parallel_loop3A_403 = arith.index_cast %parallel_loop3A_398 : i32 to index
      %parallel_loop3A_404 = arith.constant 0 : index
      %parallel_loop3A_405 = tpu.vector_load %arg15[%parallel_loop3A_403, %parallel_loop3A_404] {strides = array<i32>} : memref<200x64xf32, #tpu.memory_space<vmem>>, vector<1x16xf32>,
      %parallel_loop3A_406 = vector.shape_cast %parallel_loop3A_405 : vector<1x16xf32> to vector<16xf32>
      %parallel_loop3A_407 = arith.addf %parallel_loop3A_402, %parallel_loop3A_406 : vector<16xf32>
      %parallel_loop3A_408 = arith.index_cast %parallel_loop3A_398 : i32 to index
      %parallel_loop3A_409 = arith.constant 0 : index
      %parallel_loop3A_410 = tpu.vector_load %arg12[%parallel_loop3A_408, %parallel_loop3A_409] {strides = array<i32>} : memref<200x128xf32, #tpu.memory_space<vmem>>, vector<1x16xf32>,
      %parallel_loop3A_411 = vector.shape_cast %parallel_loop3A_410 : vector<1x16xf32> to vector<16xf32>
      %parallel_loop3A_412 = vector.shape_cast %parallel_loop3A_407 : vector<16xf32> to vector<1x16xf32>
      tpu.vector_store %arg12[%parallel_loop3A_408, %parallel_loop3A_409], %parallel_loop3A_412 {strides = array<i32>} : memref<200x128xf32, #tpu.memory_space<vmem>>, vector<1x16xf32>,
      %parallel_loop3A_413 = arith.index_cast %parallel_loop3A_398 : i32 to index
      %parallel_loop3A_414 = arith.constant 16 : index
      %parallel_loop3A_415 = tpu.vector_load %arg12[%parallel_loop3A_413, %parallel_loop3A_414] {strides = array<i32>} : memref<200x128xf32, #tpu.memory_space<vmem>>, vector<1x16xf32>,
      %parallel_loop3A_416 = vector.shape_cast %parallel_loop3A_415 : vector<1x16xf32> to vector<16xf32>
      %parallel_loop3A_417 = arith.index_cast %parallel_loop3A_398 : i32 to index
      %parallel_loop3A_418 = arith.constant 16 : index
      %parallel_loop3A_419 = tpu.vector_load %arg15[%parallel_loop3A_417, %parallel_loop3A_418] {strides = array<i32>} : memref<200x64xf32, #tpu.memory_space<vmem>>, vector<1x16xf32>,
      %parallel_loop3A_420 = vector.shape_cast %parallel_loop3A_419 : vector<1x16xf32> to vector<16xf32>
      %parallel_loop3A_421 = arith.addf %parallel_loop3A_416, %parallel_loop3A_420 : vector<16xf32>
      %parallel_loop3A_422 = arith.index_cast %parallel_loop3A_398 : i32 to index
      %parallel_loop3A_423 = arith.constant 16 : index
      %parallel_loop3A_424 = tpu.vector_load %arg12[%parallel_loop3A_422, %parallel_loop3A_423] {strides = array<i32>} : memref<200x128xf32, #tpu.memory_space<vmem>>, vector<1x16xf32>,
      %parallel_loop3A_425 = vector.shape_cast %parallel_loop3A_424 : vector<1x16xf32> to vector<16xf32>
      %parallel_loop3A_426 = vector.shape_cast %parallel_loop3A_421 : vector<16xf32> to vector<1x16xf32>
      tpu.vector_store %arg12[%parallel_loop3A_422, %parallel_loop3A_423], %parallel_loop3A_426 {strides = array<i32>} : memref<200x128xf32, #tpu.memory_space<vmem>>, vector<1x16xf32>,
      %parallel_loop3A_427 = arith.index_cast %parallel_loop3A_398 : i32 to index
      %parallel_loop3A_428 = arith.constant 32 : index
      %parallel_loop3A_429 = tpu.vector_load %arg12[%parallel_loop3A_427, %parallel_loop3A_428] {strides = array<i32>} : memref<200x128xf32, #tpu.memory_space<vmem>>, vector<1x16xf32>,
      %parallel_loop3A_430 = vector.shape_cast %parallel_loop3A_429 : vector<1x16xf32> to vector<16xf32>
      %parallel_loop3A_431 = arith.index_cast %parallel_loop3A_398 : i32 to index
      %parallel_loop3A_432 = arith.constant 32 : index
      %parallel_loop3A_433 = tpu.vector_load %arg15[%parallel_loop3A_431, %parallel_loop3A_432] {strides = array<i32>} : memref<200x64xf32, #tpu.memory_space<vmem>>, vector<1x16xf32>,
      %parallel_loop3A_434 = vector.shape_cast %parallel_loop3A_433 : vector<1x16xf32> to vector<16xf32>
      %parallel_loop3A_435 = arith.addf %parallel_loop3A_430, %parallel_loop3A_434 : vector<16xf32>
      %parallel_loop3A_436 = arith.index_cast %parallel_loop3A_398 : i32 to index
      %parallel_loop3A_437 = arith.constant 32 : index
      %parallel_loop3A_438 = tpu.vector_load %arg12[%parallel_loop3A_436, %parallel_loop3A_437] {strides = array<i32>} : memref<200x128xf32, #tpu.memory_space<vmem>>, vector<1x16xf32>,
      %parallel_loop3A_439 = vector.shape_cast %parallel_loop3A_438 : vector<1x16xf32> to vector<16xf32>
      %parallel_loop3A_440 = vector.shape_cast %parallel_loop3A_435 : vector<16xf32> to vector<1x16xf32>
      tpu.vector_store %arg12[%parallel_loop3A_436, %parallel_loop3A_437], %parallel_loop3A_440 {strides = array<i32>} : memref<200x128xf32, #tpu.memory_space<vmem>>, vector<1x16xf32>,
      %parallel_loop3A_441 = arith.index_cast %parallel_loop3A_398 : i32 to index
      %parallel_loop3A_442 = arith.constant 48 : index
      %parallel_loop3A_443 = tpu.vector_load %arg12[%parallel_loop3A_441, %parallel_loop3A_442] {strides = array<i32>} : memref<200x128xf32, #tpu.memory_space<vmem>>, vector<1x16xf32>,
      %parallel_loop3A_444 = vector.shape_cast %parallel_loop3A_443 : vector<1x16xf32> to vector<16xf32>
      %parallel_loop3A_445 = arith.index_cast %parallel_loop3A_398 : i32 to index
      %parallel_loop3A_446 = arith.constant 48 : index
      %parallel_loop3A_447 = tpu.vector_load %arg15[%parallel_loop3A_445, %parallel_loop3A_446] {strides = array<i32>} : memref<200x64xf32, #tpu.memory_space<vmem>>, vector<1x16xf32>,
      %parallel_loop3A_448 = vector.shape_cast %parallel_loop3A_447 : vector<1x16xf32> to vector<16xf32>
      %parallel_loop3A_449 = arith.addf %parallel_loop3A_444, %parallel_loop3A_448 : vector<16xf32>
      %parallel_loop3A_450 = arith.index_cast %parallel_loop3A_398 : i32 to index
      %parallel_loop3A_451 = arith.constant 48 : index
      %parallel_loop3A_452 = tpu.vector_load %arg12[%parallel_loop3A_450, %parallel_loop3A_451] {strides = array<i32>} : memref<200x128xf32, #tpu.memory_space<vmem>>, vector<1x16xf32>,
      %parallel_loop3A_453 = vector.shape_cast %parallel_loop3A_452 : vector<1x16xf32> to vector<16xf32>
      %parallel_loop3A_454 = vector.shape_cast %parallel_loop3A_449 : vector<16xf32> to vector<1x16xf32>
      tpu.vector_store %arg12[%parallel_loop3A_450, %parallel_loop3A_451], %parallel_loop3A_454 {strides = array<i32>} : memref<200x128xf32, #tpu.memory_space<vmem>>, vector<1x16xf32>,
    } {sc.loop_unroll_factor = 8 : i64, sc.parallel_access}
    %add3A_49 = arith.constant 0 : i32
    %add3A_50 = arith.addi %mul3A_2, %add3A_49 : i32
    %dma_start3A_51 = arith.constant 0 : i32
    %dma_start3A_52 = arith.constant 0 : i32
    %dma_start3A_53 = tpu.memref_slice %arg5[%add3A_50, %dma_start3A_51, %dma_start3A_52] : memref<4096x200x128xf32, #tpu.memory_space<hbm>> -> memref<1x200x128xf32, #tpu.memory_space<hbm>>
    %dma_start3A_54 = tpu.memref_squeeze %dma_start3A_53 : memref<1x200x128xf32, #tpu.memory_space<hbm>> -> memref<200x128xf32, #tpu.memory_space<hbm>>
    %dma_start3A_55 = arith.constant 0 : i32
    %dma_start3A_56 = arith.constant 0 : i32
    %dma_start3A_57 = tpu.memref_slice %arg5[%add3A_50, %dma_start3A_55, %dma_start3A_56] : memref<4096x200x128xf32, #tpu.memory_space<hbm>> -> memref<1x200x128xf32, #tpu.memory_space<hbm>>
    %dma_start3A_58 = tpu.memref_squeeze %dma_start3A_57 : memref<1x200x128xf32, #tpu.memory_space<hbm>> -> memref<200x128xf32, #tpu.memory_space<hbm>>
    tpu.enqueue_dma source(%arg12 : memref<200x128xf32, #tpu.memory_space<vmem>>) target(%dma_start3A_58 : memref<200x128xf32, #tpu.memory_space<hbm>>) target_semaphore(%arg19 : memref<!tpu.dma_semaphore, #tpu.memory_space<semaphore_mem>>)
    %add3A_59 = arith.constant 400 : i32
    %add3A_60 = arith.addi %mul3A_4, %add3A_59 : i32
    "tpu.region"() ({
      %run_scoped3A = tpu.sem_alloc : memref<!tpu.dma_semaphore, #tpu.memory_space<semaphore_mem>>
      %dma_start3A_398 = tpu.memref_slice %arg2[%add3A_60] : memref<819200xi32, #tpu.memory_space<hbm>> -> memref<128xi32, #tpu.memory_space<hbm>>
      %dma_start3A_399 = tpu.memref_slice %arg2[%add3A_60] : memref<819200xi32, #tpu.memory_space<hbm>> -> memref<128xi32, #tpu.memory_space<hbm>>
      tpu.enqueue_dma source(%dma_start3A_399 : memref<128xi32, #tpu.memory_space<hbm>>) target(%arg8 : memref<128xi32, #tpu.memory_space<vmem>>) target_semaphore(%run_scoped3A : memref<!tpu.dma_semaphore, #tpu.memory_space<semaphore_mem>>)
      %dma_wait3A_400 = tpu.memref_slice %arg2[%add3A_60] : memref<819200xi32, #tpu.memory_space<hbm>> -> memref<128xi32, #tpu.memory_space<hbm>>
      %dma_wait3A_401 = tpu.memref_slice %arg2[%add3A_60] : memref<819200xi32, #tpu.memory_space<hbm>> -> memref<128xi32, #tpu.memory_space<hbm>>
      tpu.wait_dma2 semaphore(%run_scoped3A : memref<!tpu.dma_semaphore, #tpu.memory_space<semaphore_mem>>) src(%dma_wait3A_401 : memref<128xi32, #tpu.memory_space<hbm>>) dst(%arg8 : memref<128xi32, #tpu.memory_space<vmem>>)
      tpu.yield
    }) : () -> ()
    %add3A_61 = arith.constant 128 : i32
    %add3A_62 = arith.addi %add3A_60, %add3A_61 : i32
    "tpu.region"() ({
      %run_scoped3A = tpu.sem_alloc : memref<!tpu.dma_semaphore, #tpu.memory_space<semaphore_mem>>
      %dma_start3A_398 = tpu.memref_slice %arg2[%add3A_62] : memref<819200xi32, #tpu.memory_space<hbm>> -> memref<72xi32, #tpu.memory_space<hbm>>
      %dma_start3A_399 = tpu.memref_slice %arg2[%add3A_62] : memref<819200xi32, #tpu.memory_space<hbm>> -> memref<72xi32, #tpu.memory_space<hbm>>
      tpu.enqueue_dma source(%dma_start3A_399 : memref<72xi32, #tpu.memory_space<hbm>>) target(%arg11 : memref<72xi32, #tpu.memory_space<vmem>>) target_semaphore(%run_scoped3A : memref<!tpu.dma_semaphore, #tpu.memory_space<semaphore_mem>>)
      %dma_wait3A_400 = tpu.memref_slice %arg2[%add3A_62] : memref<819200xi32, #tpu.memory_space<hbm>> -> memref<72xi32, #tpu.memory_space<hbm>>
      %dma_wait3A_401 = tpu.memref_slice %arg2[%add3A_62] : memref<819200xi32, #tpu.memory_space<hbm>> -> memref<72xi32, #tpu.memory_space<hbm>>
      tpu.wait_dma2 semaphore(%run_scoped3A : memref<!tpu.dma_semaphore, #tpu.memory_space<semaphore_mem>>) src(%dma_wait3A_401 : memref<72xi32, #tpu.memory_space<hbm>>) dst(%arg11 : memref<72xi32, #tpu.memory_space<vmem>>)
      tpu.yield
    }) : () -> ()
    %dma_start3A_63 = arith.constant 0 : i32
    %dma_start3A_64 = arith.constant 0 : i32
    %dma_start3A_65 = tpu.memref_slice %arg14[%dma_start3A_63, %dma_start3A_64] : memref<200x128xf32, #tpu.memory_space<vmem>> -> memref<128x128xf32, #tpu.memory_space<vmem>>
    %dma_start3A_66 = arith.constant 0 : i32
    %dma_start3A_67 = arith.constant 0 : i32
    %dma_start3A_68 = tpu.memref_slice %arg3[%dma_start3A_66, %dma_start3A_67] : memref<1000000x128xf32, #tpu.memory_space<hbm>> -> memref<1000000x128xf32, #tpu.memory_space<hbm>>
    tpu.enqueue_indirect_dma source(%dma_start3A_68 : memref<1000000x128xf32, #tpu.memory_space<hbm>>) target(%dma_start3A_65 : memref<128x128xf32, #tpu.memory_space<vmem>>) offsets(%arg8 : memref<128xi32, #tpu.memory_space<vmem>>) semaphore(%arg18 : memref<!tpu.dma_semaphore, #tpu.memory_space<semaphore_mem>>)
    %dma_start3A_69 = arith.constant 128 : i32
    %dma_start3A_70 = arith.constant 0 : i32
    %dma_start3A_71 = tpu.memref_slice %arg14[%dma_start3A_69, %dma_start3A_70] : memref<200x128xf32, #tpu.memory_space<vmem>> -> memref<72x128xf32, #tpu.memory_space<vmem>>
    %dma_start3A_72 = arith.constant 0 : i32
    %dma_start3A_73 = arith.constant 0 : i32
    %dma_start3A_74 = tpu.memref_slice %arg3[%dma_start3A_72, %dma_start3A_73] : memref<1000000x128xf32, #tpu.memory_space<hbm>> -> memref<1000000x128xf32, #tpu.memory_space<hbm>>
    tpu.enqueue_indirect_dma source(%dma_start3A_74 : memref<1000000x128xf32, #tpu.memory_space<hbm>>) target(%dma_start3A_71 : memref<72x128xf32, #tpu.memory_space<vmem>>) offsets(%arg11 : memref<72xi32, #tpu.memory_space<vmem>>) semaphore(%arg18 : memref<!tpu.dma_semaphore, #tpu.memory_space<semaphore_mem>>)
    %dma_wait3A_75 = arith.constant 0 : i32
    %dma_wait3A_76 = arith.constant 0 : i32
    %dma_wait3A_77 = tpu.memref_slice %arg13[%dma_wait3A_75, %dma_wait3A_76] : memref<200x128xf32, #tpu.memory_space<vmem>> -> memref<128x128xf32, #tpu.memory_space<vmem>>
    %dma_wait3A_78 = arith.constant 0 : i32
    %dma_wait3A_79 = arith.constant 0 : i32
    %dma_wait3A_80 = tpu.memref_slice %arg3[%dma_wait3A_78, %dma_wait3A_79] : memref<1000000x128xf32, #tpu.memory_space<hbm>> -> memref<1000000x128xf32, #tpu.memory_space<hbm>>
    tpu.wait_indirect_dma semaphore(%arg17 : memref<!tpu.dma_semaphore, #tpu.memory_space<semaphore_mem>>) src(%dma_wait3A_80 : memref<1000000x128xf32, #tpu.memory_space<hbm>>) dst(%dma_wait3A_77 : memref<128x128xf32, #tpu.memory_space<vmem>>)
    %dma_wait3A_81 = arith.constant 128 : i32
    %dma_wait3A_82 = arith.constant 0 : i32
    %dma_wait3A_83 = tpu.memref_slice %arg13[%dma_wait3A_81, %dma_wait3A_82] : memref<200x128xf32, #tpu.memory_space<vmem>> -> memref<72x128xf32, #tpu.memory_space<vmem>>
    %dma_wait3A_84 = arith.constant 0 : i32
    %dma_wait3A_85 = arith.constant 0 : i32
    %dma_wait3A_86 = tpu.memref_slice %arg3[%dma_wait3A_84, %dma_wait3A_85] : memref<1000000x128xf32, #tpu.memory_space<hbm>> -> memref<1000000x128xf32, #tpu.memory_space<hbm>>
    tpu.wait_indirect_dma semaphore(%arg17 : memref<!tpu.dma_semaphore, #tpu.memory_space<semaphore_mem>>) src(%dma_wait3A_86 : memref<1000000x128xf32, #tpu.memory_space<hbm>>) dst(%dma_wait3A_83 : memref<72x128xf32, #tpu.memory_space<vmem>>)
    %parallel_loop3A_87 = arith.constant 0 : i32
    %parallel_loop3A_88 = arith.constant 200 : i32
    %parallel_loop3A_89 = arith.constant 1 : i32
    scf.for %parallel_loop3A_398 = %parallel_loop3A_87 to %parallel_loop3A_88 step %parallel_loop3A_89  : i32 {
      %parallel_loop3A_399 = arith.index_cast %parallel_loop3A_398 : i32 to index
      %parallel_loop3A_400 = arith.constant 0 : index
      %parallel_loop3A_401 = tpu.vector_load %arg13[%parallel_loop3A_399, %parallel_loop3A_400] {strides = array<i32>} : memref<200x128xf32, #tpu.memory_space<vmem>>, vector<1x16xf32>,
      %parallel_loop3A_402 = vector.shape_cast %parallel_loop3A_401 : vector<1x16xf32> to vector<16xf32>
      %parallel_loop3A_403 = arith.index_cast %parallel_loop3A_398 : i32 to index
      %parallel_loop3A_404 = arith.constant 0 : index
      %parallel_loop3A_405 = tpu.vector_load %arg15[%parallel_loop3A_403, %parallel_loop3A_404] {strides = array<i32>} : memref<200x64xf32, #tpu.memory_space<vmem>>, vector<1x16xf32>,
      %parallel_loop3A_406 = vector.shape_cast %parallel_loop3A_405 : vector<1x16xf32> to vector<16xf32>
      %parallel_loop3A_407 = arith.addf %parallel_loop3A_402, %parallel_loop3A_406 : vector<16xf32>
      %parallel_loop3A_408 = arith.index_cast %parallel_loop3A_398 : i32 to index
      %parallel_loop3A_409 = arith.constant 0 : index
      %parallel_loop3A_410 = tpu.vector_load %arg13[%parallel_loop3A_408, %parallel_loop3A_409] {strides = array<i32>} : memref<200x128xf32, #tpu.memory_space<vmem>>, vector<1x16xf32>,
      %parallel_loop3A_411 = vector.shape_cast %parallel_loop3A_410 : vector<1x16xf32> to vector<16xf32>
      %parallel_loop3A_412 = vector.shape_cast %parallel_loop3A_407 : vector<16xf32> to vector<1x16xf32>
      tpu.vector_store %arg13[%parallel_loop3A_408, %parallel_loop3A_409], %parallel_loop3A_412 {strides = array<i32>} : memref<200x128xf32, #tpu.memory_space<vmem>>, vector<1x16xf32>,
      %parallel_loop3A_413 = arith.index_cast %parallel_loop3A_398 : i32 to index
      %parallel_loop3A_414 = arith.constant 16 : index
      %parallel_loop3A_415 = tpu.vector_load %arg13[%parallel_loop3A_413, %parallel_loop3A_414] {strides = array<i32>} : memref<200x128xf32, #tpu.memory_space<vmem>>, vector<1x16xf32>,
      %parallel_loop3A_416 = vector.shape_cast %parallel_loop3A_415 : vector<1x16xf32> to vector<16xf32>
      %parallel_loop3A_417 = arith.index_cast %parallel_loop3A_398 : i32 to index
      %parallel_loop3A_418 = arith.constant 16 : index
      %parallel_loop3A_419 = tpu.vector_load %arg15[%parallel_loop3A_417, %parallel_loop3A_418] {strides = array<i32>} : memref<200x64xf32, #tpu.memory_space<vmem>>, vector<1x16xf32>,
      %parallel_loop3A_420 = vector.shape_cast %parallel_loop3A_419 : vector<1x16xf32> to vector<16xf32>
      %parallel_loop3A_421 = arith.addf %parallel_loop3A_416, %parallel_loop3A_420 : vector<16xf32>
      %parallel_loop3A_422 = arith.index_cast %parallel_loop3A_398 : i32 to index
      %parallel_loop3A_423 = arith.constant 16 : index
      %parallel_loop3A_424 = tpu.vector_load %arg13[%parallel_loop3A_422, %parallel_loop3A_423] {strides = array<i32>} : memref<200x128xf32, #tpu.memory_space<vmem>>, vector<1x16xf32>,
      %parallel_loop3A_425 = vector.shape_cast %parallel_loop3A_424 : vector<1x16xf32> to vector<16xf32>
      %parallel_loop3A_426 = vector.shape_cast %parallel_loop3A_421 : vector<16xf32> to vector<1x16xf32>
      tpu.vector_store %arg13[%parallel_loop3A_422, %parallel_loop3A_423], %parallel_loop3A_426 {strides = array<i32>} : memref<200x128xf32, #tpu.memory_space<vmem>>, vector<1x16xf32>,
      %parallel_loop3A_427 = arith.index_cast %parallel_loop3A_398 : i32 to index
      %parallel_loop3A_428 = arith.constant 32 : index
      %parallel_loop3A_429 = tpu.vector_load %arg13[%parallel_loop3A_427, %parallel_loop3A_428] {strides = array<i32>} : memref<200x128xf32, #tpu.memory_space<vmem>>, vector<1x16xf32>,
      %parallel_loop3A_430 = vector.shape_cast %parallel_loop3A_429 : vector<1x16xf32> to vector<16xf32>
      %parallel_loop3A_431 = arith.index_cast %parallel_loop3A_398 : i32 to index
      %parallel_loop3A_432 = arith.constant 32 : index
      %parallel_loop3A_433 = tpu.vector_load %arg15[%parallel_loop3A_431, %parallel_loop3A_432] {strides = array<i32>} : memref<200x64xf32, #tpu.memory_space<vmem>>, vector<1x16xf32>,
      %parallel_loop3A_434 = vector.shape_cast %parallel_loop3A_433 : vector<1x16xf32> to vector<16xf32>
      %parallel_loop3A_435 = arith.addf %parallel_loop3A_430, %parallel_loop3A_434 : vector<16xf32>
      %parallel_loop3A_436 = arith.index_cast %parallel_loop3A_398 : i32 to index
      %parallel_loop3A_437 = arith.constant 32 : index
      %parallel_loop3A_438 = tpu.vector_load %arg13[%parallel_loop3A_436, %parallel_loop3A_437] {strides = array<i32>} : memref<200x128xf32, #tpu.memory_space<vmem>>, vector<1x16xf32>,
      %parallel_loop3A_439 = vector.shape_cast %parallel_loop3A_438 : vector<1x16xf32> to vector<16xf32>
      %parallel_loop3A_440 = vector.shape_cast %parallel_loop3A_435 : vector<16xf32> to vector<1x16xf32>
      tpu.vector_store %arg13[%parallel_loop3A_436, %parallel_loop3A_437], %parallel_loop3A_440 {strides = array<i32>} : memref<200x128xf32, #tpu.memory_space<vmem>>, vector<1x16xf32>,
      %parallel_loop3A_441 = arith.index_cast %parallel_loop3A_398 : i32 to index
      %parallel_loop3A_442 = arith.constant 48 : index
      %parallel_loop3A_443 = tpu.vector_load %arg13[%parallel_loop3A_441, %parallel_loop3A_442] {strides = array<i32>} : memref<200x128xf32, #tpu.memory_space<vmem>>, vector<1x16xf32>,
      %parallel_loop3A_444 = vector.shape_cast %parallel_loop3A_443 : vector<1x16xf32> to vector<16xf32>
      %parallel_loop3A_445 = arith.index_cast %parallel_loop3A_398 : i32 to index
      %parallel_loop3A_446 = arith.constant 48 : index
      %parallel_loop3A_447 = tpu.vector_load %arg15[%parallel_loop3A_445, %parallel_loop3A_446] {strides = array<i32>} : memref<200x64xf32, #tpu.memory_space<vmem>>, vector<1x16xf32>,
      %parallel_loop3A_448 = vector.shape_cast %parallel_loop3A_447 : vector<1x16xf32> to vector<16xf32>
      %parallel_loop3A_449 = arith.addf %parallel_loop3A_444, %parallel_loop3A_448 : vector<16xf32>
      %parallel_loop3A_450 = arith.index_cast %parallel_loop3A_398 : i32 to index
      %parallel_loop3A_451 = arith.constant 48 : index
      %parallel_loop3A_452 = tpu.vector_load %arg13[%parallel_loop3A_450, %parallel_loop3A_451] {strides = array<i32>} : memref<200x128xf32, #tpu.memory_space<vmem>>, vector<1x16xf32>,
      %parallel_loop3A_453 = vector.shape_cast %parallel_loop3A_452 : vector<1x16xf32> to vector<16xf32>
      %parallel_loop3A_454 = vector.shape_cast %parallel_loop3A_449 : vector<16xf32> to vector<1x16xf32>
      tpu.vector_store %arg13[%parallel_loop3A_450, %parallel_loop3A_451], %parallel_loop3A_454 {strides = array<i32>} : memref<200x128xf32, #tpu.memory_space<vmem>>, vector<1x16xf32>,
    } {sc.loop_unroll_factor = 8 : i64, sc.parallel_access}
    %add3A_90 = arith.constant 1 : i32
    %add3A_91 = arith.addi %mul3A_2, %add3A_90 : i32
    %dma_start3A_92 = arith.constant 0 : i32
    %dma_start3A_93 = arith.constant 0 : i32
    %dma_start3A_94 = tpu.memref_slice %arg5[%add3A_91, %dma_start3A_92, %dma_start3A_93] : memref<4096x200x128xf32, #tpu.memory_space<hbm>> -> memref<1x200x128xf32, #tpu.memory_space<hbm>>
    %dma_start3A_95 = tpu.memref_squeeze %dma_start3A_94 : memref<1x200x128xf32, #tpu.memory_space<hbm>> -> memref<200x128xf32, #tpu.memory_space<hbm>>
    %dma_start3A_96 = arith.constant 0 : i32
    %dma_start3A_97 = arith.constant 0 : i32
    %dma_start3A_98 = tpu.memref_slice %arg5[%add3A_91, %dma_start3A_96, %dma_start3A_97] : memref<4096x200x128xf32, #tpu.memory_space<hbm>> -> memref<1x200x128xf32, #tpu.memory_space<hbm>>
    %dma_start3A_99 = tpu.memref_squeeze %dma_start3A_98 : memref<1x200x128xf32, #tpu.memory_space<hbm>> -> memref<200x128xf32, #tpu.memory_space<hbm>>
    tpu.enqueue_dma source(%arg13 : memref<200x128xf32, #tpu.memory_space<vmem>>) target(%dma_start3A_99 : memref<200x128xf32, #tpu.memory_space<hbm>>) target_semaphore(%arg20 : memref<!tpu.dma_semaphore, #tpu.memory_space<semaphore_mem>>)
    %dma_wait3A_100 = arith.constant 0 : i32
    %dma_wait3A_101 = arith.constant 0 : i32
    %dma_wait3A_102 = tpu.memref_slice %arg5[%mul3A_2, %dma_wait3A_100, %dma_wait3A_101] : memref<4096x200x128xf32, #tpu.memory_space<hbm>> -> memref<1x200x128xf32, #tpu.memory_space<hbm>>
    %dma_wait3A_103 = tpu.memref_squeeze %dma_wait3A_102 : memref<1x200x128xf32, #tpu.memory_space<hbm>> -> memref<200x128xf32, #tpu.memory_space<hbm>>
    %dma_wait3A_104 = arith.constant 0 : i32
    %dma_wait3A_105 = arith.constant 0 : i32
    %dma_wait3A_106 = tpu.memref_slice %arg5[%mul3A_2, %dma_wait3A_104, %dma_wait3A_105] : memref<4096x200x128xf32, #tpu.memory_space<hbm>> -> memref<1x200x128xf32, #tpu.memory_space<hbm>>
    %dma_wait3A_107 = tpu.memref_squeeze %dma_wait3A_106 : memref<1x200x128xf32, #tpu.memory_space<hbm>> -> memref<200x128xf32, #tpu.memory_space<hbm>>
    tpu.wait_dma2 semaphore(%arg19 : memref<!tpu.dma_semaphore, #tpu.memory_space<semaphore_mem>>) src(%arg12 : memref<200x128xf32, #tpu.memory_space<vmem>>) dst(%dma_wait3A_107 : memref<200x128xf32, #tpu.memory_space<hbm>>)
    %add3A_108 = arith.constant 600 : i32
    %add3A_109 = arith.addi %mul3A_4, %add3A_108 : i32
    "tpu.region"() ({
      %run_scoped3A = tpu.sem_alloc : memref<!tpu.dma_semaphore, #tpu.memory_space<semaphore_mem>>
      %dma_start3A_398 = tpu.memref_slice %arg2[%add3A_109] : memref<819200xi32, #tpu.memory_space<hbm>> -> memref<128xi32, #tpu.memory_space<hbm>>
      %dma_start3A_399 = tpu.memref_slice %arg2[%add3A_109] : memref<819200xi32, #tpu.memory_space<hbm>> -> memref<128xi32, #tpu.memory_space<hbm>>
      tpu.enqueue_dma source(%dma_start3A_399 : memref<128xi32, #tpu.memory_space<hbm>>) target(%arg6 : memref<128xi32, #tpu.memory_space<vmem>>) target_semaphore(%run_scoped3A : memref<!tpu.dma_semaphore, #tpu.memory_space<semaphore_mem>>)
      %dma_wait3A_400 = tpu.memref_slice %arg2[%add3A_109] : memref<819200xi32, #tpu.memory_space<hbm>> -> memref<128xi32, #tpu.memory_space<hbm>>
      %dma_wait3A_401 = tpu.memref_slice %arg2[%add3A_109] : memref<819200xi32, #tpu.memory_space<hbm>> -> memref<128xi32, #tpu.memory_space<hbm>>
      tpu.wait_dma2 semaphore(%run_scoped3A : memref<!tpu.dma_semaphore, #tpu.memory_space<semaphore_mem>>) src(%dma_wait3A_401 : memref<128xi32, #tpu.memory_space<hbm>>) dst(%arg6 : memref<128xi32, #tpu.memory_space<vmem>>)
      tpu.yield
    }) : () -> ()
    %add3A_110 = arith.constant 128 : i32
    %add3A_111 = arith.addi %add3A_109, %add3A_110 : i32
    "tpu.region"() ({
      %run_scoped3A = tpu.sem_alloc : memref<!tpu.dma_semaphore, #tpu.memory_space<semaphore_mem>>
      %dma_start3A_398 = tpu.memref_slice %arg2[%add3A_111] : memref<819200xi32, #tpu.memory_space<hbm>> -> memref<72xi32, #tpu.memory_space<hbm>>
      %dma_start3A_399 = tpu.memref_slice %arg2[%add3A_111] : memref<819200xi32, #tpu.memory_space<hbm>> -> memref<72xi32, #tpu.memory_space<hbm>>
      tpu.enqueue_dma source(%dma_start3A_399 : memref<72xi32, #tpu.memory_space<hbm>>) target(%arg9 : memref<72xi32, #tpu.memory_space<vmem>>) target_semaphore(%run_scoped3A : memref<!tpu.dma_semaphore, #tpu.memory_space<semaphore_mem>>)
      %dma_wait3A_400 = tpu.memref_slice %arg2[%add3A_111] : memref<819200xi32, #tpu.memory_space<hbm>> -> memref<72xi32, #tpu.memory_space<hbm>>
      %dma_wait3A_401 = tpu.memref_slice %arg2[%add3A_111] : memref<819200xi32, #tpu.memory_space<hbm>> -> memref<72xi32, #tpu.memory_space<hbm>>
      tpu.wait_dma2 semaphore(%run_scoped3A : memref<!tpu.dma_semaphore, #tpu.memory_space<semaphore_mem>>) src(%dma_wait3A_401 : memref<72xi32, #tpu.memory_space<hbm>>) dst(%arg9 : memref<72xi32, #tpu.memory_space<vmem>>)
      tpu.yield
    }) : () -> ()
    %dma_start3A_112 = arith.constant 0 : i32
    %dma_start3A_113 = arith.constant 0 : i32
    %dma_start3A_114 = tpu.memref_slice %arg12[%dma_start3A_112, %dma_start3A_113] : memref<200x128xf32, #tpu.memory_space<vmem>> -> memref<128x128xf32, #tpu.memory_space<vmem>>
    %dma_start3A_115 = arith.constant 0 : i32
    %dma_start3A_116 = arith.constant 0 : i32
    %dma_start3A_117 = tpu.memref_slice %arg3[%dma_start3A_115, %dma_start3A_116] : memref<1000000x128xf32, #tpu.memory_space<hbm>> -> memref<1000000x128xf32, #tpu.memory_space<hbm>>
    tpu.enqueue_indirect_dma source(%dma_start3A_117 : memref<1000000x128xf32, #tpu.memory_space<hbm>>) target(%dma_start3A_114 : memref<128x128xf32, #tpu.memory_space<vmem>>) offsets(%arg6 : memref<128xi32, #tpu.memory_space<vmem>>) semaphore(%arg16 : memref<!tpu.dma_semaphore, #tpu.memory_space<semaphore_mem>>)
    %dma_start3A_118 = arith.constant 128 : i32
    %dma_start3A_119 = arith.constant 0 : i32
    %dma_start3A_120 = tpu.memref_slice %arg12[%dma_start3A_118, %dma_start3A_119] : memref<200x128xf32, #tpu.memory_space<vmem>> -> memref<72x128xf32, #tpu.memory_space<vmem>>
    %dma_start3A_121 = arith.constant 0 : i32
    %dma_start3A_122 = arith.constant 0 : i32
    %dma_start3A_123 = tpu.memref_slice %arg3[%dma_start3A_121, %dma_start3A_122] : memref<1000000x128xf32, #tpu.memory_space<hbm>> -> memref<1000000x128xf32, #tpu.memory_space<hbm>>
    tpu.enqueue_indirect_dma source(%dma_start3A_123 : memref<1000000x128xf32, #tpu.memory_space<hbm>>) target(%dma_start3A_120 : memref<72x128xf32, #tpu.memory_space<vmem>>) offsets(%arg9 : memref<72xi32, #tpu.memory_space<vmem>>) semaphore(%arg16 : memref<!tpu.dma_semaphore, #tpu.memory_space<semaphore_mem>>)
    %dma_wait3A_124 = arith.constant 0 : i32
    %dma_wait3A_125 = arith.constant 0 : i32
    %dma_wait3A_126 = tpu.memref_slice %arg14[%dma_wait3A_124, %dma_wait3A_125] : memref<200x128xf32, #tpu.memory_space<vmem>> -> memref<128x128xf32, #tpu.memory_space<vmem>>
    %dma_wait3A_127 = arith.constant 0 : i32
    %dma_wait3A_128 = arith.constant 0 : i32
    %dma_wait3A_129 = tpu.memref_slice %arg3[%dma_wait3A_127, %dma_wait3A_128] : memref<1000000x128xf32, #tpu.memory_space<hbm>> -> memref<1000000x128xf32, #tpu.memory_space<hbm>>
    tpu.wait_indirect_dma semaphore(%arg18 : memref<!tpu.dma_semaphore, #tpu.memory_space<semaphore_mem>>) src(%dma_wait3A_129 : memref<1000000x128xf32, #tpu.memory_space<hbm>>) dst(%dma_wait3A_126 : memref<128x128xf32, #tpu.memory_space<vmem>>)
    %dma_wait3A_130 = arith.constant 128 : i32
    %dma_wait3A_131 = arith.constant 0 : i32
    %dma_wait3A_132 = tpu.memref_slice %arg14[%dma_wait3A_130, %dma_wait3A_131] : memref<200x128xf32, #tpu.memory_space<vmem>> -> memref<72x128xf32, #tpu.memory_space<vmem>>
    %dma_wait3A_133 = arith.constant 0 : i32
    %dma_wait3A_134 = arith.constant 0 : i32
    %dma_wait3A_135 = tpu.memref_slice %arg3[%dma_wait3A_133, %dma_wait3A_134] : memref<1000000x128xf32, #tpu.memory_space<hbm>> -> memref<1000000x128xf32, #tpu.memory_space<hbm>>
    tpu.wait_indirect_dma semaphore(%arg18 : memref<!tpu.dma_semaphore, #tpu.memory_space<semaphore_mem>>) src(%dma_wait3A_135 : memref<1000000x128xf32, #tpu.memory_space<hbm>>) dst(%dma_wait3A_132 : memref<72x128xf32, #tpu.memory_space<vmem>>)
    %parallel_loop3A_136 = arith.constant 0 : i32
    %parallel_loop3A_137 = arith.constant 200 : i32
    %parallel_loop3A_138 = arith.constant 1 : i32
    scf.for %parallel_loop3A_398 = %parallel_loop3A_136 to %parallel_loop3A_137 step %parallel_loop3A_138  : i32 {
      %parallel_loop3A_399 = arith.index_cast %parallel_loop3A_398 : i32 to index
      %parallel_loop3A_400 = arith.constant 0 : index
      %parallel_loop3A_401 = tpu.vector_load %arg14[%parallel_loop3A_399, %parallel_loop3A_400] {strides = array<i32>} : memref<200x128xf32, #tpu.memory_space<vmem>>, vector<1x16xf32>,
      %parallel_loop3A_402 = vector.shape_cast %parallel_loop3A_401 : vector<1x16xf32> to vector<16xf32>
      %parallel_loop3A_403 = arith.index_cast %parallel_loop3A_398 : i32 to index
      %parallel_loop3A_404 = arith.constant 0 : index
      %parallel_loop3A_405 = tpu.vector_load %arg15[%parallel_loop3A_403, %parallel_loop3A_404] {strides = array<i32>} : memref<200x64xf32, #tpu.memory_space<vmem>>, vector<1x16xf32>,
      %parallel_loop3A_406 = vector.shape_cast %parallel_loop3A_405 : vector<1x16xf32> to vector<16xf32>
      %parallel_loop3A_407 = arith.addf %parallel_loop3A_402, %parallel_loop3A_406 : vector<16xf32>
      %parallel_loop3A_408 = arith.index_cast %parallel_loop3A_398 : i32 to index
      %parallel_loop3A_409 = arith.constant 0 : index
      %parallel_loop3A_410 = tpu.vector_load %arg14[%parallel_loop3A_408, %parallel_loop3A_409] {strides = array<i32>} : memref<200x128xf32, #tpu.memory_space<vmem>>, vector<1x16xf32>,
      %parallel_loop3A_411 = vector.shape_cast %parallel_loop3A_410 : vector<1x16xf32> to vector<16xf32>
      %parallel_loop3A_412 = vector.shape_cast %parallel_loop3A_407 : vector<16xf32> to vector<1x16xf32>
      tpu.vector_store %arg14[%parallel_loop3A_408, %parallel_loop3A_409], %parallel_loop3A_412 {strides = array<i32>} : memref<200x128xf32, #tpu.memory_space<vmem>>, vector<1x16xf32>,
      %parallel_loop3A_413 = arith.index_cast %parallel_loop3A_398 : i32 to index
      %parallel_loop3A_414 = arith.constant 16 : index
      %parallel_loop3A_415 = tpu.vector_load %arg14[%parallel_loop3A_413, %parallel_loop3A_414] {strides = array<i32>} : memref<200x128xf32, #tpu.memory_space<vmem>>, vector<1x16xf32>,
      %parallel_loop3A_416 = vector.shape_cast %parallel_loop3A_415 : vector<1x16xf32> to vector<16xf32>
      %parallel_loop3A_417 = arith.index_cast %parallel_loop3A_398 : i32 to index
      %parallel_loop3A_418 = arith.constant 16 : index
      %parallel_loop3A_419 = tpu.vector_load %arg15[%parallel_loop3A_417, %parallel_loop3A_418] {strides = array<i32>} : memref<200x64xf32, #tpu.memory_space<vmem>>, vector<1x16xf32>,
      %parallel_loop3A_420 = vector.shape_cast %parallel_loop3A_419 : vector<1x16xf32> to vector<16xf32>
      %parallel_loop3A_421 = arith.addf %parallel_loop3A_416, %parallel_loop3A_420 : vector<16xf32>
      %parallel_loop3A_422 = arith.index_cast %parallel_loop3A_398 : i32 to index
      %parallel_loop3A_423 = arith.constant 16 : index
      %parallel_loop3A_424 = tpu.vector_load %arg14[%parallel_loop3A_422, %parallel_loop3A_423] {strides = array<i32>} : memref<200x128xf32, #tpu.memory_space<vmem>>, vector<1x16xf32>,
      %parallel_loop3A_425 = vector.shape_cast %parallel_loop3A_424 : vector<1x16xf32> to vector<16xf32>
      %parallel_loop3A_426 = vector.shape_cast %parallel_loop3A_421 : vector<16xf32> to vector<1x16xf32>
      tpu.vector_store %arg14[%parallel_loop3A_422, %parallel_loop3A_423], %parallel_loop3A_426 {strides = array<i32>} : memref<200x128xf32, #tpu.memory_space<vmem>>, vector<1x16xf32>,
      %parallel_loop3A_427 = arith.index_cast %parallel_loop3A_398 : i32 to index
      %parallel_loop3A_428 = arith.constant 32 : index
      %parallel_loop3A_429 = tpu.vector_load %arg14[%parallel_loop3A_427, %parallel_loop3A_428] {strides = array<i32>} : memref<200x128xf32, #tpu.memory_space<vmem>>, vector<1x16xf32>,
      %parallel_loop3A_430 = vector.shape_cast %parallel_loop3A_429 : vector<1x16xf32> to vector<16xf32>
      %parallel_loop3A_431 = arith.index_cast %parallel_loop3A_398 : i32 to index
      %parallel_loop3A_432 = arith.constant 32 : index
      %parallel_loop3A_433 = tpu.vector_load %arg15[%parallel_loop3A_431, %parallel_loop3A_432] {strides = array<i32>} : memref<200x64xf32, #tpu.memory_space<vmem>>, vector<1x16xf32>,
      %parallel_loop3A_434 = vector.shape_cast %parallel_loop3A_433 : vector<1x16xf32> to vector<16xf32>
      %parallel_loop3A_435 = arith.addf %parallel_loop3A_430, %parallel_loop3A_434 : vector<16xf32>
      %parallel_loop3A_436 = arith.index_cast %parallel_loop3A_398 : i32 to index
      %parallel_loop3A_437 = arith.constant 32 : index
      %parallel_loop3A_438 = tpu.vector_load %arg14[%parallel_loop3A_436, %parallel_loop3A_437] {strides = array<i32>} : memref<200x128xf32, #tpu.memory_space<vmem>>, vector<1x16xf32>,
      %parallel_loop3A_439 = vector.shape_cast %parallel_loop3A_438 : vector<1x16xf32> to vector<16xf32>
      %parallel_loop3A_440 = vector.shape_cast %parallel_loop3A_435 : vector<16xf32> to vector<1x16xf32>
      tpu.vector_store %arg14[%parallel_loop3A_436, %parallel_loop3A_437], %parallel_loop3A_440 {strides = array<i32>} : memref<200x128xf32, #tpu.memory_space<vmem>>, vector<1x16xf32>,
      %parallel_loop3A_441 = arith.index_cast %parallel_loop3A_398 : i32 to index
      %parallel_loop3A_442 = arith.constant 48 : index
      %parallel_loop3A_443 = tpu.vector_load %arg14[%parallel_loop3A_441, %parallel_loop3A_442] {strides = array<i32>} : memref<200x128xf32, #tpu.memory_space<vmem>>, vector<1x16xf32>,
      %parallel_loop3A_444 = vector.shape_cast %parallel_loop3A_443 : vector<1x16xf32> to vector<16xf32>
      %parallel_loop3A_445 = arith.index_cast %parallel_loop3A_398 : i32 to index
      %parallel_loop3A_446 = arith.constant 48 : index
      %parallel_loop3A_447 = tpu.vector_load %arg15[%parallel_loop3A_445, %parallel_loop3A_446] {strides = array<i32>} : memref<200x64xf32, #tpu.memory_space<vmem>>, vector<1x16xf32>,
      %parallel_loop3A_448 = vector.shape_cast %parallel_loop3A_447 : vector<1x16xf32> to vector<16xf32>
      %parallel_loop3A_449 = arith.addf %parallel_loop3A_444, %parallel_loop3A_448 : vector<16xf32>
      %parallel_loop3A_450 = arith.index_cast %parallel_loop3A_398 : i32 to index
      %parallel_loop3A_451 = arith.constant 48 : index
      %parallel_loop3A_452 = tpu.vector_load %arg14[%parallel_loop3A_450, %parallel_loop3A_451] {strides = array<i32>} : memref<200x128xf32, #tpu.memory_space<vmem>>, vector<1x16xf32>,
      %parallel_loop3A_453 = vector.shape_cast %parallel_loop3A_452 : vector<1x16xf32> to vector<16xf32>
      %parallel_loop3A_454 = vector.shape_cast %parallel_loop3A_449 : vector<16xf32> to vector<1x16xf32>
      tpu.vector_store %arg14[%parallel_loop3A_450, %parallel_loop3A_451], %parallel_loop3A_454 {strides = array<i32>} : memref<200x128xf32, #tpu.memory_space<vmem>>, vector<1x16xf32>,
    } {sc.loop_unroll_factor = 8 : i64, sc.parallel_access}
    %add3A_139 = arith.constant 2 : i32
    %add3A_140 = arith.addi %mul3A_2, %add3A_139 : i32
    %dma_start3A_141 = arith.constant 0 : i32
    %dma_start3A_142 = arith.constant 0 : i32
    %dma_start3A_143 = tpu.memref_slice %arg5[%add3A_140, %dma_start3A_141, %dma_start3A_142] : memref<4096x200x128xf32, #tpu.memory_space<hbm>> -> memref<1x200x128xf32, #tpu.memory_space<hbm>>
    %dma_start3A_144 = tpu.memref_squeeze %dma_start3A_143 : memref<1x200x128xf32, #tpu.memory_space<hbm>> -> memref<200x128xf32, #tpu.memory_space<hbm>>
    %dma_start3A_145 = arith.constant 0 : i32
    %dma_start3A_146 = arith.constant 0 : i32
    %dma_start3A_147 = tpu.memref_slice %arg5[%add3A_140, %dma_start3A_145, %dma_start3A_146] : memref<4096x200x128xf32, #tpu.memory_space<hbm>> -> memref<1x200x128xf32, #tpu.memory_space<hbm>>
    %dma_start3A_148 = tpu.memref_squeeze %dma_start3A_147 : memref<1x200x128xf32, #tpu.memory_space<hbm>> -> memref<200x128xf32, #tpu.memory_space<hbm>>
    tpu.enqueue_dma source(%arg14 : memref<200x128xf32, #tpu.memory_space<vmem>>) target(%dma_start3A_148 : memref<200x128xf32, #tpu.memory_space<hbm>>) target_semaphore(%arg21 : memref<!tpu.dma_semaphore, #tpu.memory_space<semaphore_mem>>)
    %scan3A = arith.constant 0 : i32
    %scan3A_149 = arith.constant 40 : i32
    %scan3A_150 = arith.addi %scan3A, %scan3A_149 : i32
    %scan3A_151 = arith.constant 1 : i32
    scf.for %scan3A_398 = %scan3A to %scan3A_150 step %scan3A_151  : i32 {
      %mul3A_399 = arith.constant 3 : i32
      %mul3A_400 = arith.muli %scan3A_398, %mul3A_399 : i32
      %add3A_401 = arith.constant 3 : i32
      %add3A_402 = arith.addi %add3A_401, %mul3A_400 : i32
      %add3A_403 = arith.constant 0 : i32
      %add3A_404 = arith.addi %add3A_402, %add3A_403 : i32
      %dma_wait3A_405 = arith.constant 0 : i32
      %dma_wait3A_406 = arith.constant 0 : i32
      %dma_wait3A_407 = tpu.memref_slice %arg5[%mul3A_2, %dma_wait3A_405, %dma_wait3A_406] : memref<4096x200x128xf32, #tpu.memory_space<hbm>> -> memref<1x200x128xf32, #tpu.memory_space<hbm>>
      %dma_wait3A_408 = tpu.memref_squeeze %dma_wait3A_407 : memref<1x200x128xf32, #tpu.memory_space<hbm>> -> memref<200x128xf32, #tpu.memory_space<hbm>>
      %dma_wait3A_409 = arith.constant 0 : i32
      %dma_wait3A_410 = arith.constant 0 : i32
      %dma_wait3A_411 = tpu.memref_slice %arg5[%mul3A_2, %dma_wait3A_409, %dma_wait3A_410] : memref<4096x200x128xf32, #tpu.memory_space<hbm>> -> memref<1x200x128xf32, #tpu.memory_space<hbm>>
      %dma_wait3A_412 = tpu.memref_squeeze %dma_wait3A_411 : memref<1x200x128xf32, #tpu.memory_space<hbm>> -> memref<200x128xf32, #tpu.memory_space<hbm>>
      tpu.wait_dma2 semaphore(%arg20 : memref<!tpu.dma_semaphore, #tpu.memory_space<semaphore_mem>>) src(%arg13 : memref<200x128xf32, #tpu.memory_space<vmem>>) dst(%dma_wait3A_412 : memref<200x128xf32, #tpu.memory_space<hbm>>)
      %add3A_413 = arith.constant 1 : i32
      %add3A_414 = arith.addi %add3A_404, %add3A_413 : i32
      %mul3A_415 = arith.constant 200 : i32
      %mul3A_416 = arith.muli %add3A_414, %mul3A_415 : i32
      %add3A_417 = arith.addi %mul3A_4, %mul3A_416 : i32
      "tpu.region"() ({
        %run_scoped3A = tpu.sem_alloc : memref<!tpu.dma_semaphore, #tpu.memory_space<semaphore_mem>>
        %dma_start3A_562 = tpu.memref_slice %arg2[%add3A_417] : memref<819200xi32, #tpu.memory_space<hbm>> -> memref<128xi32, #tpu.memory_space<hbm>>
        %dma_start3A_563 = tpu.memref_slice %arg2[%add3A_417] : memref<819200xi32, #tpu.memory_space<hbm>> -> memref<128xi32, #tpu.memory_space<hbm>>
        tpu.enqueue_dma source(%dma_start3A_563 : memref<128xi32, #tpu.memory_space<hbm>>) target(%arg7 : memref<128xi32, #tpu.memory_space<vmem>>) target_semaphore(%run_scoped3A : memref<!tpu.dma_semaphore, #tpu.memory_space<semaphore_mem>>)
        %dma_wait3A_564 = tpu.memref_slice %arg2[%add3A_417] : memref<819200xi32, #tpu.memory_space<hbm>> -> memref<128xi32, #tpu.memory_space<hbm>>
        %dma_wait3A_565 = tpu.memref_slice %arg2[%add3A_417] : memref<819200xi32, #tpu.memory_space<hbm>> -> memref<128xi32, #tpu.memory_space<hbm>>
        tpu.wait_dma2 semaphore(%run_scoped3A : memref<!tpu.dma_semaphore, #tpu.memory_space<semaphore_mem>>) src(%dma_wait3A_565 : memref<128xi32, #tpu.memory_space<hbm>>) dst(%arg7 : memref<128xi32, #tpu.memory_space<vmem>>)
        tpu.yield
      }) : () -> ()
      %add3A_418 = arith.constant 128 : i32
      %add3A_419 = arith.addi %add3A_417, %add3A_418 : i32
      "tpu.region"() ({
        %run_scoped3A = tpu.sem_alloc : memref<!tpu.dma_semaphore, #tpu.memory_space<semaphore_mem>>
        %dma_start3A_562 = tpu.memref_slice %arg2[%add3A_419] : memref<819200xi32, #tpu.memory_space<hbm>> -> memref<72xi32, #tpu.memory_space<hbm>>
        %dma_start3A_563 = tpu.memref_slice %arg2[%add3A_419] : memref<819200xi32, #tpu.memory_space<hbm>> -> memref<72xi32, #tpu.memory_space<hbm>>
        tpu.enqueue_dma source(%dma_start3A_563 : memref<72xi32, #tpu.memory_space<hbm>>) target(%arg10 : memref<72xi32, #tpu.memory_space<vmem>>) target_semaphore(%run_scoped3A : memref<!tpu.dma_semaphore, #tpu.memory_space<semaphore_mem>>)
        %dma_wait3A_564 = tpu.memref_slice %arg2[%add3A_419] : memref<819200xi32, #tpu.memory_space<hbm>> -> memref<72xi32, #tpu.memory_space<hbm>>
        %dma_wait3A_565 = tpu.memref_slice %arg2[%add3A_419] : memref<819200xi32, #tpu.memory_space<hbm>> -> memref<72xi32, #tpu.memory_space<hbm>>
        tpu.wait_dma2 semaphore(%run_scoped3A : memref<!tpu.dma_semaphore, #tpu.memory_space<semaphore_mem>>) src(%dma_wait3A_565 : memref<72xi32, #tpu.memory_space<hbm>>) dst(%arg10 : memref<72xi32, #tpu.memory_space<vmem>>)
        tpu.yield
      }) : () -> ()
      %dma_start3A_420 = arith.constant 0 : i32
      %dma_start3A_421 = arith.constant 0 : i32
      %dma_start3A_422 = tpu.memref_slice %arg13[%dma_start3A_420, %dma_start3A_421] : memref<200x128xf32, #tpu.memory_space<vmem>> -> memref<128x128xf32, #tpu.memory_space<vmem>>
      %dma_start3A_423 = arith.constant 0 : i32
      %dma_start3A_424 = arith.constant 0 : i32
      %dma_start3A_425 = tpu.memref_slice %arg3[%dma_start3A_423, %dma_start3A_424] : memref<1000000x128xf32, #tpu.memory_space<hbm>> -> memref<1000000x128xf32, #tpu.memory_space<hbm>>
      tpu.enqueue_indirect_dma source(%dma_start3A_425 : memref<1000000x128xf32, #tpu.memory_space<hbm>>) target(%dma_start3A_422 : memref<128x128xf32, #tpu.memory_space<vmem>>) offsets(%arg7 : memref<128xi32, #tpu.memory_space<vmem>>) semaphore(%arg17 : memref<!tpu.dma_semaphore, #tpu.memory_space<semaphore_mem>>)
      %dma_start3A_426 = arith.constant 128 : i32
      %dma_start3A_427 = arith.constant 0 : i32
      %dma_start3A_428 = tpu.memref_slice %arg13[%dma_start3A_426, %dma_start3A_427] : memref<200x128xf32, #tpu.memory_space<vmem>> -> memref<72x128xf32, #tpu.memory_space<vmem>>
      %dma_start3A_429 = arith.constant 0 : i32
      %dma_start3A_430 = arith.constant 0 : i32
      %dma_start3A_431 = tpu.memref_slice %arg3[%dma_start3A_429, %dma_start3A_430] : memref<1000000x128xf32, #tpu.memory_space<hbm>> -> memref<1000000x128xf32, #tpu.memory_space<hbm>>
      tpu.enqueue_indirect_dma source(%dma_start3A_431 : memref<1000000x128xf32, #tpu.memory_space<hbm>>) target(%dma_start3A_428 : memref<72x128xf32, #tpu.memory_space<vmem>>) offsets(%arg10 : memref<72xi32, #tpu.memory_space<vmem>>) semaphore(%arg17 : memref<!tpu.dma_semaphore, #tpu.memory_space<semaphore_mem>>)
      %dma_wait3A_432 = arith.constant 0 : i32
      %dma_wait3A_433 = arith.constant 0 : i32
      %dma_wait3A_434 = tpu.memref_slice %arg12[%dma_wait3A_432, %dma_wait3A_433] : memref<200x128xf32, #tpu.memory_space<vmem>> -> memref<128x128xf32, #tpu.memory_space<vmem>>
      %dma_wait3A_435 = arith.constant 0 : i32
      %dma_wait3A_436 = arith.constant 0 : i32
      %dma_wait3A_437 = tpu.memref_slice %arg3[%dma_wait3A_435, %dma_wait3A_436] : memref<1000000x128xf32, #tpu.memory_space<hbm>> -> memref<1000000x128xf32, #tpu.memory_space<hbm>>
      tpu.wait_indirect_dma semaphore(%arg16 : memref<!tpu.dma_semaphore, #tpu.memory_space<semaphore_mem>>) src(%dma_wait3A_437 : memref<1000000x128xf32, #tpu.memory_space<hbm>>) dst(%dma_wait3A_434 : memref<128x128xf32, #tpu.memory_space<vmem>>)
      %dma_wait3A_438 = arith.constant 128 : i32
      %dma_wait3A_439 = arith.constant 0 : i32
      %dma_wait3A_440 = tpu.memref_slice %arg12[%dma_wait3A_438, %dma_wait3A_439] : memref<200x128xf32, #tpu.memory_space<vmem>> -> memref<72x128xf32, #tpu.memory_space<vmem>>
      %dma_wait3A_441 = arith.constant 0 : i32
      %dma_wait3A_442 = arith.constant 0 : i32
      %dma_wait3A_443 = tpu.memref_slice %arg3[%dma_wait3A_441, %dma_wait3A_442] : memref<1000000x128xf32, #tpu.memory_space<hbm>> -> memref<1000000x128xf32, #tpu.memory_space<hbm>>
      tpu.wait_indirect_dma semaphore(%arg16 : memref<!tpu.dma_semaphore, #tpu.memory_space<semaphore_mem>>) src(%dma_wait3A_443 : memref<1000000x128xf32, #tpu.memory_space<hbm>>) dst(%dma_wait3A_440 : memref<72x128xf32, #tpu.memory_space<vmem>>)
      %parallel_loop3A_444 = arith.constant 0 : i32
      %parallel_loop3A_445 = arith.constant 200 : i32
      %parallel_loop3A_446 = arith.constant 1 : i32
      scf.for %parallel_loop3A_562 = %parallel_loop3A_444 to %parallel_loop3A_445 step %parallel_loop3A_446  : i32 {
        %parallel_loop3A_563 = arith.index_cast %parallel_loop3A_562 : i32 to index
        %parallel_loop3A_564 = arith.constant 0 : index
        %parallel_loop3A_565 = tpu.vector_load %arg12[%parallel_loop3A_563, %parallel_loop3A_564] {strides = array<i32>} : memref<200x128xf32, #tpu.memory_space<vmem>>, vector<1x16xf32>,
        %parallel_loop3A_566 = vector.shape_cast %parallel_loop3A_565 : vector<1x16xf32> to vector<16xf32>
        %parallel_loop3A_567 = arith.index_cast %parallel_loop3A_562 : i32 to index
        %parallel_loop3A_568 = arith.constant 0 : index
        %parallel_loop3A_569 = tpu.vector_load %arg15[%parallel_loop3A_567, %parallel_loop3A_568] {strides = array<i32>} : memref<200x64xf32, #tpu.memory_space<vmem>>, vector<1x16xf32>,
        %parallel_loop3A_570 = vector.shape_cast %parallel_loop3A_569 : vector<1x16xf32> to vector<16xf32>
        %parallel_loop3A_571 = arith.addf %parallel_loop3A_566, %parallel_loop3A_570 : vector<16xf32>
        %parallel_loop3A_572 = arith.index_cast %parallel_loop3A_562 : i32 to index
        %parallel_loop3A_573 = arith.constant 0 : index
        %parallel_loop3A_574 = tpu.vector_load %arg12[%parallel_loop3A_572, %parallel_loop3A_573] {strides = array<i32>} : memref<200x128xf32, #tpu.memory_space<vmem>>, vector<1x16xf32>,
        %parallel_loop3A_575 = vector.shape_cast %parallel_loop3A_574 : vector<1x16xf32> to vector<16xf32>
        %parallel_loop3A_576 = vector.shape_cast %parallel_loop3A_571 : vector<16xf32> to vector<1x16xf32>
        tpu.vector_store %arg12[%parallel_loop3A_572, %parallel_loop3A_573], %parallel_loop3A_576 {strides = array<i32>} : memref<200x128xf32, #tpu.memory_space<vmem>>, vector<1x16xf32>,
        %parallel_loop3A_577 = arith.index_cast %parallel_loop3A_562 : i32 to index
        %parallel_loop3A_578 = arith.constant 16 : index
        %parallel_loop3A_579 = tpu.vector_load %arg12[%parallel_loop3A_577, %parallel_loop3A_578] {strides = array<i32>} : memref<200x128xf32, #tpu.memory_space<vmem>>, vector<1x16xf32>,
        %parallel_loop3A_580 = vector.shape_cast %parallel_loop3A_579 : vector<1x16xf32> to vector<16xf32>
        %parallel_loop3A_581 = arith.index_cast %parallel_loop3A_562 : i32 to index
        %parallel_loop3A_582 = arith.constant 16 : index
        %parallel_loop3A_583 = tpu.vector_load %arg15[%parallel_loop3A_581, %parallel_loop3A_582] {strides = array<i32>} : memref<200x64xf32, #tpu.memory_space<vmem>>, vector<1x16xf32>,
        %parallel_loop3A_584 = vector.shape_cast %parallel_loop3A_583 : vector<1x16xf32> to vector<16xf32>
        %parallel_loop3A_585 = arith.addf %parallel_loop3A_580, %parallel_loop3A_584 : vector<16xf32>
        %parallel_loop3A_586 = arith.index_cast %parallel_loop3A_562 : i32 to index
        %parallel_loop3A_587 = arith.constant 16 : index
        %parallel_loop3A_588 = tpu.vector_load %arg12[%parallel_loop3A_586, %parallel_loop3A_587] {strides = array<i32>} : memref<200x128xf32, #tpu.memory_space<vmem>>, vector<1x16xf32>,
        %parallel_loop3A_589 = vector.shape_cast %parallel_loop3A_588 : vector<1x16xf32> to vector<16xf32>
        %parallel_loop3A_590 = vector.shape_cast %parallel_loop3A_585 : vector<16xf32> to vector<1x16xf32>
        tpu.vector_store %arg12[%parallel_loop3A_586, %parallel_loop3A_587], %parallel_loop3A_590 {strides = array<i32>} : memref<200x128xf32, #tpu.memory_space<vmem>>, vector<1x16xf32>,
        %parallel_loop3A_591 = arith.index_cast %parallel_loop3A_562 : i32 to index
        %parallel_loop3A_592 = arith.constant 32 : index
        %parallel_loop3A_593 = tpu.vector_load %arg12[%parallel_loop3A_591, %parallel_loop3A_592] {strides = array<i32>} : memref<200x128xf32, #tpu.memory_space<vmem>>, vector<1x16xf32>,
        %parallel_loop3A_594 = vector.shape_cast %parallel_loop3A_593 : vector<1x16xf32> to vector<16xf32>
        %parallel_loop3A_595 = arith.index_cast %parallel_loop3A_562 : i32 to index
        %parallel_loop3A_596 = arith.constant 32 : index
        %parallel_loop3A_597 = tpu.vector_load %arg15[%parallel_loop3A_595, %parallel_loop3A_596] {strides = array<i32>} : memref<200x64xf32, #tpu.memory_space<vmem>>, vector<1x16xf32>,
        %parallel_loop3A_598 = vector.shape_cast %parallel_loop3A_597 : vector<1x16xf32> to vector<16xf32>
        %parallel_loop3A_599 = arith.addf %parallel_loop3A_594, %parallel_loop3A_598 : vector<16xf32>
        %parallel_loop3A_600 = arith.index_cast %parallel_loop3A_562 : i32 to index
        %parallel_loop3A_601 = arith.constant 32 : index
        %parallel_loop3A_602 = tpu.vector_load %arg12[%parallel_loop3A_600, %parallel_loop3A_601] {strides = array<i32>} : memref<200x128xf32, #tpu.memory_space<vmem>>, vector<1x16xf32>,
        %parallel_loop3A_603 = vector.shape_cast %parallel_loop3A_602 : vector<1x16xf32> to vector<16xf32>
        %parallel_loop3A_604 = vector.shape_cast %parallel_loop3A_599 : vector<16xf32> to vector<1x16xf32>
        tpu.vector_store %arg12[%parallel_loop3A_600, %parallel_loop3A_601], %parallel_loop3A_604 {strides = array<i32>} : memref<200x128xf32, #tpu.memory_space<vmem>>, vector<1x16xf32>,
        %parallel_loop3A_605 = arith.index_cast %parallel_loop3A_562 : i32 to index
        %parallel_loop3A_606 = arith.constant 48 : index
        %parallel_loop3A_607 = tpu.vector_load %arg12[%parallel_loop3A_605, %parallel_loop3A_606] {strides = array<i32>} : memref<200x128xf32, #tpu.memory_space<vmem>>, vector<1x16xf32>,
        %parallel_loop3A_608 = vector.shape_cast %parallel_loop3A_607 : vector<1x16xf32> to vector<16xf32>
        %parallel_loop3A_609 = arith.index_cast %parallel_loop3A_562 : i32 to index
        %parallel_loop3A_610 = arith.constant 48 : index
        %parallel_loop3A_611 = tpu.vector_load %arg15[%parallel_loop3A_609, %parallel_loop3A_610] {strides = array<i32>} : memref<200x64xf32, #tpu.memory_space<vmem>>, vector<1x16xf32>,
        %parallel_loop3A_612 = vector.shape_cast %parallel_loop3A_611 : vector<1x16xf32> to vector<16xf32>
        %parallel_loop3A_613 = arith.addf %parallel_loop3A_608, %parallel_loop3A_612 : vector<16xf32>
        %parallel_loop3A_614 = arith.index_cast %parallel_loop3A_562 : i32 to index
        %parallel_loop3A_615 = arith.constant 48 : index
        %parallel_loop3A_616 = tpu.vector_load %arg12[%parallel_loop3A_614, %parallel_loop3A_615] {strides = array<i32>} : memref<200x128xf32, #tpu.memory_space<vmem>>, vector<1x16xf32>,
        %parallel_loop3A_617 = vector.shape_cast %parallel_loop3A_616 : vector<1x16xf32> to vector<16xf32>
        %parallel_loop3A_618 = vector.shape_cast %parallel_loop3A_613 : vector<16xf32> to vector<1x16xf32>
        tpu.vector_store %arg12[%parallel_loop3A_614, %parallel_loop3A_615], %parallel_loop3A_618 {strides = array<i32>} : memref<200x128xf32, #tpu.memory_space<vmem>>, vector<1x16xf32>,
      } {sc.loop_unroll_factor = 8 : i64, sc.parallel_access}
      %add3A_447 = arith.addi %mul3A_2, %add3A_404 : i32
      %dma_start3A_448 = arith.constant 0 : i32
      %dma_start3A_449 = arith.constant 0 : i32
      %dma_start3A_450 = tpu.memref_slice %arg5[%add3A_447, %dma_start3A_448, %dma_start3A_449] : memref<4096x200x128xf32, #tpu.memory_space<hbm>> -> memref<1x200x128xf32, #tpu.memory_space<hbm>>
      %dma_start3A_451 = tpu.memref_squeeze %dma_start3A_450 : memref<1x200x128xf32, #tpu.memory_space<hbm>> -> memref<200x128xf32, #tpu.memory_space<hbm>>
      %dma_start3A_452 = arith.constant 0 : i32
      %dma_start3A_453 = arith.constant 0 : i32
      %dma_start3A_454 = tpu.memref_slice %arg5[%add3A_447, %dma_start3A_452, %dma_start3A_453] : memref<4096x200x128xf32, #tpu.memory_space<hbm>> -> memref<1x200x128xf32, #tpu.memory_space<hbm>>
      %dma_start3A_455 = tpu.memref_squeeze %dma_start3A_454 : memref<1x200x128xf32, #tpu.memory_space<hbm>> -> memref<200x128xf32, #tpu.memory_space<hbm>>
      tpu.enqueue_dma source(%arg12 : memref<200x128xf32, #tpu.memory_space<vmem>>) target(%dma_start3A_455 : memref<200x128xf32, #tpu.memory_space<hbm>>) target_semaphore(%arg19 : memref<!tpu.dma_semaphore, #tpu.memory_space<semaphore_mem>>)
      %add3A_456 = arith.constant 1 : i32
      %add3A_457 = arith.addi %add3A_402, %add3A_456 : i32
      %dma_wait3A_458 = arith.constant 0 : i32
      %dma_wait3A_459 = arith.constant 0 : i32
      %dma_wait3A_460 = tpu.memref_slice %arg5[%mul3A_2, %dma_wait3A_458, %dma_wait3A_459] : memref<4096x200x128xf32, #tpu.memory_space<hbm>> -> memref<1x200x128xf32, #tpu.memory_space<hbm>>
      %dma_wait3A_461 = tpu.memref_squeeze %dma_wait3A_460 : memref<1x200x128xf32, #tpu.memory_space<hbm>> -> memref<200x128xf32, #tpu.memory_space<hbm>>
      %dma_wait3A_462 = arith.constant 0 : i32
      %dma_wait3A_463 = arith.constant 0 : i32
      %dma_wait3A_464 = tpu.memref_slice %arg5[%mul3A_2, %dma_wait3A_462, %dma_wait3A_463] : memref<4096x200x128xf32, #tpu.memory_space<hbm>> -> memref<1x200x128xf32, #tpu.memory_space<hbm>>
      %dma_wait3A_465 = tpu.memref_squeeze %dma_wait3A_464 : memref<1x200x128xf32, #tpu.memory_space<hbm>> -> memref<200x128xf32, #tpu.memory_space<hbm>>
      tpu.wait_dma2 semaphore(%arg21 : memref<!tpu.dma_semaphore, #tpu.memory_space<semaphore_mem>>) src(%arg14 : memref<200x128xf32, #tpu.memory_space<vmem>>) dst(%dma_wait3A_465 : memref<200x128xf32, #tpu.memory_space<hbm>>)
      %add3A_466 = arith.constant 1 : i32
      %add3A_467 = arith.addi %add3A_457, %add3A_466 : i32
      %mul3A_468 = arith.constant 200 : i32
      %mul3A_469 = arith.muli %add3A_467, %mul3A_468 : i32
      %add3A_470 = arith.addi %mul3A_4, %mul3A_469 : i32
      "tpu.region"() ({
        %run_scoped3A = tpu.sem_alloc : memref<!tpu.dma_semaphore, #tpu.memory_space<semaphore_mem>>
        %dma_start3A_562 = tpu.memref_slice %arg2[%add3A_470] : memref<819200xi32, #tpu.memory_space<hbm>> -> memref<128xi32, #tpu.memory_space<hbm>>
        %dma_start3A_563 = tpu.memref_slice %arg2[%add3A_470] : memref<819200xi32, #tpu.memory_space<hbm>> -> memref<128xi32, #tpu.memory_space<hbm>>
        tpu.enqueue_dma source(%dma_start3A_563 : memref<128xi32, #tpu.memory_space<hbm>>) target(%arg8 : memref<128xi32, #tpu.memory_space<vmem>>) target_semaphore(%run_scoped3A : memref<!tpu.dma_semaphore, #tpu.memory_space<semaphore_mem>>)
        %dma_wait3A_564 = tpu.memref_slice %arg2[%add3A_470] : memref<819200xi32, #tpu.memory_space<hbm>> -> memref<128xi32, #tpu.memory_space<hbm>>
        %dma_wait3A_565 = tpu.memref_slice %arg2[%add3A_470] : memref<819200xi32, #tpu.memory_space<hbm>> -> memref<128xi32, #tpu.memory_space<hbm>>
        tpu.wait_dma2 semaphore(%run_scoped3A : memref<!tpu.dma_semaphore, #tpu.memory_space<semaphore_mem>>) src(%dma_wait3A_565 : memref<128xi32, #tpu.memory_space<hbm>>) dst(%arg8 : memref<128xi32, #tpu.memory_space<vmem>>)
        tpu.yield
      }) : () -> ()
      %add3A_471 = arith.constant 128 : i32
      %add3A_472 = arith.addi %add3A_470, %add3A_471 : i32
      "tpu.region"() ({
        %run_scoped3A = tpu.sem_alloc : memref<!tpu.dma_semaphore, #tpu.memory_space<semaphore_mem>>
        %dma_start3A_562 = tpu.memref_slice %arg2[%add3A_472] : memref<819200xi32, #tpu.memory_space<hbm>> -> memref<72xi32, #tpu.memory_space<hbm>>
        %dma_start3A_563 = tpu.memref_slice %arg2[%add3A_472] : memref<819200xi32, #tpu.memory_space<hbm>> -> memref<72xi32, #tpu.memory_space<hbm>>
        tpu.enqueue_dma source(%dma_start3A_563 : memref<72xi32, #tpu.memory_space<hbm>>) target(%arg11 : memref<72xi32, #tpu.memory_space<vmem>>) target_semaphore(%run_scoped3A : memref<!tpu.dma_semaphore, #tpu.memory_space<semaphore_mem>>)
        %dma_wait3A_564 = tpu.memref_slice %arg2[%add3A_472] : memref<819200xi32, #tpu.memory_space<hbm>> -> memref<72xi32, #tpu.memory_space<hbm>>
        %dma_wait3A_565 = tpu.memref_slice %arg2[%add3A_472] : memref<819200xi32, #tpu.memory_space<hbm>> -> memref<72xi32, #tpu.memory_space<hbm>>
        tpu.wait_dma2 semaphore(%run_scoped3A : memref<!tpu.dma_semaphore, #tpu.memory_space<semaphore_mem>>) src(%dma_wait3A_565 : memref<72xi32, #tpu.memory_space<hbm>>) dst(%arg11 : memref<72xi32, #tpu.memory_space<vmem>>)
        tpu.yield
      }) : () -> ()
      %dma_start3A_473 = arith.constant 0 : i32
      %dma_start3A_474 = arith.constant 0 : i32
      %dma_start3A_475 = tpu.memref_slice %arg14[%dma_start3A_473, %dma_start3A_474] : memref<200x128xf32, #tpu.memory_space<vmem>> -> memref<128x128xf32, #tpu.memory_space<vmem>>
      %dma_start3A_476 = arith.constant 0 : i32
      %dma_start3A_477 = arith.constant 0 : i32
      %dma_start3A_478 = tpu.memref_slice %arg3[%dma_start3A_476, %dma_start3A_477] : memref<1000000x128xf32, #tpu.memory_space<hbm>> -> memref<1000000x128xf32, #tpu.memory_space<hbm>>
      tpu.enqueue_indirect_dma source(%dma_start3A_478 : memref<1000000x128xf32, #tpu.memory_space<hbm>>) target(%dma_start3A_475 : memref<128x128xf32, #tpu.memory_space<vmem>>) offsets(%arg8 : memref<128xi32, #tpu.memory_space<vmem>>) semaphore(%arg18 : memref<!tpu.dma_semaphore, #tpu.memory_space<semaphore_mem>>)
      %dma_start3A_479 = arith.constant 128 : i32
      %dma_start3A_480 = arith.constant 0 : i32
      %dma_start3A_481 = tpu.memref_slice %arg14[%dma_start3A_479, %dma_start3A_480] : memref<200x128xf32, #tpu.memory_space<vmem>> -> memref<72x128xf32, #tpu.memory_space<vmem>>
      %dma_start3A_482 = arith.constant 0 : i32
      %dma_start3A_483 = arith.constant 0 : i32
      %dma_start3A_484 = tpu.memref_slice %arg3[%dma_start3A_482, %dma_start3A_483] : memref<1000000x128xf32, #tpu.memory_space<hbm>> -> memref<1000000x128xf32, #tpu.memory_space<hbm>>
      tpu.enqueue_indirect_dma source(%dma_start3A_484 : memref<1000000x128xf32, #tpu.memory_space<hbm>>) target(%dma_start3A_481 : memref<72x128xf32, #tpu.memory_space<vmem>>) offsets(%arg11 : memref<72xi32, #tpu.memory_space<vmem>>) semaphore(%arg18 : memref<!tpu.dma_semaphore, #tpu.memory_space<semaphore_mem>>)
      %dma_wait3A_485 = arith.constant 0 : i32
      %dma_wait3A_486 = arith.constant 0 : i32
      %dma_wait3A_487 = tpu.memref_slice %arg13[%dma_wait3A_485, %dma_wait3A_486] : memref<200x128xf32, #tpu.memory_space<vmem>> -> memref<128x128xf32, #tpu.memory_space<vmem>>
      %dma_wait3A_488 = arith.constant 0 : i32
      %dma_wait3A_489 = arith.constant 0 : i32
      %dma_wait3A_490 = tpu.memref_slice %arg3[%dma_wait3A_488, %dma_wait3A_489] : memref<1000000x128xf32, #tpu.memory_space<hbm>> -> memref<1000000x128xf32, #tpu.memory_space<hbm>>
      tpu.wait_indirect_dma semaphore(%arg17 : memref<!tpu.dma_semaphore, #tpu.memory_space<semaphore_mem>>) src(%dma_wait3A_490 : memref<1000000x128xf32, #tpu.memory_space<hbm>>) dst(%dma_wait3A_487 : memref<128x128xf32, #tpu.memory_space<vmem>>)
      %dma_wait3A_491 = arith.constant 128 : i32
      %dma_wait3A_492 = arith.constant 0 : i32
      %dma_wait3A_493 = tpu.memref_slice %arg13[%dma_wait3A_491, %dma_wait3A_492] : memref<200x128xf32, #tpu.memory_space<vmem>> -> memref<72x128xf32, #tpu.memory_space<vmem>>
      %dma_wait3A_494 = arith.constant 0 : i32
      %dma_wait3A_495 = arith.constant 0 : i32
      %dma_wait3A_496 = tpu.memref_slice %arg3[%dma_wait3A_494, %dma_wait3A_495] : memref<1000000x128xf32, #tpu.memory_space<hbm>> -> memref<1000000x128xf32, #tpu.memory_space<hbm>>
      tpu.wait_indirect_dma semaphore(%arg17 : memref<!tpu.dma_semaphore, #tpu.memory_space<semaphore_mem>>) src(%dma_wait3A_496 : memref<1000000x128xf32, #tpu.memory_space<hbm>>) dst(%dma_wait3A_493 : memref<72x128xf32, #tpu.memory_space<vmem>>)
      %parallel_loop3A_497 = arith.constant 0 : i32
      %parallel_loop3A_498 = arith.constant 200 : i32
      %parallel_loop3A_499 = arith.constant 1 : i32
      scf.for %parallel_loop3A_562 = %parallel_loop3A_497 to %parallel_loop3A_498 step %parallel_loop3A_499  : i32 {
        %parallel_loop3A_563 = arith.index_cast %parallel_loop3A_562 : i32 to index
        %parallel_loop3A_564 = arith.constant 0 : index
        %parallel_loop3A_565 = tpu.vector_load %arg13[%parallel_loop3A_563, %parallel_loop3A_564] {strides = array<i32>} : memref<200x128xf32, #tpu.memory_space<vmem>>, vector<1x16xf32>,
        %parallel_loop3A_566 = vector.shape_cast %parallel_loop3A_565 : vector<1x16xf32> to vector<16xf32>
        %parallel_loop3A_567 = arith.index_cast %parallel_loop3A_562 : i32 to index
        %parallel_loop3A_568 = arith.constant 0 : index
        %parallel_loop3A_569 = tpu.vector_load %arg15[%parallel_loop3A_567, %parallel_loop3A_568] {strides = array<i32>} : memref<200x64xf32, #tpu.memory_space<vmem>>, vector<1x16xf32>,
        %parallel_loop3A_570 = vector.shape_cast %parallel_loop3A_569 : vector<1x16xf32> to vector<16xf32>
        %parallel_loop3A_571 = arith.addf %parallel_loop3A_566, %parallel_loop3A_570 : vector<16xf32>
        %parallel_loop3A_572 = arith.index_cast %parallel_loop3A_562 : i32 to index
        %parallel_loop3A_573 = arith.constant 0 : index
        %parallel_loop3A_574 = tpu.vector_load %arg13[%parallel_loop3A_572, %parallel_loop3A_573] {strides = array<i32>} : memref<200x128xf32, #tpu.memory_space<vmem>>, vector<1x16xf32>,
        %parallel_loop3A_575 = vector.shape_cast %parallel_loop3A_574 : vector<1x16xf32> to vector<16xf32>
        %parallel_loop3A_576 = vector.shape_cast %parallel_loop3A_571 : vector<16xf32> to vector<1x16xf32>
        tpu.vector_store %arg13[%parallel_loop3A_572, %parallel_loop3A_573], %parallel_loop3A_576 {strides = array<i32>} : memref<200x128xf32, #tpu.memory_space<vmem>>, vector<1x16xf32>,
        %parallel_loop3A_577 = arith.index_cast %parallel_loop3A_562 : i32 to index
        %parallel_loop3A_578 = arith.constant 16 : index
        %parallel_loop3A_579 = tpu.vector_load %arg13[%parallel_loop3A_577, %parallel_loop3A_578] {strides = array<i32>} : memref<200x128xf32, #tpu.memory_space<vmem>>, vector<1x16xf32>,
        %parallel_loop3A_580 = vector.shape_cast %parallel_loop3A_579 : vector<1x16xf32> to vector<16xf32>
        %parallel_loop3A_581 = arith.index_cast %parallel_loop3A_562 : i32 to index
        %parallel_loop3A_582 = arith.constant 16 : index
        %parallel_loop3A_583 = tpu.vector_load %arg15[%parallel_loop3A_581, %parallel_loop3A_582] {strides = array<i32>} : memref<200x64xf32, #tpu.memory_space<vmem>>, vector<1x16xf32>,
        %parallel_loop3A_584 = vector.shape_cast %parallel_loop3A_583 : vector<1x16xf32> to vector<16xf32>
        %parallel_loop3A_585 = arith.addf %parallel_loop3A_580, %parallel_loop3A_584 : vector<16xf32>
        %parallel_loop3A_586 = arith.index_cast %parallel_loop3A_562 : i32 to index
        %parallel_loop3A_587 = arith.constant 16 : index
        %parallel_loop3A_588 = tpu.vector_load %arg13[%parallel_loop3A_586, %parallel_loop3A_587] {strides = array<i32>} : memref<200x128xf32, #tpu.memory_space<vmem>>, vector<1x16xf32>,
        %parallel_loop3A_589 = vector.shape_cast %parallel_loop3A_588 : vector<1x16xf32> to vector<16xf32>
        %parallel_loop3A_590 = vector.shape_cast %parallel_loop3A_585 : vector<16xf32> to vector<1x16xf32>
        tpu.vector_store %arg13[%parallel_loop3A_586, %parallel_loop3A_587], %parallel_loop3A_590 {strides = array<i32>} : memref<200x128xf32, #tpu.memory_space<vmem>>, vector<1x16xf32>,
        %parallel_loop3A_591 = arith.index_cast %parallel_loop3A_562 : i32 to index
        %parallel_loop3A_592 = arith.constant 32 : index
        %parallel_loop3A_593 = tpu.vector_load %arg13[%parallel_loop3A_591, %parallel_loop3A_592] {strides = array<i32>} : memref<200x128xf32, #tpu.memory_space<vmem>>, vector<1x16xf32>,
        %parallel_loop3A_594 = vector.shape_cast %parallel_loop3A_593 : vector<1x16xf32> to vector<16xf32>
        %parallel_loop3A_595 = arith.index_cast %parallel_loop3A_562 : i32 to index
        %parallel_loop3A_596 = arith.constant 32 : index
        %parallel_loop3A_597 = tpu.vector_load %arg15[%parallel_loop3A_595, %parallel_loop3A_596] {strides = array<i32>} : memref<200x64xf32, #tpu.memory_space<vmem>>, vector<1x16xf32>,
        %parallel_loop3A_598 = vector.shape_cast %parallel_loop3A_597 : vector<1x16xf32> to vector<16xf32>
        %parallel_loop3A_599 = arith.addf %parallel_loop3A_594, %parallel_loop3A_598 : vector<16xf32>
        %parallel_loop3A_600 = arith.index_cast %parallel_loop3A_562 : i32 to index
        %parallel_loop3A_601 = arith.constant 32 : index
        %parallel_loop3A_602 = tpu.vector_load %arg13[%parallel_loop3A_600, %parallel_loop3A_601] {strides = array<i32>} : memref<200x128xf32, #tpu.memory_space<vmem>>, vector<1x16xf32>,
        %parallel_loop3A_603 = vector.shape_cast %parallel_loop3A_602 : vector<1x16xf32> to vector<16xf32>
        %parallel_loop3A_604 = vector.shape_cast %parallel_loop3A_599 : vector<16xf32> to vector<1x16xf32>
        tpu.vector_store %arg13[%parallel_loop3A_600, %parallel_loop3A_601], %parallel_loop3A_604 {strides = array<i32>} : memref<200x128xf32, #tpu.memory_space<vmem>>, vector<1x16xf32>,
        %parallel_loop3A_605 = arith.index_cast %parallel_loop3A_562 : i32 to index
        %parallel_loop3A_606 = arith.constant 48 : index
        %parallel_loop3A_607 = tpu.vector_load %arg13[%parallel_loop3A_605, %parallel_loop3A_606] {strides = array<i32>} : memref<200x128xf32, #tpu.memory_space<vmem>>, vector<1x16xf32>,
        %parallel_loop3A_608 = vector.shape_cast %parallel_loop3A_607 : vector<1x16xf32> to vector<16xf32>
        %parallel_loop3A_609 = arith.index_cast %parallel_loop3A_562 : i32 to index
        %parallel_loop3A_610 = arith.constant 48 : index
        %parallel_loop3A_611 = tpu.vector_load %arg15[%parallel_loop3A_609, %parallel_loop3A_610] {strides = array<i32>} : memref<200x64xf32, #tpu.memory_space<vmem>>, vector<1x16xf32>,
        %parallel_loop3A_612 = vector.shape_cast %parallel_loop3A_611 : vector<1x16xf32> to vector<16xf32>
        %parallel_loop3A_613 = arith.addf %parallel_loop3A_608, %parallel_loop3A_612 : vector<16xf32>
        %parallel_loop3A_614 = arith.index_cast %parallel_loop3A_562 : i32 to index
        %parallel_loop3A_615 = arith.constant 48 : index
        %parallel_loop3A_616 = tpu.vector_load %arg13[%parallel_loop3A_614, %parallel_loop3A_615] {strides = array<i32>} : memref<200x128xf32, #tpu.memory_space<vmem>>, vector<1x16xf32>,
        %parallel_loop3A_617 = vector.shape_cast %parallel_loop3A_616 : vector<1x16xf32> to vector<16xf32>
        %parallel_loop3A_618 = vector.shape_cast %parallel_loop3A_613 : vector<16xf32> to vector<1x16xf32>
        tpu.vector_store %arg13[%parallel_loop3A_614, %parallel_loop3A_615], %parallel_loop3A_618 {strides = array<i32>} : memref<200x128xf32, #tpu.memory_space<vmem>>, vector<1x16xf32>,
      } {sc.loop_unroll_factor = 8 : i64, sc.parallel_access}
      %add3A_500 = arith.addi %mul3A_2, %add3A_457 : i32
      %dma_start3A_501 = arith.constant 0 : i32
      %dma_start3A_502 = arith.constant 0 : i32
      %dma_start3A_503 = tpu.memref_slice %arg5[%add3A_500, %dma_start3A_501, %dma_start3A_502] : memref<4096x200x128xf32, #tpu.memory_space<hbm>> -> memref<1x200x128xf32, #tpu.memory_space<hbm>>
      %dma_start3A_504 = tpu.memref_squeeze %dma_start3A_503 : memref<1x200x128xf32, #tpu.memory_space<hbm>> -> memref<200x128xf32, #tpu.memory_space<hbm>>
      %dma_start3A_505 = arith.constant 0 : i32
      %dma_start3A_506 = arith.constant 0 : i32
      %dma_start3A_507 = tpu.memref_slice %arg5[%add3A_500, %dma_start3A_505, %dma_start3A_506] : memref<4096x200x128xf32, #tpu.memory_space<hbm>> -> memref<1x200x128xf32, #tpu.memory_space<hbm>>
      %dma_start3A_508 = tpu.memref_squeeze %dma_start3A_507 : memref<1x200x128xf32, #tpu.memory_space<hbm>> -> memref<200x128xf32, #tpu.memory_space<hbm>>
      tpu.enqueue_dma source(%arg13 : memref<200x128xf32, #tpu.memory_space<vmem>>) target(%dma_start3A_508 : memref<200x128xf32, #tpu.memory_space<hbm>>) target_semaphore(%arg20 : memref<!tpu.dma_semaphore, #tpu.memory_space<semaphore_mem>>)
      %add3A_509 = arith.constant 2 : i32
      %add3A_510 = arith.addi %add3A_402, %add3A_509 : i32
      %dma_wait3A_511 = arith.constant 0 : i32
      %dma_wait3A_512 = arith.constant 0 : i32
      %dma_wait3A_513 = tpu.memref_slice %arg5[%mul3A_2, %dma_wait3A_511, %dma_wait3A_512] : memref<4096x200x128xf32, #tpu.memory_space<hbm>> -> memref<1x200x128xf32, #tpu.memory_space<hbm>>
      %dma_wait3A_514 = tpu.memref_squeeze %dma_wait3A_513 : memref<1x200x128xf32, #tpu.memory_space<hbm>> -> memref<200x128xf32, #tpu.memory_space<hbm>>
      %dma_wait3A_515 = arith.constant 0 : i32
      %dma_wait3A_516 = arith.constant 0 : i32
      %dma_wait3A_517 = tpu.memref_slice %arg5[%mul3A_2, %dma_wait3A_515, %dma_wait3A_516] : memref<4096x200x128xf32, #tpu.memory_space<hbm>> -> memref<1x200x128xf32, #tpu.memory_space<hbm>>
      %dma_wait3A_518 = tpu.memref_squeeze %dma_wait3A_517 : memref<1x200x128xf32, #tpu.memory_space<hbm>> -> memref<200x128xf32, #tpu.memory_space<hbm>>
      tpu.wait_dma2 semaphore(%arg19 : memref<!tpu.dma_semaphore, #tpu.memory_space<semaphore_mem>>) src(%arg12 : memref<200x128xf32, #tpu.memory_space<vmem>>) dst(%dma_wait3A_518 : memref<200x128xf32, #tpu.memory_space<hbm>>)
      %add3A_519 = arith.constant 1 : i32
      %add3A_520 = arith.addi %add3A_510, %add3A_519 : i32
      %mul3A_521 = arith.constant 200 : i32
      %mul3A_522 = arith.muli %add3A_520, %mul3A_521 : i32
      %add3A_523 = arith.addi %mul3A_4, %mul3A_522 : i32
      "tpu.region"() ({
        %run_scoped3A = tpu.sem_alloc : memref<!tpu.dma_semaphore, #tpu.memory_space<semaphore_mem>>
        %dma_start3A_562 = tpu.memref_slice %arg2[%add3A_523] : memref<819200xi32, #tpu.memory_space<hbm>> -> memref<128xi32, #tpu.memory_space<hbm>>
        %dma_start3A_563 = tpu.memref_slice %arg2[%add3A_523] : memref<819200xi32, #tpu.memory_space<hbm>> -> memref<128xi32, #tpu.memory_space<hbm>>
        tpu.enqueue_dma source(%dma_start3A_563 : memref<128xi32, #tpu.memory_space<hbm>>) target(%arg6 : memref<128xi32, #tpu.memory_space<vmem>>) target_semaphore(%run_scoped3A : memref<!tpu.dma_semaphore, #tpu.memory_space<semaphore_mem>>)
        %dma_wait3A_564 = tpu.memref_slice %arg2[%add3A_523] : memref<819200xi32, #tpu.memory_space<hbm>> -> memref<128xi32, #tpu.memory_space<hbm>>
        %dma_wait3A_565 = tpu.memref_slice %arg2[%add3A_523] : memref<819200xi32, #tpu.memory_space<hbm>> -> memref<128xi32, #tpu.memory_space<hbm>>
        tpu.wait_dma2 semaphore(%run_scoped3A : memref<!tpu.dma_semaphore, #tpu.memory_space<semaphore_mem>>) src(%dma_wait3A_565 : memref<128xi32, #tpu.memory_space<hbm>>) dst(%arg6 : memref<128xi32, #tpu.memory_space<vmem>>)
        tpu.yield
      }) : () -> ()
      %add3A_524 = arith.constant 128 : i32
      %add3A_525 = arith.addi %add3A_523, %add3A_524 : i32
      "tpu.region"() ({
        %run_scoped3A = tpu.sem_alloc : memref<!tpu.dma_semaphore, #tpu.memory_space<semaphore_mem>>
        %dma_start3A_562 = tpu.memref_slice %arg2[%add3A_525] : memref<819200xi32, #tpu.memory_space<hbm>> -> memref<72xi32, #tpu.memory_space<hbm>>
        %dma_start3A_563 = tpu.memref_slice %arg2[%add3A_525] : memref<819200xi32, #tpu.memory_space<hbm>> -> memref<72xi32, #tpu.memory_space<hbm>>
        tpu.enqueue_dma source(%dma_start3A_563 : memref<72xi32, #tpu.memory_space<hbm>>) target(%arg9 : memref<72xi32, #tpu.memory_space<vmem>>) target_semaphore(%run_scoped3A : memref<!tpu.dma_semaphore, #tpu.memory_space<semaphore_mem>>)
        %dma_wait3A_564 = tpu.memref_slice %arg2[%add3A_525] : memref<819200xi32, #tpu.memory_space<hbm>> -> memref<72xi32, #tpu.memory_space<hbm>>
        %dma_wait3A_565 = tpu.memref_slice %arg2[%add3A_525] : memref<819200xi32, #tpu.memory_space<hbm>> -> memref<72xi32, #tpu.memory_space<hbm>>
        tpu.wait_dma2 semaphore(%run_scoped3A : memref<!tpu.dma_semaphore, #tpu.memory_space<semaphore_mem>>) src(%dma_wait3A_565 : memref<72xi32, #tpu.memory_space<hbm>>) dst(%arg9 : memref<72xi32, #tpu.memory_space<vmem>>)
        tpu.yield
      }) : () -> ()
      %dma_start3A_526 = arith.constant 0 : i32
      %dma_start3A_527 = arith.constant 0 : i32
      %dma_start3A_528 = tpu.memref_slice %arg12[%dma_start3A_526, %dma_start3A_527] : memref<200x128xf32, #tpu.memory_space<vmem>> -> memref<128x128xf32, #tpu.memory_space<vmem>>
      %dma_start3A_529 = arith.constant 0 : i32
      %dma_start3A_530 = arith.constant 0 : i32
      %dma_start3A_531 = tpu.memref_slice %arg3[%dma_start3A_529, %dma_start3A_530] : memref<1000000x128xf32, #tpu.memory_space<hbm>> -> memref<1000000x128xf32, #tpu.memory_space<hbm>>
      tpu.enqueue_indirect_dma source(%dma_start3A_531 : memref<1000000x128xf32, #tpu.memory_space<hbm>>) target(%dma_start3A_528 : memref<128x128xf32, #tpu.memory_space<vmem>>) offsets(%arg6 : memref<128xi32, #tpu.memory_space<vmem>>) semaphore(%arg16 : memref<!tpu.dma_semaphore, #tpu.memory_space<semaphore_mem>>)
      %dma_start3A_532 = arith.constant 128 : i32
      %dma_start3A_533 = arith.constant 0 : i32
      %dma_start3A_534 = tpu.memref_slice %arg12[%dma_start3A_532, %dma_start3A_533] : memref<200x128xf32, #tpu.memory_space<vmem>> -> memref<72x128xf32, #tpu.memory_space<vmem>>
      %dma_start3A_535 = arith.constant 0 : i32
      %dma_start3A_536 = arith.constant 0 : i32
      %dma_start3A_537 = tpu.memref_slice %arg3[%dma_start3A_535, %dma_start3A_536] : memref<1000000x128xf32, #tpu.memory_space<hbm>> -> memref<1000000x128xf32, #tpu.memory_space<hbm>>
      tpu.enqueue_indirect_dma source(%dma_start3A_537 : memref<1000000x128xf32, #tpu.memory_space<hbm>>) target(%dma_start3A_534 : memref<72x128xf32, #tpu.memory_space<vmem>>) offsets(%arg9 : memref<72xi32, #tpu.memory_space<vmem>>) semaphore(%arg16 : memref<!tpu.dma_semaphore, #tpu.memory_space<semaphore_mem>>)
      %dma_wait3A_538 = arith.constant 0 : i32
      %dma_wait3A_539 = arith.constant 0 : i32
      %dma_wait3A_540 = tpu.memref_slice %arg14[%dma_wait3A_538, %dma_wait3A_539] : memref<200x128xf32, #tpu.memory_space<vmem>> -> memref<128x128xf32, #tpu.memory_space<vmem>>
      %dma_wait3A_541 = arith.constant 0 : i32
      %dma_wait3A_542 = arith.constant 0 : i32
      %dma_wait3A_543 = tpu.memref_slice %arg3[%dma_wait3A_541, %dma_wait3A_542] : memref<1000000x128xf32, #tpu.memory_space<hbm>> -> memref<1000000x128xf32, #tpu.memory_space<hbm>>
      tpu.wait_indirect_dma semaphore(%arg18 : memref<!tpu.dma_semaphore, #tpu.memory_space<semaphore_mem>>) src(%dma_wait3A_543 : memref<1000000x128xf32, #tpu.memory_space<hbm>>) dst(%dma_wait3A_540 : memref<128x128xf32, #tpu.memory_space<vmem>>)
      %dma_wait3A_544 = arith.constant 128 : i32
      %dma_wait3A_545 = arith.constant 0 : i32
      %dma_wait3A_546 = tpu.memref_slice %arg14[%dma_wait3A_544, %dma_wait3A_545] : memref<200x128xf32, #tpu.memory_space<vmem>> -> memref<72x128xf32, #tpu.memory_space<vmem>>
      %dma_wait3A_547 = arith.constant 0 : i32
      %dma_wait3A_548 = arith.constant 0 : i32
      %dma_wait3A_549 = tpu.memref_slice %arg3[%dma_wait3A_547, %dma_wait3A_548] : memref<1000000x128xf32, #tpu.memory_space<hbm>> -> memref<1000000x128xf32, #tpu.memory_space<hbm>>
      tpu.wait_indirect_dma semaphore(%arg18 : memref<!tpu.dma_semaphore, #tpu.memory_space<semaphore_mem>>) src(%dma_wait3A_549 : memref<1000000x128xf32, #tpu.memory_space<hbm>>) dst(%dma_wait3A_546 : memref<72x128xf32, #tpu.memory_space<vmem>>)
      %parallel_loop3A_550 = arith.constant 0 : i32
      %parallel_loop3A_551 = arith.constant 200 : i32
      %parallel_loop3A_552 = arith.constant 1 : i32
      scf.for %parallel_loop3A_562 = %parallel_loop3A_550 to %parallel_loop3A_551 step %parallel_loop3A_552  : i32 {
        %parallel_loop3A_563 = arith.index_cast %parallel_loop3A_562 : i32 to index
        %parallel_loop3A_564 = arith.constant 0 : index
        %parallel_loop3A_565 = tpu.vector_load %arg14[%parallel_loop3A_563, %parallel_loop3A_564] {strides = array<i32>} : memref<200x128xf32, #tpu.memory_space<vmem>>, vector<1x16xf32>,
        %parallel_loop3A_566 = vector.shape_cast %parallel_loop3A_565 : vector<1x16xf32> to vector<16xf32>
        %parallel_loop3A_567 = arith.index_cast %parallel_loop3A_562 : i32 to index
        %parallel_loop3A_568 = arith.constant 0 : index
        %parallel_loop3A_569 = tpu.vector_load %arg15[%parallel_loop3A_567, %parallel_loop3A_568] {strides = array<i32>} : memref<200x64xf32, #tpu.memory_space<vmem>>, vector<1x16xf32>,
        %parallel_loop3A_570 = vector.shape_cast %parallel_loop3A_569 : vector<1x16xf32> to vector<16xf32>
        %parallel_loop3A_571 = arith.addf %parallel_loop3A_566, %parallel_loop3A_570 : vector<16xf32>
        %parallel_loop3A_572 = arith.index_cast %parallel_loop3A_562 : i32 to index
        %parallel_loop3A_573 = arith.constant 0 : index
        %parallel_loop3A_574 = tpu.vector_load %arg14[%parallel_loop3A_572, %parallel_loop3A_573] {strides = array<i32>} : memref<200x128xf32, #tpu.memory_space<vmem>>, vector<1x16xf32>,
        %parallel_loop3A_575 = vector.shape_cast %parallel_loop3A_574 : vector<1x16xf32> to vector<16xf32>
        %parallel_loop3A_576 = vector.shape_cast %parallel_loop3A_571 : vector<16xf32> to vector<1x16xf32>
        tpu.vector_store %arg14[%parallel_loop3A_572, %parallel_loop3A_573], %parallel_loop3A_576 {strides = array<i32>} : memref<200x128xf32, #tpu.memory_space<vmem>>, vector<1x16xf32>,
        %parallel_loop3A_577 = arith.index_cast %parallel_loop3A_562 : i32 to index
        %parallel_loop3A_578 = arith.constant 16 : index
        %parallel_loop3A_579 = tpu.vector_load %arg14[%parallel_loop3A_577, %parallel_loop3A_578] {strides = array<i32>} : memref<200x128xf32, #tpu.memory_space<vmem>>, vector<1x16xf32>,
        %parallel_loop3A_580 = vector.shape_cast %parallel_loop3A_579 : vector<1x16xf32> to vector<16xf32>
        %parallel_loop3A_581 = arith.index_cast %parallel_loop3A_562 : i32 to index
        %parallel_loop3A_582 = arith.constant 16 : index
        %parallel_loop3A_583 = tpu.vector_load %arg15[%parallel_loop3A_581, %parallel_loop3A_582] {strides = array<i32>} : memref<200x64xf32, #tpu.memory_space<vmem>>, vector<1x16xf32>,
        %parallel_loop3A_584 = vector.shape_cast %parallel_loop3A_583 : vector<1x16xf32> to vector<16xf32>
        %parallel_loop3A_585 = arith.addf %parallel_loop3A_580, %parallel_loop3A_584 : vector<16xf32>
        %parallel_loop3A_586 = arith.index_cast %parallel_loop3A_562 : i32 to index
        %parallel_loop3A_587 = arith.constant 16 : index
        %parallel_loop3A_588 = tpu.vector_load %arg14[%parallel_loop3A_586, %parallel_loop3A_587] {strides = array<i32>} : memref<200x128xf32, #tpu.memory_space<vmem>>, vector<1x16xf32>,
        %parallel_loop3A_589 = vector.shape_cast %parallel_loop3A_588 : vector<1x16xf32> to vector<16xf32>
        %parallel_loop3A_590 = vector.shape_cast %parallel_loop3A_585 : vector<16xf32> to vector<1x16xf32>
        tpu.vector_store %arg14[%parallel_loop3A_586, %parallel_loop3A_587], %parallel_loop3A_590 {strides = array<i32>} : memref<200x128xf32, #tpu.memory_space<vmem>>, vector<1x16xf32>,
        %parallel_loop3A_591 = arith.index_cast %parallel_loop3A_562 : i32 to index
        %parallel_loop3A_592 = arith.constant 32 : index
        %parallel_loop3A_593 = tpu.vector_load %arg14[%parallel_loop3A_591, %parallel_loop3A_592] {strides = array<i32>} : memref<200x128xf32, #tpu.memory_space<vmem>>, vector<1x16xf32>,
        %parallel_loop3A_594 = vector.shape_cast %parallel_loop3A_593 : vector<1x16xf32> to vector<16xf32>
        %parallel_loop3A_595 = arith.index_cast %parallel_loop3A_562 : i32 to index
        %parallel_loop3A_596 = arith.constant 32 : index
        %parallel_loop3A_597 = tpu.vector_load %arg15[%parallel_loop3A_595, %parallel_loop3A_596] {strides = array<i32>} : memref<200x64xf32, #tpu.memory_space<vmem>>, vector<1x16xf32>,
        %parallel_loop3A_598 = vector.shape_cast %parallel_loop3A_597 : vector<1x16xf32> to vector<16xf32>
        %parallel_loop3A_599 = arith.addf %parallel_loop3A_594, %parallel_loop3A_598 : vector<16xf32>
        %parallel_loop3A_600 = arith.index_cast %parallel_loop3A_562 : i32 to index
        %parallel_loop3A_601 = arith.constant 32 : index
        %parallel_loop3A_602 = tpu.vector_load %arg14[%parallel_loop3A_600, %parallel_loop3A_601] {strides = array<i32>} : memref<200x128xf32, #tpu.memory_space<vmem>>, vector<1x16xf32>,
        %parallel_loop3A_603 = vector.shape_cast %parallel_loop3A_602 : vector<1x16xf32> to vector<16xf32>
        %parallel_loop3A_604 = vector.shape_cast %parallel_loop3A_599 : vector<16xf32> to vector<1x16xf32>
        tpu.vector_store %arg14[%parallel_loop3A_600, %parallel_loop3A_601], %parallel_loop3A_604 {strides = array<i32>} : memref<200x128xf32, #tpu.memory_space<vmem>>, vector<1x16xf32>,
        %parallel_loop3A_605 = arith.index_cast %parallel_loop3A_562 : i32 to index
        %parallel_loop3A_606 = arith.constant 48 : index
        %parallel_loop3A_607 = tpu.vector_load %arg14[%parallel_loop3A_605, %parallel_loop3A_606] {strides = array<i32>} : memref<200x128xf32, #tpu.memory_space<vmem>>, vector<1x16xf32>,
        %parallel_loop3A_608 = vector.shape_cast %parallel_loop3A_607 : vector<1x16xf32> to vector<16xf32>
        %parallel_loop3A_609 = arith.index_cast %parallel_loop3A_562 : i32 to index
        %parallel_loop3A_610 = arith.constant 48 : index
        %parallel_loop3A_611 = tpu.vector_load %arg15[%parallel_loop3A_609, %parallel_loop3A_610] {strides = array<i32>} : memref<200x64xf32, #tpu.memory_space<vmem>>, vector<1x16xf32>,
        %parallel_loop3A_612 = vector.shape_cast %parallel_loop3A_611 : vector<1x16xf32> to vector<16xf32>
        %parallel_loop3A_613 = arith.addf %parallel_loop3A_608, %parallel_loop3A_612 : vector<16xf32>
        %parallel_loop3A_614 = arith.index_cast %parallel_loop3A_562 : i32 to index
        %parallel_loop3A_615 = arith.constant 48 : index
        %parallel_loop3A_616 = tpu.vector_load %arg14[%parallel_loop3A_614, %parallel_loop3A_615] {strides = array<i32>} : memref<200x128xf32, #tpu.memory_space<vmem>>, vector<1x16xf32>,
        %parallel_loop3A_617 = vector.shape_cast %parallel_loop3A_616 : vector<1x16xf32> to vector<16xf32>
        %parallel_loop3A_618 = vector.shape_cast %parallel_loop3A_613 : vector<16xf32> to vector<1x16xf32>
        tpu.vector_store %arg14[%parallel_loop3A_614, %parallel_loop3A_615], %parallel_loop3A_618 {strides = array<i32>} : memref<200x128xf32, #tpu.memory_space<vmem>>, vector<1x16xf32>,
      } {sc.loop_unroll_factor = 8 : i64, sc.parallel_access}
      %add3A_553 = arith.addi %mul3A_2, %add3A_510 : i32
      %dma_start3A_554 = arith.constant 0 : i32
      %dma_start3A_555 = arith.constant 0 : i32
      %dma_start3A_556 = tpu.memref_slice %arg5[%add3A_553, %dma_start3A_554, %dma_start3A_555] : memref<4096x200x128xf32, #tpu.memory_space<hbm>> -> memref<1x200x128xf32, #tpu.memory_space<hbm>>
      %dma_start3A_557 = tpu.memref_squeeze %dma_start3A_556 : memref<1x200x128xf32, #tpu.memory_space<hbm>> -> memref<200x128xf32, #tpu.memory_space<hbm>>
      %dma_start3A_558 = arith.constant 0 : i32
      %dma_start3A_559 = arith.constant 0 : i32
      %dma_start3A_560 = tpu.memref_slice %arg5[%add3A_553, %dma_start3A_558, %dma_start3A_559] : memref<4096x200x128xf32, #tpu.memory_space<hbm>> -> memref<1x200x128xf32, #tpu.memory_space<hbm>>
      %dma_start3A_561 = tpu.memref_squeeze %dma_start3A_560 : memref<1x200x128xf32, #tpu.memory_space<hbm>> -> memref<200x128xf32, #tpu.memory_space<hbm>>
      tpu.enqueue_dma source(%arg14 : memref<200x128xf32, #tpu.memory_space<vmem>>) target(%dma_start3A_561 : memref<200x128xf32, #tpu.memory_space<hbm>>) target_semaphore(%arg21 : memref<!tpu.dma_semaphore, #tpu.memory_space<semaphore_mem>>)
    }
    %scan3A_152 = arith.constant 40 : i32
    %dma_wait3A_153 = arith.constant 0 : i32
    %dma_wait3A_154 = arith.constant 0 : i32
    %dma_wait3A_155 = tpu.memref_slice %arg5[%mul3A_2, %dma_wait3A_153, %dma_wait3A_154] : memref<4096x200x128xf32, #tpu.memory_space<hbm>> -> memref<1x200x128xf32, #tpu.memory_space<hbm>>
    %dma_wait3A_156 = tpu.memref_squeeze %dma_wait3A_155 : memref<1x200x128xf32, #tpu.memory_space<hbm>> -> memref<200x128xf32, #tpu.memory_space<hbm>>
    %dma_wait3A_157 = arith.constant 0 : i32
    %dma_wait3A_158 = arith.constant 0 : i32
    %dma_wait3A_159 = tpu.memref_slice %arg5[%mul3A_2, %dma_wait3A_157, %dma_wait3A_158] : memref<4096x200x128xf32, #tpu.memory_space<hbm>> -> memref<1x200x128xf32, #tpu.memory_space<hbm>>
    %dma_wait3A_160 = tpu.memref_squeeze %dma_wait3A_159 : memref<1x200x128xf32, #tpu.memory_space<hbm>> -> memref<200x128xf32, #tpu.memory_space<hbm>>
    tpu.wait_dma2 semaphore(%arg20 : memref<!tpu.dma_semaphore, #tpu.memory_space<semaphore_mem>>) src(%arg13 : memref<200x128xf32, #tpu.memory_space<vmem>>) dst(%dma_wait3A_160 : memref<200x128xf32, #tpu.memory_space<hbm>>)
    %add3A_161 = arith.constant 24800 : i32
    %add3A_162 = arith.addi %mul3A_4, %add3A_161 : i32
    "tpu.region"() ({
      %run_scoped3A = tpu.sem_alloc : memref<!tpu.dma_semaphore, #tpu.memory_space<semaphore_mem>>
      %dma_start3A_398 = tpu.memref_slice %arg2[%add3A_162] : memref<819200xi32, #tpu.memory_space<hbm>> -> memref<128xi32, #tpu.memory_space<hbm>>
      %dma_start3A_399 = tpu.memref_slice %arg2[%add3A_162] : memref<819200xi32, #tpu.memory_space<hbm>> -> memref<128xi32, #tpu.memory_space<hbm>>
      tpu.enqueue_dma source(%dma_start3A_399 : memref<128xi32, #tpu.memory_space<hbm>>) target(%arg7 : memref<128xi32, #tpu.memory_space<vmem>>) target_semaphore(%run_scoped3A : memref<!tpu.dma_semaphore, #tpu.memory_space<semaphore_mem>>)
      %dma_wait3A_400 = tpu.memref_slice %arg2[%add3A_162] : memref<819200xi32, #tpu.memory_space<hbm>> -> memref<128xi32, #tpu.memory_space<hbm>>
      %dma_wait3A_401 = tpu.memref_slice %arg2[%add3A_162] : memref<819200xi32, #tpu.memory_space<hbm>> -> memref<128xi32, #tpu.memory_space<hbm>>
      tpu.wait_dma2 semaphore(%run_scoped3A : memref<!tpu.dma_semaphore, #tpu.memory_space<semaphore_mem>>) src(%dma_wait3A_401 : memref<128xi32, #tpu.memory_space<hbm>>) dst(%arg7 : memref<128xi32, #tpu.memory_space<vmem>>)
      tpu.yield
    }) : () -> ()
    %add3A_163 = arith.constant 128 : i32
    %add3A_164 = arith.addi %add3A_162, %add3A_163 : i32
    "tpu.region"() ({
      %run_scoped3A = tpu.sem_alloc : memref<!tpu.dma_semaphore, #tpu.memory_space<semaphore_mem>>
      %dma_start3A_398 = tpu.memref_slice %arg2[%add3A_164] : memref<819200xi32, #tpu.memory_space<hbm>> -> memref<72xi32, #tpu.memory_space<hbm>>
      %dma_start3A_399 = tpu.memref_slice %arg2[%add3A_164] : memref<819200xi32, #tpu.memory_space<hbm>> -> memref<72xi32, #tpu.memory_space<hbm>>
      tpu.enqueue_dma source(%dma_start3A_399 : memref<72xi32, #tpu.memory_space<hbm>>) target(%arg10 : memref<72xi32, #tpu.memory_space<vmem>>) target_semaphore(%run_scoped3A : memref<!tpu.dma_semaphore, #tpu.memory_space<semaphore_mem>>)
      %dma_wait3A_400 = tpu.memref_slice %arg2[%add3A_164] : memref<819200xi32, #tpu.memory_space<hbm>> -> memref<72xi32, #tpu.memory_space<hbm>>
      %dma_wait3A_401 = tpu.memref_slice %arg2[%add3A_164] : memref<819200xi32, #tpu.memory_space<hbm>> -> memref<72xi32, #tpu.memory_space<hbm>>
      tpu.wait_dma2 semaphore(%run_scoped3A : memref<!tpu.dma_semaphore, #tpu.memory_space<semaphore_mem>>) src(%dma_wait3A_401 : memref<72xi32, #tpu.memory_space<hbm>>) dst(%arg10 : memref<72xi32, #tpu.memory_space<vmem>>)
      tpu.yield
    }) : () -> ()
    %dma_start3A_165 = arith.constant 0 : i32
    %dma_start3A_166 = arith.constant 0 : i32
    %dma_start3A_167 = tpu.memref_slice %arg13[%dma_start3A_165, %dma_start3A_166] : memref<200x128xf32, #tpu.memory_space<vmem>> -> memref<128x128xf32, #tpu.memory_space<vmem>>
    %dma_start3A_168 = arith.constant 0 : i32
    %dma_start3A_169 = arith.constant 0 : i32
    %dma_start3A_170 = tpu.memref_slice %arg3[%dma_start3A_168, %dma_start3A_169] : memref<1000000x128xf32, #tpu.memory_space<hbm>> -> memref<1000000x128xf32, #tpu.memory_space<hbm>>
    tpu.enqueue_indirect_dma source(%dma_start3A_170 : memref<1000000x128xf32, #tpu.memory_space<hbm>>) target(%dma_start3A_167 : memref<128x128xf32, #tpu.memory_space<vmem>>) offsets(%arg7 : memref<128xi32, #tpu.memory_space<vmem>>) semaphore(%arg17 : memref<!tpu.dma_semaphore, #tpu.memory_space<semaphore_mem>>)
    %dma_start3A_171 = arith.constant 128 : i32
    %dma_start3A_172 = arith.constant 0 : i32
    %dma_start3A_173 = tpu.memref_slice %arg13[%dma_start3A_171, %dma_start3A_172] : memref<200x128xf32, #tpu.memory_space<vmem>> -> memref<72x128xf32, #tpu.memory_space<vmem>>
    %dma_start3A_174 = arith.constant 0 : i32
    %dma_start3A_175 = arith.constant 0 : i32
    %dma_start3A_176 = tpu.memref_slice %arg3[%dma_start3A_174, %dma_start3A_175] : memref<1000000x128xf32, #tpu.memory_space<hbm>> -> memref<1000000x128xf32, #tpu.memory_space<hbm>>
    tpu.enqueue_indirect_dma source(%dma_start3A_176 : memref<1000000x128xf32, #tpu.memory_space<hbm>>) target(%dma_start3A_173 : memref<72x128xf32, #tpu.memory_space<vmem>>) offsets(%arg10 : memref<72xi32, #tpu.memory_space<vmem>>) semaphore(%arg17 : memref<!tpu.dma_semaphore, #tpu.memory_space<semaphore_mem>>)
    %dma_wait3A_177 = arith.constant 0 : i32
    %dma_wait3A_178 = arith.constant 0 : i32
    %dma_wait3A_179 = tpu.memref_slice %arg12[%dma_wait3A_177, %dma_wait3A_178] : memref<200x128xf32, #tpu.memory_space<vmem>> -> memref<128x128xf32, #tpu.memory_space<vmem>>
    %dma_wait3A_180 = arith.constant 0 : i32
    %dma_wait3A_181 = arith.constant 0 : i32
    %dma_wait3A_182 = tpu.memref_slice %arg3[%dma_wait3A_180, %dma_wait3A_181] : memref<1000000x128xf32, #tpu.memory_space<hbm>> -> memref<1000000x128xf32, #tpu.memory_space<hbm>>
    tpu.wait_indirect_dma semaphore(%arg16 : memref<!tpu.dma_semaphore, #tpu.memory_space<semaphore_mem>>) src(%dma_wait3A_182 : memref<1000000x128xf32, #tpu.memory_space<hbm>>) dst(%dma_wait3A_179 : memref<128x128xf32, #tpu.memory_space<vmem>>)
    %dma_wait3A_183 = arith.constant 128 : i32
    %dma_wait3A_184 = arith.constant 0 : i32
    %dma_wait3A_185 = tpu.memref_slice %arg12[%dma_wait3A_183, %dma_wait3A_184] : memref<200x128xf32, #tpu.memory_space<vmem>> -> memref<72x128xf32, #tpu.memory_space<vmem>>
    %dma_wait3A_186 = arith.constant 0 : i32
    %dma_wait3A_187 = arith.constant 0 : i32
    %dma_wait3A_188 = tpu.memref_slice %arg3[%dma_wait3A_186, %dma_wait3A_187] : memref<1000000x128xf32, #tpu.memory_space<hbm>> -> memref<1000000x128xf32, #tpu.memory_space<hbm>>
    tpu.wait_indirect_dma semaphore(%arg16 : memref<!tpu.dma_semaphore, #tpu.memory_space<semaphore_mem>>) src(%dma_wait3A_188 : memref<1000000x128xf32, #tpu.memory_space<hbm>>) dst(%dma_wait3A_185 : memref<72x128xf32, #tpu.memory_space<vmem>>)
    %parallel_loop3A_189 = arith.constant 0 : i32
    %parallel_loop3A_190 = arith.constant 200 : i32
    %parallel_loop3A_191 = arith.constant 1 : i32
    scf.for %parallel_loop3A_398 = %parallel_loop3A_189 to %parallel_loop3A_190 step %parallel_loop3A_191  : i32 {
      %parallel_loop3A_399 = arith.index_cast %parallel_loop3A_398 : i32 to index
      %parallel_loop3A_400 = arith.constant 0 : index
      %parallel_loop3A_401 = tpu.vector_load %arg12[%parallel_loop3A_399, %parallel_loop3A_400] {strides = array<i32>} : memref<200x128xf32, #tpu.memory_space<vmem>>, vector<1x16xf32>,
      %parallel_loop3A_402 = vector.shape_cast %parallel_loop3A_401 : vector<1x16xf32> to vector<16xf32>
      %parallel_loop3A_403 = arith.index_cast %parallel_loop3A_398 : i32 to index
      %parallel_loop3A_404 = arith.constant 0 : index
      %parallel_loop3A_405 = tpu.vector_load %arg15[%parallel_loop3A_403, %parallel_loop3A_404] {strides = array<i32>} : memref<200x64xf32, #tpu.memory_space<vmem>>, vector<1x16xf32>,
      %parallel_loop3A_406 = vector.shape_cast %parallel_loop3A_405 : vector<1x16xf32> to vector<16xf32>
      %parallel_loop3A_407 = arith.addf %parallel_loop3A_402, %parallel_loop3A_406 : vector<16xf32>
      %parallel_loop3A_408 = arith.index_cast %parallel_loop3A_398 : i32 to index
      %parallel_loop3A_409 = arith.constant 0 : index
      %parallel_loop3A_410 = tpu.vector_load %arg12[%parallel_loop3A_408, %parallel_loop3A_409] {strides = array<i32>} : memref<200x128xf32, #tpu.memory_space<vmem>>, vector<1x16xf32>,
      %parallel_loop3A_411 = vector.shape_cast %parallel_loop3A_410 : vector<1x16xf32> to vector<16xf32>
      %parallel_loop3A_412 = vector.shape_cast %parallel_loop3A_407 : vector<16xf32> to vector<1x16xf32>
      tpu.vector_store %arg12[%parallel_loop3A_408, %parallel_loop3A_409], %parallel_loop3A_412 {strides = array<i32>} : memref<200x128xf32, #tpu.memory_space<vmem>>, vector<1x16xf32>,
      %parallel_loop3A_413 = arith.index_cast %parallel_loop3A_398 : i32 to index
      %parallel_loop3A_414 = arith.constant 16 : index
      %parallel_loop3A_415 = tpu.vector_load %arg12[%parallel_loop3A_413, %parallel_loop3A_414] {strides = array<i32>} : memref<200x128xf32, #tpu.memory_space<vmem>>, vector<1x16xf32>,
      %parallel_loop3A_416 = vector.shape_cast %parallel_loop3A_415 : vector<1x16xf32> to vector<16xf32>
      %parallel_loop3A_417 = arith.index_cast %parallel_loop3A_398 : i32 to index
      %parallel_loop3A_418 = arith.constant 16 : index
      %parallel_loop3A_419 = tpu.vector_load %arg15[%parallel_loop3A_417, %parallel_loop3A_418] {strides = array<i32>} : memref<200x64xf32, #tpu.memory_space<vmem>>, vector<1x16xf32>,
      %parallel_loop3A_420 = vector.shape_cast %parallel_loop3A_419 : vector<1x16xf32> to vector<16xf32>
      %parallel_loop3A_421 = arith.addf %parallel_loop3A_416, %parallel_loop3A_420 : vector<16xf32>
      %parallel_loop3A_422 = arith.index_cast %parallel_loop3A_398 : i32 to index
      %parallel_loop3A_423 = arith.constant 16 : index
      %parallel_loop3A_424 = tpu.vector_load %arg12[%parallel_loop3A_422, %parallel_loop3A_423] {strides = array<i32>} : memref<200x128xf32, #tpu.memory_space<vmem>>, vector<1x16xf32>,
      %parallel_loop3A_425 = vector.shape_cast %parallel_loop3A_424 : vector<1x16xf32> to vector<16xf32>
      %parallel_loop3A_426 = vector.shape_cast %parallel_loop3A_421 : vector<16xf32> to vector<1x16xf32>
      tpu.vector_store %arg12[%parallel_loop3A_422, %parallel_loop3A_423], %parallel_loop3A_426 {strides = array<i32>} : memref<200x128xf32, #tpu.memory_space<vmem>>, vector<1x16xf32>,
      %parallel_loop3A_427 = arith.index_cast %parallel_loop3A_398 : i32 to index
      %parallel_loop3A_428 = arith.constant 32 : index
      %parallel_loop3A_429 = tpu.vector_load %arg12[%parallel_loop3A_427, %parallel_loop3A_428] {strides = array<i32>} : memref<200x128xf32, #tpu.memory_space<vmem>>, vector<1x16xf32>,
      %parallel_loop3A_430 = vector.shape_cast %parallel_loop3A_429 : vector<1x16xf32> to vector<16xf32>
      %parallel_loop3A_431 = arith.index_cast %parallel_loop3A_398 : i32 to index
      %parallel_loop3A_432 = arith.constant 32 : index
      %parallel_loop3A_433 = tpu.vector_load %arg15[%parallel_loop3A_431, %parallel_loop3A_432] {strides = array<i32>} : memref<200x64xf32, #tpu.memory_space<vmem>>, vector<1x16xf32>,
      %parallel_loop3A_434 = vector.shape_cast %parallel_loop3A_433 : vector<1x16xf32> to vector<16xf32>
      %parallel_loop3A_435 = arith.addf %parallel_loop3A_430, %parallel_loop3A_434 : vector<16xf32>
      %parallel_loop3A_436 = arith.index_cast %parallel_loop3A_398 : i32 to index
      %parallel_loop3A_437 = arith.constant 32 : index
      %parallel_loop3A_438 = tpu.vector_load %arg12[%parallel_loop3A_436, %parallel_loop3A_437] {strides = array<i32>} : memref<200x128xf32, #tpu.memory_space<vmem>>, vector<1x16xf32>,
      %parallel_loop3A_439 = vector.shape_cast %parallel_loop3A_438 : vector<1x16xf32> to vector<16xf32>
      %parallel_loop3A_440 = vector.shape_cast %parallel_loop3A_435 : vector<16xf32> to vector<1x16xf32>
      tpu.vector_store %arg12[%parallel_loop3A_436, %parallel_loop3A_437], %parallel_loop3A_440 {strides = array<i32>} : memref<200x128xf32, #tpu.memory_space<vmem>>, vector<1x16xf32>,
      %parallel_loop3A_441 = arith.index_cast %parallel_loop3A_398 : i32 to index
      %parallel_loop3A_442 = arith.constant 48 : index
      %parallel_loop3A_443 = tpu.vector_load %arg12[%parallel_loop3A_441, %parallel_loop3A_442] {strides = array<i32>} : memref<200x128xf32, #tpu.memory_space<vmem>>, vector<1x16xf32>,
      %parallel_loop3A_444 = vector.shape_cast %parallel_loop3A_443 : vector<1x16xf32> to vector<16xf32>
      %parallel_loop3A_445 = arith.index_cast %parallel_loop3A_398 : i32 to index
      %parallel_loop3A_446 = arith.constant 48 : index
      %parallel_loop3A_447 = tpu.vector_load %arg15[%parallel_loop3A_445, %parallel_loop3A_446] {strides = array<i32>} : memref<200x64xf32, #tpu.memory_space<vmem>>, vector<1x16xf32>,
      %parallel_loop3A_448 = vector.shape_cast %parallel_loop3A_447 : vector<1x16xf32> to vector<16xf32>
      %parallel_loop3A_449 = arith.addf %parallel_loop3A_444, %parallel_loop3A_448 : vector<16xf32>
      %parallel_loop3A_450 = arith.index_cast %parallel_loop3A_398 : i32 to index
      %parallel_loop3A_451 = arith.constant 48 : index
      %parallel_loop3A_452 = tpu.vector_load %arg12[%parallel_loop3A_450, %parallel_loop3A_451] {strides = array<i32>} : memref<200x128xf32, #tpu.memory_space<vmem>>, vector<1x16xf32>,
      %parallel_loop3A_453 = vector.shape_cast %parallel_loop3A_452 : vector<1x16xf32> to vector<16xf32>
      %parallel_loop3A_454 = vector.shape_cast %parallel_loop3A_449 : vector<16xf32> to vector<1x16xf32>
      tpu.vector_store %arg12[%parallel_loop3A_450, %parallel_loop3A_451], %parallel_loop3A_454 {strides = array<i32>} : memref<200x128xf32, #tpu.memory_space<vmem>>, vector<1x16xf32>,
    } {sc.loop_unroll_factor = 8 : i64, sc.parallel_access}
    %add3A_192 = arith.constant 123 : i32
    %add3A_193 = arith.addi %mul3A_2, %add3A_192 : i32
    %dma_start3A_194 = arith.constant 0 : i32
    %dma_start3A_195 = arith.constant 0 : i32
    %dma_start3A_196 = tpu.memref_slice %arg5[%add3A_193, %dma_start3A_194, %dma_start3A_195] : memref<4096x200x128xf32, #tpu.memory_space<hbm>> -> memref<1x200x128xf32, #tpu.memory_space<hbm>>
    %dma_start3A_197 = tpu.memref_squeeze %dma_start3A_196 : memref<1x200x128xf32, #tpu.memory_space<hbm>> -> memref<200x128xf32, #tpu.memory_space<hbm>>
    %dma_start3A_198 = arith.constant 0 : i32
    %dma_start3A_199 = arith.constant 0 : i32
    %dma_start3A_200 = tpu.memref_slice %arg5[%add3A_193, %dma_start3A_198, %dma_start3A_199] : memref<4096x200x128xf32, #tpu.memory_space<hbm>> -> memref<1x200x128xf32, #tpu.memory_space<hbm>>
    %dma_start3A_201 = tpu.memref_squeeze %dma_start3A_200 : memref<1x200x128xf32, #tpu.memory_space<hbm>> -> memref<200x128xf32, #tpu.memory_space<hbm>>
    tpu.enqueue_dma source(%arg12 : memref<200x128xf32, #tpu.memory_space<vmem>>) target(%dma_start3A_201 : memref<200x128xf32, #tpu.memory_space<hbm>>) target_semaphore(%arg19 : memref<!tpu.dma_semaphore, #tpu.memory_space<semaphore_mem>>)
    %dma_wait3A_202 = arith.constant 0 : i32
    %dma_wait3A_203 = arith.constant 0 : i32
    %dma_wait3A_204 = tpu.memref_slice %arg5[%mul3A_2, %dma_wait3A_202, %dma_wait3A_203] : memref<4096x200x128xf32, #tpu.memory_space<hbm>> -> memref<1x200x128xf32, #tpu.memory_space<hbm>>
    %dma_wait3A_205 = tpu.memref_squeeze %dma_wait3A_204 : memref<1x200x128xf32, #tpu.memory_space<hbm>> -> memref<200x128xf32, #tpu.memory_space<hbm>>
    %dma_wait3A_206 = arith.constant 0 : i32
    %dma_wait3A_207 = arith.constant 0 : i32
    %dma_wait3A_208 = tpu.memref_slice %arg5[%mul3A_2, %dma_wait3A_206, %dma_wait3A_207] : memref<4096x200x128xf32, #tpu.memory_space<hbm>> -> memref<1x200x128xf32, #tpu.memory_space<hbm>>
    %dma_wait3A_209 = tpu.memref_squeeze %dma_wait3A_208 : memref<1x200x128xf32, #tpu.memory_space<hbm>> -> memref<200x128xf32, #tpu.memory_space<hbm>>
    tpu.wait_dma2 semaphore(%arg21 : memref<!tpu.dma_semaphore, #tpu.memory_space<semaphore_mem>>) src(%arg14 : memref<200x128xf32, #tpu.memory_space<vmem>>) dst(%dma_wait3A_209 : memref<200x128xf32, #tpu.memory_space<hbm>>)
    %add3A_210 = arith.constant 25000 : i32
    %add3A_211 = arith.addi %mul3A_4, %add3A_210 : i32
    "tpu.region"() ({
      %run_scoped3A = tpu.sem_alloc : memref<!tpu.dma_semaphore, #tpu.memory_space<semaphore_mem>>
      %dma_start3A_398 = tpu.memref_slice %arg2[%add3A_211] : memref<819200xi32, #tpu.memory_space<hbm>> -> memref<128xi32, #tpu.memory_space<hbm>>
      %dma_start3A_399 = tpu.memref_slice %arg2[%add3A_211] : memref<819200xi32, #tpu.memory_space<hbm>> -> memref<128xi32, #tpu.memory_space<hbm>>
      tpu.enqueue_dma source(%dma_start3A_399 : memref<128xi32, #tpu.memory_space<hbm>>) target(%arg8 : memref<128xi32, #tpu.memory_space<vmem>>) target_semaphore(%run_scoped3A : memref<!tpu.dma_semaphore, #tpu.memory_space<semaphore_mem>>)
      %dma_wait3A_400 = tpu.memref_slice %arg2[%add3A_211] : memref<819200xi32, #tpu.memory_space<hbm>> -> memref<128xi32, #tpu.memory_space<hbm>>
      %dma_wait3A_401 = tpu.memref_slice %arg2[%add3A_211] : memref<819200xi32, #tpu.memory_space<hbm>> -> memref<128xi32, #tpu.memory_space<hbm>>
      tpu.wait_dma2 semaphore(%run_scoped3A : memref<!tpu.dma_semaphore, #tpu.memory_space<semaphore_mem>>) src(%dma_wait3A_401 : memref<128xi32, #tpu.memory_space<hbm>>) dst(%arg8 : memref<128xi32, #tpu.memory_space<vmem>>)
      tpu.yield
    }) : () -> ()
    %add3A_212 = arith.constant 128 : i32
    %add3A_213 = arith.addi %add3A_211, %add3A_212 : i32
    "tpu.region"() ({
      %run_scoped3A = tpu.sem_alloc : memref<!tpu.dma_semaphore, #tpu.memory_space<semaphore_mem>>
      %dma_start3A_398 = tpu.memref_slice %arg2[%add3A_213] : memref<819200xi32, #tpu.memory_space<hbm>> -> memref<72xi32, #tpu.memory_space<hbm>>
      %dma_start3A_399 = tpu.memref_slice %arg2[%add3A_213] : memref<819200xi32, #tpu.memory_space<hbm>> -> memref<72xi32, #tpu.memory_space<hbm>>
      tpu.enqueue_dma source(%dma_start3A_399 : memref<72xi32, #tpu.memory_space<hbm>>) target(%arg11 : memref<72xi32, #tpu.memory_space<vmem>>) target_semaphore(%run_scoped3A : memref<!tpu.dma_semaphore, #tpu.memory_space<semaphore_mem>>)
      %dma_wait3A_400 = tpu.memref_slice %arg2[%add3A_213] : memref<819200xi32, #tpu.memory_space<hbm>> -> memref<72xi32, #tpu.memory_space<hbm>>
      %dma_wait3A_401 = tpu.memref_slice %arg2[%add3A_213] : memref<819200xi32, #tpu.memory_space<hbm>> -> memref<72xi32, #tpu.memory_space<hbm>>
      tpu.wait_dma2 semaphore(%run_scoped3A : memref<!tpu.dma_semaphore, #tpu.memory_space<semaphore_mem>>) src(%dma_wait3A_401 : memref<72xi32, #tpu.memory_space<hbm>>) dst(%arg11 : memref<72xi32, #tpu.memory_space<vmem>>)
      tpu.yield
    }) : () -> ()
    %dma_start3A_214 = arith.constant 0 : i32
    %dma_start3A_215 = arith.constant 0 : i32
    %dma_start3A_216 = tpu.memref_slice %arg14[%dma_start3A_214, %dma_start3A_215] : memref<200x128xf32, #tpu.memory_space<vmem>> -> memref<128x128xf32, #tpu.memory_space<vmem>>
    %dma_start3A_217 = arith.constant 0 : i32
    %dma_start3A_218 = arith.constant 0 : i32
    %dma_start3A_219 = tpu.memref_slice %arg3[%dma_start3A_217, %dma_start3A_218] : memref<1000000x128xf32, #tpu.memory_space<hbm>> -> memref<1000000x128xf32, #tpu.memory_space<hbm>>
    tpu.enqueue_indirect_dma source(%dma_start3A_219 : memref<1000000x128xf32, #tpu.memory_space<hbm>>) target(%dma_start3A_216 : memref<128x128xf32, #tpu.memory_space<vmem>>) offsets(%arg8 : memref<128xi32, #tpu.memory_space<vmem>>) semaphore(%arg18 : memref<!tpu.dma_semaphore, #tpu.memory_space<semaphore_mem>>)
    %dma_start3A_220 = arith.constant 128 : i32
    %dma_start3A_221 = arith.constant 0 : i32
    %dma_start3A_222 = tpu.memref_slice %arg14[%dma_start3A_220, %dma_start3A_221] : memref<200x128xf32, #tpu.memory_space<vmem>> -> memref<72x128xf32, #tpu.memory_space<vmem>>
    %dma_start3A_223 = arith.constant 0 : i32
    %dma_start3A_224 = arith.constant 0 : i32
    %dma_start3A_225 = tpu.memref_slice %arg3[%dma_start3A_223, %dma_start3A_224] : memref<1000000x128xf32, #tpu.memory_space<hbm>> -> memref<1000000x128xf32, #tpu.memory_space<hbm>>
    tpu.enqueue_indirect_dma source(%dma_start3A_225 : memref<1000000x128xf32, #tpu.memory_space<hbm>>) target(%dma_start3A_222 : memref<72x128xf32, #tpu.memory_space<vmem>>) offsets(%arg11 : memref<72xi32, #tpu.memory_space<vmem>>) semaphore(%arg18 : memref<!tpu.dma_semaphore, #tpu.memory_space<semaphore_mem>>)
    %dma_wait3A_226 = arith.constant 0 : i32
    %dma_wait3A_227 = arith.constant 0 : i32
    %dma_wait3A_228 = tpu.memref_slice %arg13[%dma_wait3A_226, %dma_wait3A_227] : memref<200x128xf32, #tpu.memory_space<vmem>> -> memref<128x128xf32, #tpu.memory_space<vmem>>
    %dma_wait3A_229 = arith.constant 0 : i32
    %dma_wait3A_230 = arith.constant 0 : i32
    %dma_wait3A_231 = tpu.memref_slice %arg3[%dma_wait3A_229, %dma_wait3A_230] : memref<1000000x128xf32, #tpu.memory_space<hbm>> -> memref<1000000x128xf32, #tpu.memory_space<hbm>>
    tpu.wait_indirect_dma semaphore(%arg17 : memref<!tpu.dma_semaphore, #tpu.memory_space<semaphore_mem>>) src(%dma_wait3A_231 : memref<1000000x128xf32, #tpu.memory_space<hbm>>) dst(%dma_wait3A_228 : memref<128x128xf32, #tpu.memory_space<vmem>>)
    %dma_wait3A_232 = arith.constant 128 : i32
    %dma_wait3A_233 = arith.constant 0 : i32
    %dma_wait3A_234 = tpu.memref_slice %arg13[%dma_wait3A_232, %dma_wait3A_233] : memref<200x128xf32, #tpu.memory_space<vmem>> -> memref<72x128xf32, #tpu.memory_space<vmem>>
    %dma_wait3A_235 = arith.constant 0 : i32
    %dma_wait3A_236 = arith.constant 0 : i32
    %dma_wait3A_237 = tpu.memref_slice %arg3[%dma_wait3A_235, %dma_wait3A_236] : memref<1000000x128xf32, #tpu.memory_space<hbm>> -> memref<1000000x128xf32, #tpu.memory_space<hbm>>
    tpu.wait_indirect_dma semaphore(%arg17 : memref<!tpu.dma_semaphore, #tpu.memory_space<semaphore_mem>>) src(%dma_wait3A_237 : memref<1000000x128xf32, #tpu.memory_space<hbm>>) dst(%dma_wait3A_234 : memref<72x128xf32, #tpu.memory_space<vmem>>)
    %parallel_loop3A_238 = arith.constant 0 : i32
    %parallel_loop3A_239 = arith.constant 200 : i32
    %parallel_loop3A_240 = arith.constant 1 : i32
    scf.for %parallel_loop3A_398 = %parallel_loop3A_238 to %parallel_loop3A_239 step %parallel_loop3A_240  : i32 {
      %parallel_loop3A_399 = arith.index_cast %parallel_loop3A_398 : i32 to index
      %parallel_loop3A_400 = arith.constant 0 : index
      %parallel_loop3A_401 = tpu.vector_load %arg13[%parallel_loop3A_399, %parallel_loop3A_400] {strides = array<i32>} : memref<200x128xf32, #tpu.memory_space<vmem>>, vector<1x16xf32>,
      %parallel_loop3A_402 = vector.shape_cast %parallel_loop3A_401 : vector<1x16xf32> to vector<16xf32>
      %parallel_loop3A_403 = arith.index_cast %parallel_loop3A_398 : i32 to index
      %parallel_loop3A_404 = arith.constant 0 : index
      %parallel_loop3A_405 = tpu.vector_load %arg15[%parallel_loop3A_403, %parallel_loop3A_404] {strides = array<i32>} : memref<200x64xf32, #tpu.memory_space<vmem>>, vector<1x16xf32>,
      %parallel_loop3A_406 = vector.shape_cast %parallel_loop3A_405 : vector<1x16xf32> to vector<16xf32>
      %parallel_loop3A_407 = arith.addf %parallel_loop3A_402, %parallel_loop3A_406 : vector<16xf32>
      %parallel_loop3A_408 = arith.index_cast %parallel_loop3A_398 : i32 to index
      %parallel_loop3A_409 = arith.constant 0 : index
      %parallel_loop3A_410 = tpu.vector_load %arg13[%parallel_loop3A_408, %parallel_loop3A_409] {strides = array<i32>} : memref<200x128xf32, #tpu.memory_space<vmem>>, vector<1x16xf32>,
      %parallel_loop3A_411 = vector.shape_cast %parallel_loop3A_410 : vector<1x16xf32> to vector<16xf32>
      %parallel_loop3A_412 = vector.shape_cast %parallel_loop3A_407 : vector<16xf32> to vector<1x16xf32>
      tpu.vector_store %arg13[%parallel_loop3A_408, %parallel_loop3A_409], %parallel_loop3A_412 {strides = array<i32>} : memref<200x128xf32, #tpu.memory_space<vmem>>, vector<1x16xf32>,
      %parallel_loop3A_413 = arith.index_cast %parallel_loop3A_398 : i32 to index
      %parallel_loop3A_414 = arith.constant 16 : index
      %parallel_loop3A_415 = tpu.vector_load %arg13[%parallel_loop3A_413, %parallel_loop3A_414] {strides = array<i32>} : memref<200x128xf32, #tpu.memory_space<vmem>>, vector<1x16xf32>,
      %parallel_loop3A_416 = vector.shape_cast %parallel_loop3A_415 : vector<1x16xf32> to vector<16xf32>
      %parallel_loop3A_417 = arith.index_cast %parallel_loop3A_398 : i32 to index
      %parallel_loop3A_418 = arith.constant 16 : index
      %parallel_loop3A_419 = tpu.vector_load %arg15[%parallel_loop3A_417, %parallel_loop3A_418] {strides = array<i32>} : memref<200x64xf32, #tpu.memory_space<vmem>>, vector<1x16xf32>,
      %parallel_loop3A_420 = vector.shape_cast %parallel_loop3A_419 : vector<1x16xf32> to vector<16xf32>
      %parallel_loop3A_421 = arith.addf %parallel_loop3A_416, %parallel_loop3A_420 : vector<16xf32>
      %parallel_loop3A_422 = arith.index_cast %parallel_loop3A_398 : i32 to index
      %parallel_loop3A_423 = arith.constant 16 : index
      %parallel_loop3A_424 = tpu.vector_load %arg13[%parallel_loop3A_422, %parallel_loop3A_423] {strides = array<i32>} : memref<200x128xf32, #tpu.memory_space<vmem>>, vector<1x16xf32>,
      %parallel_loop3A_425 = vector.shape_cast %parallel_loop3A_424 : vector<1x16xf32> to vector<16xf32>
      %parallel_loop3A_426 = vector.shape_cast %parallel_loop3A_421 : vector<16xf32> to vector<1x16xf32>
      tpu.vector_store %arg13[%parallel_loop3A_422, %parallel_loop3A_423], %parallel_loop3A_426 {strides = array<i32>} : memref<200x128xf32, #tpu.memory_space<vmem>>, vector<1x16xf32>,
      %parallel_loop3A_427 = arith.index_cast %parallel_loop3A_398 : i32 to index
      %parallel_loop3A_428 = arith.constant 32 : index
      %parallel_loop3A_429 = tpu.vector_load %arg13[%parallel_loop3A_427, %parallel_loop3A_428] {strides = array<i32>} : memref<200x128xf32, #tpu.memory_space<vmem>>, vector<1x16xf32>,
      %parallel_loop3A_430 = vector.shape_cast %parallel_loop3A_429 : vector<1x16xf32> to vector<16xf32>
      %parallel_loop3A_431 = arith.index_cast %parallel_loop3A_398 : i32 to index
      %parallel_loop3A_432 = arith.constant 32 : index
      %parallel_loop3A_433 = tpu.vector_load %arg15[%parallel_loop3A_431, %parallel_loop3A_432] {strides = array<i32>} : memref<200x64xf32, #tpu.memory_space<vmem>>, vector<1x16xf32>,
      %parallel_loop3A_434 = vector.shape_cast %parallel_loop3A_433 : vector<1x16xf32> to vector<16xf32>
      %parallel_loop3A_435 = arith.addf %parallel_loop3A_430, %parallel_loop3A_434 : vector<16xf32>
      %parallel_loop3A_436 = arith.index_cast %parallel_loop3A_398 : i32 to index
      %parallel_loop3A_437 = arith.constant 32 : index
      %parallel_loop3A_438 = tpu.vector_load %arg13[%parallel_loop3A_436, %parallel_loop3A_437] {strides = array<i32>} : memref<200x128xf32, #tpu.memory_space<vmem>>, vector<1x16xf32>,
      %parallel_loop3A_439 = vector.shape_cast %parallel_loop3A_438 : vector<1x16xf32> to vector<16xf32>
      %parallel_loop3A_440 = vector.shape_cast %parallel_loop3A_435 : vector<16xf32> to vector<1x16xf32>
      tpu.vector_store %arg13[%parallel_loop3A_436, %parallel_loop3A_437], %parallel_loop3A_440 {strides = array<i32>} : memref<200x128xf32, #tpu.memory_space<vmem>>, vector<1x16xf32>,
      %parallel_loop3A_441 = arith.index_cast %parallel_loop3A_398 : i32 to index
      %parallel_loop3A_442 = arith.constant 48 : index
      %parallel_loop3A_443 = tpu.vector_load %arg13[%parallel_loop3A_441, %parallel_loop3A_442] {strides = array<i32>} : memref<200x128xf32, #tpu.memory_space<vmem>>, vector<1x16xf32>,
      %parallel_loop3A_444 = vector.shape_cast %parallel_loop3A_443 : vector<1x16xf32> to vector<16xf32>
      %parallel_loop3A_445 = arith.index_cast %parallel_loop3A_398 : i32 to index
      %parallel_loop3A_446 = arith.constant 48 : index
      %parallel_loop3A_447 = tpu.vector_load %arg15[%parallel_loop3A_445, %parallel_loop3A_446] {strides = array<i32>} : memref<200x64xf32, #tpu.memory_space<vmem>>, vector<1x16xf32>,
      %parallel_loop3A_448 = vector.shape_cast %parallel_loop3A_447 : vector<1x16xf32> to vector<16xf32>
      %parallel_loop3A_449 = arith.addf %parallel_loop3A_444, %parallel_loop3A_448 : vector<16xf32>
      %parallel_loop3A_450 = arith.index_cast %parallel_loop3A_398 : i32 to index
      %parallel_loop3A_451 = arith.constant 48 : index
      %parallel_loop3A_452 = tpu.vector_load %arg13[%parallel_loop3A_450, %parallel_loop3A_451] {strides = array<i32>} : memref<200x128xf32, #tpu.memory_space<vmem>>, vector<1x16xf32>,
      %parallel_loop3A_453 = vector.shape_cast %parallel_loop3A_452 : vector<1x16xf32> to vector<16xf32>
      %parallel_loop3A_454 = vector.shape_cast %parallel_loop3A_449 : vector<16xf32> to vector<1x16xf32>
      tpu.vector_store %arg13[%parallel_loop3A_450, %parallel_loop3A_451], %parallel_loop3A_454 {strides = array<i32>} : memref<200x128xf32, #tpu.memory_space<vmem>>, vector<1x16xf32>,
    } {sc.loop_unroll_factor = 8 : i64, sc.parallel_access}
    %add3A_241 = arith.constant 124 : i32
    %add3A_242 = arith.addi %mul3A_2, %add3A_241 : i32
    %dma_start3A_243 = arith.constant 0 : i32
    %dma_start3A_244 = arith.constant 0 : i32
    %dma_start3A_245 = tpu.memref_slice %arg5[%add3A_242, %dma_start3A_243, %dma_start3A_244] : memref<4096x200x128xf32, #tpu.memory_space<hbm>> -> memref<1x200x128xf32, #tpu.memory_space<hbm>>
    %dma_start3A_246 = tpu.memref_squeeze %dma_start3A_245 : memref<1x200x128xf32, #tpu.memory_space<hbm>> -> memref<200x128xf32, #tpu.memory_space<hbm>>
    %dma_start3A_247 = arith.constant 0 : i32
    %dma_start3A_248 = arith.constant 0 : i32
    %dma_start3A_249 = tpu.memref_slice %arg5[%add3A_242, %dma_start3A_247, %dma_start3A_248] : memref<4096x200x128xf32, #tpu.memory_space<hbm>> -> memref<1x200x128xf32, #tpu.memory_space<hbm>>
    %dma_start3A_250 = tpu.memref_squeeze %dma_start3A_249 : memref<1x200x128xf32, #tpu.memory_space<hbm>> -> memref<200x128xf32, #tpu.memory_space<hbm>>
    tpu.enqueue_dma source(%arg13 : memref<200x128xf32, #tpu.memory_space<vmem>>) target(%dma_start3A_250 : memref<200x128xf32, #tpu.memory_space<hbm>>) target_semaphore(%arg20 : memref<!tpu.dma_semaphore, #tpu.memory_space<semaphore_mem>>)
    %dma_wait3A_251 = arith.constant 0 : i32
    %dma_wait3A_252 = arith.constant 0 : i32
    %dma_wait3A_253 = tpu.memref_slice %arg5[%mul3A_2, %dma_wait3A_251, %dma_wait3A_252] : memref<4096x200x128xf32, #tpu.memory_space<hbm>> -> memref<1x200x128xf32, #tpu.memory_space<hbm>>
    %dma_wait3A_254 = tpu.memref_squeeze %dma_wait3A_253 : memref<1x200x128xf32, #tpu.memory_space<hbm>> -> memref<200x128xf32, #tpu.memory_space<hbm>>
    %dma_wait3A_255 = arith.constant 0 : i32
    %dma_wait3A_256 = arith.constant 0 : i32
    %dma_wait3A_257 = tpu.memref_slice %arg5[%mul3A_2, %dma_wait3A_255, %dma_wait3A_256] : memref<4096x200x128xf32, #tpu.memory_space<hbm>> -> memref<1x200x128xf32, #tpu.memory_space<hbm>>
    %dma_wait3A_258 = tpu.memref_squeeze %dma_wait3A_257 : memref<1x200x128xf32, #tpu.memory_space<hbm>> -> memref<200x128xf32, #tpu.memory_space<hbm>>
    tpu.wait_dma2 semaphore(%arg19 : memref<!tpu.dma_semaphore, #tpu.memory_space<semaphore_mem>>) src(%arg12 : memref<200x128xf32, #tpu.memory_space<vmem>>) dst(%dma_wait3A_258 : memref<200x128xf32, #tpu.memory_space<hbm>>)
    %add3A_259 = arith.constant 25200 : i32
    %add3A_260 = arith.addi %mul3A_4, %add3A_259 : i32
    "tpu.region"() ({
      %run_scoped3A = tpu.sem_alloc : memref<!tpu.dma_semaphore, #tpu.memory_space<semaphore_mem>>
      %dma_start3A_398 = tpu.memref_slice %arg2[%add3A_260] : memref<819200xi32, #tpu.memory_space<hbm>> -> memref<128xi32, #tpu.memory_space<hbm>>
      %dma_start3A_399 = tpu.memref_slice %arg2[%add3A_260] : memref<819200xi32, #tpu.memory_space<hbm>> -> memref<128xi32, #tpu.memory_space<hbm>>
      tpu.enqueue_dma source(%dma_start3A_399 : memref<128xi32, #tpu.memory_space<hbm>>) target(%arg6 : memref<128xi32, #tpu.memory_space<vmem>>) target_semaphore(%run_scoped3A : memref<!tpu.dma_semaphore, #tpu.memory_space<semaphore_mem>>)
      %dma_wait3A_400 = tpu.memref_slice %arg2[%add3A_260] : memref<819200xi32, #tpu.memory_space<hbm>> -> memref<128xi32, #tpu.memory_space<hbm>>
      %dma_wait3A_401 = tpu.memref_slice %arg2[%add3A_260] : memref<819200xi32, #tpu.memory_space<hbm>> -> memref<128xi32, #tpu.memory_space<hbm>>
      tpu.wait_dma2 semaphore(%run_scoped3A : memref<!tpu.dma_semaphore, #tpu.memory_space<semaphore_mem>>) src(%dma_wait3A_401 : memref<128xi32, #tpu.memory_space<hbm>>) dst(%arg6 : memref<128xi32, #tpu.memory_space<vmem>>)
      tpu.yield
    }) : () -> ()
    %add3A_261 = arith.constant 128 : i32
    %add3A_262 = arith.addi %add3A_260, %add3A_261 : i32
    "tpu.region"() ({
      %run_scoped3A = tpu.sem_alloc : memref<!tpu.dma_semaphore, #tpu.memory_space<semaphore_mem>>
      %dma_start3A_398 = tpu.memref_slice %arg2[%add3A_262] : memref<819200xi32, #tpu.memory_space<hbm>> -> memref<72xi32, #tpu.memory_space<hbm>>
      %dma_start3A_399 = tpu.memref_slice %arg2[%add3A_262] : memref<819200xi32, #tpu.memory_space<hbm>> -> memref<72xi32, #tpu.memory_space<hbm>>
      tpu.enqueue_dma source(%dma_start3A_399 : memref<72xi32, #tpu.memory_space<hbm>>) target(%arg9 : memref<72xi32, #tpu.memory_space<vmem>>) target_semaphore(%run_scoped3A : memref<!tpu.dma_semaphore, #tpu.memory_space<semaphore_mem>>)
      %dma_wait3A_400 = tpu.memref_slice %arg2[%add3A_262] : memref<819200xi32, #tpu.memory_space<hbm>> -> memref<72xi32, #tpu.memory_space<hbm>>
      %dma_wait3A_401 = tpu.memref_slice %arg2[%add3A_262] : memref<819200xi32, #tpu.memory_space<hbm>> -> memref<72xi32, #tpu.memory_space<hbm>>
      tpu.wait_dma2 semaphore(%run_scoped3A : memref<!tpu.dma_semaphore, #tpu.memory_space<semaphore_mem>>) src(%dma_wait3A_401 : memref<72xi32, #tpu.memory_space<hbm>>) dst(%arg9 : memref<72xi32, #tpu.memory_space<vmem>>)
      tpu.yield
    }) : () -> ()
    %dma_start3A_263 = arith.constant 0 : i32
    %dma_start3A_264 = arith.constant 0 : i32
    %dma_start3A_265 = tpu.memref_slice %arg12[%dma_start3A_263, %dma_start3A_264] : memref<200x128xf32, #tpu.memory_space<vmem>> -> memref<128x128xf32, #tpu.memory_space<vmem>>
    %dma_start3A_266 = arith.constant 0 : i32
    %dma_start3A_267 = arith.constant 0 : i32
    %dma_start3A_268 = tpu.memref_slice %arg3[%dma_start3A_266, %dma_start3A_267] : memref<1000000x128xf32, #tpu.memory_space<hbm>> -> memref<1000000x128xf32, #tpu.memory_space<hbm>>
    tpu.enqueue_indirect_dma source(%dma_start3A_268 : memref<1000000x128xf32, #tpu.memory_space<hbm>>) target(%dma_start3A_265 : memref<128x128xf32, #tpu.memory_space<vmem>>) offsets(%arg6 : memref<128xi32, #tpu.memory_space<vmem>>) semaphore(%arg16 : memref<!tpu.dma_semaphore, #tpu.memory_space<semaphore_mem>>)
    %dma_start3A_269 = arith.constant 128 : i32
    %dma_start3A_270 = arith.constant 0 : i32
    %dma_start3A_271 = tpu.memref_slice %arg12[%dma_start3A_269, %dma_start3A_270] : memref<200x128xf32, #tpu.memory_space<vmem>> -> memref<72x128xf32, #tpu.memory_space<vmem>>
    %dma_start3A_272 = arith.constant 0 : i32
    %dma_start3A_273 = arith.constant 0 : i32
    %dma_start3A_274 = tpu.memref_slice %arg3[%dma_start3A_272, %dma_start3A_273] : memref<1000000x128xf32, #tpu.memory_space<hbm>> -> memref<1000000x128xf32, #tpu.memory_space<hbm>>
    tpu.enqueue_indirect_dma source(%dma_start3A_274 : memref<1000000x128xf32, #tpu.memory_space<hbm>>) target(%dma_start3A_271 : memref<72x128xf32, #tpu.memory_space<vmem>>) offsets(%arg9 : memref<72xi32, #tpu.memory_space<vmem>>) semaphore(%arg16 : memref<!tpu.dma_semaphore, #tpu.memory_space<semaphore_mem>>)
    %dma_wait3A_275 = arith.constant 0 : i32
    %dma_wait3A_276 = arith.constant 0 : i32
    %dma_wait3A_277 = tpu.memref_slice %arg14[%dma_wait3A_275, %dma_wait3A_276] : memref<200x128xf32, #tpu.memory_space<vmem>> -> memref<128x128xf32, #tpu.memory_space<vmem>>
    %dma_wait3A_278 = arith.constant 0 : i32
    %dma_wait3A_279 = arith.constant 0 : i32
    %dma_wait3A_280 = tpu.memref_slice %arg3[%dma_wait3A_278, %dma_wait3A_279] : memref<1000000x128xf32, #tpu.memory_space<hbm>> -> memref<1000000x128xf32, #tpu.memory_space<hbm>>
    tpu.wait_indirect_dma semaphore(%arg18 : memref<!tpu.dma_semaphore, #tpu.memory_space<semaphore_mem>>) src(%dma_wait3A_280 : memref<1000000x128xf32, #tpu.memory_space<hbm>>) dst(%dma_wait3A_277 : memref<128x128xf32, #tpu.memory_space<vmem>>)
    %dma_wait3A_281 = arith.constant 128 : i32
    %dma_wait3A_282 = arith.constant 0 : i32
    %dma_wait3A_283 = tpu.memref_slice %arg14[%dma_wait3A_281, %dma_wait3A_282] : memref<200x128xf32, #tpu.memory_space<vmem>> -> memref<72x128xf32, #tpu.memory_space<vmem>>
    %dma_wait3A_284 = arith.constant 0 : i32
    %dma_wait3A_285 = arith.constant 0 : i32
    %dma_wait3A_286 = tpu.memref_slice %arg3[%dma_wait3A_284, %dma_wait3A_285] : memref<1000000x128xf32, #tpu.memory_space<hbm>> -> memref<1000000x128xf32, #tpu.memory_space<hbm>>
    tpu.wait_indirect_dma semaphore(%arg18 : memref<!tpu.dma_semaphore, #tpu.memory_space<semaphore_mem>>) src(%dma_wait3A_286 : memref<1000000x128xf32, #tpu.memory_space<hbm>>) dst(%dma_wait3A_283 : memref<72x128xf32, #tpu.memory_space<vmem>>)
    %parallel_loop3A_287 = arith.constant 0 : i32
    %parallel_loop3A_288 = arith.constant 200 : i32
    %parallel_loop3A_289 = arith.constant 1 : i32
    scf.for %parallel_loop3A_398 = %parallel_loop3A_287 to %parallel_loop3A_288 step %parallel_loop3A_289  : i32 {
      %parallel_loop3A_399 = arith.index_cast %parallel_loop3A_398 : i32 to index
      %parallel_loop3A_400 = arith.constant 0 : index
      %parallel_loop3A_401 = tpu.vector_load %arg14[%parallel_loop3A_399, %parallel_loop3A_400] {strides = array<i32>} : memref<200x128xf32, #tpu.memory_space<vmem>>, vector<1x16xf32>,
      %parallel_loop3A_402 = vector.shape_cast %parallel_loop3A_401 : vector<1x16xf32> to vector<16xf32>
      %parallel_loop3A_403 = arith.index_cast %parallel_loop3A_398 : i32 to index
      %parallel_loop3A_404 = arith.constant 0 : index
      %parallel_loop3A_405 = tpu.vector_load %arg15[%parallel_loop3A_403, %parallel_loop3A_404] {strides = array<i32>} : memref<200x64xf32, #tpu.memory_space<vmem>>, vector<1x16xf32>,
      %parallel_loop3A_406 = vector.shape_cast %parallel_loop3A_405 : vector<1x16xf32> to vector<16xf32>
      %parallel_loop3A_407 = arith.addf %parallel_loop3A_402, %parallel_loop3A_406 : vector<16xf32>
      %parallel_loop3A_408 = arith.index_cast %parallel_loop3A_398 : i32 to index
      %parallel_loop3A_409 = arith.constant 0 : index
      %parallel_loop3A_410 = tpu.vector_load %arg14[%parallel_loop3A_408, %parallel_loop3A_409] {strides = array<i32>} : memref<200x128xf32, #tpu.memory_space<vmem>>, vector<1x16xf32>,
      %parallel_loop3A_411 = vector.shape_cast %parallel_loop3A_410 : vector<1x16xf32> to vector<16xf32>
      %parallel_loop3A_412 = vector.shape_cast %parallel_loop3A_407 : vector<16xf32> to vector<1x16xf32>
      tpu.vector_store %arg14[%parallel_loop3A_408, %parallel_loop3A_409], %parallel_loop3A_412 {strides = array<i32>} : memref<200x128xf32, #tpu.memory_space<vmem>>, vector<1x16xf32>,
      %parallel_loop3A_413 = arith.index_cast %parallel_loop3A_398 : i32 to index
      %parallel_loop3A_414 = arith.constant 16 : index
      %parallel_loop3A_415 = tpu.vector_load %arg14[%parallel_loop3A_413, %parallel_loop3A_414] {strides = array<i32>} : memref<200x128xf32, #tpu.memory_space<vmem>>, vector<1x16xf32>,
      %parallel_loop3A_416 = vector.shape_cast %parallel_loop3A_415 : vector<1x16xf32> to vector<16xf32>
      %parallel_loop3A_417 = arith.index_cast %parallel_loop3A_398 : i32 to index
      %parallel_loop3A_418 = arith.constant 16 : index
      %parallel_loop3A_419 = tpu.vector_load %arg15[%parallel_loop3A_417, %parallel_loop3A_418] {strides = array<i32>} : memref<200x64xf32, #tpu.memory_space<vmem>>, vector<1x16xf32>,
      %parallel_loop3A_420 = vector.shape_cast %parallel_loop3A_419 : vector<1x16xf32> to vector<16xf32>
      %parallel_loop3A_421 = arith.addf %parallel_loop3A_416, %parallel_loop3A_420 : vector<16xf32>
      %parallel_loop3A_422 = arith.index_cast %parallel_loop3A_398 : i32 to index
      %parallel_loop3A_423 = arith.constant 16 : index
      %parallel_loop3A_424 = tpu.vector_load %arg14[%parallel_loop3A_422, %parallel_loop3A_423] {strides = array<i32>} : memref<200x128xf32, #tpu.memory_space<vmem>>, vector<1x16xf32>,
      %parallel_loop3A_425 = vector.shape_cast %parallel_loop3A_424 : vector<1x16xf32> to vector<16xf32>
      %parallel_loop3A_426 = vector.shape_cast %parallel_loop3A_421 : vector<16xf32> to vector<1x16xf32>
      tpu.vector_store %arg14[%parallel_loop3A_422, %parallel_loop3A_423], %parallel_loop3A_426 {strides = array<i32>} : memref<200x128xf32, #tpu.memory_space<vmem>>, vector<1x16xf32>,
      %parallel_loop3A_427 = arith.index_cast %parallel_loop3A_398 : i32 to index
      %parallel_loop3A_428 = arith.constant 32 : index
      %parallel_loop3A_429 = tpu.vector_load %arg14[%parallel_loop3A_427, %parallel_loop3A_428] {strides = array<i32>} : memref<200x128xf32, #tpu.memory_space<vmem>>, vector<1x16xf32>,
      %parallel_loop3A_430 = vector.shape_cast %parallel_loop3A_429 : vector<1x16xf32> to vector<16xf32>
      %parallel_loop3A_431 = arith.index_cast %parallel_loop3A_398 : i32 to index
      %parallel_loop3A_432 = arith.constant 32 : index
      %parallel_loop3A_433 = tpu.vector_load %arg15[%parallel_loop3A_431, %parallel_loop3A_432] {strides = array<i32>} : memref<200x64xf32, #tpu.memory_space<vmem>>, vector<1x16xf32>,
      %parallel_loop3A_434 = vector.shape_cast %parallel_loop3A_433 : vector<1x16xf32> to vector<16xf32>
      %parallel_loop3A_435 = arith.addf %parallel_loop3A_430, %parallel_loop3A_434 : vector<16xf32>
      %parallel_loop3A_436 = arith.index_cast %parallel_loop3A_398 : i32 to index
      %parallel_loop3A_437 = arith.constant 32 : index
      %parallel_loop3A_438 = tpu.vector_load %arg14[%parallel_loop3A_436, %parallel_loop3A_437] {strides = array<i32>} : memref<200x128xf32, #tpu.memory_space<vmem>>, vector<1x16xf32>,
      %parallel_loop3A_439 = vector.shape_cast %parallel_loop3A_438 : vector<1x16xf32> to vector<16xf32>
      %parallel_loop3A_440 = vector.shape_cast %parallel_loop3A_435 : vector<16xf32> to vector<1x16xf32>
      tpu.vector_store %arg14[%parallel_loop3A_436, %parallel_loop3A_437], %parallel_loop3A_440 {strides = array<i32>} : memref<200x128xf32, #tpu.memory_space<vmem>>, vector<1x16xf32>,
      %parallel_loop3A_441 = arith.index_cast %parallel_loop3A_398 : i32 to index
      %parallel_loop3A_442 = arith.constant 48 : index
      %parallel_loop3A_443 = tpu.vector_load %arg14[%parallel_loop3A_441, %parallel_loop3A_442] {strides = array<i32>} : memref<200x128xf32, #tpu.memory_space<vmem>>, vector<1x16xf32>,
      %parallel_loop3A_444 = vector.shape_cast %parallel_loop3A_443 : vector<1x16xf32> to vector<16xf32>
      %parallel_loop3A_445 = arith.index_cast %parallel_loop3A_398 : i32 to index
      %parallel_loop3A_446 = arith.constant 48 : index
      %parallel_loop3A_447 = tpu.vector_load %arg15[%parallel_loop3A_445, %parallel_loop3A_446] {strides = array<i32>} : memref<200x64xf32, #tpu.memory_space<vmem>>, vector<1x16xf32>,
      %parallel_loop3A_448 = vector.shape_cast %parallel_loop3A_447 : vector<1x16xf32> to vector<16xf32>
      %parallel_loop3A_449 = arith.addf %parallel_loop3A_444, %parallel_loop3A_448 : vector<16xf32>
      %parallel_loop3A_450 = arith.index_cast %parallel_loop3A_398 : i32 to index
      %parallel_loop3A_451 = arith.constant 48 : index
      %parallel_loop3A_452 = tpu.vector_load %arg14[%parallel_loop3A_450, %parallel_loop3A_451] {strides = array<i32>} : memref<200x128xf32, #tpu.memory_space<vmem>>, vector<1x16xf32>,
      %parallel_loop3A_453 = vector.shape_cast %parallel_loop3A_452 : vector<1x16xf32> to vector<16xf32>
      %parallel_loop3A_454 = vector.shape_cast %parallel_loop3A_449 : vector<16xf32> to vector<1x16xf32>
      tpu.vector_store %arg14[%parallel_loop3A_450, %parallel_loop3A_451], %parallel_loop3A_454 {strides = array<i32>} : memref<200x128xf32, #tpu.memory_space<vmem>>, vector<1x16xf32>,
    } {sc.loop_unroll_factor = 8 : i64, sc.parallel_access}
    %add3A_290 = arith.constant 125 : i32
    %add3A_291 = arith.addi %mul3A_2, %add3A_290 : i32
    %dma_start3A_292 = arith.constant 0 : i32
    %dma_start3A_293 = arith.constant 0 : i32
    %dma_start3A_294 = tpu.memref_slice %arg5[%add3A_291, %dma_start3A_292, %dma_start3A_293] : memref<4096x200x128xf32, #tpu.memory_space<hbm>> -> memref<1x200x128xf32, #tpu.memory_space<hbm>>
    %dma_start3A_295 = tpu.memref_squeeze %dma_start3A_294 : memref<1x200x128xf32, #tpu.memory_space<hbm>> -> memref<200x128xf32, #tpu.memory_space<hbm>>
    %dma_start3A_296 = arith.constant 0 : i32
    %dma_start3A_297 = arith.constant 0 : i32
    %dma_start3A_298 = tpu.memref_slice %arg5[%add3A_291, %dma_start3A_296, %dma_start3A_297] : memref<4096x200x128xf32, #tpu.memory_space<hbm>> -> memref<1x200x128xf32, #tpu.memory_space<hbm>>
    %dma_start3A_299 = tpu.memref_squeeze %dma_start3A_298 : memref<1x200x128xf32, #tpu.memory_space<hbm>> -> memref<200x128xf32, #tpu.memory_space<hbm>>
    tpu.enqueue_dma source(%arg14 : memref<200x128xf32, #tpu.memory_space<vmem>>) target(%dma_start3A_299 : memref<200x128xf32, #tpu.memory_space<hbm>>) target_semaphore(%arg21 : memref<!tpu.dma_semaphore, #tpu.memory_space<semaphore_mem>>)
    %dma_wait3A_300 = arith.constant 0 : i32
    %dma_wait3A_301 = arith.constant 0 : i32
    %dma_wait3A_302 = tpu.memref_slice %arg5[%mul3A_2, %dma_wait3A_300, %dma_wait3A_301] : memref<4096x200x128xf32, #tpu.memory_space<hbm>> -> memref<1x200x128xf32, #tpu.memory_space<hbm>>
    %dma_wait3A_303 = tpu.memref_squeeze %dma_wait3A_302 : memref<1x200x128xf32, #tpu.memory_space<hbm>> -> memref<200x128xf32, #tpu.memory_space<hbm>>
    %dma_wait3A_304 = arith.constant 0 : i32
    %dma_wait3A_305 = arith.constant 0 : i32
    %dma_wait3A_306 = tpu.memref_slice %arg5[%mul3A_2, %dma_wait3A_304, %dma_wait3A_305] : memref<4096x200x128xf32, #tpu.memory_space<hbm>> -> memref<1x200x128xf32, #tpu.memory_space<hbm>>
    %dma_wait3A_307 = tpu.memref_squeeze %dma_wait3A_306 : memref<1x200x128xf32, #tpu.memory_space<hbm>> -> memref<200x128xf32, #tpu.memory_space<hbm>>
    tpu.wait_dma2 semaphore(%arg20 : memref<!tpu.dma_semaphore, #tpu.memory_space<semaphore_mem>>) src(%arg13 : memref<200x128xf32, #tpu.memory_space<vmem>>) dst(%dma_wait3A_307 : memref<200x128xf32, #tpu.memory_space<hbm>>)
    %add3A_308 = arith.constant 25400 : i32
    %add3A_309 = arith.addi %mul3A_4, %add3A_308 : i32
    "tpu.region"() ({
      %run_scoped3A = tpu.sem_alloc : memref<!tpu.dma_semaphore, #tpu.memory_space<semaphore_mem>>
      %dma_start3A_398 = tpu.memref_slice %arg2[%add3A_309] : memref<819200xi32, #tpu.memory_space<hbm>> -> memref<128xi32, #tpu.memory_space<hbm>>
      %dma_start3A_399 = tpu.memref_slice %arg2[%add3A_309] : memref<819200xi32, #tpu.memory_space<hbm>> -> memref<128xi32, #tpu.memory_space<hbm>>
      tpu.enqueue_dma source(%dma_start3A_399 : memref<128xi32, #tpu.memory_space<hbm>>) target(%arg7 : memref<128xi32, #tpu.memory_space<vmem>>) target_semaphore(%run_scoped3A : memref<!tpu.dma_semaphore, #tpu.memory_space<semaphore_mem>>)
      %dma_wait3A_400 = tpu.memref_slice %arg2[%add3A_309] : memref<819200xi32, #tpu.memory_space<hbm>> -> memref<128xi32, #tpu.memory_space<hbm>>
      %dma_wait3A_401 = tpu.memref_slice %arg2[%add3A_309] : memref<819200xi32, #tpu.memory_space<hbm>> -> memref<128xi32, #tpu.memory_space<hbm>>
      tpu.wait_dma2 semaphore(%run_scoped3A : memref<!tpu.dma_semaphore, #tpu.memory_space<semaphore_mem>>) src(%dma_wait3A_401 : memref<128xi32, #tpu.memory_space<hbm>>) dst(%arg7 : memref<128xi32, #tpu.memory_space<vmem>>)
      tpu.yield
    }) : () -> ()
    %add3A_310 = arith.constant 128 : i32
    %add3A_311 = arith.addi %add3A_309, %add3A_310 : i32
    "tpu.region"() ({
      %run_scoped3A = tpu.sem_alloc : memref<!tpu.dma_semaphore, #tpu.memory_space<semaphore_mem>>
      %dma_start3A_398 = tpu.memref_slice %arg2[%add3A_311] : memref<819200xi32, #tpu.memory_space<hbm>> -> memref<72xi32, #tpu.memory_space<hbm>>
      %dma_start3A_399 = tpu.memref_slice %arg2[%add3A_311] : memref<819200xi32, #tpu.memory_space<hbm>> -> memref<72xi32, #tpu.memory_space<hbm>>
      tpu.enqueue_dma source(%dma_start3A_399 : memref<72xi32, #tpu.memory_space<hbm>>) target(%arg10 : memref<72xi32, #tpu.memory_space<vmem>>) target_semaphore(%run_scoped3A : memref<!tpu.dma_semaphore, #tpu.memory_space<semaphore_mem>>)
      %dma_wait3A_400 = tpu.memref_slice %arg2[%add3A_311] : memref<819200xi32, #tpu.memory_space<hbm>> -> memref<72xi32, #tpu.memory_space<hbm>>
      %dma_wait3A_401 = tpu.memref_slice %arg2[%add3A_311] : memref<819200xi32, #tpu.memory_space<hbm>> -> memref<72xi32, #tpu.memory_space<hbm>>
      tpu.wait_dma2 semaphore(%run_scoped3A : memref<!tpu.dma_semaphore, #tpu.memory_space<semaphore_mem>>) src(%dma_wait3A_401 : memref<72xi32, #tpu.memory_space<hbm>>) dst(%arg10 : memref<72xi32, #tpu.memory_space<vmem>>)
      tpu.yield
    }) : () -> ()
    %dma_start3A_312 = arith.constant 0 : i32
    %dma_start3A_313 = arith.constant 0 : i32
    %dma_start3A_314 = tpu.memref_slice %arg13[%dma_start3A_312, %dma_start3A_313] : memref<200x128xf32, #tpu.memory_space<vmem>> -> memref<128x128xf32, #tpu.memory_space<vmem>>
    %dma_start3A_315 = arith.constant 0 : i32
    %dma_start3A_316 = arith.constant 0 : i32
    %dma_start3A_317 = tpu.memref_slice %arg3[%dma_start3A_315, %dma_start3A_316] : memref<1000000x128xf32, #tpu.memory_space<hbm>> -> memref<1000000x128xf32, #tpu.memory_space<hbm>>
    tpu.enqueue_indirect_dma source(%dma_start3A_317 : memref<1000000x128xf32, #tpu.memory_space<hbm>>) target(%dma_start3A_314 : memref<128x128xf32, #tpu.memory_space<vmem>>) offsets(%arg7 : memref<128xi32, #tpu.memory_space<vmem>>) semaphore(%arg17 : memref<!tpu.dma_semaphore, #tpu.memory_space<semaphore_mem>>)
    %dma_start3A_318 = arith.constant 128 : i32
    %dma_start3A_319 = arith.constant 0 : i32
    %dma_start3A_320 = tpu.memref_slice %arg13[%dma_start3A_318, %dma_start3A_319] : memref<200x128xf32, #tpu.memory_space<vmem>> -> memref<72x128xf32, #tpu.memory_space<vmem>>
    %dma_start3A_321 = arith.constant 0 : i32
    %dma_start3A_322 = arith.constant 0 : i32
    %dma_start3A_323 = tpu.memref_slice %arg3[%dma_start3A_321, %dma_start3A_322] : memref<1000000x128xf32, #tpu.memory_space<hbm>> -> memref<1000000x128xf32, #tpu.memory_space<hbm>>
    tpu.enqueue_indirect_dma source(%dma_start3A_323 : memref<1000000x128xf32, #tpu.memory_space<hbm>>) target(%dma_start3A_320 : memref<72x128xf32, #tpu.memory_space<vmem>>) offsets(%arg10 : memref<72xi32, #tpu.memory_space<vmem>>) semaphore(%arg17 : memref<!tpu.dma_semaphore, #tpu.memory_space<semaphore_mem>>)
    %dma_wait3A_324 = arith.constant 0 : i32
    %dma_wait3A_325 = arith.constant 0 : i32
    %dma_wait3A_326 = tpu.memref_slice %arg12[%dma_wait3A_324, %dma_wait3A_325] : memref<200x128xf32, #tpu.memory_space<vmem>> -> memref<128x128xf32, #tpu.memory_space<vmem>>
    %dma_wait3A_327 = arith.constant 0 : i32
    %dma_wait3A_328 = arith.constant 0 : i32
    %dma_wait3A_329 = tpu.memref_slice %arg3[%dma_wait3A_327, %dma_wait3A_328] : memref<1000000x128xf32, #tpu.memory_space<hbm>> -> memref<1000000x128xf32, #tpu.memory_space<hbm>>
    tpu.wait_indirect_dma semaphore(%arg16 : memref<!tpu.dma_semaphore, #tpu.memory_space<semaphore_mem>>) src(%dma_wait3A_329 : memref<1000000x128xf32, #tpu.memory_space<hbm>>) dst(%dma_wait3A_326 : memref<128x128xf32, #tpu.memory_space<vmem>>)
    %dma_wait3A_330 = arith.constant 128 : i32
    %dma_wait3A_331 = arith.constant 0 : i32
    %dma_wait3A_332 = tpu.memref_slice %arg12[%dma_wait3A_330, %dma_wait3A_331] : memref<200x128xf32, #tpu.memory_space<vmem>> -> memref<72x128xf32, #tpu.memory_space<vmem>>
    %dma_wait3A_333 = arith.constant 0 : i32
    %dma_wait3A_334 = arith.constant 0 : i32
    %dma_wait3A_335 = tpu.memref_slice %arg3[%dma_wait3A_333, %dma_wait3A_334] : memref<1000000x128xf32, #tpu.memory_space<hbm>> -> memref<1000000x128xf32, #tpu.memory_space<hbm>>
    tpu.wait_indirect_dma semaphore(%arg16 : memref<!tpu.dma_semaphore, #tpu.memory_space<semaphore_mem>>) src(%dma_wait3A_335 : memref<1000000x128xf32, #tpu.memory_space<hbm>>) dst(%dma_wait3A_332 : memref<72x128xf32, #tpu.memory_space<vmem>>)
    %parallel_loop3A_336 = arith.constant 0 : i32
    %parallel_loop3A_337 = arith.constant 200 : i32
    %parallel_loop3A_338 = arith.constant 1 : i32
    scf.for %parallel_loop3A_398 = %parallel_loop3A_336 to %parallel_loop3A_337 step %parallel_loop3A_338  : i32 {
      %parallel_loop3A_399 = arith.index_cast %parallel_loop3A_398 : i32 to index
      %parallel_loop3A_400 = arith.constant 0 : index
      %parallel_loop3A_401 = tpu.vector_load %arg12[%parallel_loop3A_399, %parallel_loop3A_400] {strides = array<i32>} : memref<200x128xf32, #tpu.memory_space<vmem>>, vector<1x16xf32>,
      %parallel_loop3A_402 = vector.shape_cast %parallel_loop3A_401 : vector<1x16xf32> to vector<16xf32>
      %parallel_loop3A_403 = arith.index_cast %parallel_loop3A_398 : i32 to index
      %parallel_loop3A_404 = arith.constant 0 : index
      %parallel_loop3A_405 = tpu.vector_load %arg15[%parallel_loop3A_403, %parallel_loop3A_404] {strides = array<i32>} : memref<200x64xf32, #tpu.memory_space<vmem>>, vector<1x16xf32>,
      %parallel_loop3A_406 = vector.shape_cast %parallel_loop3A_405 : vector<1x16xf32> to vector<16xf32>
      %parallel_loop3A_407 = arith.addf %parallel_loop3A_402, %parallel_loop3A_406 : vector<16xf32>
      %parallel_loop3A_408 = arith.index_cast %parallel_loop3A_398 : i32 to index
      %parallel_loop3A_409 = arith.constant 0 : index
      %parallel_loop3A_410 = tpu.vector_load %arg12[%parallel_loop3A_408, %parallel_loop3A_409] {strides = array<i32>} : memref<200x128xf32, #tpu.memory_space<vmem>>, vector<1x16xf32>,
      %parallel_loop3A_411 = vector.shape_cast %parallel_loop3A_410 : vector<1x16xf32> to vector<16xf32>
      %parallel_loop3A_412 = vector.shape_cast %parallel_loop3A_407 : vector<16xf32> to vector<1x16xf32>
      tpu.vector_store %arg12[%parallel_loop3A_408, %parallel_loop3A_409], %parallel_loop3A_412 {strides = array<i32>} : memref<200x128xf32, #tpu.memory_space<vmem>>, vector<1x16xf32>,
      %parallel_loop3A_413 = arith.index_cast %parallel_loop3A_398 : i32 to index
      %parallel_loop3A_414 = arith.constant 16 : index
      %parallel_loop3A_415 = tpu.vector_load %arg12[%parallel_loop3A_413, %parallel_loop3A_414] {strides = array<i32>} : memref<200x128xf32, #tpu.memory_space<vmem>>, vector<1x16xf32>,
      %parallel_loop3A_416 = vector.shape_cast %parallel_loop3A_415 : vector<1x16xf32> to vector<16xf32>
      %parallel_loop3A_417 = arith.index_cast %parallel_loop3A_398 : i32 to index
      %parallel_loop3A_418 = arith.constant 16 : index
      %parallel_loop3A_419 = tpu.vector_load %arg15[%parallel_loop3A_417, %parallel_loop3A_418] {strides = array<i32>} : memref<200x64xf32, #tpu.memory_space<vmem>>, vector<1x16xf32>,
      %parallel_loop3A_420 = vector.shape_cast %parallel_loop3A_419 : vector<1x16xf32> to vector<16xf32>
      %parallel_loop3A_421 = arith.addf %parallel_loop3A_416, %parallel_loop3A_420 : vector<16xf32>
      %parallel_loop3A_422 = arith.index_cast %parallel_loop3A_398 : i32 to index
      %parallel_loop3A_423 = arith.constant 16 : index
      %parallel_loop3A_424 = tpu.vector_load %arg12[%parallel_loop3A_422, %parallel_loop3A_423] {strides = array<i32>} : memref<200x128xf32, #tpu.memory_space<vmem>>, vector<1x16xf32>,
      %parallel_loop3A_425 = vector.shape_cast %parallel_loop3A_424 : vector<1x16xf32> to vector<16xf32>
      %parallel_loop3A_426 = vector.shape_cast %parallel_loop3A_421 : vector<16xf32> to vector<1x16xf32>
      tpu.vector_store %arg12[%parallel_loop3A_422, %parallel_loop3A_423], %parallel_loop3A_426 {strides = array<i32>} : memref<200x128xf32, #tpu.memory_space<vmem>>, vector<1x16xf32>,
      %parallel_loop3A_427 = arith.index_cast %parallel_loop3A_398 : i32 to index
      %parallel_loop3A_428 = arith.constant 32 : index
      %parallel_loop3A_429 = tpu.vector_load %arg12[%parallel_loop3A_427, %parallel_loop3A_428] {strides = array<i32>} : memref<200x128xf32, #tpu.memory_space<vmem>>, vector<1x16xf32>,
      %parallel_loop3A_430 = vector.shape_cast %parallel_loop3A_429 : vector<1x16xf32> to vector<16xf32>
      %parallel_loop3A_431 = arith.index_cast %parallel_loop3A_398 : i32 to index
      %parallel_loop3A_432 = arith.constant 32 : index
      %parallel_loop3A_433 = tpu.vector_load %arg15[%parallel_loop3A_431, %parallel_loop3A_432] {strides = array<i32>} : memref<200x64xf32, #tpu.memory_space<vmem>>, vector<1x16xf32>,
      %parallel_loop3A_434 = vector.shape_cast %parallel_loop3A_433 : vector<1x16xf32> to vector<16xf32>
      %parallel_loop3A_435 = arith.addf %parallel_loop3A_430, %parallel_loop3A_434 : vector<16xf32>
      %parallel_loop3A_436 = arith.index_cast %parallel_loop3A_398 : i32 to index
      %parallel_loop3A_437 = arith.constant 32 : index
      %parallel_loop3A_438 = tpu.vector_load %arg12[%parallel_loop3A_436, %parallel_loop3A_437] {strides = array<i32>} : memref<200x128xf32, #tpu.memory_space<vmem>>, vector<1x16xf32>,
      %parallel_loop3A_439 = vector.shape_cast %parallel_loop3A_438 : vector<1x16xf32> to vector<16xf32>
      %parallel_loop3A_440 = vector.shape_cast %parallel_loop3A_435 : vector<16xf32> to vector<1x16xf32>
      tpu.vector_store %arg12[%parallel_loop3A_436, %parallel_loop3A_437], %parallel_loop3A_440 {strides = array<i32>} : memref<200x128xf32, #tpu.memory_space<vmem>>, vector<1x16xf32>,
      %parallel_loop3A_441 = arith.index_cast %parallel_loop3A_398 : i32 to index
      %parallel_loop3A_442 = arith.constant 48 : index
      %parallel_loop3A_443 = tpu.vector_load %arg12[%parallel_loop3A_441, %parallel_loop3A_442] {strides = array<i32>} : memref<200x128xf32, #tpu.memory_space<vmem>>, vector<1x16xf32>,
      %parallel_loop3A_444 = vector.shape_cast %parallel_loop3A_443 : vector<1x16xf32> to vector<16xf32>
      %parallel_loop3A_445 = arith.index_cast %parallel_loop3A_398 : i32 to index
      %parallel_loop3A_446 = arith.constant 48 : index
      %parallel_loop3A_447 = tpu.vector_load %arg15[%parallel_loop3A_445, %parallel_loop3A_446] {strides = array<i32>} : memref<200x64xf32, #tpu.memory_space<vmem>>, vector<1x16xf32>,
      %parallel_loop3A_448 = vector.shape_cast %parallel_loop3A_447 : vector<1x16xf32> to vector<16xf32>
      %parallel_loop3A_449 = arith.addf %parallel_loop3A_444, %parallel_loop3A_448 : vector<16xf32>
      %parallel_loop3A_450 = arith.index_cast %parallel_loop3A_398 : i32 to index
      %parallel_loop3A_451 = arith.constant 48 : index
      %parallel_loop3A_452 = tpu.vector_load %arg12[%parallel_loop3A_450, %parallel_loop3A_451] {strides = array<i32>} : memref<200x128xf32, #tpu.memory_space<vmem>>, vector<1x16xf32>,
      %parallel_loop3A_453 = vector.shape_cast %parallel_loop3A_452 : vector<1x16xf32> to vector<16xf32>
      %parallel_loop3A_454 = vector.shape_cast %parallel_loop3A_449 : vector<16xf32> to vector<1x16xf32>
      tpu.vector_store %arg12[%parallel_loop3A_450, %parallel_loop3A_451], %parallel_loop3A_454 {strides = array<i32>} : memref<200x128xf32, #tpu.memory_space<vmem>>, vector<1x16xf32>,
    } {sc.loop_unroll_factor = 8 : i64, sc.parallel_access}
    %add3A_339 = arith.constant 126 : i32
    %add3A_340 = arith.addi %mul3A_2, %add3A_339 : i32
    %dma_start3A_341 = arith.constant 0 : i32
    %dma_start3A_342 = arith.constant 0 : i32
    %dma_start3A_343 = tpu.memref_slice %arg5[%add3A_340, %dma_start3A_341, %dma_start3A_342] : memref<4096x200x128xf32, #tpu.memory_space<hbm>> -> memref<1x200x128xf32, #tpu.memory_space<hbm>>
    %dma_start3A_344 = tpu.memref_squeeze %dma_start3A_343 : memref<1x200x128xf32, #tpu.memory_space<hbm>> -> memref<200x128xf32, #tpu.memory_space<hbm>>
    %dma_start3A_345 = arith.constant 0 : i32
    %dma_start3A_346 = arith.constant 0 : i32
    %dma_start3A_347 = tpu.memref_slice %arg5[%add3A_340, %dma_start3A_345, %dma_start3A_346] : memref<4096x200x128xf32, #tpu.memory_space<hbm>> -> memref<1x200x128xf32, #tpu.memory_space<hbm>>
    %dma_start3A_348 = tpu.memref_squeeze %dma_start3A_347 : memref<1x200x128xf32, #tpu.memory_space<hbm>> -> memref<200x128xf32, #tpu.memory_space<hbm>>
    tpu.enqueue_dma source(%arg12 : memref<200x128xf32, #tpu.memory_space<vmem>>) target(%dma_start3A_348 : memref<200x128xf32, #tpu.memory_space<hbm>>) target_semaphore(%arg19 : memref<!tpu.dma_semaphore, #tpu.memory_space<semaphore_mem>>)
    %dma_wait3A_349 = arith.constant 0 : i32
    %dma_wait3A_350 = arith.constant 0 : i32
    %dma_wait3A_351 = tpu.memref_slice %arg13[%dma_wait3A_349, %dma_wait3A_350] : memref<200x128xf32, #tpu.memory_space<vmem>> -> memref<128x128xf32, #tpu.memory_space<vmem>>
    %dma_wait3A_352 = arith.constant 0 : i32
    %dma_wait3A_353 = arith.constant 0 : i32
    %dma_wait3A_354 = tpu.memref_slice %arg3[%dma_wait3A_352, %dma_wait3A_353] : memref<1000000x128xf32, #tpu.memory_space<hbm>> -> memref<1000000x128xf32, #tpu.memory_space<hbm>>
    tpu.wait_indirect_dma semaphore(%arg17 : memref<!tpu.dma_semaphore, #tpu.memory_space<semaphore_mem>>) src(%dma_wait3A_354 : memref<1000000x128xf32, #tpu.memory_space<hbm>>) dst(%dma_wait3A_351 : memref<128x128xf32, #tpu.memory_space<vmem>>)
    %dma_wait3A_355 = arith.constant 128 : i32
    %dma_wait3A_356 = arith.constant 0 : i32
    %dma_wait3A_357 = tpu.memref_slice %arg13[%dma_wait3A_355, %dma_wait3A_356] : memref<200x128xf32, #tpu.memory_space<vmem>> -> memref<72x128xf32, #tpu.memory_space<vmem>>
    %dma_wait3A_358 = arith.constant 0 : i32
    %dma_wait3A_359 = arith.constant 0 : i32
    %dma_wait3A_360 = tpu.memref_slice %arg3[%dma_wait3A_358, %dma_wait3A_359] : memref<1000000x128xf32, #tpu.memory_space<hbm>> -> memref<1000000x128xf32, #tpu.memory_space<hbm>>
    tpu.wait_indirect_dma semaphore(%arg17 : memref<!tpu.dma_semaphore, #tpu.memory_space<semaphore_mem>>) src(%dma_wait3A_360 : memref<1000000x128xf32, #tpu.memory_space<hbm>>) dst(%dma_wait3A_357 : memref<72x128xf32, #tpu.memory_space<vmem>>)
    %parallel_loop3A_361 = arith.constant 0 : i32
    %parallel_loop3A_362 = arith.constant 200 : i32
    %parallel_loop3A_363 = arith.constant 1 : i32
    scf.for %parallel_loop3A_398 = %parallel_loop3A_361 to %parallel_loop3A_362 step %parallel_loop3A_363  : i32 {
      %parallel_loop3A_399 = arith.index_cast %parallel_loop3A_398 : i32 to index
      %parallel_loop3A_400 = arith.constant 0 : index
      %parallel_loop3A_401 = tpu.vector_load %arg13[%parallel_loop3A_399, %parallel_loop3A_400] {strides = array<i32>} : memref<200x128xf32, #tpu.memory_space<vmem>>, vector<1x16xf32>,
      %parallel_loop3A_402 = vector.shape_cast %parallel_loop3A_401 : vector<1x16xf32> to vector<16xf32>
      %parallel_loop3A_403 = arith.index_cast %parallel_loop3A_398 : i32 to index
      %parallel_loop3A_404 = arith.constant 0 : index
      %parallel_loop3A_405 = tpu.vector_load %arg15[%parallel_loop3A_403, %parallel_loop3A_404] {strides = array<i32>} : memref<200x64xf32, #tpu.memory_space<vmem>>, vector<1x16xf32>,
      %parallel_loop3A_406 = vector.shape_cast %parallel_loop3A_405 : vector<1x16xf32> to vector<16xf32>
      %parallel_loop3A_407 = arith.addf %parallel_loop3A_402, %parallel_loop3A_406 : vector<16xf32>
      %parallel_loop3A_408 = arith.index_cast %parallel_loop3A_398 : i32 to index
      %parallel_loop3A_409 = arith.constant 0 : index
      %parallel_loop3A_410 = tpu.vector_load %arg13[%parallel_loop3A_408, %parallel_loop3A_409] {strides = array<i32>} : memref<200x128xf32, #tpu.memory_space<vmem>>, vector<1x16xf32>,
      %parallel_loop3A_411 = vector.shape_cast %parallel_loop3A_410 : vector<1x16xf32> to vector<16xf32>
      %parallel_loop3A_412 = vector.shape_cast %parallel_loop3A_407 : vector<16xf32> to vector<1x16xf32>
      tpu.vector_store %arg13[%parallel_loop3A_408, %parallel_loop3A_409], %parallel_loop3A_412 {strides = array<i32>} : memref<200x128xf32, #tpu.memory_space<vmem>>, vector<1x16xf32>,
      %parallel_loop3A_413 = arith.index_cast %parallel_loop3A_398 : i32 to index
      %parallel_loop3A_414 = arith.constant 16 : index
      %parallel_loop3A_415 = tpu.vector_load %arg13[%parallel_loop3A_413, %parallel_loop3A_414] {strides = array<i32>} : memref<200x128xf32, #tpu.memory_space<vmem>>, vector<1x16xf32>,
      %parallel_loop3A_416 = vector.shape_cast %parallel_loop3A_415 : vector<1x16xf32> to vector<16xf32>
      %parallel_loop3A_417 = arith.index_cast %parallel_loop3A_398 : i32 to index
      %parallel_loop3A_418 = arith.constant 16 : index
      %parallel_loop3A_419 = tpu.vector_load %arg15[%parallel_loop3A_417, %parallel_loop3A_418] {strides = array<i32>} : memref<200x64xf32, #tpu.memory_space<vmem>>, vector<1x16xf32>,
      %parallel_loop3A_420 = vector.shape_cast %parallel_loop3A_419 : vector<1x16xf32> to vector<16xf32>
      %parallel_loop3A_421 = arith.addf %parallel_loop3A_416, %parallel_loop3A_420 : vector<16xf32>
      %parallel_loop3A_422 = arith.index_cast %parallel_loop3A_398 : i32 to index
      %parallel_loop3A_423 = arith.constant 16 : index
      %parallel_loop3A_424 = tpu.vector_load %arg13[%parallel_loop3A_422, %parallel_loop3A_423] {strides = array<i32>} : memref<200x128xf32, #tpu.memory_space<vmem>>, vector<1x16xf32>,
      %parallel_loop3A_425 = vector.shape_cast %parallel_loop3A_424 : vector<1x16xf32> to vector<16xf32>
      %parallel_loop3A_426 = vector.shape_cast %parallel_loop3A_421 : vector<16xf32> to vector<1x16xf32>
      tpu.vector_store %arg13[%parallel_loop3A_422, %parallel_loop3A_423], %parallel_loop3A_426 {strides = array<i32>} : memref<200x128xf32, #tpu.memory_space<vmem>>, vector<1x16xf32>,
      %parallel_loop3A_427 = arith.index_cast %parallel_loop3A_398 : i32 to index
      %parallel_loop3A_428 = arith.constant 32 : index
      %parallel_loop3A_429 = tpu.vector_load %arg13[%parallel_loop3A_427, %parallel_loop3A_428] {strides = array<i32>} : memref<200x128xf32, #tpu.memory_space<vmem>>, vector<1x16xf32>,
      %parallel_loop3A_430 = vector.shape_cast %parallel_loop3A_429 : vector<1x16xf32> to vector<16xf32>
      %parallel_loop3A_431 = arith.index_cast %parallel_loop3A_398 : i32 to index
      %parallel_loop3A_432 = arith.constant 32 : index
      %parallel_loop3A_433 = tpu.vector_load %arg15[%parallel_loop3A_431, %parallel_loop3A_432] {strides = array<i32>} : memref<200x64xf32, #tpu.memory_space<vmem>>, vector<1x16xf32>,
      %parallel_loop3A_434 = vector.shape_cast %parallel_loop3A_433 : vector<1x16xf32> to vector<16xf32>
      %parallel_loop3A_435 = arith.addf %parallel_loop3A_430, %parallel_loop3A_434 : vector<16xf32>
      %parallel_loop3A_436 = arith.index_cast %parallel_loop3A_398 : i32 to index
      %parallel_loop3A_437 = arith.constant 32 : index
      %parallel_loop3A_438 = tpu.vector_load %arg13[%parallel_loop3A_436, %parallel_loop3A_437] {strides = array<i32>} : memref<200x128xf32, #tpu.memory_space<vmem>>, vector<1x16xf32>,
      %parallel_loop3A_439 = vector.shape_cast %parallel_loop3A_438 : vector<1x16xf32> to vector<16xf32>
      %parallel_loop3A_440 = vector.shape_cast %parallel_loop3A_435 : vector<16xf32> to vector<1x16xf32>
      tpu.vector_store %arg13[%parallel_loop3A_436, %parallel_loop3A_437], %parallel_loop3A_440 {strides = array<i32>} : memref<200x128xf32, #tpu.memory_space<vmem>>, vector<1x16xf32>,
      %parallel_loop3A_441 = arith.index_cast %parallel_loop3A_398 : i32 to index
      %parallel_loop3A_442 = arith.constant 48 : index
      %parallel_loop3A_443 = tpu.vector_load %arg13[%parallel_loop3A_441, %parallel_loop3A_442] {strides = array<i32>} : memref<200x128xf32, #tpu.memory_space<vmem>>, vector<1x16xf32>,
      %parallel_loop3A_444 = vector.shape_cast %parallel_loop3A_443 : vector<1x16xf32> to vector<16xf32>
      %parallel_loop3A_445 = arith.index_cast %parallel_loop3A_398 : i32 to index
      %parallel_loop3A_446 = arith.constant 48 : index
      %parallel_loop3A_447 = tpu.vector_load %arg15[%parallel_loop3A_445, %parallel_loop3A_446] {strides = array<i32>} : memref<200x64xf32, #tpu.memory_space<vmem>>, vector<1x16xf32>,
      %parallel_loop3A_448 = vector.shape_cast %parallel_loop3A_447 : vector<1x16xf32> to vector<16xf32>
      %parallel_loop3A_449 = arith.addf %parallel_loop3A_444, %parallel_loop3A_448 : vector<16xf32>
      %parallel_loop3A_450 = arith.index_cast %parallel_loop3A_398 : i32 to index
      %parallel_loop3A_451 = arith.constant 48 : index
      %parallel_loop3A_452 = tpu.vector_load %arg13[%parallel_loop3A_450, %parallel_loop3A_451] {strides = array<i32>} : memref<200x128xf32, #tpu.memory_space<vmem>>, vector<1x16xf32>,
      %parallel_loop3A_453 = vector.shape_cast %parallel_loop3A_452 : vector<1x16xf32> to vector<16xf32>
      %parallel_loop3A_454 = vector.shape_cast %parallel_loop3A_449 : vector<16xf32> to vector<1x16xf32>
      tpu.vector_store %arg13[%parallel_loop3A_450, %parallel_loop3A_451], %parallel_loop3A_454 {strides = array<i32>} : memref<200x128xf32, #tpu.memory_space<vmem>>, vector<1x16xf32>,
    } {sc.loop_unroll_factor = 8 : i64, sc.parallel_access}
    %add3A_364 = arith.constant 127 : i32
    %add3A_365 = arith.addi %mul3A_2, %add3A_364 : i32
    %dma_start3A_366 = arith.constant 0 : i32
    %dma_start3A_367 = arith.constant 0 : i32
    %dma_start3A_368 = tpu.memref_slice %arg5[%add3A_365, %dma_start3A_366, %dma_start3A_367] : memref<4096x200x128xf32, #tpu.memory_space<hbm>> -> memref<1x200x128xf32, #tpu.memory_space<hbm>>
    %dma_start3A_369 = tpu.memref_squeeze %dma_start3A_368 : memref<1x200x128xf32, #tpu.memory_space<hbm>> -> memref<200x128xf32, #tpu.memory_space<hbm>>
    %dma_start3A_370 = arith.constant 0 : i32
    %dma_start3A_371 = arith.constant 0 : i32
    %dma_start3A_372 = tpu.memref_slice %arg5[%add3A_365, %dma_start3A_370, %dma_start3A_371] : memref<4096x200x128xf32, #tpu.memory_space<hbm>> -> memref<1x200x128xf32, #tpu.memory_space<hbm>>
    %dma_start3A_373 = tpu.memref_squeeze %dma_start3A_372 : memref<1x200x128xf32, #tpu.memory_space<hbm>> -> memref<200x128xf32, #tpu.memory_space<hbm>>
    tpu.enqueue_dma source(%arg13 : memref<200x128xf32, #tpu.memory_space<vmem>>) target(%dma_start3A_373 : memref<200x128xf32, #tpu.memory_space<hbm>>) target_semaphore(%arg20 : memref<!tpu.dma_semaphore, #tpu.memory_space<semaphore_mem>>)
    %dma_wait3A_374 = arith.constant 0 : i32
    %dma_wait3A_375 = arith.constant 0 : i32
    %dma_wait3A_376 = tpu.memref_slice %arg5[%mul3A_2, %dma_wait3A_374, %dma_wait3A_375] : memref<4096x200x128xf32, #tpu.memory_space<hbm>> -> memref<1x200x128xf32, #tpu.memory_space<hbm>>
    %dma_wait3A_377 = tpu.memref_squeeze %dma_wait3A_376 : memref<1x200x128xf32, #tpu.memory_space<hbm>> -> memref<200x128xf32, #tpu.memory_space<hbm>>
    %dma_wait3A_378 = arith.constant 0 : i32
    %dma_wait3A_379 = arith.constant 0 : i32
    %dma_wait3A_380 = tpu.memref_slice %arg5[%mul3A_2, %dma_wait3A_378, %dma_wait3A_379] : memref<4096x200x128xf32, #tpu.memory_space<hbm>> -> memref<1x200x128xf32, #tpu.memory_space<hbm>>
    %dma_wait3A_381 = tpu.memref_squeeze %dma_wait3A_380 : memref<1x200x128xf32, #tpu.memory_space<hbm>> -> memref<200x128xf32, #tpu.memory_space<hbm>>
    tpu.wait_dma2 semaphore(%arg19 : memref<!tpu.dma_semaphore, #tpu.memory_space<semaphore_mem>>) src(%arg12 : memref<200x128xf32, #tpu.memory_space<vmem>>) dst(%dma_wait3A_381 : memref<200x128xf32, #tpu.memory_space<hbm>>)
    %dma_wait3A_382 = arith.constant 0 : i32
    %dma_wait3A_383 = arith.constant 0 : i32
    %dma_wait3A_384 = tpu.memref_slice %arg5[%mul3A_2, %dma_wait3A_382, %dma_wait3A_383] : memref<4096x200x128xf32, #tpu.memory_space<hbm>> -> memref<1x200x128xf32, #tpu.memory_space<hbm>>
    %dma_wait3A_385 = tpu.memref_squeeze %dma_wait3A_384 : memref<1x200x128xf32, #tpu.memory_space<hbm>> -> memref<200x128xf32, #tpu.memory_space<hbm>>
    %dma_wait3A_386 = arith.constant 0 : i32
    %dma_wait3A_387 = arith.constant 0 : i32
    %dma_wait3A_388 = tpu.memref_slice %arg5[%mul3A_2, %dma_wait3A_386, %dma_wait3A_387] : memref<4096x200x128xf32, #tpu.memory_space<hbm>> -> memref<1x200x128xf32, #tpu.memory_space<hbm>>
    %dma_wait3A_389 = tpu.memref_squeeze %dma_wait3A_388 : memref<1x200x128xf32, #tpu.memory_space<hbm>> -> memref<200x128xf32, #tpu.memory_space<hbm>>
    tpu.wait_dma2 semaphore(%arg20 : memref<!tpu.dma_semaphore, #tpu.memory_space<semaphore_mem>>) src(%arg13 : memref<200x128xf32, #tpu.memory_space<vmem>>) dst(%dma_wait3A_389 : memref<200x128xf32, #tpu.memory_space<hbm>>)
    %dma_wait3A_390 = arith.constant 0 : i32
    %dma_wait3A_391 = arith.constant 0 : i32
    %dma_wait3A_392 = tpu.memref_slice %arg5[%mul3A_2, %dma_wait3A_390, %dma_wait3A_391] : memref<4096x200x128xf32, #tpu.memory_space<hbm>> -> memref<1x200x128xf32, #tpu.memory_space<hbm>>
    %dma_wait3A_393 = tpu.memref_squeeze %dma_wait3A_392 : memref<1x200x128xf32, #tpu.memory_space<hbm>> -> memref<200x128xf32, #tpu.memory_space<hbm>>
    %dma_wait3A_394 = arith.constant 0 : i32
    %dma_wait3A_395 = arith.constant 0 : i32
    %dma_wait3A_396 = tpu.memref_slice %arg5[%mul3A_2, %dma_wait3A_394, %dma_wait3A_395] : memref<4096x200x128xf32, #tpu.memory_space<hbm>> -> memref<1x200x128xf32, #tpu.memory_space<hbm>>
    %dma_wait3A_397 = tpu.memref_squeeze %dma_wait3A_396 : memref<1x200x128xf32, #tpu.memory_space<hbm>> -> memref<200x128xf32, #tpu.memory_space<hbm>>
    tpu.wait_dma2 semaphore(%arg21 : memref<!tpu.dma_semaphore, #tpu.memory_space<semaphore_mem>>) src(%arg14 : memref<200x128xf32, #tpu.memory_space<vmem>>) dst(%dma_wait3A_397 : memref<200x128xf32, #tpu.memory_space<hbm>>)
    return
  }
}

module attributes {stable_mosaic.version = 14 : i64} {
  func.func @_fmt_body(%arg0: i32, %arg1: memref<64x16384xf32, #tpu.memory_space<vmem>>, %arg2: memref<16384x128xf32, #tpu.memory_space<vmem>>) attributes {dimension_semantics = [#tpu.dimension_semantics<arbitrary>], iteration_bounds = array<i64: 62>, scalar_prefetch = 0 : i64, scratch_operands = 0 : i64, tpu.core_type = #tpu.core_type<tc>, window_params = [{transform_indices = @transform_0, window_bounds = array<i64: 64, 16384>}, {transform_indices = @transform_1, window_bounds = array<i64: 16384, 128>}]} {
    %iota3A = tpu.iota {dimensions = array<i32: 0>} : vector<64x64xi32>
    %iota3A_0 = tpu.iota {dimensions = array<i32: 1>} : vector<64x64xi32>
    %add3A = arith.constant 0 : i32
    %add3A_1 = vector.broadcast %add3A : i32 to vector<64x64xi32>
    %add3A_2 = arith.addi %iota3A, %add3A_1 : vector<64x64xi32>
    %eq3A = arith.cmpi eq, %add3A_2, %iota3A_0 : vector<64x64xi32>
    %convert_element_type3A = arith.extui %eq3A : vector<64x64xi1> to vector<64x64xi32>
    %convert_element_type3A_3 = arith.sitofp %convert_element_type3A : vector<64x64xi32> to vector<64x64xf32>
    %get3A = arith.constant 0 : index
    %get3A_4 = arith.constant 0 : index
    %get3A_5 = vector.load %arg1[%get3A, %get3A_4] : memref<64x16384xf32, #tpu.memory_space<vmem>>, vector<64x16384xf32>
    %dot_general3A = arith.constant dense<0.000000e+00> : vector<16384x64xf32>
    %dot_general3A_6 = tpu.matmul %get3A_5, %convert_element_type3A_3, %dot_general3A {dimension_numbers = #tpu.dot_dimension_numbers<[0], [0], [1], [1], [0, 1, 1, 1], [], []>, transpose_lhs_hint = false} : vector<64x16384xf32>, vector<64x64xf32>, vector<16384x64xf32> -> vector<16384x64xf32>
    %concatenate3A = tpu.concatenate %dot_general3A_6, %dot_general3A_6 in 1 : vector<16384x64xf32>, vector<16384x64xf32> -> vector<16384x128xf32>
    %swap3A = arith.constant 0 : index
    %swap3A_7 = arith.constant 0 : index
    %swap3A_8 = vector.load %arg2[%swap3A, %swap3A_7] : memref<16384x128xf32, #tpu.memory_space<vmem>>, vector<16384x128xf32>
    tpu.vector_store %arg2[%swap3A, %swap3A_7], %concatenate3A {strides = array<i32>} : memref<16384x128xf32, #tpu.memory_space<vmem>>, vector<16384x128xf32>,
    return
  }
  func.func @transform_0(%arg0: i32) -> (i32, i32) {
    %c0_i32 = arith.constant 0 : i32
    %c0_i32_0 = arith.constant 0 : i32
    return %c0_i32, %arg0 : i32, i32
  }
  func.func @transform_1(%arg0: i32) -> (i32, i32) {
    %c0_i32 = arith.constant 0 : i32
    %c0_i32_0 = arith.constant 0 : i32
    return %arg0, %c0_i32 : i32, i32
  }
}

</mosaic_0001>

<sc_bundles>
// kernel: kernel.4.cloned.1.call-start
scs
__scs_entry_jumppad:
0x0: {  	(pc) =	sbr.rel $0x88, $3  }
0x1: {  	(tag) =	ssettag $0x0;
	lr =	simm.s32 $0x1  }
0x2: {  	[smem:$0x3F9E] =	sst lr;
	_ =	strace $0xD0000000  }
0x3: {  	_ = 	snop  }
0x4: {  	_ = 	snop  }
0x5: {  	_ = 	snop  }
0x6: {  	_ = 	snop  }
0x7: {  	_ = 	snop  }
__scs_overlays_trampoline_lowered:
0x8: {  	[smem:$0x3FAD] =	sst s0  }
0x9: {  	[smem:$0x3FAE] =	sst s1  }
0xa: {  	[smem:$0x3FAF] =	sst s2  }
0xb: {  	[smem:$0x3FB0] =	sst s3  }
0xc: {  	[smem:$0x3FB1] =	sst s4  }
0xd: {  	[smem:$0x3FB2] =	sst s5  }
0xe: {  	[smem:$0x3FB3] =	sst s6  }
0xf: {  	[smem:$0x3FB4] =	sst s7  }
0x10: {  	[smem:$0x3FB5] =	sst s8  }
0x11: {  	[smem:$0x3FB6] =	sst s9;
	s0 =	simm.s32 @!p0 $0x0  }
0x12: {  	s1 =	sld [smem:$0x3F9C];
	s0 =	simm.s32 @p0 $0x1  }
0x13: {  	[smem:$0x3FB7] =	sst s0;
	s0 =	simm.s32 @!p1 $0x0  }
0x14: {  	s2 =	sld [smem:$0x3F9B];
	s0 =	simm.s32 @p1 $0x1  }
0x15: {  	[smem:$0x3FB8] =	sst s0;
	s0 =	simm.s32 @!p2 $0x0  }
0x16: {  	s3 =	sld [smem:$0x3FDB];
	s0 =	simm.s32 @p2 $0x1  }
0x17: {  	s4 =	simm.s32 $0x1BF5;
	[smem:$0x3FBA] =	sst s0  }
0x18: {  	s0 =	sld [smem:$0x3F9D];
	_ =	swait.ge [sflag:s4], $0x0  }
0x19: {  	s7 =	sld [smem:$0x3F9E]  }
0x1a: {  	s8 =	sadd.s32 $0xFFFFE003, lr  }
0x1b: {  	s9 =	sadd.s32 $0xFFFFFEF7, lr;
	s5 =	simm.s32 $0xFFFFFFFF;
	p2 =	slt.u32 s8, $0xFFFFF086  }
0x1c: {  	p1 =	slt.u32 s9, $0xF7A;
	s5 =	simm.s32 @!p2 $0x0  }
0x1d: {  	s5 =	simm.s32 @p1 $0x1;
	p0 =	seq.s32 s7, s2  }
0x1e: {  	s7 =	smul.u32 @!p0 $0xF7A, s2;
	p2 =	seq.s32 @!p0 s5, $0x0  }
0x1f: {  	s9 =	smul.u32 $0xF7A, s1;
	s8 =	simm.s32 @!p0 $0x1BF5;
	p2 =	por !p2, p0  }
0x20: {  	[sflag:s8] =	ssyncset.s32 @!p0 $0xFFFFF086;
	s6 =	sadd.s32 @!p0 s3, s7;
	s7 =	simm.s32 @!p0 $0x108  }
0x21: {  	s3 =	sadd.s32 s3, s9;
	s6 =	sadd.s32 @!p0 $0x88, s6;
	s7 =	simm.s32 @p2 $0x1082  }
0x22: {  	[simem:s7], [sflag:s8] =	dma.local @!p0 [hbm:s6], $0xF7A  }
0x23: {  	s9 =	sor.u32 $0xD0000000, s2;
	s6 =	simm.s32 $0x108;
	_ =	swait.ge @!p0 [sflag:s8], $0x0  }
0x24: {  	s3 =	sadd.s32 $0x88, s3;
	s6 =	simm.s32 @!p1 $0x1082;
	[sflag:s4] =	ssyncset.s32 $0xFFFFF086  }
0x25: {  	[simem:s6], [sflag:s4] =	dma.local [hbm:s3], $0xF7A  }
0x26: {  	[smem:$0x3F9E] =	sst s1;
	(tag) =	ssettag s2;
	_ =	strace s9  }
0x27: {  	s1 =	sld [smem:$0x3FAE]  }
0x28: {  	s2 =	sld [smem:$0x3FAF]  }
0x29: {  	s4 =	sld [smem:$0x3FB1]  }
0x2a: {  	p0 =	seq.s32 s5, $0x0;
	s5 =	sld [smem:$0x3FB2]  }
0x2b: {  	s6 =	sld [smem:$0x3FB3]  }
0x2c: {  	s7 =	sld [smem:$0x3FB4]  }
0x2d: {  	s3 =	simm.s32 $0x108;
	s8 =	sld [smem:$0x3FB5]  }
0x2e: {  	s3 =	simm.s32 @!p0 $0x1082;
	s9 =	sld [smem:$0x3FB6]  }
0x2f: {  	lr =	sadd.s32 s0, s3;
	s0 =	sld [smem:$0x3FAD]  }
0x30: {  	s3 =	sld [smem:$0x3FB0]  }
0x31: {  	[smem:$0x3FB9] =	sst s10  }
0x32: {  	s10 =	sld [smem:$0x3FB7];
	_ =	sdelay $0x3  }
0x33: {  	p0 =	seq.s32 s10, $0x1;
	s10 =	sld [smem:$0x3FB9];
	_ =	sdelay $0x3  }
0x34: {  	[smem:$0x3FB9] =	sst s10  }
0x35: {  	s10 =	sld [smem:$0x3FB8];
	_ =	sdelay $0x3  }
0x36: {  	p1 =	seq.s32 s10, $0x1;
	s10 =	sld [smem:$0x3FB9];
	_ =	sdelay $0x3  }
0x37: {  	[smem:$0x3FB9] =	sst s10  }
0x38: {  	s10 =	sld [smem:$0x3FBA]  }
0x39: {  	_ = 	snop;
	(pc) =	sbr.ind lr, $3  }
0x3a: {  	_ = 	snop  }
0x3b: {  	_ = 	snop  }
0x3c: {  	p2 =	seq.s32 s10, $0x1;
	s10 =	sld [smem:$0x3FB9]  }
0x3d: {  	_ =	shalt  }
0x3e: {  	_ =	shalt  }
0x3f: {  	_ =	shalt  }
0x40: {  	_ =	shalt  }
0x41: {  	_ =	shalt  }
0x42: {  	_ =	shalt  }
0x43: {  	_ =	shalt  }
0x44: {  	_ =	shalt  }
0x45: {  	_ =	shalt  }
0x46: {  	_ =	shalt  }
0x47: {  	_ =	shalt  }
0x48: {  	_ =	shalt  }
0x49: {  	_ =	shalt  }
0x4a: {  	_ =	shalt  }
0x4b: {  	_ =	shalt  }
0x4c: {  	_ =	shalt  }
0x4d: {  	_ =	shalt  }
0x4e: {  	_ =	shalt  }
0x4f: {  	_ =	shalt  }
0x50: {  	_ =	shalt  }
0x51: {  	_ =	shalt  }
0x52: {  	_ =	shalt  }
0x53: {  	_ =	shalt  }
0x54: {  	_ =	shalt  }
0x55: {  	_ =	shalt  }
0x56: {  	_ =	shalt  }
0x57: {  	_ =	shalt  }
0x58: {  	_ =	shalt  }
0x59: {  	_ =	shalt  }
0x5a: {  	_ =	shalt  }
0x5b: {  	_ =	shalt  }
0x5c: {  	_ =	shalt  }
0x5d: {  	_ =	shalt  }
0x5e: {  	_ =	shalt  }
0x5f: {  	_ =	shalt  }
0x60: {  	_ =	shalt  }
0x61: {  	_ =	shalt  }
0x62: {  	_ =	shalt  }
0x63: {  	_ =	shalt  }
0x64: {  	_ =	shalt  }
0x65: {  	_ =	shalt  }
0x66: {  	_ =	shalt  }
0x67: {  	_ =	shalt  }
0x68: {  	_ =	shalt  }
0x69: {  	_ =	shalt  }
0x6a: {  	_ =	shalt  }
0x6b: {  	_ =	shalt  }
0x6c: {  	_ =	shalt  }
0x6d: {  	_ =	shalt  }
0x6e: {  	_ =	shalt  }
0x6f: {  	_ =	shalt  }
0x70: {  	_ =	shalt  }
0x71: {  	_ =	shalt  }
0x72: {  	_ =	shalt  }
0x73: {  	_ =	shalt  }
0x74: {  	_ =	shalt  }
0x75: {  	_ =	shalt  }
0x76: {  	_ =	shalt  }
0x77: {  	_ =	shalt  }
0x78: {  	_ =	shalt  }
0x79: {  	_ =	shalt  }
0x7a: {  	_ =	shalt  }
0x7b: {  	_ =	shalt  }
0x7c: {  	_ =	shalt  }
0x7d: {  	_ =	shalt  }
0x7e: {  	_ =	shalt  }
0x7f: {  	_ =	shalt  }
0x80: {  	_ =	shalt  }
0x81: {  	_ =	shalt  }
0x82: {  	_ =	shalt  }
0x83: {  	_ =	shalt  }
0x84: {  	_ =	shalt  }
0x85: {  	_ =	shalt  }
0x86: {  	_ =	shalt  }
0x87: {  	_ =	shalt  }
.Lfunc_end0:
.L_simem_size_0:
called_computation.1_lowered:
.L_overlay_start_0:
0x88: {  	s2 =	sld [smem:$0x3FD9]  }
0x89: {  	s3 =	sld [smem:$0x3FFE];
	_ =	sdelay $0x1  }
0x8a: {  	s1 =	srdreg.scid  }
0x8b: {  	s0 =	sand.u32 $0x1, s1  }
0x8c: {  	s17 =	sshll.u32 s0, $0xA;
	s2 =	sadd.s32 s3, s2  }
0x8d: {  	s2 =	sadd.s32 s2, s17  }
0x8e: {  	[smem:$0x3FC5] =	sst s2  }
0x8f: {  	_ = 	snop  }
0x90: {  	s2 =	sld [smem:$0x3FD0];
	(tm) =	ssettm $0x1  }
0x91: {  	s18 =	sld [smem:$0x3FFB];
	_ =	sdelay $0x3  }
0x92: {  	_ =	strace s18  }
0x93: {  	s3 =	sld [smem:$0x3FFC];
	_ =	sdelay $0x3  }
0x94: {  	_ =	strace s3  }
0x95: {  	s3 =	sld [smem:$0x3FFD];
	_ =	sdelay $0x3  }
0x96: {  	_ =	strace s3  }
0x97: {  	_ =	strace $0x8FFFFFFF  }
0x98: {  	s19 =	sld [smem:$0x3FDB];
	_ =	sdelay $0x1  }
0x99: {  	s4 =	simm.s32 $_scs_section_size  }
0x9a: {  	s5 =	simm.s32 $_size__tile_overlayer_lowered;
	s6 =	simm.s32 $_tile_overlayer_lowered  }
0x9b: {  	s22 =	simm.s32 $0x1BFF;
	s21 =	sshll.u32 s6, $0x1;
	s3 =	sadd.s32 s4, s19  }
0x9c: {  	s7 =	simm.s32 $0x0;
	s20 =	sshll.u32 s5, $0x1;
	s5 =	sadd.s32 s21, s3  }
0x9d: {  	[timem:s7], [sflag:s22] =	dma.local [hbm:s5], s20  }
0x9e: {  	_ =	swait.ge [sflag:s22], s20  }
0x9f: {  	s4 =	ssub.s32 $0x0, s20;
	[sflag:s22] =	ssyncset.done $0x0  }
0xa0: {  	[sflag:s22] =	ssyncadd.s32 s4;
	_ =	sdelay $0x1  }
0xa1: {  	s23 =	simm.s32 $0x1B8B  }
0xa2: {  	_ =	swait.ge [sflag:s23], $0x1  }
0xa3: {  	[sflag:s23] =	ssyncset.done $0x0  }
0xa4: {  	s25 =	simm.s32 $0x1B8E;
	s24 =	sld [smem:$0x3FFE];
	[sflag:s23] =	ssyncadd.s32 $0xFFFFFFFF  }
0xa5: {  	s26 =	simm.s32 $execute0_lowered;
	[smem:$0x3FD2] =	sst s25  }
0xa6: {  	s5 =	sshll.u32 s26, $0x1;
	_ =	strace $0x80000046;
	[dreg:$0x1] =	wrdreg $0xFFFFFFFF  }
0xa7: {  	s28 =	simm.s32 $_size_execute0_lowered;
	s3 =	sadd.s32 s3, s5;
	[dreg:$0x0] =	wrdreg $0x0  }
0xa8: {  	s5 =	sshll.u32 s28, $0x1;
	[dreg:$0x2] =	wrdreg s3  }
0xa9: {  	[dreg:$0x3] =	wrdreg s5  }
0xaa: {  	[dreg:$0x4] =	wrdreg $0xC0  }
0xab: {  	_ =	task [dreg:s7], $0x5FFFF  }
0xac: {  	[dreg:$0x1] =	wrdreg $0xFFFFFFFF  }
0xad: {  	[dreg:$0x0] =	wrdreg $0x60  }
0xae: {  	[dreg:$0x2] =	wrdreg s2  }
0xaf: {  	[dreg:$0x3] =	wrdreg s24  }
0xb0: {  	[dreg:$0x4] =	wrdreg $0x9  }
0xb1: {  	_ =	task.clear_ibuf [dreg:s7], $0x5FFFF;
	_ =	strace $0x90000046  }
0xb2: {  	s29 =	simm.s32 $0x9;
	_ =	strace $0x80000048  }
0xb3: {  	_ =	swait.ge [sflag:s29], $0x1  }
0xb4: {  	[sflag:s29] =	ssyncadd.s32 $0xFFFFFFFF  }
0xb5: {  	_ =	strace $0x90000048  }
0xb6: {  	_ =	sfence  }
0xb7: {  	s30 =	sld [smem:$0x0];
	_ =	sdelay $0x2  }
0xb8: {  	s31 =	sshll.u32 s1, $0xD;
	s1 =	sshrl.u32 s1, $0x2  }
0xb9: {  	s3 =	sand.u32 $0x4000, s31;
	s1 =	sadd.s32 s1, s30  }
0xba: {  	s0 =	sor.u32 s3, s0;
	s1 =	sshll.u32 s1, $0x11  }
0xbb: {  	s0 =	sor.u32 s1, s0  }
0xbc: {  	s0 =	sadd.s32 $0x8F2B, s0  }
0xbd: {  	[sflag:s0] =	ssyncadd.remote.s32 $0x1  }
0xbe: {  	_ =	sfence.sel $0xFFFF  }
0xbf: {  	[dreg:$0x0] =	wrdreg $0xFFFFFFFF;
	(pc) =	sbr.abs _section_cstart, $3  }
0xc0: {  	[dreg:$0x1] =	wrdreg $0xFFFFFFFF  }
0xc1: {  	_ =	task.clear_ibuf [dreg:s7], $0x2FFFF;
	_ =	strace $0x9FFFFFFF  }
0xc2: {  	(tm) =	ssettm $0x7FFFFFFF  }
0xc3: {  	_ =	shalt  }
tec
execute0_lowered:
.L_overlay_start_1:
0x0: {  	(tag) =	ssettag $0x1  }
0x1: {  	s2 =	rddreg [dreg:$0x0];
	s0 =	srdreg.scid  }
0x2: {  	s3 =	stileid.u32;
	s1 =	rddreg [dreg:$0x1];
	s28 =	simm.s32 $0x2  }
0x3: {  	s29 =	simm.s32 $0x4;
	s30 =	simm.s32 $0x3;
	s0 =	sand.u32 $0x1, s0  }
0x4: {  	s4 =	sshll.u32 s3, $0x1;
	s3 =	simm.s32 $0x0;
	s5 =	sadd.s32 $0x1600, s1  }
0x5: {  	s7 =	sadd.s32 $0x800, s1;
	s6 =	sor.u32 s0, s4;
	s0 =	ssub.s32 $0x2, s0  }
0x6: {  	[smem:$0x7FF] =	sst s3;
	s4 =	smul.u32 $0x6400, s6;
	s8 =	sshrl.u32 s0, $0x1  }
0x7: {  	_ =	strace $0x80000047;
	s19 =	smul.u32 $0x64000, s6;
	s0 =	ssub.s32 s0, s8  }
0x8: {  	[dreg:$0x3] =	wrdreg s7;
	s7 =	sadd.s32 $0xF43A00, s1;
	s0 =	smax.u32 s0, $0x1  }
0x9: {  	s9 =	sshrl.u32 s4, $0x3;
	s11 =	sadd.s32 s7, s19;
	[dreg:$0x14] =	wrdreg s0  }
0xa: {  	s25 =	sadd.s32 $0x61A8, s4;
	s19 =	sadd.s32 $0xC80, s11;
	[dreg:$0x8] =	wrdreg s11  }
0xb: {  	s26 =	sadd.s32 $0x6228, s4;
	s10 =	sadd.s32 s2, s9;
	[dreg:$0x15] =	wrdreg s19  }
0xc: {  	s14 =	sadd.s32 $0x6338, s4;
	s18 =	sadd.s32 $0x10, s10;
	[dreg:$0x4] =	wrdreg s10  }
0xd: {  	s15 =	sadd.s32 $0x63B8, s4;
	s20 =	sadd.s32 $0x19, s10;
	[dreg:$0x5] =	wrdreg s18  }
0xe: {  	s9 =	sshll.u32 s6, $0x7;
	s21 =	sadd.s32 $0x29, s10;
	[dreg:$0x6] =	wrdreg s20  }
0xf: {  	s6 =	smul.u32 $0x320000, s6;
	s22 =	sadd.s32 $0x32, s10;
	[dreg:$0x7] =	wrdreg s21  }
0x10: {  	s8 =	sshrl.u32 s26, $0x3;
	s23 =	sadd.s32 $0x42, s10;
	[dreg:$0x9] =	wrdreg s22  }
0x11: {  	s0 =	simm.s32 $0x5;
	s26 =	sadd.s32 $0xC5E, s10;
	[dreg:$0xa] =	wrdreg s23  }
0x12: {  	s31 =	sor.u32 $0x3, s9;
	s20 =	sadd.s32 $0x4B, s10;
	[dreg:$0x1c] =	wrdreg s26  }
0x13: {  	s19 =	simm.s32 $0x200;
	s21 =	sadd.s32 $0x5B, s10;
	[dreg:$0x16] =	wrdreg s20  }
0x14: {  	s24 =	sshrl.u32 s6, $0x3;
	s22 =	sadd.s32 $0x1900, s11;
	[dreg:$0x17] =	wrdreg s21  }
0x15: {  	s6 =	sshrl.u32 s25, $0x3;
	s23 =	sadd.s32 $0xC1C, s10;
	[dreg:$0x18] =	wrdreg s22  }
0x16: {  	s25 =	sadd.s32 $0xC4E, s10;
	s1 =	sadd.s32 s7, s24;
	[dreg:$0x19] =	wrdreg s23  }
0x17: {  	s6 =	sadd.s32 s2, s6;
	s24 =	sadd.s32 $0xC2C, s10;
	[dreg:$0x1b] =	wrdreg s25  }
0x18: {  	s20 =	simm.s32 $0x6700;
	s22 =	simm.s32 $0x1;
	s23 =	simm.s32 $0x100  }
0x19: {  	s25 =	simm.s32 $0xCB00;
	s10 =	simm.s32 $0x0;
	[dreg:$0xc] =	wrdreg s6  }
0x1a: {  	s12 =	sadd.s32 $0x60180, s1;
	s13 =	sadd.s32 $0x60E00, s1;
	[dreg:$0x1a] =	wrdreg s24  }
0x1b: {  	s16 =	sadd.s32 $0x61A80, s1;
	s6 =	sshrl.u32 s14, $0x3;
	[dreg:$0xb] =	wrdreg s12  }
0x1c: {  	s18 =	sadd.s32 $0x62700, s1;
	s1 =	sadd.s32 $0x63380, s1;
	[dreg:$0xe] =	wrdreg s13  }
0x1d: {  	s14 =	simm.s32 $0x180;
	s24 =	simm.s32 $0x280;
	[dreg:$0xf] =	wrdreg s16  }
0x1e: {  	s12 =	sadd.s32 s2, s8;
	s8 =	sshrl.u32 s15, $0x3;
	[dreg:$0x12] =	wrdreg s18  }
0x1f: {  	s6 =	sadd.s32 s2, s6;
	[dreg:$0x13] =	wrdreg s1;
	s1 =	sadd.s32 $0x4B0, s4  }
0x20: {  	s15 =	simm.s32 $0x80;
	s16 =	simm.s32 $0x300;
	[dreg:$0xd] =	wrdreg s12  }
0x21: {  	[dreg:$0x10] =	wrdreg s6;
	s17 =	sadd.s32 s2, s8;
	s12 =	simm.s32 $0x7  }
0x22: {  	s6 =	simm.s32 $0x6;
	[dreg:$0x11] =	wrdreg s17;
	s17 =	simm.s32 $0x48  }
.LBB2_1:
0x23: {  	[dreg:$0x1d] =	wrdreg s10  }
0x24: {  	s8 =	rddreg [dreg:$0x3];
	s26 =	simm.s32 $0x12F00  }
0x25: {  	[tilespmem:s26], [sflag:$0x7] =	stream.linear.gather [hbm4b:s8+s3], $0x6400, $0x38;
	[tilespmem:$0x19300] =	vst v63  }
0x26: {  	_ =	swait.ge [sflag:s12], $0x6400  }
0x27: {  	[sflag:s12] =	ssyncset.done $0x0  }
0x28: {  	s10 =	rddreg [dreg:$0x4];
	[sflag:s12] =	ssyncadd.s32 $0xFFFF9C00  }
0x29: {  	[tilespmem:s3], [sflag:$0x7] =	stream.linear.gather [hbm4b:s10+s3], $0x80, $0x38;
	[tilespmem:$0x19300] =	vst v63  }
0x2a: {  	_ =	swait.ge [sflag:s12], $0x80  }
0x2b: {  	[sflag:s12] =	ssyncset.done $0x0  }
0x2c: {  	s11 =	rddreg [dreg:$0x5];
	[sflag:s12] =	ssyncadd.s32 $0xFFFFFF80  }
0x2d: {  	[tilespmem:s14], [sflag:$0x7] =	stream.linear.gather [hbm4b:s11+s3], $0x48, $0x38;
	[tilespmem:$0x19300] =	vst v63  }
0x2e: {  	_ =	swait.ge [sflag:s12], $0x48  }
0x2f: {  	[sflag:s12] =	ssyncset.done $0x0  }
0x30: {  	[sflag:s12] =	ssyncadd.s32 $0xFFFFFFB8  }
0x31: {  	[tilespmem:s16], [sflag:$0x1] =	stream.indirect.gather [hbm4b:s5+s15], $0x80, s3, s15, $0xb8;
	[tilespmem:$0x19300] =	vst v63  }
0x32: {  	s13 =	simm.s32 $0x4300  }
0x33: {  	[tilespmem:s13], [sflag:$0x1] =	stream.indirect.gather [hbm4b:s5+s17], $0x80, s14, s17, $0xb8;
	[tilespmem:$0x19300] =	vst v63  }
0x34: {  	s18 =	rddreg [dreg:$0x6]  }
0x35: {  	[tilespmem:s15], [sflag:$0x7] =	stream.linear.gather [hbm4b:s18+s3], $0x80, $0x38;
	[tilespmem:$0x19300] =	vst v63  }
0x36: {  	_ =	swait.ge [sflag:s12], $0x80  }
0x37: {  	[sflag:s12] =	ssyncset.done $0x0  }
0x38: {  	s21 =	rddreg [dreg:$0x7];
	[sflag:s12] =	ssyncadd.s32 $0xFFFFFF80  }
0x39: {  	[tilespmem:s19], [sflag:$0x7] =	stream.linear.gather [hbm4b:s21+s3], $0x48, $0x38;
	[tilespmem:$0x19300] =	vst v63  }
0x3a: {  	_ =	swait.ge [sflag:s12], $0x48  }
0x3b: {  	[sflag:s12] =	ssyncset.done $0x0  }
0x3c: {  	[sflag:s12] =	ssyncadd.s32 $0xFFFFFFB8  }
0x3d: {  	[tilespmem:s20], [sflag:$0x2] =	stream.indirect.gather [hbm4b:s5+s15], $0x80, s15, s15, $0xb8;
	[tilespmem:$0x19300] =	vst v63  }
0x3e: {  	s26 =	simm.s32 $0xA700  }
0x3f: {  	[tilespmem:s26], [sflag:$0x2] =	stream.indirect.gather [hbm4b:s5+s17], $0x80, s19, s17, $0xb8;
	[tilespmem:$0x19300] =	vst v63  }
0x40: {  	_ =	swait.ge [sflag:s22], $0x4000  }
0x41: {  	[sflag:s22] =	ssyncset.done $0x0  }
0x42: {  	[sflag:s22] =	ssyncadd.s32 $0xFFFFC000  }
0x43: {  	_ =	swait.ge [sflag:s22], $0x2400  }
0x44: {  	[sflag:s22] =	ssyncset.done $0x0  }
0x45: {  	s8 =	simm.s32 $0x500;
	[sflag:s22] =	ssyncadd.s32 $0xFFFFDC00  }
0x46: {  	s10 =	simm.s32 $0x13100;
	v0 =	vld [tilespmem:s8+$0x180]  }
0x47: {  	v1 =	vld [tilespmem:s10+$0x180]  }
0x48: {  	v2 =	vld [tilespmem:s10+$0xFFFFFE00]  }
0x49: {  	v3 =	vld [tilespmem:s8+$0xFFFFFE80]  }
0x4a: {  	v4 =	vld [tilespmem:s8+$0xFFFFFF00]  }
0x4b: {  	v6 =	vld [tilespmem:s10+$0xFFFFFF00]  }
0x4c: {  	v7 =	vld [tilespmem:s8+$0xFFFFFF80]  }
0x4d: {  	v8 =	vld [tilespmem:s10+$0xFFFFFF80]  }
0x4e: {  	v9 =	vld [tilespmem:s8+$0x0]  }
0x4f: {  	v10 =	vld [tilespmem:s10+$0x0]  }
0x50: {  	v11 =	vld [tilespmem:s10+$0x80]  }
0x51: {  	v60 =	vld [tilespmem:s8+$0xFFFFFF90]  }
0x52: {  	v13 =	vld [tilespmem:s8+$0x10]  }
0x53: {  	v61 =	vld [tilespmem:s8+$0xFFFFFFA0]  }
0x54: {  	v62 =	vld [tilespmem:s8+$0xA0];
	v0 =	vadd.f32 v1, v0  }
0x55: {  	v1 =	vld [tilespmem:s10+$0xFFFFFE80]  }
0x56: {  	[tilespmem:s8+$0x180] =	vst v0;
	v0 =	vld [tilespmem:s8+$0x190]  }
0x57: {  	v5 =	vld [tilespmem:s10+$0x190]  }
0x58: {  	v63 =	vld [tilespmem:s8+$0xFFFFFE30];
	v4 =	vadd.f32 v6, v4  }
0x59: {  	v6 =	vld [tilespmem:s10+$0x100]  }
0x5a: {  	[tilespmem:s8+$0xFFFFFF00] =	vst v4;
	v4 =	vadd.f32 v10, v9;
	v10 =	vld [tilespmem:s8+$0xFFFFFE90];
	v1 =	vadd.f32 v1, v3  }
0x5b: {  	v3 =	vld [tilespmem:s8+$0x100]  }
0x5c: {  	[tilespmem:s8+$0xFFFFFE80] =	vst v1;
	v0 =	vadd.f32 v5, v0;
	v5 =	vld [tilespmem:s8+$0x80]  }
0x5d: {  	v1 =	vadd.f32 v8, v7;
	v8 =	vld [tilespmem:s10+$0xFFFFFE90]  }
0x5e: {  	[tilespmem:s8+$0x190] =	vst v0;
	v0 =	vld [tilespmem:s8+$0x1A0]  }
0x5f: {  	[tilespmem:s8+$0x0] =	vst v4;
	v12 =	vld [tilespmem:s10+$0x1A0]  }
0x60: {  	v9 =	vld [tilespmem:s10+$0x10]  }
0x61: {  	v7 =	vld [tilespmem:s8+$0xFFFFFE00]  }
0x62: {  	[tilespmem:s8+$0xFFFFFF80] =	vst v1;
	v1 =	vld [tilespmem:s10+$0xFFFFFF10]  }
0x63: {  	v4 =	vld [tilespmem:s10+$0xFFFFFF90];
	v8 =	vadd.f32 v8, v10  }
0x64: {  	v5 =	vadd.f32 v11, v5;
	v11 =	vld [tilespmem:s8+$0xFFFFFF10];
	v0 =	vadd.f32 v12, v0  }
0x65: {  	v10 =	vld [tilespmem:s8+$0x110];
	[tilespmem:s8+$0xFFFFFE90] =	vst v8  }
0x66: {  	v8 =	vld [tilespmem:s10+$0xFFFFFEA0];
	[tilespmem:s8+$0x1A0] =	vst v0;
	v0 =	vadd.f32 v2, v7  }
0x67: {  	[tilespmem:s8+$0x80] =	vst v5;
	v7 =	vld [tilespmem:s8+$0x1B0];
	v2 =	vadd.f32 v6, v3  }
0x68: {  	v5 =	vld [tilespmem:s10+$0x1B0];
	[tilespmem:s8+$0xFFFFFE00] =	vst v0  }
0x69: {  	v1 =	vadd.f32 v1, v11;
	[tilespmem:s8+$0x100] =	vst v2;
	v2 =	vld [tilespmem:s8+$0xFFFFFE10]  }
0x6a: {  	v3 =	vld [tilespmem:s10+$0xFFFFFE10]  }
0x6b: {  	[tilespmem:s8+$0xFFFFFF10] =	vst v1;
	v1 =	vadd.f32 v9, v13;
	v6 =	vld [tilespmem:s10+$0x110]  }
0x6c: {  	v4 =	vadd.f32 v4, v60;
	v0 =	vld [tilespmem:s10+$0x90]  }
0x6d: {  	v9 =	vld [tilespmem:s10+$0xFFFFFF20];
	[tilespmem:s8+$0x10] =	vst v1  }
0x6e: {  	[tilespmem:s8+$0xFFFFFF90] =	vst v4;
	v4 =	vld [tilespmem:s10+$0x20]  }
0x6f: {  	v2 =	vadd.f32 v3, v2;
	v3 =	vld [tilespmem:s8+$0x90]  }
0x70: {  	v1 =	vadd.f32 v6, v10;
	v10 =	vld [tilespmem:s8+$0xFFFFFF20]  }
0x71: {  	[tilespmem:s8+$0xFFFFFE10] =	vst v2;
	v2 =	vld [tilespmem:s8+$0xFFFFFE20]  }
0x72: {  	v11 =	vld [tilespmem:s10+$0xFFFFFE20]  }
0x73: {  	v5 =	vadd.f32 v5, v7;
	[tilespmem:s8+$0x110] =	vst v1;
	v1 =	vld [tilespmem:s8+$0xFFFFFEA0]  }
0x74: {  	v7 =	vld [tilespmem:s8+$0x30]  }
0x75: {  	[tilespmem:s8+$0x1B0] =	vst v5;
	v5 =	vld [tilespmem:s8+$0xB0]  }
0x76: {  	v6 =	vld [tilespmem:s10+$0x120]  }
0x77: {  	v0 =	vadd.f32 v0, v3;
	v3 =	vld [tilespmem:s10+$0xFFFFFFA0];
	v2 =	vadd.f32 v11, v2  }
0x78: {  	v1 =	vadd.f32 v8, v1;
	v8 =	vadd.f32 v9, v10;
	v9 =	vld [tilespmem:s8+$0xFFFFFF30]  }
0x79: {  	[tilespmem:s8+$0xFFFFFE20] =	vst v2;
	v2 =	vld [tilespmem:s8+$0x120]  }
0x7a: {  	[tilespmem:s8+$0x90] =	vst v0;
	v11 =	vld [tilespmem:s8+$0x20]  }
0x7b: {  	v0 =	vld [tilespmem:s10+$0xA0];
	[tilespmem:s8+$0xFFFFFEA0] =	vst v1  }
0x7c: {  	[tilespmem:s8+$0xFFFFFF20] =	vst v8;
	v8 =	vld [tilespmem:s8+$0xFFFFFFB0]  }
0x7d: {  	v1 =	vadd.f32 v3, v61;
	v14 =	vld [tilespmem:s10+$0xFFFFFEB0]  }
0x7e: {  	v10 =	vld [tilespmem:s10+$0xFFFFFE30];
	v6 =	vadd.f32 v6, v2  }
0x7f: {  	[tilespmem:s8+$0xFFFFFFA0] =	vst v1;
	v3 =	vadd.f32 v4, v11;
	v4 =	vld [tilespmem:s10+$0xFFFFFF30]  }
0x80: {  	v0 =	vadd.f32 v0, v62;
	[tilespmem:s8+$0x120] =	vst v6;
	v6 =	vld [tilespmem:s8+$0xFFFFFEB0]  }
0x81: {  	v1 =	vld [tilespmem:s10+$0xFFFFFFB0];
	[tilespmem:s8+$0x20] =	vst v3  }
0x82: {  	[tilespmem:s8+$0xA0] =	vst v0;
	v2 =	vld [tilespmem:s10+$0x30]  }
0x83: {  	v3 =	vld [tilespmem:s10+$0xB0];
	v10 =	vadd.f32 v10, v63  }
0x84: {  	v0 =	vld [tilespmem:s10+$0x130]  }
0x85: {  	s11 =	simm.s32 $0x0;
	s13 =	simm.s32 $0x900;
	[tilespmem:s8+$0xFFFFFE30] =	vst v10;
	v10 =	vadd.f32 v14, v6;
	v6 =	vld [tilespmem:s8+$0x130]  }
.LBB2_2:
0x86: {  	v11 =	vld [tilespmem:s13+$0x180];
	v4 =	vadd.f32 v4, v9;
	s10 =	sadd.s32 $0x400, s10  }
0x87: {  	s11 =	sadd.s32 $0x8, s11;
	v9 =	vld [tilespmem:s10+$0x180];
	[tilespmem:s8+$0xFFFFFEB0] =	vst v10;
	v1 =	vadd.f32 v1, v8  }
0x88: {  	p0 =	slt.u32 s11, $0xC0;
	v8 =	vld [tilespmem:s10+$0xFFFFFE00];
	[tilespmem:s8+$0xFFFFFF30] =	vst v4;
	v2 =	vadd.f32 v2, v7  }
0x89: {  	v4 =	vld [tilespmem:s13+$0xFFFFFE80];
	[tilespmem:s8+$0xFFFFFFB0] =	vst v1;
	v1 =	vadd.f32 v3, v5  }
0x8a: {  	v3 =	vld [tilespmem:s10+$0xFFFFFE80];
	[tilespmem:s8+$0x30] =	vst v2;
	v0 =	vadd.f32 v0, v6  }
0x8b: {  	v2 =	vld [tilespmem:s13+$0xFFFFFF00];
	[tilespmem:s8+$0xB0] =	vst v1  }
0x8c: {  	v1 =	vld [tilespmem:s10+$0xFFFFFF00];
	v5 =	vadd.f32 v9, v11;
	[tilespmem:s8+$0x130] =	vst v0;
	s8 =	smov.u32 s13  }
0x8d: {  	v0 =	vld [tilespmem:s13+$0xFFFFFF80]  }
0x8e: {  	[tilespmem:s13+$0x180] =	vst v5;
	v5 =	vld [tilespmem:s13+$0x190]  }
0x8f: {  	v3 =	vadd.f32 v3, v4;
	v4 =	vld [tilespmem:s10+$0x190]  }
0x90: {  	v6 =	vld [tilespmem:s10+$0xFFFFFF80]  }
0x91: {  	[tilespmem:s13+$0xFFFFFE80] =	vst v3;
	v1 =	vadd.f32 v1, v2;
	v2 =	vld [tilespmem:s13+$0x0]  }
0x92: {  	v3 =	vld [tilespmem:s10+$0x0]  }
0x93: {  	[tilespmem:s13+$0xFFFFFF00] =	vst v1;
	v1 =	vld [tilespmem:s13+$0x80]  }
0x94: {  	v7 =	vld [tilespmem:s10+$0x80];
	v4 =	vadd.f32 v4, v5  }
0x95: {  	v0 =	vadd.f32 v6, v0;
	v5 =	vld [tilespmem:s13+$0x100]  }
0x96: {  	[tilespmem:s13+$0x190] =	vst v4;
	v4 =	vld [tilespmem:s13+$0x1A0]  }
0x97: {  	[tilespmem:s13+$0xFFFFFF80] =	vst v0;
	v0 =	vadd.f32 v3, v2;
	v2 =	vld [tilespmem:s10+$0x1A0]  }
0x98: {  	v3 =	vld [tilespmem:s10+$0x100]  }
0x99: {  	v6 =	vld [tilespmem:s13+$0xFFFFFE00];
	[tilespmem:s13+$0x0] =	vst v0;
	v0 =	vadd.f32 v7, v1  }
0x9a: {  	v1 =	vld [tilespmem:s10+$0xFFFFFE90]  }
0x9b: {  	v7 =	vld [tilespmem:s10+$0xFFFFFF10];
	[tilespmem:s13+$0x80] =	vst v0  }
0x9c: {  	v0 =	vld [tilespmem:s10+$0xFFFFFF90];
	v2 =	vadd.f32 v2, v4  }
0x9d: {  	v4 =	vld [tilespmem:s10+$0x10];
	v3 =	vadd.f32 v3, v5  }
0x9e: {  	v5 =	vadd.f32 v8, v6;
	[tilespmem:s13+$0x1A0] =	vst v2;
	v2 =	vld [tilespmem:s13+$0x1B0]  }
0x9f: {  	[tilespmem:s13+$0x100] =	vst v3;
	v3 =	vld [tilespmem:s10+$0x1B0]  }
0xa0: {  	[tilespmem:s13+$0xFFFFFE00] =	vst v5;
	v5 =	vld [tilespmem:s10+$0x90]  }
0xa1: {  	v6 =	vld [tilespmem:s10+$0xFFFFFE10]  }
0xa2: {  	v8 =	vld [tilespmem:s10+$0x110]  }
0xa3: {  	v9 =	vld [tilespmem:s13+$0xFFFFFE10]  }
0xa4: {  	v10 =	vld [tilespmem:s13+$0xFFFFFE90];
	v2 =	vadd.f32 v3, v2  }
0xa5: {  	v3 =	vld [tilespmem:s13+$0xFFFFFF10]  }
0xa6: {  	v11 =	vld [tilespmem:s13+$0xFFFFFF90];
	[tilespmem:s13+$0x1B0] =	vst v2  }
0xa7: {  	v2 =	vld [tilespmem:s13+$0x10]  }
0xa8: {  	v6 =	vadd.f32 v6, v9;
	v9 =	vld [tilespmem:s13+$0x90]  }
0xa9: {  	v1 =	vadd.f32 v1, v10;
	v10 =	vld [tilespmem:s13+$0x110]  }
0xaa: {  	[tilespmem:s13+$0xFFFFFE10] =	vst v6;
	v6 =	vld [tilespmem:s13+$0xFFFFFE20];
	v3 =	vadd.f32 v7, v3  }
0xab: {  	v7 =	vld [tilespmem:s10+$0xFFFFFE20];
	[tilespmem:s13+$0xFFFFFE90] =	vst v1;
	v0 =	vadd.f32 v0, v11  }
0xac: {  	v1 =	vld [tilespmem:s10+$0xFFFFFEA0];
	[tilespmem:s13+$0xFFFFFF10] =	vst v3;
	v2 =	vadd.f32 v4, v2  }
0xad: {  	v3 =	vld [tilespmem:s10+$0xFFFFFF20];
	[tilespmem:s13+$0xFFFFFF90] =	vst v0;
	v0 =	vadd.f32 v5, v9  }
0xae: {  	v4 =	vld [tilespmem:s10+$0xFFFFFFA0];
	[tilespmem:s13+$0x10] =	vst v2;
	v2 =	vadd.f32 v8, v10  }
0xaf: {  	v5 =	vld [tilespmem:s10+$0x20];
	[tilespmem:s13+$0x90] =	vst v0  }
0xb0: {  	v0 =	vadd.f32 v7, v6;
	v6 =	vld [tilespmem:s10+$0xA0];
	[tilespmem:s13+$0x110] =	vst v2  }
0xb1: {  	v2 =	vld [tilespmem:s10+$0x120]  }
0xb2: {  	[tilespmem:s13+$0xFFFFFE20] =	vst v0;
	v0 =	vld [tilespmem:s13+$0xFFFFFEA0]  }
0xb3: {  	v7 =	vld [tilespmem:s13+$0xFFFFFF20]  }
0xb4: {  	v8 =	vld [tilespmem:s13+$0xFFFFFFA0]  }
0xb5: {  	v9 =	vld [tilespmem:s13+$0x20]  }
0xb6: {  	v10 =	vld [tilespmem:s13+$0xA0]  }
0xb7: {  	v0 =	vadd.f32 v1, v0;
	v11 =	vld [tilespmem:s13+$0x120]  }
0xb8: {  	v12 =	vld [tilespmem:s10+$0xFFFFFE30];
	v1 =	vadd.f32 v3, v7  }
0xb9: {  	v3 =	vld [tilespmem:s13+$0xFFFFFE30];
	[tilespmem:s13+$0xFFFFFEA0] =	vst v0;
	v0 =	vadd.f32 v4, v8  }
0xba: {  	v13 =	vld [tilespmem:s10+$0xFFFFFEB0];
	[tilespmem:s13+$0xFFFFFF20] =	vst v1;
	v5 =	vadd.f32 v5, v9  }
0xbb: {  	v4 =	vld [tilespmem:s10+$0xFFFFFF30];
	[tilespmem:s13+$0xFFFFFFA0] =	vst v0;
	v0 =	vadd.f32 v6, v10  }
0xbc: {  	v1 =	vld [tilespmem:s10+$0xFFFFFFB0];
	[tilespmem:s13+$0x20] =	vst v5;
	v5 =	vadd.f32 v2, v11  }
0xbd: {  	v2 =	vld [tilespmem:s10+$0x30];
	[tilespmem:s13+$0xA0] =	vst v0  }
0xbe: {  	v6 =	vadd.f32 v12, v3;
	v3 =	vld [tilespmem:s10+$0xB0];
	[tilespmem:s13+$0x120] =	vst v5  }
0xbf: {  	v0 =	vld [tilespmem:s10+$0x130]  }
0xc0: {  	[tilespmem:s13+$0xFFFFFE30] =	vst v6;
	v6 =	vld [tilespmem:s13+$0xFFFFFEB0]  }
.Ltmp0:
0xc1: {  	v9 =	vld [tilespmem:s13+$0xFFFFFF30];
	(pc) =	sbr.rel @p0 .LBB2_2-.Ltmp0, $4  }
0xc2: {  	v8 =	vld [tilespmem:s13+$0xFFFFFFB0]  }
0xc3: {  	v7 =	vld [tilespmem:s13+$0x30]  }
0xc4: {  	v5 =	vld [tilespmem:s13+$0xB0]  }
0xc5: {  	s13 =	sadd.s32 $0x400, s13;
	v10 =	vadd.f32 v13, v6;
	v6 =	vld [tilespmem:s8+$0x130]  }
0xc6: {  	v4 =	vadd.f32 v4, v9  }
0xc7: {  	[tilespmem:s8+$0xFFFFFEB0] =	vst v10;
	v1 =	vadd.f32 v1, v8  }
0xc8: {  	[tilespmem:s8+$0xFFFFFF30] =	vst v4;
	v2 =	vadd.f32 v2, v7  }
0xc9: {  	[tilespmem:s8+$0xFFFFFFB0] =	vst v1;
	v1 =	vadd.f32 v3, v5  }
0xca: {  	[tilespmem:s8+$0x30] =	vst v2;
	v0 =	vadd.f32 v0, v6  }
0xcb: {  	[tilespmem:s8+$0xB0] =	vst v1  }
0xcc: {  	[tilespmem:s8+$0x130] =	vst v0  }
0xcd: {  	s8 =	rddreg [dreg:$0x8]  }
0xce: {  	[hbm4b:s8+s3] =	stream.linear.scatter [tilespmem:s16], [sflag:$0x4], $0x6400, $0x38;
	[tilespmem:$0x19300] =	vst v63  }
0xcf: {  	s18 =	rddreg [dreg:$0x9]  }
0xd0: {  	[tilespmem:s23], [sflag:$0x7] =	stream.linear.gather [hbm4b:s18+s3], $0x80, $0x38;
	[tilespmem:$0x19300] =	vst v63  }
0xd1: {  	_ =	swait.ge [sflag:s12], $0x80  }
0xd2: {  	[sflag:s12] =	ssyncset.done $0x0  }
0xd3: {  	s21 =	rddreg [dreg:$0xa];
	[sflag:s12] =	ssyncadd.s32 $0xFFFFFF80  }
0xd4: {  	[tilespmem:s24], [sflag:$0x7] =	stream.linear.gather [hbm4b:s21+s3], $0x48, $0x38;
	[tilespmem:$0x19300] =	vst v63  }
0xd5: {  	_ =	swait.ge [sflag:s12], $0x48  }
0xd6: {  	[sflag:s12] =	ssyncset.done $0x0  }
0xd7: {  	[sflag:s12] =	ssyncadd.s32 $0xFFFFFFB8  }
0xd8: {  	[tilespmem:s25], [sflag:$0x3] =	stream.indirect.gather [hbm4b:s5+s15], $0x80, s23, s15, $0xb8;
	[tilespmem:$0x19300] =	vst v63  }
0xd9: {  	s26 =	simm.s32 $0x10B00  }
0xda: {  	[tilespmem:s26], [sflag:$0x3] =	stream.indirect.gather [hbm4b:s5+s17], $0x80, s24, s17, $0xb8;
	[tilespmem:$0x19300] =	vst v63  }
0xdb: {  	_ =	swait.ge [sflag:s28], $0x4000  }
0xdc: {  	[sflag:s28] =	ssyncset.done $0x0  }
0xdd: {  	[sflag:s28] =	ssyncadd.s32 $0xFFFFC000  }
0xde: {  	_ =	swait.ge [sflag:s28], $0x2400  }
0xdf: {  	[sflag:s28] =	ssyncset.done $0x0  }
0xe0: {  	s8 =	simm.s32 $0x6900;
	[sflag:s28] =	ssyncadd.s32 $0xFFFFDC00  }
0xe1: {  	s10 =	simm.s32 $0x13100;
	v0 =	vld [tilespmem:s8+$0x180]  }
0xe2: {  	v1 =	vld [tilespmem:s10+$0x180]  }
0xe3: {  	v2 =	vld [tilespmem:s10+$0xFFFFFE00]  }
0xe4: {  	v3 =	vld [tilespmem:s8+$0xFFFFFE80]  }
0xe5: {  	v4 =	vld [tilespmem:s8+$0xFFFFFF00]  }
0xe6: {  	v6 =	vld [tilespmem:s10+$0xFFFFFF00]  }
0xe7: {  	v7 =	vld [tilespmem:s8+$0xFFFFFF80]  }
0xe8: {  	v8 =	vld [tilespmem:s10+$0xFFFFFF80]  }
0xe9: {  	v9 =	vld [tilespmem:s8+$0x0]  }
0xea: {  	v10 =	vld [tilespmem:s10+$0x0]  }
0xeb: {  	v11 =	vld [tilespmem:s10+$0x80]  }
0xec: {  	v60 =	vld [tilespmem:s8+$0xFFFFFF90]  }
0xed: {  	v13 =	vld [tilespmem:s8+$0x10]  }
0xee: {  	v61 =	vld [tilespmem:s8+$0xFFFFFFA0]  }
0xef: {  	v62 =	vld [tilespmem:s8+$0xA0];
	v0 =	vadd.f32 v1, v0  }
0xf0: {  	v1 =	vld [tilespmem:s10+$0xFFFFFE80]  }
0xf1: {  	[tilespmem:s8+$0x180] =	vst v0;
	v0 =	vld [tilespmem:s8+$0x190]  }
0xf2: {  	v5 =	vld [tilespmem:s10+$0x190]  }
0xf3: {  	v63 =	vld [tilespmem:s8+$0xFFFFFE30];
	v4 =	vadd.f32 v6, v4  }
0xf4: {  	v6 =	vld [tilespmem:s10+$0x100]  }
0xf5: {  	[tilespmem:s8+$0xFFFFFF00] =	vst v4;
	v4 =	vadd.f32 v10, v9;
	v10 =	vld [tilespmem:s8+$0xFFFFFE90];
	v1 =	vadd.f32 v1, v3  }
0xf6: {  	v3 =	vld [tilespmem:s8+$0x100]  }
0xf7: {  	[tilespmem:s8+$0xFFFFFE80] =	vst v1;
	v0 =	vadd.f32 v5, v0;
	v5 =	vld [tilespmem:s8+$0x80]  }
0xf8: {  	v1 =	vadd.f32 v8, v7;
	v8 =	vld [tilespmem:s10+$0xFFFFFE90]  }
0xf9: {  	[tilespmem:s8+$0x190] =	vst v0;
	v0 =	vld [tilespmem:s8+$0x1A0]  }
0xfa: {  	[tilespmem:s8+$0x0] =	vst v4;
	v12 =	vld [tilespmem:s10+$0x1A0]  }
0xfb: {  	v9 =	vld [tilespmem:s10+$0x10]  }
0xfc: {  	v7 =	vld [tilespmem:s8+$0xFFFFFE00]  }
0xfd: {  	[tilespmem:s8+$0xFFFFFF80] =	vst v1;
	v1 =	vld [tilespmem:s10+$0xFFFFFF10]  }
0xfe: {  	v4 =	vld [tilespmem:s10+$0xFFFFFF90];
	v8 =	vadd.f32 v8, v10  }
0xff: {  	v5 =	vadd.f32 v11, v5;
	v11 =	vld [tilespmem:s8+$0xFFFFFF10];
	v0 =	vadd.f32 v12, v0  }
0x100: {  	v10 =	vld [tilespmem:s8+$0x110];
	[tilespmem:s8+$0xFFFFFE90] =	vst v8  }
0x101: {  	v8 =	vld [tilespmem:s10+$0xFFFFFEA0];
	[tilespmem:s8+$0x1A0] =	vst v0;
	v0 =	vadd.f32 v2, v7  }
0x102: {  	[tilespmem:s8+$0x80] =	vst v5;
	v7 =	vld [tilespmem:s8+$0x1B0];
	v2 =	vadd.f32 v6, v3  }
0x103: {  	v5 =	vld [tilespmem:s10+$0x1B0];
	[tilespmem:s8+$0xFFFFFE00] =	vst v0  }
0x104: {  	v1 =	vadd.f32 v1, v11;
	[tilespmem:s8+$0x100] =	vst v2;
	v2 =	vld [tilespmem:s8+$0xFFFFFE10]  }
0x105: {  	v3 =	vld [tilespmem:s10+$0xFFFFFE10]  }
0x106: {  	[tilespmem:s8+$0xFFFFFF10] =	vst v1;
	v1 =	vadd.f32 v9, v13;
	v6 =	vld [tilespmem:s10+$0x110]  }
0x107: {  	v4 =	vadd.f32 v4, v60;
	v0 =	vld [tilespmem:s10+$0x90]  }
0x108: {  	v9 =	vld [tilespmem:s10+$0xFFFFFF20];
	[tilespmem:s8+$0x10] =	vst v1  }
0x109: {  	[tilespmem:s8+$0xFFFFFF90] =	vst v4;
	v4 =	vld [tilespmem:s10+$0x20]  }
0x10a: {  	v2 =	vadd.f32 v3, v2;
	v3 =	vld [tilespmem:s8+$0x90]  }
0x10b: {  	v1 =	vadd.f32 v6, v10;
	v10 =	vld [tilespmem:s8+$0xFFFFFF20]  }
0x10c: {  	[tilespmem:s8+$0xFFFFFE10] =	vst v2;
	v2 =	vld [tilespmem:s8+$0xFFFFFE20]  }
0x10d: {  	v11 =	vld [tilespmem:s10+$0xFFFFFE20]  }
0x10e: {  	v5 =	vadd.f32 v5, v7;
	[tilespmem:s8+$0x110] =	vst v1;
	v1 =	vld [tilespmem:s8+$0xFFFFFEA0]  }
0x10f: {  	v7 =	vld [tilespmem:s8+$0x30]  }
0x110: {  	[tilespmem:s8+$0x1B0] =	vst v5;
	v5 =	vld [tilespmem:s8+$0xB0]  }
0x111: {  	v6 =	vld [tilespmem:s10+$0x120]  }
0x112: {  	v0 =	vadd.f32 v0, v3;
	v3 =	vld [tilespmem:s10+$0xFFFFFFA0];
	v2 =	vadd.f32 v11, v2  }
0x113: {  	v1 =	vadd.f32 v8, v1;
	v8 =	vadd.f32 v9, v10;
	v9 =	vld [tilespmem:s8+$0xFFFFFF30]  }
0x114: {  	[tilespmem:s8+$0xFFFFFE20] =	vst v2;
	v2 =	vld [tilespmem:s8+$0x120]  }
0x115: {  	[tilespmem:s8+$0x90] =	vst v0;
	v11 =	vld [tilespmem:s8+$0x20]  }
0x116: {  	v0 =	vld [tilespmem:s10+$0xA0];
	[tilespmem:s8+$0xFFFFFEA0] =	vst v1  }
0x117: {  	[tilespmem:s8+$0xFFFFFF20] =	vst v8;
	v8 =	vld [tilespmem:s8+$0xFFFFFFB0]  }
0x118: {  	v1 =	vadd.f32 v3, v61;
	v14 =	vld [tilespmem:s10+$0xFFFFFEB0]  }
0x119: {  	v10 =	vld [tilespmem:s10+$0xFFFFFE30];
	v6 =	vadd.f32 v6, v2  }
0x11a: {  	[tilespmem:s8+$0xFFFFFFA0] =	vst v1;
	v3 =	vadd.f32 v4, v11;
	v4 =	vld [tilespmem:s10+$0xFFFFFF30]  }
0x11b: {  	v0 =	vadd.f32 v0, v62;
	[tilespmem:s8+$0x120] =	vst v6;
	v6 =	vld [tilespmem:s8+$0xFFFFFEB0]  }
0x11c: {  	v1 =	vld [tilespmem:s10+$0xFFFFFFB0];
	[tilespmem:s8+$0x20] =	vst v3  }
0x11d: {  	[tilespmem:s8+$0xA0] =	vst v0;
	v2 =	vld [tilespmem:s10+$0x30]  }
0x11e: {  	v3 =	vld [tilespmem:s10+$0xB0];
	v10 =	vadd.f32 v10, v63  }
0x11f: {  	v0 =	vld [tilespmem:s10+$0x130]  }
0x120: {  	s11 =	simm.s32 $0x0;
	s13 =	simm.s32 $0x6D00;
	[tilespmem:s8+$0xFFFFFE30] =	vst v10;
	v10 =	vadd.f32 v14, v6;
	v6 =	vld [tilespmem:s8+$0x130]  }
.LBB2_4:
0x121: {  	v11 =	vld [tilespmem:s13+$0x180];
	v4 =	vadd.f32 v4, v9;
	s10 =	sadd.s32 $0x400, s10  }
0x122: {  	s11 =	sadd.s32 $0x8, s11;
	v9 =	vld [tilespmem:s10+$0x180];
	[tilespmem:s8+$0xFFFFFEB0] =	vst v10;
	v1 =	vadd.f32 v1, v8  }
0x123: {  	p0 =	slt.u32 s11, $0xC0;
	v8 =	vld [tilespmem:s10+$0xFFFFFE00];
	[tilespmem:s8+$0xFFFFFF30] =	vst v4;
	v2 =	vadd.f32 v2, v7  }
0x124: {  	v4 =	vld [tilespmem:s13+$0xFFFFFE80];
	[tilespmem:s8+$0xFFFFFFB0] =	vst v1;
	v1 =	vadd.f32 v3, v5  }
0x125: {  	v3 =	vld [tilespmem:s10+$0xFFFFFE80];
	[tilespmem:s8+$0x30] =	vst v2;
	v0 =	vadd.f32 v0, v6  }
0x126: {  	v2 =	vld [tilespmem:s13+$0xFFFFFF00];
	[tilespmem:s8+$0xB0] =	vst v1  }
0x127: {  	v1 =	vld [tilespmem:s10+$0xFFFFFF00];
	v5 =	vadd.f32 v9, v11;
	[tilespmem:s8+$0x130] =	vst v0;
	s8 =	smov.u32 s13  }
0x128: {  	v0 =	vld [tilespmem:s13+$0xFFFFFF80]  }
0x129: {  	[tilespmem:s13+$0x180] =	vst v5;
	v5 =	vld [tilespmem:s13+$0x190]  }
0x12a: {  	v3 =	vadd.f32 v3, v4;
	v4 =	vld [tilespmem:s10+$0x190]  }
0x12b: {  	v6 =	vld [tilespmem:s10+$0xFFFFFF80]  }
0x12c: {  	[tilespmem:s13+$0xFFFFFE80] =	vst v3;
	v1 =	vadd.f32 v1, v2;
	v2 =	vld [tilespmem:s13+$0x0]  }
0x12d: {  	v3 =	vld [tilespmem:s10+$0x0]  }
0x12e: {  	[tilespmem:s13+$0xFFFFFF00] =	vst v1;
	v1 =	vld [tilespmem:s13+$0x80]  }
0x12f: {  	v7 =	vld [tilespmem:s10+$0x80];
	v4 =	vadd.f32 v4, v5  }
0x130: {  	v0 =	vadd.f32 v6, v0;
	v5 =	vld [tilespmem:s13+$0x100]  }
0x131: {  	[tilespmem:s13+$0x190] =	vst v4;
	v4 =	vld [tilespmem:s13+$0x1A0]  }
0x132: {  	[tilespmem:s13+$0xFFFFFF80] =	vst v0;
	v0 =	vadd.f32 v3, v2;
	v2 =	vld [tilespmem:s10+$0x1A0]  }
0x133: {  	v3 =	vld [tilespmem:s10+$0x100]  }
0x134: {  	v6 =	vld [tilespmem:s13+$0xFFFFFE00];
	[tilespmem:s13+$0x0] =	vst v0;
	v0 =	vadd.f32 v7, v1  }
0x135: {  	v1 =	vld [tilespmem:s10+$0xFFFFFE90]  }
0x136: {  	v7 =	vld [tilespmem:s10+$0xFFFFFF10];
	[tilespmem:s13+$0x80] =	vst v0  }
0x137: {  	v0 =	vld [tilespmem:s10+$0xFFFFFF90];
	v2 =	vadd.f32 v2, v4  }
0x138: {  	v4 =	vld [tilespmem:s10+$0x10];
	v3 =	vadd.f32 v3, v5  }
0x139: {  	v5 =	vadd.f32 v8, v6;
	[tilespmem:s13+$0x1A0] =	vst v2;
	v2 =	vld [tilespmem:s13+$0x1B0]  }
0x13a: {  	[tilespmem:s13+$0x100] =	vst v3;
	v3 =	vld [tilespmem:s10+$0x1B0]  }
0x13b: {  	[tilespmem:s13+$0xFFFFFE00] =	vst v5;
	v5 =	vld [tilespmem:s10+$0x90]  }
0x13c: {  	v6 =	vld [tilespmem:s10+$0xFFFFFE10]  }
0x13d: {  	v8 =	vld [tilespmem:s10+$0x110]  }
0x13e: {  	v9 =	vld [tilespmem:s13+$0xFFFFFE10]  }
0x13f: {  	v10 =	vld [tilespmem:s13+$0xFFFFFE90];
	v2 =	vadd.f32 v3, v2  }
0x140: {  	v3 =	vld [tilespmem:s13+$0xFFFFFF10]  }
0x141: {  	v11 =	vld [tilespmem:s13+$0xFFFFFF90];
	[tilespmem:s13+$0x1B0] =	vst v2  }
0x142: {  	v2 =	vld [tilespmem:s13+$0x10]  }
0x143: {  	v6 =	vadd.f32 v6, v9;
	v9 =	vld [tilespmem:s13+$0x90]  }
0x144: {  	v1 =	vadd.f32 v1, v10;
	v10 =	vld [tilespmem:s13+$0x110]  }
0x145: {  	[tilespmem:s13+$0xFFFFFE10] =	vst v6;
	v6 =	vld [tilespmem:s13+$0xFFFFFE20];
	v3 =	vadd.f32 v7, v3  }
0x146: {  	v7 =	vld [tilespmem:s10+$0xFFFFFE20];
	[tilespmem:s13+$0xFFFFFE90] =	vst v1;
	v0 =	vadd.f32 v0, v11  }
0x147: {  	v1 =	vld [tilespmem:s10+$0xFFFFFEA0];
	[tilespmem:s13+$0xFFFFFF10] =	vst v3;
	v2 =	vadd.f32 v4, v2  }
0x148: {  	v3 =	vld [tilespmem:s10+$0xFFFFFF20];
	[tilespmem:s13+$0xFFFFFF90] =	vst v0;
	v0 =	vadd.f32 v5, v9  }
0x149: {  	v4 =	vld [tilespmem:s10+$0xFFFFFFA0];
	[tilespmem:s13+$0x10] =	vst v2;
	v2 =	vadd.f32 v8, v10  }
0x14a: {  	v5 =	vld [tilespmem:s10+$0x20];
	[tilespmem:s13+$0x90] =	vst v0  }
0x14b: {  	v0 =	vadd.f32 v7, v6;
	v6 =	vld [tilespmem:s10+$0xA0];
	[tilespmem:s13+$0x110] =	vst v2  }
0x14c: {  	v2 =	vld [tilespmem:s10+$0x120]  }
0x14d: {  	[tilespmem:s13+$0xFFFFFE20] =	vst v0;
	v0 =	vld [tilespmem:s13+$0xFFFFFEA0]  }
0x14e: {  	v7 =	vld [tilespmem:s13+$0xFFFFFF20]  }
0x14f: {  	v8 =	vld [tilespmem:s13+$0xFFFFFFA0]  }
0x150: {  	v9 =	vld [tilespmem:s13+$0x20]  }
0x151: {  	v10 =	vld [tilespmem:s13+$0xA0]  }
0x152: {  	v0 =	vadd.f32 v1, v0;
	v11 =	vld [tilespmem:s13+$0x120]  }
0x153: {  	v12 =	vld [tilespmem:s10+$0xFFFFFE30];
	v1 =	vadd.f32 v3, v7  }
0x154: {  	v3 =	vld [tilespmem:s13+$0xFFFFFE30];
	[tilespmem:s13+$0xFFFFFEA0] =	vst v0;
	v0 =	vadd.f32 v4, v8  }
0x155: {  	v13 =	vld [tilespmem:s10+$0xFFFFFEB0];
	[tilespmem:s13+$0xFFFFFF20] =	vst v1;
	v5 =	vadd.f32 v5, v9  }
0x156: {  	v4 =	vld [tilespmem:s10+$0xFFFFFF30];
	[tilespmem:s13+$0xFFFFFFA0] =	vst v0;
	v0 =	vadd.f32 v6, v10  }
0x157: {  	v1 =	vld [tilespmem:s10+$0xFFFFFFB0];
	[tilespmem:s13+$0x20] =	vst v5;
	v5 =	vadd.f32 v2, v11  }
0x158: {  	v2 =	vld [tilespmem:s10+$0x30];
	[tilespmem:s13+$0xA0] =	vst v0  }
0x159: {  	v6 =	vadd.f32 v12, v3;
	v3 =	vld [tilespmem:s10+$0xB0];
	[tilespmem:s13+$0x120] =	vst v5  }
0x15a: {  	v0 =	vld [tilespmem:s10+$0x130]  }
0x15b: {  	[tilespmem:s13+$0xFFFFFE30] =	vst v6;
	v6 =	vld [tilespmem:s13+$0xFFFFFEB0]  }
.Ltmp1:
0x15c: {  	v9 =	vld [tilespmem:s13+$0xFFFFFF30];
	(pc) =	sbr.rel @p0 .LBB2_4-.Ltmp1, $4  }
0x15d: {  	v8 =	vld [tilespmem:s13+$0xFFFFFFB0]  }
0x15e: {  	v7 =	vld [tilespmem:s13+$0x30]  }
0x15f: {  	v5 =	vld [tilespmem:s13+$0xB0]  }
0x160: {  	s13 =	sadd.s32 $0x400, s13;
	v10 =	vadd.f32 v13, v6;
	v6 =	vld [tilespmem:s8+$0x130]  }
0x161: {  	v4 =	vadd.f32 v4, v9  }
0x162: {  	[tilespmem:s8+$0xFFFFFEB0] =	vst v10;
	v1 =	vadd.f32 v1, v8  }
0x163: {  	[tilespmem:s8+$0xFFFFFF30] =	vst v4;
	v2 =	vadd.f32 v2, v7  }
0x164: {  	[tilespmem:s8+$0xFFFFFFB0] =	vst v1;
	v1 =	vadd.f32 v3, v5  }
0x165: {  	[tilespmem:s8+$0x30] =	vst v2;
	v0 =	vadd.f32 v0, v6  }
0x166: {  	[tilespmem:s8+$0xB0] =	vst v1  }
0x167: {  	[tilespmem:s8+$0x130] =	vst v0  }
0x168: {  	s8 =	rddreg [dreg:$0x15]  }
0x169: {  	[hbm4b:s8+s3] =	stream.linear.scatter [tilespmem:s20], [sflag:$0x5], $0x6400, $0x38;
	[tilespmem:$0x19300] =	vst v63  }
0x16a: {  	_ =	swait.ge [sflag:s29], $0x6400  }
0x16b: {  	[sflag:s29] =	ssyncset.done $0x0  }
0x16c: {  	s18 =	rddreg [dreg:$0x16];
	[sflag:s29] =	ssyncadd.s32 $0xFFFF9C00  }
0x16d: {  	[tilespmem:s3], [sflag:$0x7] =	stream.linear.gather [hbm4b:s18+s3], $0x80, $0x38;
	[tilespmem:$0x19300] =	vst v63  }
0x16e: {  	_ =	swait.ge [sflag:s12], $0x80  }
0x16f: {  	[sflag:s12] =	ssyncset.done $0x0  }
0x170: {  	s21 =	rddreg [dreg:$0x17];
	[sflag:s12] =	ssyncadd.s32 $0xFFFFFF80  }
0x171: {  	[tilespmem:s14], [sflag:$0x7] =	stream.linear.gather [hbm4b:s21+s3], $0x48, $0x38;
	[tilespmem:$0x19300] =	vst v63  }
0x172: {  	_ =	swait.ge [sflag:s12], $0x48  }
0x173: {  	[sflag:s12] =	ssyncset.done $0x0  }
0x174: {  	[sflag:s12] =	ssyncadd.s32 $0xFFFFFFB8  }
0x175: {  	[tilespmem:s16], [sflag:$0x1] =	stream.indirect.gather [hbm4b:s5+s15], $0x80, s3, s15, $0xb8;
	[tilespmem:$0x19300] =	vst v63  }
0x176: {  	s26 =	simm.s32 $0x4300  }
0x177: {  	[tilespmem:s26], [sflag:$0x1] =	stream.indirect.gather [hbm4b:s5+s17], $0x80, s14, s17, $0xb8;
	[tilespmem:$0x19300] =	vst v63  }
0x178: {  	_ =	swait.ge [sflag:s30], $0x4000  }
0x179: {  	[sflag:s30] =	ssyncset.done $0x0  }
0x17a: {  	[sflag:s30] =	ssyncadd.s32 $0xFFFFC000  }
0x17b: {  	_ =	swait.ge [sflag:s30], $0x2400  }
0x17c: {  	[sflag:s30] =	ssyncset.done $0x0  }
0x17d: {  	s8 =	simm.s32 $0xCD00;
	[sflag:s30] =	ssyncadd.s32 $0xFFFFDC00  }
0x17e: {  	s10 =	simm.s32 $0x13100;
	v0 =	vld [tilespmem:s8+$0x180]  }
0x17f: {  	v1 =	vld [tilespmem:s10+$0x180]  }
0x180: {  	v2 =	vld [tilespmem:s10+$0xFFFFFE00]  }
0x181: {  	v3 =	vld [tilespmem:s8+$0xFFFFFE80]  }
0x182: {  	v4 =	vld [tilespmem:s8+$0xFFFFFF00]  }
0x183: {  	v6 =	vld [tilespmem:s10+$0xFFFFFF00]  }
0x184: {  	v7 =	vld [tilespmem:s8+$0xFFFFFF80]  }
0x185: {  	v8 =	vld [tilespmem:s10+$0xFFFFFF80]  }
0x186: {  	v9 =	vld [tilespmem:s8+$0x0]  }
0x187: {  	v10 =	vld [tilespmem:s10+$0x0]  }
0x188: {  	v11 =	vld [tilespmem:s10+$0x80]  }
0x189: {  	v60 =	vld [tilespmem:s8+$0xFFFFFF90]  }
0x18a: {  	v13 =	vld [tilespmem:s8+$0x10]  }
0x18b: {  	v61 =	vld [tilespmem:s8+$0xFFFFFFA0]  }
0x18c: {  	v62 =	vld [tilespmem:s8+$0xA0];
	v0 =	vadd.f32 v1, v0  }
0x18d: {  	v1 =	vld [tilespmem:s10+$0xFFFFFE80]  }
0x18e: {  	[tilespmem:s8+$0x180] =	vst v0;
	v0 =	vld [tilespmem:s8+$0x190]  }
0x18f: {  	v5 =	vld [tilespmem:s10+$0x190]  }
0x190: {  	v63 =	vld [tilespmem:s8+$0xFFFFFE30];
	v4 =	vadd.f32 v6, v4  }
0x191: {  	v6 =	vld [tilespmem:s10+$0x100]  }
0x192: {  	[tilespmem:s8+$0xFFFFFF00] =	vst v4;
	v4 =	vadd.f32 v10, v9;
	v10 =	vld [tilespmem:s8+$0xFFFFFE90];
	v1 =	vadd.f32 v1, v3  }
0x193: {  	v3 =	vld [tilespmem:s8+$0x100]  }
0x194: {  	[tilespmem:s8+$0xFFFFFE80] =	vst v1;
	v0 =	vadd.f32 v5, v0;
	v5 =	vld [tilespmem:s8+$0x80]  }
0x195: {  	v1 =	vadd.f32 v8, v7;
	v8 =	vld [tilespmem:s10+$0xFFFFFE90]  }
0x196: {  	[tilespmem:s8+$0x190] =	vst v0;
	v0 =	vld [tilespmem:s8+$0x1A0]  }
0x197: {  	[tilespmem:s8+$0x0] =	vst v4;
	v12 =	vld [tilespmem:s10+$0x1A0]  }
0x198: {  	v9 =	vld [tilespmem:s10+$0x10]  }
0x199: {  	v7 =	vld [tilespmem:s8+$0xFFFFFE00]  }
0x19a: {  	[tilespmem:s8+$0xFFFFFF80] =	vst v1;
	v1 =	vld [tilespmem:s10+$0xFFFFFF10]  }
0x19b: {  	v4 =	vld [tilespmem:s10+$0xFFFFFF90];
	v8 =	vadd.f32 v8, v10  }
0x19c: {  	v5 =	vadd.f32 v11, v5;
	v11 =	vld [tilespmem:s8+$0xFFFFFF10];
	v0 =	vadd.f32 v12, v0  }
0x19d: {  	v10 =	vld [tilespmem:s8+$0x110];
	[tilespmem:s8+$0xFFFFFE90] =	vst v8  }
0x19e: {  	v8 =	vld [tilespmem:s10+$0xFFFFFEA0];
	[tilespmem:s8+$0x1A0] =	vst v0;
	v0 =	vadd.f32 v2, v7  }
0x19f: {  	[tilespmem:s8+$0x80] =	vst v5;
	v7 =	vld [tilespmem:s8+$0x1B0];
	v2 =	vadd.f32 v6, v3  }
0x1a0: {  	v5 =	vld [tilespmem:s10+$0x1B0];
	[tilespmem:s8+$0xFFFFFE00] =	vst v0  }
0x1a1: {  	v1 =	vadd.f32 v1, v11;
	[tilespmem:s8+$0x100] =	vst v2;
	v2 =	vld [tilespmem:s8+$0xFFFFFE10]  }
0x1a2: {  	v3 =	vld [tilespmem:s10+$0xFFFFFE10]  }
0x1a3: {  	[tilespmem:s8+$0xFFFFFF10] =	vst v1;
	v1 =	vadd.f32 v9, v13;
	v6 =	vld [tilespmem:s10+$0x110]  }
0x1a4: {  	v4 =	vadd.f32 v4, v60;
	v0 =	vld [tilespmem:s10+$0x90]  }
0x1a5: {  	v9 =	vld [tilespmem:s10+$0xFFFFFF20];
	[tilespmem:s8+$0x10] =	vst v1  }
0x1a6: {  	[tilespmem:s8+$0xFFFFFF90] =	vst v4;
	v4 =	vld [tilespmem:s10+$0x20]  }
0x1a7: {  	v2 =	vadd.f32 v3, v2;
	v3 =	vld [tilespmem:s8+$0x90]  }
0x1a8: {  	v1 =	vadd.f32 v6, v10;
	v10 =	vld [tilespmem:s8+$0xFFFFFF20]  }
0x1a9: {  	[tilespmem:s8+$0xFFFFFE10] =	vst v2;
	v2 =	vld [tilespmem:s8+$0xFFFFFE20]  }
0x1aa: {  	v11 =	vld [tilespmem:s10+$0xFFFFFE20]  }
0x1ab: {  	v5 =	vadd.f32 v5, v7;
	[tilespmem:s8+$0x110] =	vst v1;
	v1 =	vld [tilespmem:s8+$0xFFFFFEA0]  }
0x1ac: {  	v7 =	vld [tilespmem:s8+$0x30]  }
0x1ad: {  	[tilespmem:s8+$0x1B0] =	vst v5;
	v5 =	vld [tilespmem:s8+$0xB0]  }
0x1ae: {  	v6 =	vld [tilespmem:s10+$0x120]  }
0x1af: {  	v0 =	vadd.f32 v0, v3;
	v3 =	vld [tilespmem:s10+$0xFFFFFFA0];
	v2 =	vadd.f32 v11, v2  }
0x1b0: {  	v1 =	vadd.f32 v8, v1;
	v8 =	vadd.f32 v9, v10;
	v9 =	vld [tilespmem:s8+$0xFFFFFF30]  }
0x1b1: {  	[tilespmem:s8+$0xFFFFFE20] =	vst v2;
	v2 =	vld [tilespmem:s8+$0x120]  }
0x1b2: {  	[tilespmem:s8+$0x90] =	vst v0;
	v11 =	vld [tilespmem:s8+$0x20]  }
0x1b3: {  	v0 =	vld [tilespmem:s10+$0xA0];
	[tilespmem:s8+$0xFFFFFEA0] =	vst v1  }
0x1b4: {  	[tilespmem:s8+$0xFFFFFF20] =	vst v8;
	v8 =	vld [tilespmem:s8+$0xFFFFFFB0]  }
0x1b5: {  	v1 =	vadd.f32 v3, v61;
	v14 =	vld [tilespmem:s10+$0xFFFFFEB0]  }
0x1b6: {  	v10 =	vld [tilespmem:s10+$0xFFFFFE30];
	v6 =	vadd.f32 v6, v2  }
0x1b7: {  	[tilespmem:s8+$0xFFFFFFA0] =	vst v1;
	v3 =	vadd.f32 v4, v11;
	v4 =	vld [tilespmem:s10+$0xFFFFFF30]  }
0x1b8: {  	v0 =	vadd.f32 v0, v62;
	[tilespmem:s8+$0x120] =	vst v6;
	v6 =	vld [tilespmem:s8+$0xFFFFFEB0]  }
0x1b9: {  	v1 =	vld [tilespmem:s10+$0xFFFFFFB0];
	[tilespmem:s8+$0x20] =	vst v3  }
0x1ba: {  	[tilespmem:s8+$0xA0] =	vst v0;
	v2 =	vld [tilespmem:s10+$0x30]  }
0x1bb: {  	v3 =	vld [tilespmem:s10+$0xB0];
	v10 =	vadd.f32 v10, v63  }
0x1bc: {  	v0 =	vld [tilespmem:s10+$0x130]  }
0x1bd: {  	s11 =	simm.s32 $0x0;
	s13 =	simm.s32 $0xD100;
	[tilespmem:s8+$0xFFFFFE30] =	vst v10;
	v10 =	vadd.f32 v14, v6;
	v6 =	vld [tilespmem:s8+$0x130]  }
.LBB2_6:
0x1be: {  	v11 =	vld [tilespmem:s13+$0x180];
	v4 =	vadd.f32 v4, v9;
	s10 =	sadd.s32 $0x400, s10  }
0x1bf: {  	s11 =	sadd.s32 $0x8, s11;
	v9 =	vld [tilespmem:s10+$0x180];
	[tilespmem:s8+$0xFFFFFEB0] =	vst v10;
	v1 =	vadd.f32 v1, v8  }
0x1c0: {  	p0 =	slt.u32 s11, $0xC0;
	v8 =	vld [tilespmem:s10+$0xFFFFFE00];
	[tilespmem:s8+$0xFFFFFF30] =	vst v4;
	v2 =	vadd.f32 v2, v7  }
0x1c1: {  	v4 =	vld [tilespmem:s13+$0xFFFFFE80];
	[tilespmem:s8+$0xFFFFFFB0] =	vst v1;
	v1 =	vadd.f32 v3, v5  }
0x1c2: {  	v3 =	vld [tilespmem:s10+$0xFFFFFE80];
	[tilespmem:s8+$0x30] =	vst v2;
	v0 =	vadd.f32 v0, v6  }
0x1c3: {  	v2 =	vld [tilespmem:s13+$0xFFFFFF00];
	[tilespmem:s8+$0xB0] =	vst v1  }
0x1c4: {  	v1 =	vld [tilespmem:s10+$0xFFFFFF00];
	v5 =	vadd.f32 v9, v11;
	[tilespmem:s8+$0x130] =	vst v0;
	s8 =	smov.u32 s13  }
0x1c5: {  	v0 =	vld [tilespmem:s13+$0xFFFFFF80]  }
0x1c6: {  	[tilespmem:s13+$0x180] =	vst v5;
	v5 =	vld [tilespmem:s13+$0x190]  }
0x1c7: {  	v3 =	vadd.f32 v3, v4;
	v4 =	vld [tilespmem:s10+$0x190]  }
0x1c8: {  	v6 =	vld [tilespmem:s10+$0xFFFFFF80]  }
0x1c9: {  	[tilespmem:s13+$0xFFFFFE80] =	vst v3;
	v1 =	vadd.f32 v1, v2;
	v2 =	vld [tilespmem:s13+$0x0]  }
0x1ca: {  	v3 =	vld [tilespmem:s10+$0x0]  }
0x1cb: {  	[tilespmem:s13+$0xFFFFFF00] =	vst v1;
	v1 =	vld [tilespmem:s13+$0x80]  }
0x1cc: {  	v7 =	vld [tilespmem:s10+$0x80];
	v4 =	vadd.f32 v4, v5  }
0x1cd: {  	v0 =	vadd.f32 v6, v0;
	v5 =	vld [tilespmem:s13+$0x100]  }
0x1ce: {  	[tilespmem:s13+$0x190] =	vst v4;
	v4 =	vld [tilespmem:s13+$0x1A0]  }
0x1cf: {  	[tilespmem:s13+$0xFFFFFF80] =	vst v0;
	v0 =	vadd.f32 v3, v2;
	v2 =	vld [tilespmem:s10+$0x1A0]  }
0x1d0: {  	v3 =	vld [tilespmem:s10+$0x100]  }
0x1d1: {  	v6 =	vld [tilespmem:s13+$0xFFFFFE00];
	[tilespmem:s13+$0x0] =	vst v0;
	v0 =	vadd.f32 v7, v1  }
0x1d2: {  	v1 =	vld [tilespmem:s10+$0xFFFFFE90]  }
0x1d3: {  	v7 =	vld [tilespmem:s10+$0xFFFFFF10];
	[tilespmem:s13+$0x80] =	vst v0  }
0x1d4: {  	v0 =	vld [tilespmem:s10+$0xFFFFFF90];
	v2 =	vadd.f32 v2, v4  }
0x1d5: {  	v4 =	vld [tilespmem:s10+$0x10];
	v3 =	vadd.f32 v3, v5  }
0x1d6: {  	v5 =	vadd.f32 v8, v6;
	[tilespmem:s13+$0x1A0] =	vst v2;
	v2 =	vld [tilespmem:s13+$0x1B0]  }
0x1d7: {  	[tilespmem:s13+$0x100] =	vst v3;
	v3 =	vld [tilespmem:s10+$0x1B0]  }
0x1d8: {  	[tilespmem:s13+$0xFFFFFE00] =	vst v5;
	v5 =	vld [tilespmem:s10+$0x90]  }
0x1d9: {  	v6 =	vld [tilespmem:s10+$0xFFFFFE10]  }
0x1da: {  	v8 =	vld [tilespmem:s10+$0x110]  }
0x1db: {  	v9 =	vld [tilespmem:s13+$0xFFFFFE10]  }
0x1dc: {  	v10 =	vld [tilespmem:s13+$0xFFFFFE90];
	v2 =	vadd.f32 v3, v2  }
0x1dd: {  	v3 =	vld [tilespmem:s13+$0xFFFFFF10]  }
0x1de: {  	v11 =	vld [tilespmem:s13+$0xFFFFFF90];
	[tilespmem:s13+$0x1B0] =	vst v2  }
0x1df: {  	v2 =	vld [tilespmem:s13+$0x10]  }
0x1e0: {  	v6 =	vadd.f32 v6, v9;
	v9 =	vld [tilespmem:s13+$0x90]  }
0x1e1: {  	v1 =	vadd.f32 v1, v10;
	v10 =	vld [tilespmem:s13+$0x110]  }
0x1e2: {  	[tilespmem:s13+$0xFFFFFE10] =	vst v6;
	v6 =	vld [tilespmem:s13+$0xFFFFFE20];
	v3 =	vadd.f32 v7, v3  }
0x1e3: {  	v7 =	vld [tilespmem:s10+$0xFFFFFE20];
	[tilespmem:s13+$0xFFFFFE90] =	vst v1;
	v0 =	vadd.f32 v0, v11  }
0x1e4: {  	v1 =	vld [tilespmem:s10+$0xFFFFFEA0];
	[tilespmem:s13+$0xFFFFFF10] =	vst v3;
	v2 =	vadd.f32 v4, v2  }
0x1e5: {  	v3 =	vld [tilespmem:s10+$0xFFFFFF20];
	[tilespmem:s13+$0xFFFFFF90] =	vst v0;
	v0 =	vadd.f32 v5, v9  }
0x1e6: {  	v4 =	vld [tilespmem:s10+$0xFFFFFFA0];
	[tilespmem:s13+$0x10] =	vst v2;
	v2 =	vadd.f32 v8, v10  }
0x1e7: {  	v5 =	vld [tilespmem:s10+$0x20];
	[tilespmem:s13+$0x90] =	vst v0  }
0x1e8: {  	v0 =	vadd.f32 v7, v6;
	v6 =	vld [tilespmem:s10+$0xA0];
	[tilespmem:s13+$0x110] =	vst v2  }
0x1e9: {  	v2 =	vld [tilespmem:s10+$0x120]  }
0x1ea: {  	[tilespmem:s13+$0xFFFFFE20] =	vst v0;
	v0 =	vld [tilespmem:s13+$0xFFFFFEA0]  }
0x1eb: {  	v7 =	vld [tilespmem:s13+$0xFFFFFF20]  }
0x1ec: {  	v8 =	vld [tilespmem:s13+$0xFFFFFFA0]  }
0x1ed: {  	v9 =	vld [tilespmem:s13+$0x20]  }
0x1ee: {  	v10 =	vld [tilespmem:s13+$0xA0]  }
0x1ef: {  	v0 =	vadd.f32 v1, v0;
	v11 =	vld [tilespmem:s13+$0x120]  }
0x1f0: {  	v12 =	vld [tilespmem:s10+$0xFFFFFE30];
	v1 =	vadd.f32 v3, v7  }
0x1f1: {  	v3 =	vld [tilespmem:s13+$0xFFFFFE30];
	[tilespmem:s13+$0xFFFFFEA0] =	vst v0;
	v0 =	vadd.f32 v4, v8  }
0x1f2: {  	v13 =	vld [tilespmem:s10+$0xFFFFFEB0];
	[tilespmem:s13+$0xFFFFFF20] =	vst v1;
	v5 =	vadd.f32 v5, v9  }
0x1f3: {  	v4 =	vld [tilespmem:s10+$0xFFFFFF30];
	[tilespmem:s13+$0xFFFFFFA0] =	vst v0;
	v0 =	vadd.f32 v6, v10  }
0x1f4: {  	v1 =	vld [tilespmem:s10+$0xFFFFFFB0];
	[tilespmem:s13+$0x20] =	vst v5;
	v5 =	vadd.f32 v2, v11  }
0x1f5: {  	v2 =	vld [tilespmem:s10+$0x30];
	[tilespmem:s13+$0xA0] =	vst v0  }
0x1f6: {  	v6 =	vadd.f32 v12, v3;
	v3 =	vld [tilespmem:s10+$0xB0];
	[tilespmem:s13+$0x120] =	vst v5  }
0x1f7: {  	v0 =	vld [tilespmem:s10+$0x130]  }
0x1f8: {  	[tilespmem:s13+$0xFFFFFE30] =	vst v6;
	v6 =	vld [tilespmem:s13+$0xFFFFFEB0]  }
.Ltmp2:
0x1f9: {  	v9 =	vld [tilespmem:s13+$0xFFFFFF30];
	(pc) =	sbr.rel @p0 .LBB2_6-.Ltmp2, $4  }
0x1fa: {  	v8 =	vld [tilespmem:s13+$0xFFFFFFB0]  }
0x1fb: {  	v7 =	vld [tilespmem:s13+$0x30]  }
0x1fc: {  	v5 =	vld [tilespmem:s13+$0xB0]  }
0x1fd: {  	s13 =	sadd.s32 $0x400, s13;
	v10 =	vadd.f32 v13, v6;
	v6 =	vld [tilespmem:s8+$0x130]  }
0x1fe: {  	v4 =	vadd.f32 v4, v9  }
0x1ff: {  	[tilespmem:s8+$0xFFFFFEB0] =	vst v10;
	v1 =	vadd.f32 v1, v8  }
0x200: {  	[tilespmem:s8+$0xFFFFFF30] =	vst v4;
	v2 =	vadd.f32 v2, v7  }
0x201: {  	[tilespmem:s8+$0xFFFFFFB0] =	vst v1;
	v63 =	vadd.f32 v3, v5  }
0x202: {  	[tilespmem:s8+$0x30] =	vst v2;
	v0 =	vadd.f32 v0, v6  }
0x203: {  	[tilespmem:s8+$0xB0] =	vst v63  }
0x204: {  	[tilespmem:s8+$0x130] =	vst v0  }
0x205: {  	s11 =	simm.s32 $0x0;
	s8 =	rddreg [dreg:$0x18]  }
0x206: {  	[hbm4b:s8+s11] =	stream.linear.scatter [tilespmem:s25], [sflag:$0x6], $0x6400, $0x38;
	[tilespmem:$0x19300] =	vst v63  }
.LBB2_8:
0x207: {  	s13 =	smul.u32 $0x3, s11;
	_ =	sdelay $0x1  }
0x208: {  	s8 =	sadd.s32 $0x4, s13  }
0x209: {  	s10 =	smul.u32 $0xC8, s8;
	_ =	sdelay $0x1  }
0x20a: {  	_ =	swait.ge [sflag:s0], $0x6400;
	s10 =	sadd.s32 s4, s10  }
0x20b: {  	[sflag:s0] =	ssyncset.done $0x0;
	s10 =	sshrl.u32 s10, $0x3  }
0x20c: {  	[sflag:s0] =	ssyncadd.s32 $0xFFFF9C00;
	s10 =	sadd.s32 s2, s10  }
0x20d: {  	[tilespmem:s15], [sflag:$0x7] =	stream.linear.gather [hbm4b:s10+s3], $0x80, $0x38;
	[tilespmem:$0x19300] =	vst v63  }
0x20e: {  	_ =	swait.ge [sflag:s12], $0x80  }
0x20f: {  	[sflag:s12] =	ssyncset.done $0x0  }
0x210: {  	s10 =	sadd.s32 $0x10, s10;
	[sflag:s12] =	ssyncadd.s32 $0xFFFFFF80  }
0x211: {  	[tilespmem:s19], [sflag:$0x7] =	stream.linear.gather [hbm4b:s10+s3], $0x48, $0x38;
	[tilespmem:$0x19300] =	vst v63  }
0x212: {  	_ =	swait.ge [sflag:s12], $0x48  }
0x213: {  	[sflag:s12] =	ssyncset.done $0x0  }
0x214: {  	[sflag:s12] =	ssyncadd.s32 $0xFFFFFFB8  }
0x215: {  	[tilespmem:s20], [sflag:$0x2] =	stream.indirect.gather [hbm4b:s5+s15], $0x80, s15, s15, $0xb8;
	[tilespmem:$0x19300] =	vst v63  }
0x216: {  	s26 =	simm.s32 $0xA700  }
0x217: {  	[tilespmem:s26], [sflag:$0x2] =	stream.indirect.gather [hbm4b:s5+s17], $0x80, s19, s17, $0xb8;
	[tilespmem:$0x19300] =	vst v63  }
0x218: {  	_ =	swait.ge [sflag:s22], $0x4000  }
0x219: {  	[sflag:s22] =	ssyncset.done $0x0  }
0x21a: {  	[sflag:s22] =	ssyncadd.s32 $0xFFFFC000  }
0x21b: {  	_ =	swait.ge [sflag:s22], $0x2400  }
0x21c: {  	[sflag:s22] =	ssyncset.done $0x0  }
0x21d: {  	s10 =	simm.s32 $0x500;
	[sflag:s22] =	ssyncadd.s32 $0xFFFFDC00  }
0x21e: {  	s26 =	simm.s32 $0x13100;
	v0 =	vld [tilespmem:s10+$0x180]  }
0x21f: {  	v1 =	vld [tilespmem:s26+$0x180]  }
0x220: {  	v2 =	vld [tilespmem:s26+$0xFFFFFE00]  }
0x221: {  	v3 =	vld [tilespmem:s10+$0xFFFFFE80]  }
0x222: {  	v4 =	vld [tilespmem:s10+$0xFFFFFF00]  }
0x223: {  	v6 =	vld [tilespmem:s26+$0xFFFFFF00]  }
0x224: {  	v7 =	vld [tilespmem:s10+$0xFFFFFF80]  }
0x225: {  	v8 =	vld [tilespmem:s26+$0xFFFFFF80]  }
0x226: {  	v9 =	vld [tilespmem:s10+$0x0]  }
0x227: {  	v10 =	vld [tilespmem:s26+$0x0]  }
0x228: {  	v11 =	vld [tilespmem:s26+$0x80]  }
0x229: {  	v60 =	vld [tilespmem:s10+$0xFFFFFF90]  }
0x22a: {  	v13 =	vld [tilespmem:s10+$0x10]  }
0x22b: {  	v61 =	vld [tilespmem:s10+$0xFFFFFFA0]  }
0x22c: {  	v62 =	vld [tilespmem:s10+$0xA0];
	v0 =	vadd.f32 v1, v0  }
0x22d: {  	v1 =	vld [tilespmem:s26+$0xFFFFFE80]  }
0x22e: {  	[tilespmem:s10+$0x180] =	vst v0;
	v0 =	vld [tilespmem:s10+$0x190]  }
0x22f: {  	v5 =	vld [tilespmem:s26+$0x190]  }
0x230: {  	v63 =	vld [tilespmem:s10+$0xFFFFFE30];
	v4 =	vadd.f32 v6, v4  }
0x231: {  	v6 =	vld [tilespmem:s26+$0x100]  }
0x232: {  	[tilespmem:s10+$0xFFFFFF00] =	vst v4;
	v4 =	vadd.f32 v10, v9;
	v10 =	vld [tilespmem:s10+$0xFFFFFE90];
	v1 =	vadd.f32 v1, v3  }
0x233: {  	v3 =	vld [tilespmem:s10+$0x100]  }
0x234: {  	[tilespmem:s10+$0xFFFFFE80] =	vst v1;
	v0 =	vadd.f32 v5, v0;
	v5 =	vld [tilespmem:s10+$0x80]  }
0x235: {  	v1 =	vadd.f32 v8, v7;
	v8 =	vld [tilespmem:s26+$0xFFFFFE90]  }
0x236: {  	[tilespmem:s10+$0x190] =	vst v0;
	v0 =	vld [tilespmem:s10+$0x1A0]  }
0x237: {  	[tilespmem:s10+$0x0] =	vst v4;
	v12 =	vld [tilespmem:s26+$0x1A0]  }
0x238: {  	v9 =	vld [tilespmem:s26+$0x10]  }
0x239: {  	v7 =	vld [tilespmem:s10+$0xFFFFFE00]  }
0x23a: {  	[tilespmem:s10+$0xFFFFFF80] =	vst v1;
	v1 =	vld [tilespmem:s26+$0xFFFFFF10]  }
0x23b: {  	v4 =	vld [tilespmem:s26+$0xFFFFFF90];
	v8 =	vadd.f32 v8, v10  }
0x23c: {  	v5 =	vadd.f32 v11, v5;
	v11 =	vld [tilespmem:s10+$0xFFFFFF10];
	v0 =	vadd.f32 v12, v0  }
0x23d: {  	v10 =	vld [tilespmem:s10+$0x110];
	[tilespmem:s10+$0xFFFFFE90] =	vst v8  }
0x23e: {  	v8 =	vld [tilespmem:s26+$0xFFFFFEA0];
	[tilespmem:s10+$0x1A0] =	vst v0;
	v0 =	vadd.f32 v2, v7  }
0x23f: {  	[tilespmem:s10+$0x80] =	vst v5;
	v7 =	vld [tilespmem:s10+$0x1B0];
	v2 =	vadd.f32 v6, v3  }
0x240: {  	v5 =	vld [tilespmem:s26+$0x1B0];
	[tilespmem:s10+$0xFFFFFE00] =	vst v0  }
0x241: {  	v1 =	vadd.f32 v1, v11;
	[tilespmem:s10+$0x100] =	vst v2;
	v2 =	vld [tilespmem:s10+$0xFFFFFE10]  }
0x242: {  	v3 =	vld [tilespmem:s26+$0xFFFFFE10]  }
0x243: {  	[tilespmem:s10+$0xFFFFFF10] =	vst v1;
	v1 =	vadd.f32 v9, v13;
	v6 =	vld [tilespmem:s26+$0x110]  }
0x244: {  	v4 =	vadd.f32 v4, v60;
	v0 =	vld [tilespmem:s26+$0x90]  }
0x245: {  	v9 =	vld [tilespmem:s26+$0xFFFFFF20];
	[tilespmem:s10+$0x10] =	vst v1  }
0x246: {  	[tilespmem:s10+$0xFFFFFF90] =	vst v4;
	v4 =	vld [tilespmem:s26+$0x20]  }
0x247: {  	v2 =	vadd.f32 v3, v2;
	v3 =	vld [tilespmem:s10+$0x90]  }
0x248: {  	v1 =	vadd.f32 v6, v10;
	v10 =	vld [tilespmem:s10+$0xFFFFFF20]  }
0x249: {  	[tilespmem:s10+$0xFFFFFE10] =	vst v2;
	v2 =	vld [tilespmem:s10+$0xFFFFFE20]  }
0x24a: {  	v11 =	vld [tilespmem:s26+$0xFFFFFE20]  }
0x24b: {  	v5 =	vadd.f32 v5, v7;
	[tilespmem:s10+$0x110] =	vst v1;
	v1 =	vld [tilespmem:s10+$0xFFFFFEA0]  }
0x24c: {  	v7 =	vld [tilespmem:s10+$0x30]  }
0x24d: {  	[tilespmem:s10+$0x1B0] =	vst v5;
	v5 =	vld [tilespmem:s10+$0xB0]  }
0x24e: {  	v6 =	vld [tilespmem:s26+$0x120]  }
0x24f: {  	v0 =	vadd.f32 v0, v3;
	v3 =	vld [tilespmem:s26+$0xFFFFFFA0];
	v2 =	vadd.f32 v11, v2  }
0x250: {  	v1 =	vadd.f32 v8, v1;
	v8 =	vadd.f32 v9, v10;
	v9 =	vld [tilespmem:s10+$0xFFFFFF30]  }
0x251: {  	[tilespmem:s10+$0xFFFFFE20] =	vst v2;
	v2 =	vld [tilespmem:s10+$0x120]  }
0x252: {  	[tilespmem:s10+$0x90] =	vst v0;
	v11 =	vld [tilespmem:s10+$0x20]  }
0x253: {  	v0 =	vld [tilespmem:s26+$0xA0];
	[tilespmem:s10+$0xFFFFFEA0] =	vst v1  }
0x254: {  	[tilespmem:s10+$0xFFFFFF20] =	vst v8;
	v8 =	vld [tilespmem:s10+$0xFFFFFFB0]  }
0x255: {  	v1 =	vadd.f32 v3, v61;
	v14 =	vld [tilespmem:s26+$0xFFFFFEB0]  }
0x256: {  	v10 =	vld [tilespmem:s26+$0xFFFFFE30];
	v6 =	vadd.f32 v6, v2  }
0x257: {  	[tilespmem:s10+$0xFFFFFFA0] =	vst v1;
	v3 =	vadd.f32 v4, v11;
	v4 =	vld [tilespmem:s26+$0xFFFFFF30]  }
0x258: {  	v0 =	vadd.f32 v0, v62;
	[tilespmem:s10+$0x120] =	vst v6;
	v6 =	vld [tilespmem:s10+$0xFFFFFEB0]  }
0x259: {  	v1 =	vld [tilespmem:s26+$0xFFFFFFB0];
	[tilespmem:s10+$0x20] =	vst v3  }
0x25a: {  	[tilespmem:s10+$0xA0] =	vst v0;
	v2 =	vld [tilespmem:s26+$0x30]  }
0x25b: {  	v3 =	vld [tilespmem:s26+$0xB0];
	v10 =	vadd.f32 v10, v63  }
0x25c: {  	v0 =	vld [tilespmem:s26+$0x130]  }
0x25d: {  	s18 =	simm.s32 $0x0;
	s21 =	simm.s32 $0x900;
	[tilespmem:s10+$0xFFFFFE30] =	vst v10;
	v10 =	vadd.f32 v14, v6;
	v6 =	vld [tilespmem:s10+$0x130]  }
.LBB2_9:
0x25e: {  	v11 =	vld [tilespmem:s21+$0x180];
	v4 =	vadd.f32 v4, v9;
	s26 =	sadd.s32 $0x400, s26  }
0x25f: {  	s18 =	sadd.s32 $0x8, s18;
	v9 =	vld [tilespmem:s26+$0x180];
	[tilespmem:s10+$0xFFFFFEB0] =	vst v10;
	v1 =	vadd.f32 v1, v8  }
0x260: {  	p0 =	slt.u32 s18, $0xC0;
	v8 =	vld [tilespmem:s26+$0xFFFFFE00];
	[tilespmem:s10+$0xFFFFFF30] =	vst v4;
	v2 =	vadd.f32 v2, v7  }
0x261: {  	v4 =	vld [tilespmem:s21+$0xFFFFFE80];
	[tilespmem:s10+$0xFFFFFFB0] =	vst v1;
	v1 =	vadd.f32 v3, v5  }
0x262: {  	v3 =	vld [tilespmem:s26+$0xFFFFFE80];
	[tilespmem:s10+$0x30] =	vst v2;
	v0 =	vadd.f32 v0, v6  }
0x263: {  	v2 =	vld [tilespmem:s21+$0xFFFFFF00];
	[tilespmem:s10+$0xB0] =	vst v1  }
0x264: {  	v1 =	vld [tilespmem:s26+$0xFFFFFF00];
	v5 =	vadd.f32 v9, v11;
	[tilespmem:s10+$0x130] =	vst v0;
	s10 =	smov.u32 s21  }
0x265: {  	v0 =	vld [tilespmem:s21+$0xFFFFFF80]  }
0x266: {  	[tilespmem:s21+$0x180] =	vst v5;
	v5 =	vld [tilespmem:s21+$0x190]  }
0x267: {  	v3 =	vadd.f32 v3, v4;
	v4 =	vld [tilespmem:s26+$0x190]  }
0x268: {  	v6 =	vld [tilespmem:s26+$0xFFFFFF80]  }
0x269: {  	[tilespmem:s21+$0xFFFFFE80] =	vst v3;
	v1 =	vadd.f32 v1, v2;
	v2 =	vld [tilespmem:s21+$0x0]  }
0x26a: {  	v3 =	vld [tilespmem:s26+$0x0]  }
0x26b: {  	[tilespmem:s21+$0xFFFFFF00] =	vst v1;
	v1 =	vld [tilespmem:s21+$0x80]  }
0x26c: {  	v7 =	vld [tilespmem:s26+$0x80];
	v4 =	vadd.f32 v4, v5  }
0x26d: {  	v0 =	vadd.f32 v6, v0;
	v5 =	vld [tilespmem:s21+$0x100]  }
0x26e: {  	[tilespmem:s21+$0x190] =	vst v4;
	v4 =	vld [tilespmem:s21+$0x1A0]  }
0x26f: {  	[tilespmem:s21+$0xFFFFFF80] =	vst v0;
	v0 =	vadd.f32 v3, v2;
	v2 =	vld [tilespmem:s26+$0x1A0]  }
0x270: {  	v3 =	vld [tilespmem:s26+$0x100]  }
0x271: {  	v6 =	vld [tilespmem:s21+$0xFFFFFE00];
	[tilespmem:s21+$0x0] =	vst v0;
	v0 =	vadd.f32 v7, v1  }
0x272: {  	v1 =	vld [tilespmem:s26+$0xFFFFFE90]  }
0x273: {  	v7 =	vld [tilespmem:s26+$0xFFFFFF10];
	[tilespmem:s21+$0x80] =	vst v0  }
0x274: {  	v0 =	vld [tilespmem:s26+$0xFFFFFF90];
	v2 =	vadd.f32 v2, v4  }
0x275: {  	v4 =	vld [tilespmem:s26+$0x10];
	v3 =	vadd.f32 v3, v5  }
0x276: {  	v5 =	vadd.f32 v8, v6;
	[tilespmem:s21+$0x1A0] =	vst v2;
	v2 =	vld [tilespmem:s21+$0x1B0]  }
0x277: {  	[tilespmem:s21+$0x100] =	vst v3;
	v3 =	vld [tilespmem:s26+$0x1B0]  }
0x278: {  	[tilespmem:s21+$0xFFFFFE00] =	vst v5;
	v5 =	vld [tilespmem:s26+$0x90]  }
0x279: {  	v6 =	vld [tilespmem:s26+$0xFFFFFE10]  }
0x27a: {  	v8 =	vld [tilespmem:s26+$0x110]  }
0x27b: {  	v9 =	vld [tilespmem:s21+$0xFFFFFE10]  }
0x27c: {  	v10 =	vld [tilespmem:s21+$0xFFFFFE90];
	v2 =	vadd.f32 v3, v2  }
0x27d: {  	v3 =	vld [tilespmem:s21+$0xFFFFFF10]  }
0x27e: {  	v11 =	vld [tilespmem:s21+$0xFFFFFF90];
	[tilespmem:s21+$0x1B0] =	vst v2  }
0x27f: {  	v2 =	vld [tilespmem:s21+$0x10]  }
0x280: {  	v6 =	vadd.f32 v6, v9;
	v9 =	vld [tilespmem:s21+$0x90]  }
0x281: {  	v1 =	vadd.f32 v1, v10;
	v10 =	vld [tilespmem:s21+$0x110]  }
0x282: {  	[tilespmem:s21+$0xFFFFFE10] =	vst v6;
	v6 =	vld [tilespmem:s21+$0xFFFFFE20];
	v3 =	vadd.f32 v7, v3  }
0x283: {  	v7 =	vld [tilespmem:s26+$0xFFFFFE20];
	[tilespmem:s21+$0xFFFFFE90] =	vst v1;
	v0 =	vadd.f32 v0, v11  }
0x284: {  	v1 =	vld [tilespmem:s26+$0xFFFFFEA0];
	[tilespmem:s21+$0xFFFFFF10] =	vst v3;
	v2 =	vadd.f32 v4, v2  }
0x285: {  	v3 =	vld [tilespmem:s26+$0xFFFFFF20];
	[tilespmem:s21+$0xFFFFFF90] =	vst v0;
	v0 =	vadd.f32 v5, v9  }
0x286: {  	v4 =	vld [tilespmem:s26+$0xFFFFFFA0];
	[tilespmem:s21+$0x10] =	vst v2;
	v2 =	vadd.f32 v8, v10  }
0x287: {  	v5 =	vld [tilespmem:s26+$0x20];
	[tilespmem:s21+$0x90] =	vst v0  }
0x288: {  	v0 =	vadd.f32 v7, v6;
	v6 =	vld [tilespmem:s26+$0xA0];
	[tilespmem:s21+$0x110] =	vst v2  }
0x289: {  	v2 =	vld [tilespmem:s26+$0x120]  }
0x28a: {  	[tilespmem:s21+$0xFFFFFE20] =	vst v0;
	v0 =	vld [tilespmem:s21+$0xFFFFFEA0]  }
0x28b: {  	v7 =	vld [tilespmem:s21+$0xFFFFFF20]  }
0x28c: {  	v8 =	vld [tilespmem:s21+$0xFFFFFFA0]  }
0x28d: {  	v9 =	vld [tilespmem:s21+$0x20]  }
0x28e: {  	v10 =	vld [tilespmem:s21+$0xA0]  }
0x28f: {  	v0 =	vadd.f32 v1, v0;
	v11 =	vld [tilespmem:s21+$0x120]  }
0x290: {  	v12 =	vld [tilespmem:s26+$0xFFFFFE30];
	v1 =	vadd.f32 v3, v7  }
0x291: {  	v3 =	vld [tilespmem:s21+$0xFFFFFE30];
	[tilespmem:s21+$0xFFFFFEA0] =	vst v0;
	v0 =	vadd.f32 v4, v8  }
0x292: {  	v13 =	vld [tilespmem:s26+$0xFFFFFEB0];
	[tilespmem:s21+$0xFFFFFF20] =	vst v1;
	v5 =	vadd.f32 v5, v9  }
0x293: {  	v4 =	vld [tilespmem:s26+$0xFFFFFF30];
	[tilespmem:s21+$0xFFFFFFA0] =	vst v0;
	v0 =	vadd.f32 v6, v10  }
0x294: {  	v1 =	vld [tilespmem:s26+$0xFFFFFFB0];
	[tilespmem:s21+$0x20] =	vst v5;
	v5 =	vadd.f32 v2, v11  }
0x295: {  	v2 =	vld [tilespmem:s26+$0x30];
	[tilespmem:s21+$0xA0] =	vst v0  }
0x296: {  	v6 =	vadd.f32 v12, v3;
	v3 =	vld [tilespmem:s26+$0xB0];
	[tilespmem:s21+$0x120] =	vst v5  }
0x297: {  	v0 =	vld [tilespmem:s26+$0x130]  }
0x298: {  	[tilespmem:s21+$0xFFFFFE30] =	vst v6;
	v6 =	vld [tilespmem:s21+$0xFFFFFEB0]  }
.Ltmp3:
0x299: {  	v9 =	vld [tilespmem:s21+$0xFFFFFF30];
	(pc) =	sbr.rel @p0 .LBB2_9-.Ltmp3, $4  }
0x29a: {  	v8 =	vld [tilespmem:s21+$0xFFFFFFB0]  }
0x29b: {  	v7 =	vld [tilespmem:s21+$0x30]  }
0x29c: {  	v5 =	vld [tilespmem:s21+$0xB0]  }
0x29d: {  	s21 =	sadd.s32 $0x400, s21;
	v10 =	vadd.f32 v13, v6;
	v6 =	vld [tilespmem:s10+$0x130]  }
0x29e: {  	v4 =	vadd.f32 v4, v9  }
0x29f: {  	[tilespmem:s10+$0xFFFFFEB0] =	vst v10;
	v1 =	vadd.f32 v1, v8  }
0x2a0: {  	[tilespmem:s10+$0xFFFFFF30] =	vst v4;
	v2 =	vadd.f32 v2, v7  }
0x2a1: {  	s18 =	sadd.s32 s13, s31;
	[tilespmem:s10+$0xFFFFFFB0] =	vst v1;
	v1 =	vadd.f32 v3, v5  }
0x2a2: {  	s18 =	smul.u32 $0xC80, s18;
	[tilespmem:s10+$0x30] =	vst v2;
	v0 =	vadd.f32 v0, v6  }
0x2a3: {  	s13 =	sadd.s32 $0x5, s13;
	[tilespmem:s10+$0xB0] =	vst v1  }
0x2a4: {  	s26 =	smul.u32 $0xC8, s13;
	s21 =	sadd.s32 s7, s18;
	[tilespmem:s10+$0x130] =	vst v0  }
0x2a5: {  	[hbm4b:s21+s3] =	stream.linear.scatter [tilespmem:s16], [sflag:$0x4], $0x6400, $0x38;
	[tilespmem:$0x19300] =	vst v63  }
0x2a6: {  	s21 =	sadd.s32 s4, s26;
	_ =	swait.ge [sflag:s6], $0x6400  }
0x2a7: {  	s10 =	sshrl.u32 s21, $0x3;
	[sflag:s6] =	ssyncset.done $0x0  }
0x2a8: {  	s10 =	sadd.s32 s2, s10;
	[sflag:s6] =	ssyncadd.s32 $0xFFFF9C00  }
0x2a9: {  	[tilespmem:s23], [sflag:$0x7] =	stream.linear.gather [hbm4b:s10+s3], $0x80, $0x38;
	[tilespmem:$0x19300] =	vst v63  }
0x2aa: {  	_ =	swait.ge [sflag:s12], $0x80  }
0x2ab: {  	[sflag:s12] =	ssyncset.done $0x0  }
0x2ac: {  	s10 =	sadd.s32 $0x10, s10;
	[sflag:s12] =	ssyncadd.s32 $0xFFFFFF80  }
0x2ad: {  	[tilespmem:s24], [sflag:$0x7] =	stream.linear.gather [hbm4b:s10+s3], $0x48, $0x38;
	[tilespmem:$0x19300] =	vst v63  }
0x2ae: {  	_ =	swait.ge [sflag:s12], $0x48  }
0x2af: {  	[sflag:s12] =	ssyncset.done $0x0  }
0x2b0: {  	[sflag:s12] =	ssyncadd.s32 $0xFFFFFFB8  }
0x2b1: {  	[tilespmem:s25], [sflag:$0x3] =	stream.indirect.gather [hbm4b:s5+s15], $0x80, s23, s15, $0xb8;
	[tilespmem:$0x19300] =	vst v63  }
0x2b2: {  	s26 =	simm.s32 $0x10B00  }
0x2b3: {  	[tilespmem:s26], [sflag:$0x3] =	stream.indirect.gather [hbm4b:s5+s17], $0x80, s24, s17, $0xb8;
	[tilespmem:$0x19300] =	vst v63  }
0x2b4: {  	_ =	swait.ge [sflag:s28], $0x4000  }
0x2b5: {  	[sflag:s28] =	ssyncset.done $0x0  }
0x2b6: {  	[sflag:s28] =	ssyncadd.s32 $0xFFFFC000  }
0x2b7: {  	_ =	swait.ge [sflag:s28], $0x2400  }
0x2b8: {  	[sflag:s28] =	ssyncset.done $0x0  }
0x2b9: {  	s10 =	simm.s32 $0x6900;
	[sflag:s28] =	ssyncadd.s32 $0xFFFFDC00  }
0x2ba: {  	s26 =	simm.s32 $0x13100;
	v0 =	vld [tilespmem:s10+$0x180]  }
0x2bb: {  	v1 =	vld [tilespmem:s26+$0x180]  }
0x2bc: {  	v2 =	vld [tilespmem:s26+$0xFFFFFE00]  }
0x2bd: {  	v3 =	vld [tilespmem:s10+$0xFFFFFE80]  }
0x2be: {  	v4 =	vld [tilespmem:s10+$0xFFFFFF00]  }
0x2bf: {  	v6 =	vld [tilespmem:s26+$0xFFFFFF00]  }
0x2c0: {  	v7 =	vld [tilespmem:s10+$0xFFFFFF80]  }
0x2c1: {  	v8 =	vld [tilespmem:s26+$0xFFFFFF80]  }
0x2c2: {  	v9 =	vld [tilespmem:s10+$0x0]  }
0x2c3: {  	v10 =	vld [tilespmem:s26+$0x0]  }
0x2c4: {  	v11 =	vld [tilespmem:s26+$0x80]  }
0x2c5: {  	v60 =	vld [tilespmem:s10+$0xFFFFFF90]  }
0x2c6: {  	v13 =	vld [tilespmem:s10+$0x10]  }
0x2c7: {  	v61 =	vld [tilespmem:s10+$0xFFFFFFA0]  }
0x2c8: {  	v62 =	vld [tilespmem:s10+$0xA0];
	v0 =	vadd.f32 v1, v0  }
0x2c9: {  	v1 =	vld [tilespmem:s26+$0xFFFFFE80]  }
0x2ca: {  	[tilespmem:s10+$0x180] =	vst v0;
	v0 =	vld [tilespmem:s10+$0x190]  }
0x2cb: {  	v5 =	vld [tilespmem:s26+$0x190]  }
0x2cc: {  	v63 =	vld [tilespmem:s10+$0xFFFFFE30];
	v4 =	vadd.f32 v6, v4  }
0x2cd: {  	v6 =	vld [tilespmem:s26+$0x100]  }
0x2ce: {  	[tilespmem:s10+$0xFFFFFF00] =	vst v4;
	v4 =	vadd.f32 v10, v9;
	v10 =	vld [tilespmem:s10+$0xFFFFFE90];
	v1 =	vadd.f32 v1, v3  }
0x2cf: {  	v3 =	vld [tilespmem:s10+$0x100]  }
0x2d0: {  	[tilespmem:s10+$0xFFFFFE80] =	vst v1;
	v0 =	vadd.f32 v5, v0;
	v5 =	vld [tilespmem:s10+$0x80]  }
0x2d1: {  	v1 =	vadd.f32 v8, v7;
	v8 =	vld [tilespmem:s26+$0xFFFFFE90]  }
0x2d2: {  	[tilespmem:s10+$0x190] =	vst v0;
	v0 =	vld [tilespmem:s10+$0x1A0]  }
0x2d3: {  	[tilespmem:s10+$0x0] =	vst v4;
	v12 =	vld [tilespmem:s26+$0x1A0]  }
0x2d4: {  	v9 =	vld [tilespmem:s26+$0x10]  }
0x2d5: {  	v7 =	vld [tilespmem:s10+$0xFFFFFE00]  }
0x2d6: {  	[tilespmem:s10+$0xFFFFFF80] =	vst v1;
	v1 =	vld [tilespmem:s26+$0xFFFFFF10]  }
0x2d7: {  	v4 =	vld [tilespmem:s26+$0xFFFFFF90];
	v8 =	vadd.f32 v8, v10  }
0x2d8: {  	v5 =	vadd.f32 v11, v5;
	v11 =	vld [tilespmem:s10+$0xFFFFFF10];
	v0 =	vadd.f32 v12, v0  }
0x2d9: {  	v10 =	vld [tilespmem:s10+$0x110];
	[tilespmem:s10+$0xFFFFFE90] =	vst v8  }
0x2da: {  	v8 =	vld [tilespmem:s26+$0xFFFFFEA0];
	[tilespmem:s10+$0x1A0] =	vst v0;
	v0 =	vadd.f32 v2, v7  }
0x2db: {  	[tilespmem:s10+$0x80] =	vst v5;
	v7 =	vld [tilespmem:s10+$0x1B0];
	v2 =	vadd.f32 v6, v3  }
0x2dc: {  	v5 =	vld [tilespmem:s26+$0x1B0];
	[tilespmem:s10+$0xFFFFFE00] =	vst v0  }
0x2dd: {  	v1 =	vadd.f32 v1, v11;
	[tilespmem:s10+$0x100] =	vst v2;
	v2 =	vld [tilespmem:s10+$0xFFFFFE10]  }
0x2de: {  	v3 =	vld [tilespmem:s26+$0xFFFFFE10]  }
0x2df: {  	[tilespmem:s10+$0xFFFFFF10] =	vst v1;
	v1 =	vadd.f32 v9, v13;
	v6 =	vld [tilespmem:s26+$0x110]  }
0x2e0: {  	v4 =	vadd.f32 v4, v60;
	v0 =	vld [tilespmem:s26+$0x90]  }
0x2e1: {  	v9 =	vld [tilespmem:s26+$0xFFFFFF20];
	[tilespmem:s10+$0x10] =	vst v1  }
0x2e2: {  	[tilespmem:s10+$0xFFFFFF90] =	vst v4;
	v4 =	vld [tilespmem:s26+$0x20]  }
0x2e3: {  	v2 =	vadd.f32 v3, v2;
	v3 =	vld [tilespmem:s10+$0x90]  }
0x2e4: {  	v1 =	vadd.f32 v6, v10;
	v10 =	vld [tilespmem:s10+$0xFFFFFF20]  }
0x2e5: {  	[tilespmem:s10+$0xFFFFFE10] =	vst v2;
	v2 =	vld [tilespmem:s10+$0xFFFFFE20]  }
0x2e6: {  	v11 =	vld [tilespmem:s26+$0xFFFFFE20]  }
0x2e7: {  	v5 =	vadd.f32 v5, v7;
	[tilespmem:s10+$0x110] =	vst v1;
	v1 =	vld [tilespmem:s10+$0xFFFFFEA0]  }
0x2e8: {  	v7 =	vld [tilespmem:s10+$0x30]  }
0x2e9: {  	[tilespmem:s10+$0x1B0] =	vst v5;
	v5 =	vld [tilespmem:s10+$0xB0]  }
0x2ea: {  	v6 =	vld [tilespmem:s26+$0x120]  }
0x2eb: {  	v0 =	vadd.f32 v0, v3;
	v3 =	vld [tilespmem:s26+$0xFFFFFFA0];
	v2 =	vadd.f32 v11, v2  }
0x2ec: {  	v1 =	vadd.f32 v8, v1;
	v8 =	vadd.f32 v9, v10;
	v9 =	vld [tilespmem:s10+$0xFFFFFF30]  }
0x2ed: {  	[tilespmem:s10+$0xFFFFFE20] =	vst v2;
	v2 =	vld [tilespmem:s10+$0x120]  }
0x2ee: {  	[tilespmem:s10+$0x90] =	vst v0;
	v11 =	vld [tilespmem:s10+$0x20]  }
0x2ef: {  	v0 =	vld [tilespmem:s26+$0xA0];
	[tilespmem:s10+$0xFFFFFEA0] =	vst v1  }
0x2f0: {  	[tilespmem:s10+$0xFFFFFF20] =	vst v8;
	v8 =	vld [tilespmem:s10+$0xFFFFFFB0]  }
0x2f1: {  	v1 =	vadd.f32 v3, v61;
	v14 =	vld [tilespmem:s26+$0xFFFFFEB0]  }
0x2f2: {  	v10 =	vld [tilespmem:s26+$0xFFFFFE30];
	v6 =	vadd.f32 v6, v2  }
0x2f3: {  	[tilespmem:s10+$0xFFFFFFA0] =	vst v1;
	v3 =	vadd.f32 v4, v11;
	v4 =	vld [tilespmem:s26+$0xFFFFFF30]  }
0x2f4: {  	v0 =	vadd.f32 v0, v62;
	[tilespmem:s10+$0x120] =	vst v6;
	v6 =	vld [tilespmem:s10+$0xFFFFFEB0]  }
0x2f5: {  	v1 =	vld [tilespmem:s26+$0xFFFFFFB0];
	[tilespmem:s10+$0x20] =	vst v3  }
0x2f6: {  	[tilespmem:s10+$0xA0] =	vst v0;
	v2 =	vld [tilespmem:s26+$0x30]  }
0x2f7: {  	v3 =	vld [tilespmem:s26+$0xB0];
	v10 =	vadd.f32 v10, v63  }
0x2f8: {  	v0 =	vld [tilespmem:s26+$0x130]  }
0x2f9: {  	s18 =	simm.s32 $0x0;
	s21 =	simm.s32 $0x6D00;
	[tilespmem:s10+$0xFFFFFE30] =	vst v10;
	v10 =	vadd.f32 v14, v6;
	v6 =	vld [tilespmem:s10+$0x130]  }
.LBB2_11:
0x2fa: {  	v11 =	vld [tilespmem:s21+$0x180];
	v4 =	vadd.f32 v4, v9;
	s26 =	sadd.s32 $0x400, s26  }
0x2fb: {  	s18 =	sadd.s32 $0x8, s18;
	v9 =	vld [tilespmem:s26+$0x180];
	[tilespmem:s10+$0xFFFFFEB0] =	vst v10;
	v1 =	vadd.f32 v1, v8  }
0x2fc: {  	p0 =	slt.u32 s18, $0xC0;
	v8 =	vld [tilespmem:s26+$0xFFFFFE00];
	[tilespmem:s10+$0xFFFFFF30] =	vst v4;
	v2 =	vadd.f32 v2, v7  }
0x2fd: {  	v4 =	vld [tilespmem:s21+$0xFFFFFE80];
	[tilespmem:s10+$0xFFFFFFB0] =	vst v1;
	v1 =	vadd.f32 v3, v5  }
0x2fe: {  	v3 =	vld [tilespmem:s26+$0xFFFFFE80];
	[tilespmem:s10+$0x30] =	vst v2;
	v0 =	vadd.f32 v0, v6  }
0x2ff: {  	v2 =	vld [tilespmem:s21+$0xFFFFFF00];
	[tilespmem:s10+$0xB0] =	vst v1  }
0x300: {  	v1 =	vld [tilespmem:s26+$0xFFFFFF00];
	v5 =	vadd.f32 v9, v11;
	[tilespmem:s10+$0x130] =	vst v0;
	s10 =	smov.u32 s21  }
0x301: {  	v0 =	vld [tilespmem:s21+$0xFFFFFF80]  }
0x302: {  	[tilespmem:s21+$0x180] =	vst v5;
	v5 =	vld [tilespmem:s21+$0x190]  }
0x303: {  	v3 =	vadd.f32 v3, v4;
	v4 =	vld [tilespmem:s26+$0x190]  }
0x304: {  	v6 =	vld [tilespmem:s26+$0xFFFFFF80]  }
0x305: {  	[tilespmem:s21+$0xFFFFFE80] =	vst v3;
	v1 =	vadd.f32 v1, v2;
	v2 =	vld [tilespmem:s21+$0x0]  }
0x306: {  	v3 =	vld [tilespmem:s26+$0x0]  }
0x307: {  	[tilespmem:s21+$0xFFFFFF00] =	vst v1;
	v1 =	vld [tilespmem:s21+$0x80]  }
0x308: {  	v7 =	vld [tilespmem:s26+$0x80];
	v4 =	vadd.f32 v4, v5  }
0x309: {  	v0 =	vadd.f32 v6, v0;
	v5 =	vld [tilespmem:s21+$0x100]  }
0x30a: {  	[tilespmem:s21+$0x190] =	vst v4;
	v4 =	vld [tilespmem:s21+$0x1A0]  }
0x30b: {  	[tilespmem:s21+$0xFFFFFF80] =	vst v0;
	v0 =	vadd.f32 v3, v2;
	v2 =	vld [tilespmem:s26+$0x1A0]  }
0x30c: {  	v3 =	vld [tilespmem:s26+$0x100]  }
0x30d: {  	v6 =	vld [tilespmem:s21+$0xFFFFFE00];
	[tilespmem:s21+$0x0] =	vst v0;
	v0 =	vadd.f32 v7, v1  }
0x30e: {  	v1 =	vld [tilespmem:s26+$0xFFFFFE90]  }
0x30f: {  	v7 =	vld [tilespmem:s26+$0xFFFFFF10];
	[tilespmem:s21+$0x80] =	vst v0  }
0x310: {  	v0 =	vld [tilespmem:s26+$0xFFFFFF90];
	v2 =	vadd.f32 v2, v4  }
0x311: {  	v4 =	vld [tilespmem:s26+$0x10];
	v3 =	vadd.f32 v3, v5  }
0x312: {  	v5 =	vadd.f32 v8, v6;
	[tilespmem:s21+$0x1A0] =	vst v2;
	v2 =	vld [tilespmem:s21+$0x1B0]  }
0x313: {  	[tilespmem:s21+$0x100] =	vst v3;
	v3 =	vld [tilespmem:s26+$0x1B0]  }
0x314: {  	[tilespmem:s21+$0xFFFFFE00] =	vst v5;
	v5 =	vld [tilespmem:s26+$0x90]  }
0x315: {  	v6 =	vld [tilespmem:s26+$0xFFFFFE10]  }
0x316: {  	v8 =	vld [tilespmem:s26+$0x110]  }
0x317: {  	v9 =	vld [tilespmem:s21+$0xFFFFFE10]  }
0x318: {  	v10 =	vld [tilespmem:s21+$0xFFFFFE90];
	v2 =	vadd.f32 v3, v2  }
0x319: {  	v3 =	vld [tilespmem:s21+$0xFFFFFF10]  }
0x31a: {  	v11 =	vld [tilespmem:s21+$0xFFFFFF90];
	[tilespmem:s21+$0x1B0] =	vst v2  }
0x31b: {  	v2 =	vld [tilespmem:s21+$0x10]  }
0x31c: {  	v6 =	vadd.f32 v6, v9;
	v9 =	vld [tilespmem:s21+$0x90]  }
0x31d: {  	v1 =	vadd.f32 v1, v10;
	v10 =	vld [tilespmem:s21+$0x110]  }
0x31e: {  	[tilespmem:s21+$0xFFFFFE10] =	vst v6;
	v6 =	vld [tilespmem:s21+$0xFFFFFE20];
	v3 =	vadd.f32 v7, v3  }
0x31f: {  	v7 =	vld [tilespmem:s26+$0xFFFFFE20];
	[tilespmem:s21+$0xFFFFFE90] =	vst v1;
	v0 =	vadd.f32 v0, v11  }
0x320: {  	v1 =	vld [tilespmem:s26+$0xFFFFFEA0];
	[tilespmem:s21+$0xFFFFFF10] =	vst v3;
	v2 =	vadd.f32 v4, v2  }
0x321: {  	v3 =	vld [tilespmem:s26+$0xFFFFFF20];
	[tilespmem:s21+$0xFFFFFF90] =	vst v0;
	v0 =	vadd.f32 v5, v9  }
0x322: {  	v4 =	vld [tilespmem:s26+$0xFFFFFFA0];
	[tilespmem:s21+$0x10] =	vst v2;
	v2 =	vadd.f32 v8, v10  }
0x323: {  	v5 =	vld [tilespmem:s26+$0x20];
	[tilespmem:s21+$0x90] =	vst v0  }
0x324: {  	v0 =	vadd.f32 v7, v6;
	v6 =	vld [tilespmem:s26+$0xA0];
	[tilespmem:s21+$0x110] =	vst v2  }
0x325: {  	v2 =	vld [tilespmem:s26+$0x120]  }
0x326: {  	[tilespmem:s21+$0xFFFFFE20] =	vst v0;
	v0 =	vld [tilespmem:s21+$0xFFFFFEA0]  }
0x327: {  	v7 =	vld [tilespmem:s21+$0xFFFFFF20]  }
0x328: {  	v8 =	vld [tilespmem:s21+$0xFFFFFFA0]  }
0x329: {  	v9 =	vld [tilespmem:s21+$0x20]  }
0x32a: {  	v10 =	vld [tilespmem:s21+$0xA0]  }
0x32b: {  	v0 =	vadd.f32 v1, v0;
	v11 =	vld [tilespmem:s21+$0x120]  }
0x32c: {  	v12 =	vld [tilespmem:s26+$0xFFFFFE30];
	v1 =	vadd.f32 v3, v7  }
0x32d: {  	v3 =	vld [tilespmem:s21+$0xFFFFFE30];
	[tilespmem:s21+$0xFFFFFEA0] =	vst v0;
	v0 =	vadd.f32 v4, v8  }
0x32e: {  	v13 =	vld [tilespmem:s26+$0xFFFFFEB0];
	[tilespmem:s21+$0xFFFFFF20] =	vst v1;
	v5 =	vadd.f32 v5, v9  }
0x32f: {  	v4 =	vld [tilespmem:s26+$0xFFFFFF30];
	[tilespmem:s21+$0xFFFFFFA0] =	vst v0;
	v0 =	vadd.f32 v6, v10  }
0x330: {  	v1 =	vld [tilespmem:s26+$0xFFFFFFB0];
	[tilespmem:s21+$0x20] =	vst v5;
	v5 =	vadd.f32 v2, v11  }
0x331: {  	v2 =	vld [tilespmem:s26+$0x30];
	[tilespmem:s21+$0xA0] =	vst v0  }
0x332: {  	v6 =	vadd.f32 v12, v3;
	v3 =	vld [tilespmem:s26+$0xB0];
	[tilespmem:s21+$0x120] =	vst v5  }
0x333: {  	v0 =	vld [tilespmem:s26+$0x130]  }
0x334: {  	[tilespmem:s21+$0xFFFFFE30] =	vst v6;
	v6 =	vld [tilespmem:s21+$0xFFFFFEB0]  }
.Ltmp4:
0x335: {  	v9 =	vld [tilespmem:s21+$0xFFFFFF30];
	(pc) =	sbr.rel @p0 .LBB2_11-.Ltmp4, $4  }
0x336: {  	v8 =	vld [tilespmem:s21+$0xFFFFFFB0]  }
0x337: {  	v7 =	vld [tilespmem:s21+$0x30]  }
0x338: {  	v5 =	vld [tilespmem:s21+$0xB0]  }
0x339: {  	s21 =	sadd.s32 $0x400, s21;
	v10 =	vadd.f32 v13, v6;
	v6 =	vld [tilespmem:s10+$0x130]  }
0x33a: {  	v4 =	vadd.f32 v4, v9  }
0x33b: {  	[tilespmem:s10+$0xFFFFFEB0] =	vst v10;
	v1 =	vadd.f32 v1, v8  }
0x33c: {  	[tilespmem:s10+$0xFFFFFF30] =	vst v4;
	v2 =	vadd.f32 v2, v7  }
0x33d: {  	s8 =	sadd.s32 s9, s8;
	[tilespmem:s10+$0xFFFFFFB0] =	vst v1;
	v1 =	vadd.f32 v3, v5  }
0x33e: {  	s8 =	smul.u32 $0xC80, s8;
	[tilespmem:s10+$0x30] =	vst v2;
	v0 =	vadd.f32 v0, v6  }
0x33f: {  	[tilespmem:s10+$0xB0] =	vst v1  }
0x340: {  	s18 =	smul.u32 $0x258, s11;
	s8 =	sadd.s32 s7, s8;
	[tilespmem:s10+$0x130] =	vst v0  }
0x341: {  	[hbm4b:s8+s3] =	stream.linear.scatter [tilespmem:s20], [sflag:$0x5], $0x6400, $0x38;
	[tilespmem:$0x19300] =	vst v63  }
0x342: {  	s21 =	sadd.s32 s18, s1;
	_ =	swait.ge [sflag:s29], $0x6400  }
0x343: {  	s8 =	sshrl.u32 s21, $0x3;
	[sflag:s29] =	ssyncset.done $0x0  }
0x344: {  	s8 =	sadd.s32 s2, s8;
	[sflag:s29] =	ssyncadd.s32 $0xFFFF9C00  }
0x345: {  	[tilespmem:s3], [sflag:$0x7] =	stream.linear.gather [hbm4b:s8+s3], $0x80, $0x38;
	[tilespmem:$0x19300] =	vst v63  }
0x346: {  	_ =	swait.ge [sflag:s12], $0x80  }
0x347: {  	[sflag:s12] =	ssyncset.done $0x0  }
0x348: {  	s8 =	sadd.s32 $0x10, s8;
	[sflag:s12] =	ssyncadd.s32 $0xFFFFFF80  }
0x349: {  	[tilespmem:s14], [sflag:$0x7] =	stream.linear.gather [hbm4b:s8+s3], $0x48, $0x38;
	[tilespmem:$0x19300] =	vst v63  }
0x34a: {  	_ =	swait.ge [sflag:s12], $0x48  }
0x34b: {  	[sflag:s12] =	ssyncset.done $0x0  }
0x34c: {  	[sflag:s12] =	ssyncadd.s32 $0xFFFFFFB8  }
0x34d: {  	[tilespmem:s16], [sflag:$0x1] =	stream.indirect.gather [hbm4b:s5+s15], $0x80, s3, s15, $0xb8;
	[tilespmem:$0x19300] =	vst v63  }
0x34e: {  	s26 =	simm.s32 $0x4300  }
0x34f: {  	[tilespmem:s26], [sflag:$0x1] =	stream.indirect.gather [hbm4b:s5+s17], $0x80, s14, s17, $0xb8;
	[tilespmem:$0x19300] =	vst v63  }
0x350: {  	_ =	swait.ge [sflag:s30], $0x4000  }
0x351: {  	[sflag:s30] =	ssyncset.done $0x0  }
0x352: {  	[sflag:s30] =	ssyncadd.s32 $0xFFFFC000  }
0x353: {  	_ =	swait.ge [sflag:s30], $0x2400  }
0x354: {  	[sflag:s30] =	ssyncset.done $0x0  }
0x355: {  	s8 =	simm.s32 $0xCD00;
	[sflag:s30] =	ssyncadd.s32 $0xFFFFDC00  }
0x356: {  	s10 =	simm.s32 $0x13100;
	v0 =	vld [tilespmem:s8+$0x180]  }
0x357: {  	v1 =	vld [tilespmem:s10+$0x180]  }
0x358: {  	v2 =	vld [tilespmem:s10+$0xFFFFFE00]  }
0x359: {  	v3 =	vld [tilespmem:s8+$0xFFFFFE80]  }
0x35a: {  	v4 =	vld [tilespmem:s8+$0xFFFFFF00]  }
0x35b: {  	v6 =	vld [tilespmem:s10+$0xFFFFFF00]  }
0x35c: {  	v7 =	vld [tilespmem:s8+$0xFFFFFF80]  }
0x35d: {  	v8 =	vld [tilespmem:s10+$0xFFFFFF80]  }
0x35e: {  	v9 =	vld [tilespmem:s8+$0x0]  }
0x35f: {  	v10 =	vld [tilespmem:s10+$0x0]  }
0x360: {  	v11 =	vld [tilespmem:s10+$0x80]  }
0x361: {  	v60 =	vld [tilespmem:s8+$0xFFFFFF90]  }
0x362: {  	v13 =	vld [tilespmem:s8+$0x10]  }
0x363: {  	v61 =	vld [tilespmem:s8+$0xFFFFFFA0]  }
0x364: {  	v62 =	vld [tilespmem:s8+$0xA0];
	v0 =	vadd.f32 v1, v0  }
0x365: {  	v1 =	vld [tilespmem:s10+$0xFFFFFE80]  }
0x366: {  	[tilespmem:s8+$0x180] =	vst v0;
	v0 =	vld [tilespmem:s8+$0x190]  }
0x367: {  	v5 =	vld [tilespmem:s10+$0x190]  }
0x368: {  	v63 =	vld [tilespmem:s8+$0xFFFFFE30];
	v4 =	vadd.f32 v6, v4  }
0x369: {  	v6 =	vld [tilespmem:s10+$0x100]  }
0x36a: {  	[tilespmem:s8+$0xFFFFFF00] =	vst v4;
	v4 =	vadd.f32 v10, v9;
	v10 =	vld [tilespmem:s8+$0xFFFFFE90];
	v1 =	vadd.f32 v1, v3  }
0x36b: {  	v3 =	vld [tilespmem:s8+$0x100]  }
0x36c: {  	[tilespmem:s8+$0xFFFFFE80] =	vst v1;
	v0 =	vadd.f32 v5, v0;
	v5 =	vld [tilespmem:s8+$0x80]  }
0x36d: {  	v1 =	vadd.f32 v8, v7;
	v8 =	vld [tilespmem:s10+$0xFFFFFE90]  }
0x36e: {  	[tilespmem:s8+$0x190] =	vst v0;
	v0 =	vld [tilespmem:s8+$0x1A0]  }
0x36f: {  	[tilespmem:s8+$0x0] =	vst v4;
	v12 =	vld [tilespmem:s10+$0x1A0]  }
0x370: {  	v9 =	vld [tilespmem:s10+$0x10]  }
0x371: {  	v7 =	vld [tilespmem:s8+$0xFFFFFE00]  }
0x372: {  	[tilespmem:s8+$0xFFFFFF80] =	vst v1;
	v1 =	vld [tilespmem:s10+$0xFFFFFF10]  }
0x373: {  	v4 =	vld [tilespmem:s10+$0xFFFFFF90];
	v8 =	vadd.f32 v8, v10  }
0x374: {  	v5 =	vadd.f32 v11, v5;
	v11 =	vld [tilespmem:s8+$0xFFFFFF10];
	v0 =	vadd.f32 v12, v0  }
0x375: {  	v10 =	vld [tilespmem:s8+$0x110];
	[tilespmem:s8+$0xFFFFFE90] =	vst v8  }
0x376: {  	v8 =	vld [tilespmem:s10+$0xFFFFFEA0];
	[tilespmem:s8+$0x1A0] =	vst v0;
	v0 =	vadd.f32 v2, v7  }
0x377: {  	[tilespmem:s8+$0x80] =	vst v5;
	v7 =	vld [tilespmem:s8+$0x1B0];
	v2 =	vadd.f32 v6, v3  }
0x378: {  	v5 =	vld [tilespmem:s10+$0x1B0];
	[tilespmem:s8+$0xFFFFFE00] =	vst v0  }
0x379: {  	v1 =	vadd.f32 v1, v11;
	[tilespmem:s8+$0x100] =	vst v2;
	v2 =	vld [tilespmem:s8+$0xFFFFFE10]  }
0x37a: {  	v3 =	vld [tilespmem:s10+$0xFFFFFE10]  }
0x37b: {  	[tilespmem:s8+$0xFFFFFF10] =	vst v1;
	v1 =	vadd.f32 v9, v13;
	v6 =	vld [tilespmem:s10+$0x110]  }
0x37c: {  	v4 =	vadd.f32 v4, v60;
	v0 =	vld [tilespmem:s10+$0x90]  }
0x37d: {  	v9 =	vld [tilespmem:s10+$0xFFFFFF20];
	[tilespmem:s8+$0x10] =	vst v1  }
0x37e: {  	[tilespmem:s8+$0xFFFFFF90] =	vst v4;
	v4 =	vld [tilespmem:s10+$0x20]  }
0x37f: {  	v2 =	vadd.f32 v3, v2;
	v3 =	vld [tilespmem:s8+$0x90]  }
0x380: {  	v1 =	vadd.f32 v6, v10;
	v10 =	vld [tilespmem:s8+$0xFFFFFF20]  }
0x381: {  	[tilespmem:s8+$0xFFFFFE10] =	vst v2;
	v2 =	vld [tilespmem:s8+$0xFFFFFE20]  }
0x382: {  	v11 =	vld [tilespmem:s10+$0xFFFFFE20]  }
0x383: {  	v5 =	vadd.f32 v5, v7;
	[tilespmem:s8+$0x110] =	vst v1;
	v1 =	vld [tilespmem:s8+$0xFFFFFEA0]  }
0x384: {  	v7 =	vld [tilespmem:s8+$0x30]  }
0x385: {  	[tilespmem:s8+$0x1B0] =	vst v5;
	v5 =	vld [tilespmem:s8+$0xB0]  }
0x386: {  	v6 =	vld [tilespmem:s10+$0x120]  }
0x387: {  	v0 =	vadd.f32 v0, v3;
	v3 =	vld [tilespmem:s10+$0xFFFFFFA0];
	v2 =	vadd.f32 v11, v2  }
0x388: {  	v1 =	vadd.f32 v8, v1;
	v8 =	vadd.f32 v9, v10;
	v9 =	vld [tilespmem:s8+$0xFFFFFF30]  }
0x389: {  	[tilespmem:s8+$0xFFFFFE20] =	vst v2;
	v2 =	vld [tilespmem:s8+$0x120]  }
0x38a: {  	[tilespmem:s8+$0x90] =	vst v0;
	v11 =	vld [tilespmem:s8+$0x20]  }
0x38b: {  	v0 =	vld [tilespmem:s10+$0xA0];
	[tilespmem:s8+$0xFFFFFEA0] =	vst v1  }
0x38c: {  	[tilespmem:s8+$0xFFFFFF20] =	vst v8;
	v8 =	vld [tilespmem:s8+$0xFFFFFFB0]  }
0x38d: {  	v1 =	vadd.f32 v3, v61;
	v14 =	vld [tilespmem:s10+$0xFFFFFEB0]  }
0x38e: {  	v10 =	vld [tilespmem:s10+$0xFFFFFE30];
	v6 =	vadd.f32 v6, v2  }
0x38f: {  	[tilespmem:s8+$0xFFFFFFA0] =	vst v1;
	v3 =	vadd.f32 v4, v11;
	v4 =	vld [tilespmem:s10+$0xFFFFFF30]  }
0x390: {  	v0 =	vadd.f32 v0, v62;
	[tilespmem:s8+$0x120] =	vst v6;
	v6 =	vld [tilespmem:s8+$0xFFFFFEB0]  }
0x391: {  	v1 =	vld [tilespmem:s10+$0xFFFFFFB0];
	[tilespmem:s8+$0x20] =	vst v3  }
0x392: {  	[tilespmem:s8+$0xA0] =	vst v0;
	v2 =	vld [tilespmem:s10+$0x30]  }
0x393: {  	v3 =	vld [tilespmem:s10+$0xB0];
	v10 =	vadd.f32 v10, v63  }
0x394: {  	v0 =	vld [tilespmem:s10+$0x130]  }
0x395: {  	s18 =	simm.s32 $0x0;
	s21 =	simm.s32 $0xD100;
	[tilespmem:s8+$0xFFFFFE30] =	vst v10;
	v10 =	vadd.f32 v14, v6;
	v6 =	vld [tilespmem:s8+$0x130]  }
.LBB2_13:
0x396: {  	v11 =	vld [tilespmem:s21+$0x180];
	v4 =	vadd.f32 v4, v9;
	s10 =	sadd.s32 $0x400, s10  }
0x397: {  	s18 =	sadd.s32 $0x8, s18;
	v9 =	vld [tilespmem:s10+$0x180];
	[tilespmem:s8+$0xFFFFFEB0] =	vst v10;
	v1 =	vadd.f32 v1, v8  }
0x398: {  	p0 =	slt.u32 s18, $0xC0;
	v8 =	vld [tilespmem:s10+$0xFFFFFE00];
	[tilespmem:s8+$0xFFFFFF30] =	vst v4;
	v2 =	vadd.f32 v2, v7  }
0x399: {  	v4 =	vld [tilespmem:s21+$0xFFFFFE80];
	[tilespmem:s8+$0xFFFFFFB0] =	vst v1;
	v1 =	vadd.f32 v3, v5  }
0x39a: {  	v3 =	vld [tilespmem:s10+$0xFFFFFE80];
	[tilespmem:s8+$0x30] =	vst v2;
	v0 =	vadd.f32 v0, v6  }
0x39b: {  	v2 =	vld [tilespmem:s21+$0xFFFFFF00];
	[tilespmem:s8+$0xB0] =	vst v1  }
0x39c: {  	v1 =	vld [tilespmem:s10+$0xFFFFFF00];
	v5 =	vadd.f32 v9, v11;
	[tilespmem:s8+$0x130] =	vst v0;
	s8 =	smov.u32 s21  }
0x39d: {  	v0 =	vld [tilespmem:s21+$0xFFFFFF80]  }
0x39e: {  	[tilespmem:s21+$0x180] =	vst v5;
	v5 =	vld [tilespmem:s21+$0x190]  }
0x39f: {  	v3 =	vadd.f32 v3, v4;
	v4 =	vld [tilespmem:s10+$0x190]  }
0x3a0: {  	v6 =	vld [tilespmem:s10+$0xFFFFFF80]  }
0x3a1: {  	[tilespmem:s21+$0xFFFFFE80] =	vst v3;
	v1 =	vadd.f32 v1, v2;
	v2 =	vld [tilespmem:s21+$0x0]  }
0x3a2: {  	v3 =	vld [tilespmem:s10+$0x0]  }
0x3a3: {  	[tilespmem:s21+$0xFFFFFF00] =	vst v1;
	v1 =	vld [tilespmem:s21+$0x80]  }
0x3a4: {  	v7 =	vld [tilespmem:s10+$0x80];
	v4 =	vadd.f32 v4, v5  }
0x3a5: {  	v0 =	vadd.f32 v6, v0;
	v5 =	vld [tilespmem:s21+$0x100]  }
0x3a6: {  	[tilespmem:s21+$0x190] =	vst v4;
	v4 =	vld [tilespmem:s21+$0x1A0]  }
0x3a7: {  	[tilespmem:s21+$0xFFFFFF80] =	vst v0;
	v0 =	vadd.f32 v3, v2;
	v2 =	vld [tilespmem:s10+$0x1A0]  }
0x3a8: {  	v3 =	vld [tilespmem:s10+$0x100]  }
0x3a9: {  	v6 =	vld [tilespmem:s21+$0xFFFFFE00];
	[tilespmem:s21+$0x0] =	vst v0;
	v0 =	vadd.f32 v7, v1  }
0x3aa: {  	v1 =	vld [tilespmem:s10+$0xFFFFFE90]  }
0x3ab: {  	v7 =	vld [tilespmem:s10+$0xFFFFFF10];
	[tilespmem:s21+$0x80] =	vst v0  }
0x3ac: {  	v0 =	vld [tilespmem:s10+$0xFFFFFF90];
	v2 =	vadd.f32 v2, v4  }
0x3ad: {  	v4 =	vld [tilespmem:s10+$0x10];
	v3 =	vadd.f32 v3, v5  }
0x3ae: {  	v5 =	vadd.f32 v8, v6;
	[tilespmem:s21+$0x1A0] =	vst v2;
	v2 =	vld [tilespmem:s21+$0x1B0]  }
0x3af: {  	[tilespmem:s21+$0x100] =	vst v3;
	v3 =	vld [tilespmem:s10+$0x1B0]  }
0x3b0: {  	[tilespmem:s21+$0xFFFFFE00] =	vst v5;
	v5 =	vld [tilespmem:s10+$0x90]  }
0x3b1: {  	v6 =	vld [tilespmem:s10+$0xFFFFFE10]  }
0x3b2: {  	v8 =	vld [tilespmem:s10+$0x110]  }
0x3b3: {  	v9 =	vld [tilespmem:s21+$0xFFFFFE10]  }
0x3b4: {  	v10 =	vld [tilespmem:s21+$0xFFFFFE90];
	v2 =	vadd.f32 v3, v2  }
0x3b5: {  	v3 =	vld [tilespmem:s21+$0xFFFFFF10]  }
0x3b6: {  	v11 =	vld [tilespmem:s21+$0xFFFFFF90];
	[tilespmem:s21+$0x1B0] =	vst v2  }
0x3b7: {  	v2 =	vld [tilespmem:s21+$0x10]  }
0x3b8: {  	v6 =	vadd.f32 v6, v9;
	v9 =	vld [tilespmem:s21+$0x90]  }
0x3b9: {  	v1 =	vadd.f32 v1, v10;
	v10 =	vld [tilespmem:s21+$0x110]  }
0x3ba: {  	[tilespmem:s21+$0xFFFFFE10] =	vst v6;
	v6 =	vld [tilespmem:s21+$0xFFFFFE20];
	v3 =	vadd.f32 v7, v3  }
0x3bb: {  	v7 =	vld [tilespmem:s10+$0xFFFFFE20];
	[tilespmem:s21+$0xFFFFFE90] =	vst v1;
	v0 =	vadd.f32 v0, v11  }
0x3bc: {  	v1 =	vld [tilespmem:s10+$0xFFFFFEA0];
	[tilespmem:s21+$0xFFFFFF10] =	vst v3;
	v2 =	vadd.f32 v4, v2  }
0x3bd: {  	v3 =	vld [tilespmem:s10+$0xFFFFFF20];
	[tilespmem:s21+$0xFFFFFF90] =	vst v0;
	v0 =	vadd.f32 v5, v9  }
0x3be: {  	v4 =	vld [tilespmem:s10+$0xFFFFFFA0];
	[tilespmem:s21+$0x10] =	vst v2;
	v2 =	vadd.f32 v8, v10  }
0x3bf: {  	v5 =	vld [tilespmem:s10+$0x20];
	[tilespmem:s21+$0x90] =	vst v0  }
0x3c0: {  	v0 =	vadd.f32 v7, v6;
	v6 =	vld [tilespmem:s10+$0xA0];
	[tilespmem:s21+$0x110] =	vst v2  }
0x3c1: {  	v2 =	vld [tilespmem:s10+$0x120]  }
0x3c2: {  	[tilespmem:s21+$0xFFFFFE20] =	vst v0;
	v0 =	vld [tilespmem:s21+$0xFFFFFEA0]  }
0x3c3: {  	v7 =	vld [tilespmem:s21+$0xFFFFFF20]  }
0x3c4: {  	v8 =	vld [tilespmem:s21+$0xFFFFFFA0]  }
0x3c5: {  	v9 =	vld [tilespmem:s21+$0x20]  }
0x3c6: {  	v10 =	vld [tilespmem:s21+$0xA0]  }
0x3c7: {  	v0 =	vadd.f32 v1, v0;
	v11 =	vld [tilespmem:s21+$0x120]  }
0x3c8: {  	v12 =	vld [tilespmem:s10+$0xFFFFFE30];
	v1 =	vadd.f32 v3, v7  }
0x3c9: {  	v3 =	vld [tilespmem:s21+$0xFFFFFE30];
	[tilespmem:s21+$0xFFFFFEA0] =	vst v0;
	v0 =	vadd.f32 v4, v8  }
0x3ca: {  	v13 =	vld [tilespmem:s10+$0xFFFFFEB0];
	[tilespmem:s21+$0xFFFFFF20] =	vst v1;
	v5 =	vadd.f32 v5, v9  }
0x3cb: {  	v4 =	vld [tilespmem:s10+$0xFFFFFF30];
	[tilespmem:s21+$0xFFFFFFA0] =	vst v0;
	v0 =	vadd.f32 v6, v10  }
0x3cc: {  	v1 =	vld [tilespmem:s10+$0xFFFFFFB0];
	[tilespmem:s21+$0x20] =	vst v5;
	v5 =	vadd.f32 v2, v11  }
0x3cd: {  	v2 =	vld [tilespmem:s10+$0x30];
	[tilespmem:s21+$0xA0] =	vst v0  }
0x3ce: {  	v6 =	vadd.f32 v12, v3;
	v3 =	vld [tilespmem:s10+$0xB0];
	[tilespmem:s21+$0x120] =	vst v5  }
0x3cf: {  	v0 =	vld [tilespmem:s10+$0x130]  }
0x3d0: {  	[tilespmem:s21+$0xFFFFFE30] =	vst v6;
	v6 =	vld [tilespmem:s21+$0xFFFFFEB0]  }
.Ltmp5:
0x3d1: {  	v9 =	vld [tilespmem:s21+$0xFFFFFF30];
	(pc) =	sbr.rel @p0 .LBB2_13-.Ltmp5, $4  }
0x3d2: {  	v8 =	vld [tilespmem:s21+$0xFFFFFFB0]  }
0x3d3: {  	v7 =	vld [tilespmem:s21+$0x30]  }
0x3d4: {  	v5 =	vld [tilespmem:s21+$0xB0]  }
0x3d5: {  	s21 =	sadd.s32 $0x400, s21;
	v10 =	vadd.f32 v13, v6;
	v6 =	vld [tilespmem:s8+$0x130]  }
0x3d6: {  	v4 =	vadd.f32 v4, v9  }
0x3d7: {  	s11 =	sadd.s32 $0x1, s11;
	[tilespmem:s8+$0xFFFFFEB0] =	vst v10;
	v1 =	vadd.f32 v1, v8  }
0x3d8: {  	p0 =	sne.s32 s11, $0x28;
	[tilespmem:s8+$0xFFFFFF30] =	vst v4;
	v2 =	vadd.f32 v2, v7  }
.Ltmp6:
0x3d9: {  	s10 =	sadd.s32 s9, s13;
	[tilespmem:s8+$0xFFFFFFB0] =	vst v1;
	v63 =	vadd.f32 v3, v5;
	(pc) =	sbr.rel @p0 .LBB2_8-.Ltmp6, $4  }
0x3da: {  	s10 =	smul.u32 $0xC80, s10;
	[tilespmem:s8+$0x30] =	vst v2;
	v0 =	vadd.f32 v0, v6  }
0x3db: {  	[tilespmem:s8+$0xB0] =	vst v63  }
0x3dc: {  	s26 =	sadd.s32 s7, s10;
	[tilespmem:s8+$0x130] =	vst v0  }
0x3dd: {  	[hbm4b:s26+s3] =	stream.linear.scatter [tilespmem:s25], [sflag:$0x6], $0x6400, $0x38;
	[tilespmem:$0x19300] =	vst v63  }
0x3de: {  	_ =	swait.ge [sflag:s0], $0x6400  }
0x3df: {  	[sflag:s0] =	ssyncset.done $0x0  }
0x3e0: {  	s8 =	rddreg [dreg:$0x19];
	[sflag:s0] =	ssyncadd.s32 $0xFFFF9C00  }
0x3e1: {  	[tilespmem:s15], [sflag:$0x7] =	stream.linear.gather [hbm4b:s8+s3], $0x80, $0x38;
	[tilespmem:$0x19300] =	vst v63  }
0x3e2: {  	_ =	swait.ge [sflag:s12], $0x80  }
0x3e3: {  	[sflag:s12] =	ssyncset.done $0x0  }
0x3e4: {  	s21 =	rddreg [dreg:$0x1a];
	[sflag:s12] =	ssyncadd.s32 $0xFFFFFF80  }
0x3e5: {  	[tilespmem:s19], [sflag:$0x7] =	stream.linear.gather [hbm4b:s21+s3], $0x48, $0x38;
	[tilespmem:$0x19300] =	vst v63  }
0x3e6: {  	_ =	swait.ge [sflag:s12], $0x48  }
0x3e7: {  	[sflag:s12] =	ssyncset.done $0x0  }
0x3e8: {  	[sflag:s12] =	ssyncadd.s32 $0xFFFFFFB8  }
0x3e9: {  	[tilespmem:s20], [sflag:$0x2] =	stream.indirect.gather [hbm4b:s5+s15], $0x80, s15, s15, $0xb8;
	[tilespmem:$0x19300] =	vst v63  }
0x3ea: {  	s26 =	simm.s32 $0xA700  }
0x3eb: {  	[tilespmem:s26], [sflag:$0x2] =	stream.indirect.gather [hbm4b:s5+s17], $0x80, s19, s17, $0xb8;
	[tilespmem:$0x19300] =	vst v63  }
0x3ec: {  	_ =	swait.ge [sflag:s22], $0x4000  }
0x3ed: {  	[sflag:s22] =	ssyncset.done $0x0  }
0x3ee: {  	[sflag:s22] =	ssyncadd.s32 $0xFFFFC000  }
0x3ef: {  	_ =	swait.ge [sflag:s22], $0x2400  }
0x3f0: {  	[sflag:s22] =	ssyncset.done $0x0  }
0x3f1: {  	s8 =	simm.s32 $0x500;
	[sflag:s22] =	ssyncadd.s32 $0xFFFFDC00  }
0x3f2: {  	s10 =	simm.s32 $0x13100;
	v0 =	vld [tilespmem:s8+$0x180]  }
0x3f3: {  	v1 =	vld [tilespmem:s10+$0x180]  }
0x3f4: {  	v2 =	vld [tilespmem:s10+$0xFFFFFE00]  }
0x3f5: {  	v3 =	vld [tilespmem:s8+$0xFFFFFE80]  }
0x3f6: {  	v4 =	vld [tilespmem:s8+$0xFFFFFF00]  }
0x3f7: {  	v6 =	vld [tilespmem:s10+$0xFFFFFF00]  }
0x3f8: {  	v7 =	vld [tilespmem:s8+$0xFFFFFF80]  }
0x3f9: {  	v8 =	vld [tilespmem:s10+$0xFFFFFF80]  }
0x3fa: {  	v9 =	vld [tilespmem:s8+$0x0]  }
0x3fb: {  	v10 =	vld [tilespmem:s10+$0x0]  }
0x3fc: {  	v11 =	vld [tilespmem:s10+$0x80]  }
0x3fd: {  	v60 =	vld [tilespmem:s8+$0xFFFFFF90]  }
0x3fe: {  	v13 =	vld [tilespmem:s8+$0x10]  }
0x3ff: {  	v61 =	vld [tilespmem:s8+$0xFFFFFFA0]  }
0x400: {  	v62 =	vld [tilespmem:s8+$0xA0];
	v0 =	vadd.f32 v1, v0  }
0x401: {  	v1 =	vld [tilespmem:s10+$0xFFFFFE80]  }
0x402: {  	[tilespmem:s8+$0x180] =	vst v0;
	v0 =	vld [tilespmem:s8+$0x190]  }
0x403: {  	v5 =	vld [tilespmem:s10+$0x190]  }
0x404: {  	v63 =	vld [tilespmem:s8+$0xFFFFFE30];
	v4 =	vadd.f32 v6, v4  }
0x405: {  	v6 =	vld [tilespmem:s10+$0x100]  }
0x406: {  	[tilespmem:s8+$0xFFFFFF00] =	vst v4;
	v4 =	vadd.f32 v10, v9;
	v10 =	vld [tilespmem:s8+$0xFFFFFE90];
	v1 =	vadd.f32 v1, v3  }
0x407: {  	v3 =	vld [tilespmem:s8+$0x100]  }
0x408: {  	[tilespmem:s8+$0xFFFFFE80] =	vst v1;
	v0 =	vadd.f32 v5, v0;
	v5 =	vld [tilespmem:s8+$0x80]  }
0x409: {  	v1 =	vadd.f32 v8, v7;
	v8 =	vld [tilespmem:s10+$0xFFFFFE90]  }
0x40a: {  	[tilespmem:s8+$0x190] =	vst v0;
	v0 =	vld [tilespmem:s8+$0x1A0]  }
0x40b: {  	[tilespmem:s8+$0x0] =	vst v4;
	v12 =	vld [tilespmem:s10+$0x1A0]  }
0x40c: {  	v9 =	vld [tilespmem:s10+$0x10]  }
0x40d: {  	v7 =	vld [tilespmem:s8+$0xFFFFFE00]  }
0x40e: {  	[tilespmem:s8+$0xFFFFFF80] =	vst v1;
	v1 =	vld [tilespmem:s10+$0xFFFFFF10]  }
0x40f: {  	v4 =	vld [tilespmem:s10+$0xFFFFFF90];
	v8 =	vadd.f32 v8, v10  }
0x410: {  	v5 =	vadd.f32 v11, v5;
	v11 =	vld [tilespmem:s8+$0xFFFFFF10];
	v0 =	vadd.f32 v12, v0  }
0x411: {  	v10 =	vld [tilespmem:s8+$0x110];
	[tilespmem:s8+$0xFFFFFE90] =	vst v8  }
0x412: {  	v8 =	vld [tilespmem:s10+$0xFFFFFEA0];
	[tilespmem:s8+$0x1A0] =	vst v0;
	v0 =	vadd.f32 v2, v7  }
0x413: {  	[tilespmem:s8+$0x80] =	vst v5;
	v7 =	vld [tilespmem:s8+$0x1B0];
	v2 =	vadd.f32 v6, v3  }
0x414: {  	v5 =	vld [tilespmem:s10+$0x1B0];
	[tilespmem:s8+$0xFFFFFE00] =	vst v0  }
0x415: {  	v1 =	vadd.f32 v1, v11;
	[tilespmem:s8+$0x100] =	vst v2;
	v2 =	vld [tilespmem:s8+$0xFFFFFE10]  }
0x416: {  	v3 =	vld [tilespmem:s10+$0xFFFFFE10]  }
0x417: {  	[tilespmem:s8+$0xFFFFFF10] =	vst v1;
	v1 =	vadd.f32 v9, v13;
	v6 =	vld [tilespmem:s10+$0x110]  }
0x418: {  	v4 =	vadd.f32 v4, v60;
	v0 =	vld [tilespmem:s10+$0x90]  }
0x419: {  	v9 =	vld [tilespmem:s10+$0xFFFFFF20];
	[tilespmem:s8+$0x10] =	vst v1  }
0x41a: {  	[tilespmem:s8+$0xFFFFFF90] =	vst v4;
	v4 =	vld [tilespmem:s10+$0x20]  }
0x41b: {  	v2 =	vadd.f32 v3, v2;
	v3 =	vld [tilespmem:s8+$0x90]  }
0x41c: {  	v1 =	vadd.f32 v6, v10;
	v10 =	vld [tilespmem:s8+$0xFFFFFF20]  }
0x41d: {  	[tilespmem:s8+$0xFFFFFE10] =	vst v2;
	v2 =	vld [tilespmem:s8+$0xFFFFFE20]  }
0x41e: {  	v11 =	vld [tilespmem:s10+$0xFFFFFE20]  }
0x41f: {  	v5 =	vadd.f32 v5, v7;
	[tilespmem:s8+$0x110] =	vst v1;
	v1 =	vld [tilespmem:s8+$0xFFFFFEA0]  }
0x420: {  	v7 =	vld [tilespmem:s8+$0x30]  }
0x421: {  	[tilespmem:s8+$0x1B0] =	vst v5;
	v5 =	vld [tilespmem:s8+$0xB0]  }
0x422: {  	v6 =	vld [tilespmem:s10+$0x120]  }
0x423: {  	v0 =	vadd.f32 v0, v3;
	v3 =	vld [tilespmem:s10+$0xFFFFFFA0];
	v2 =	vadd.f32 v11, v2  }
0x424: {  	v1 =	vadd.f32 v8, v1;
	v8 =	vadd.f32 v9, v10;
	v9 =	vld [tilespmem:s8+$0xFFFFFF30]  }
0x425: {  	[tilespmem:s8+$0xFFFFFE20] =	vst v2;
	v2 =	vld [tilespmem:s8+$0x120]  }
0x426: {  	[tilespmem:s8+$0x90] =	vst v0;
	v11 =	vld [tilespmem:s8+$0x20]  }
0x427: {  	v0 =	vld [tilespmem:s10+$0xA0];
	[tilespmem:s8+$0xFFFFFEA0] =	vst v1  }
0x428: {  	[tilespmem:s8+$0xFFFFFF20] =	vst v8;
	v8 =	vld [tilespmem:s8+$0xFFFFFFB0]  }
0x429: {  	v1 =	vadd.f32 v3, v61;
	v14 =	vld [tilespmem:s10+$0xFFFFFEB0]  }
0x42a: {  	v10 =	vld [tilespmem:s10+$0xFFFFFE30];
	v6 =	vadd.f32 v6, v2  }
0x42b: {  	[tilespmem:s8+$0xFFFFFFA0] =	vst v1;
	v3 =	vadd.f32 v4, v11;
	v4 =	vld [tilespmem:s10+$0xFFFFFF30]  }
0x42c: {  	v0 =	vadd.f32 v0, v62;
	[tilespmem:s8+$0x120] =	vst v6;
	v6 =	vld [tilespmem:s8+$0xFFFFFEB0]  }
0x42d: {  	v1 =	vld [tilespmem:s10+$0xFFFFFFB0];
	[tilespmem:s8+$0x20] =	vst v3  }
0x42e: {  	[tilespmem:s8+$0xA0] =	vst v0;
	v2 =	vld [tilespmem:s10+$0x30]  }
0x42f: {  	v3 =	vld [tilespmem:s10+$0xB0];
	v10 =	vadd.f32 v10, v63  }
0x430: {  	v0 =	vld [tilespmem:s10+$0x130]  }
0x431: {  	s11 =	simm.s32 $0x0;
	s13 =	simm.s32 $0x900;
	[tilespmem:s8+$0xFFFFFE30] =	vst v10;
	v10 =	vadd.f32 v14, v6;
	v6 =	vld [tilespmem:s8+$0x130]  }
.LBB2_16:
0x432: {  	v11 =	vld [tilespmem:s13+$0x180];
	v4 =	vadd.f32 v4, v9;
	s10 =	sadd.s32 $0x400, s10  }
0x433: {  	s11 =	sadd.s32 $0x8, s11;
	v9 =	vld [tilespmem:s10+$0x180];
	[tilespmem:s8+$0xFFFFFEB0] =	vst v10;
	v1 =	vadd.f32 v1, v8  }
0x434: {  	p0 =	slt.u32 s11, $0xC0;
	v8 =	vld [tilespmem:s10+$0xFFFFFE00];
	[tilespmem:s8+$0xFFFFFF30] =	vst v4;
	v2 =	vadd.f32 v2, v7  }
0x435: {  	v4 =	vld [tilespmem:s13+$0xFFFFFE80];
	[tilespmem:s8+$0xFFFFFFB0] =	vst v1;
	v1 =	vadd.f32 v3, v5  }
0x436: {  	v3 =	vld [tilespmem:s10+$0xFFFFFE80];
	[tilespmem:s8+$0x30] =	vst v2;
	v0 =	vadd.f32 v0, v6  }
0x437: {  	v2 =	vld [tilespmem:s13+$0xFFFFFF00];
	[tilespmem:s8+$0xB0] =	vst v1  }
0x438: {  	v1 =	vld [tilespmem:s10+$0xFFFFFF00];
	v5 =	vadd.f32 v9, v11;
	[tilespmem:s8+$0x130] =	vst v0;
	s8 =	smov.u32 s13  }
0x439: {  	v0 =	vld [tilespmem:s13+$0xFFFFFF80]  }
0x43a: {  	[tilespmem:s13+$0x180] =	vst v5;
	v5 =	vld [tilespmem:s13+$0x190]  }
0x43b: {  	v3 =	vadd.f32 v3, v4;
	v4 =	vld [tilespmem:s10+$0x190]  }
0x43c: {  	v6 =	vld [tilespmem:s10+$0xFFFFFF80]  }
0x43d: {  	[tilespmem:s13+$0xFFFFFE80] =	vst v3;
	v1 =	vadd.f32 v1, v2;
	v2 =	vld [tilespmem:s13+$0x0]  }
0x43e: {  	v3 =	vld [tilespmem:s10+$0x0]  }
0x43f: {  	[tilespmem:s13+$0xFFFFFF00] =	vst v1;
	v1 =	vld [tilespmem:s13+$0x80]  }
0x440: {  	v7 =	vld [tilespmem:s10+$0x80];
	v4 =	vadd.f32 v4, v5  }
0x441: {  	v0 =	vadd.f32 v6, v0;
	v5 =	vld [tilespmem:s13+$0x100]  }
0x442: {  	[tilespmem:s13+$0x190] =	vst v4;
	v4 =	vld [tilespmem:s13+$0x1A0]  }
0x443: {  	[tilespmem:s13+$0xFFFFFF80] =	vst v0;
	v0 =	vadd.f32 v3, v2;
	v2 =	vld [tilespmem:s10+$0x1A0]  }
0x444: {  	v3 =	vld [tilespmem:s10+$0x100]  }
0x445: {  	v6 =	vld [tilespmem:s13+$0xFFFFFE00];
	[tilespmem:s13+$0x0] =	vst v0;
	v0 =	vadd.f32 v7, v1  }
0x446: {  	v1 =	vld [tilespmem:s10+$0xFFFFFE90]  }
0x447: {  	v7 =	vld [tilespmem:s10+$0xFFFFFF10];
	[tilespmem:s13+$0x80] =	vst v0  }
0x448: {  	v0 =	vld [tilespmem:s10+$0xFFFFFF90];
	v2 =	vadd.f32 v2, v4  }
0x449: {  	v4 =	vld [tilespmem:s10+$0x10];
	v3 =	vadd.f32 v3, v5  }
0x44a: {  	v5 =	vadd.f32 v8, v6;
	[tilespmem:s13+$0x1A0] =	vst v2;
	v2 =	vld [tilespmem:s13+$0x1B0]  }
0x44b: {  	[tilespmem:s13+$0x100] =	vst v3;
	v3 =	vld [tilespmem:s10+$0x1B0]  }
0x44c: {  	[tilespmem:s13+$0xFFFFFE00] =	vst v5;
	v5 =	vld [tilespmem:s10+$0x90]  }
0x44d: {  	v6 =	vld [tilespmem:s10+$0xFFFFFE10]  }
0x44e: {  	v8 =	vld [tilespmem:s10+$0x110]  }
0x44f: {  	v9 =	vld [tilespmem:s13+$0xFFFFFE10]  }
0x450: {  	v10 =	vld [tilespmem:s13+$0xFFFFFE90];
	v2 =	vadd.f32 v3, v2  }
0x451: {  	v3 =	vld [tilespmem:s13+$0xFFFFFF10]  }
0x452: {  	v11 =	vld [tilespmem:s13+$0xFFFFFF90];
	[tilespmem:s13+$0x1B0] =	vst v2  }
0x453: {  	v2 =	vld [tilespmem:s13+$0x10]  }
0x454: {  	v6 =	vadd.f32 v6, v9;
	v9 =	vld [tilespmem:s13+$0x90]  }
0x455: {  	v1 =	vadd.f32 v1, v10;
	v10 =	vld [tilespmem:s13+$0x110]  }
0x456: {  	[tilespmem:s13+$0xFFFFFE10] =	vst v6;
	v6 =	vld [tilespmem:s13+$0xFFFFFE20];
	v3 =	vadd.f32 v7, v3  }
0x457: {  	v7 =	vld [tilespmem:s10+$0xFFFFFE20];
	[tilespmem:s13+$0xFFFFFE90] =	vst v1;
	v0 =	vadd.f32 v0, v11  }
0x458: {  	v1 =	vld [tilespmem:s10+$0xFFFFFEA0];
	[tilespmem:s13+$0xFFFFFF10] =	vst v3;
	v2 =	vadd.f32 v4, v2  }
0x459: {  	v3 =	vld [tilespmem:s10+$0xFFFFFF20];
	[tilespmem:s13+$0xFFFFFF90] =	vst v0;
	v0 =	vadd.f32 v5, v9  }
0x45a: {  	v4 =	vld [tilespmem:s10+$0xFFFFFFA0];
	[tilespmem:s13+$0x10] =	vst v2;
	v2 =	vadd.f32 v8, v10  }
0x45b: {  	v5 =	vld [tilespmem:s10+$0x20];
	[tilespmem:s13+$0x90] =	vst v0  }
0x45c: {  	v0 =	vadd.f32 v7, v6;
	v6 =	vld [tilespmem:s10+$0xA0];
	[tilespmem:s13+$0x110] =	vst v2  }
0x45d: {  	v2 =	vld [tilespmem:s10+$0x120]  }
0x45e: {  	[tilespmem:s13+$0xFFFFFE20] =	vst v0;
	v0 =	vld [tilespmem:s13+$0xFFFFFEA0]  }
0x45f: {  	v7 =	vld [tilespmem:s13+$0xFFFFFF20]  }
0x460: {  	v8 =	vld [tilespmem:s13+$0xFFFFFFA0]  }
0x461: {  	v9 =	vld [tilespmem:s13+$0x20]  }
0x462: {  	v10 =	vld [tilespmem:s13+$0xA0]  }
0x463: {  	v0 =	vadd.f32 v1, v0;
	v11 =	vld [tilespmem:s13+$0x120]  }
0x464: {  	v12 =	vld [tilespmem:s10+$0xFFFFFE30];
	v1 =	vadd.f32 v3, v7  }
0x465: {  	v3 =	vld [tilespmem:s13+$0xFFFFFE30];
	[tilespmem:s13+$0xFFFFFEA0] =	vst v0;
	v0 =	vadd.f32 v4, v8  }
0x466: {  	v13 =	vld [tilespmem:s10+$0xFFFFFEB0];
	[tilespmem:s13+$0xFFFFFF20] =	vst v1;
	v5 =	vadd.f32 v5, v9  }
0x467: {  	v4 =	vld [tilespmem:s10+$0xFFFFFF30];
	[tilespmem:s13+$0xFFFFFFA0] =	vst v0;
	v0 =	vadd.f32 v6, v10  }
0x468: {  	v1 =	vld [tilespmem:s10+$0xFFFFFFB0];
	[tilespmem:s13+$0x20] =	vst v5;
	v5 =	vadd.f32 v2, v11  }
0x469: {  	v2 =	vld [tilespmem:s10+$0x30];
	[tilespmem:s13+$0xA0] =	vst v0  }
0x46a: {  	v6 =	vadd.f32 v12, v3;
	v3 =	vld [tilespmem:s10+$0xB0];
	[tilespmem:s13+$0x120] =	vst v5  }
0x46b: {  	v0 =	vld [tilespmem:s10+$0x130]  }
0x46c: {  	[tilespmem:s13+$0xFFFFFE30] =	vst v6;
	v6 =	vld [tilespmem:s13+$0xFFFFFEB0]  }
.Ltmp7:
0x46d: {  	v9 =	vld [tilespmem:s13+$0xFFFFFF30];
	(pc) =	sbr.rel @p0 .LBB2_16-.Ltmp7, $4  }
0x46e: {  	v8 =	vld [tilespmem:s13+$0xFFFFFFB0]  }
0x46f: {  	v7 =	vld [tilespmem:s13+$0x30]  }
0x470: {  	v5 =	vld [tilespmem:s13+$0xB0]  }
0x471: {  	s13 =	sadd.s32 $0x400, s13;
	v10 =	vadd.f32 v13, v6;
	v6 =	vld [tilespmem:s8+$0x130]  }
0x472: {  	v4 =	vadd.f32 v4, v9  }
0x473: {  	[tilespmem:s8+$0xFFFFFEB0] =	vst v10;
	v1 =	vadd.f32 v1, v8  }
0x474: {  	[tilespmem:s8+$0xFFFFFF30] =	vst v4;
	v2 =	vadd.f32 v2, v7  }
0x475: {  	[tilespmem:s8+$0xFFFFFFB0] =	vst v1;
	v1 =	vadd.f32 v3, v5  }
0x476: {  	[tilespmem:s8+$0x30] =	vst v2;
	v0 =	vadd.f32 v0, v6  }
0x477: {  	[tilespmem:s8+$0xB0] =	vst v1  }
0x478: {  	[tilespmem:s8+$0x130] =	vst v0  }
0x479: {  	s8 =	rddreg [dreg:$0xb]  }
0x47a: {  	[hbm4b:s8+s3] =	stream.linear.scatter [tilespmem:s16], [sflag:$0x4], $0x6400, $0x38;
	[tilespmem:$0x19300] =	vst v63  }
0x47b: {  	_ =	swait.ge [sflag:s6], $0x6400  }
0x47c: {  	[sflag:s6] =	ssyncset.done $0x0  }
0x47d: {  	s18 =	rddreg [dreg:$0xc];
	[sflag:s6] =	ssyncadd.s32 $0xFFFF9C00  }
0x47e: {  	[tilespmem:s23], [sflag:$0x7] =	stream.linear.gather [hbm4b:s18+s3], $0x80, $0x38;
	[tilespmem:$0x19300] =	vst v63  }
0x47f: {  	_ =	swait.ge [sflag:s12], $0x80  }
0x480: {  	[sflag:s12] =	ssyncset.done $0x0  }
0x481: {  	s21 =	rddreg [dreg:$0xd];
	[sflag:s12] =	ssyncadd.s32 $0xFFFFFF80  }
0x482: {  	[tilespmem:s24], [sflag:$0x7] =	stream.linear.gather [hbm4b:s21+s3], $0x48, $0x38;
	[tilespmem:$0x19300] =	vst v63  }
0x483: {  	_ =	swait.ge [sflag:s12], $0x48  }
0x484: {  	[sflag:s12] =	ssyncset.done $0x0  }
0x485: {  	[sflag:s12] =	ssyncadd.s32 $0xFFFFFFB8  }
0x486: {  	[tilespmem:s25], [sflag:$0x3] =	stream.indirect.gather [hbm4b:s5+s15], $0x80, s23, s15, $0xb8;
	[tilespmem:$0x19300] =	vst v63  }
0x487: {  	s26 =	simm.s32 $0x10B00  }
0x488: {  	[tilespmem:s26], [sflag:$0x3] =	stream.indirect.gather [hbm4b:s5+s17], $0x80, s24, s17, $0xb8;
	[tilespmem:$0x19300] =	vst v63  }
0x489: {  	_ =	swait.ge [sflag:s28], $0x4000  }
0x48a: {  	[sflag:s28] =	ssyncset.done $0x0  }
0x48b: {  	[sflag:s28] =	ssyncadd.s32 $0xFFFFC000  }
0x48c: {  	_ =	swait.ge [sflag:s28], $0x2400  }
0x48d: {  	[sflag:s28] =	ssyncset.done $0x0  }
0x48e: {  	s8 =	simm.s32 $0x6900;
	[sflag:s28] =	ssyncadd.s32 $0xFFFFDC00  }
0x48f: {  	s10 =	simm.s32 $0x13100;
	v0 =	vld [tilespmem:s8+$0x180]  }
0x490: {  	v1 =	vld [tilespmem:s10+$0x180]  }
0x491: {  	v2 =	vld [tilespmem:s10+$0xFFFFFE00]  }
0x492: {  	v3 =	vld [tilespmem:s8+$0xFFFFFE80]  }
0x493: {  	v4 =	vld [tilespmem:s8+$0xFFFFFF00]  }
0x494: {  	v6 =	vld [tilespmem:s10+$0xFFFFFF00]  }
0x495: {  	v7 =	vld [tilespmem:s8+$0xFFFFFF80]  }
0x496: {  	v8 =	vld [tilespmem:s10+$0xFFFFFF80]  }
0x497: {  	v9 =	vld [tilespmem:s8+$0x0]  }
0x498: {  	v10 =	vld [tilespmem:s10+$0x0]  }
0x499: {  	v11 =	vld [tilespmem:s10+$0x80]  }
0x49a: {  	v60 =	vld [tilespmem:s8+$0xFFFFFF90]  }
0x49b: {  	v13 =	vld [tilespmem:s8+$0x10]  }
0x49c: {  	v61 =	vld [tilespmem:s8+$0xFFFFFFA0]  }
0x49d: {  	v62 =	vld [tilespmem:s8+$0xA0];
	v0 =	vadd.f32 v1, v0  }
0x49e: {  	v1 =	vld [tilespmem:s10+$0xFFFFFE80]  }
0x49f: {  	[tilespmem:s8+$0x180] =	vst v0;
	v0 =	vld [tilespmem:s8+$0x190]  }
0x4a0: {  	v5 =	vld [tilespmem:s10+$0x190]  }
0x4a1: {  	v63 =	vld [tilespmem:s8+$0xFFFFFE30];
	v4 =	vadd.f32 v6, v4  }
0x4a2: {  	v6 =	vld [tilespmem:s10+$0x100]  }
0x4a3: {  	[tilespmem:s8+$0xFFFFFF00] =	vst v4;
	v4 =	vadd.f32 v10, v9;
	v10 =	vld [tilespmem:s8+$0xFFFFFE90];
	v1 =	vadd.f32 v1, v3  }
0x4a4: {  	v3 =	vld [tilespmem:s8+$0x100]  }
0x4a5: {  	[tilespmem:s8+$0xFFFFFE80] =	vst v1;
	v0 =	vadd.f32 v5, v0;
	v5 =	vld [tilespmem:s8+$0x80]  }
0x4a6: {  	v1 =	vadd.f32 v8, v7;
	v8 =	vld [tilespmem:s10+$0xFFFFFE90]  }
0x4a7: {  	[tilespmem:s8+$0x190] =	vst v0;
	v0 =	vld [tilespmem:s8+$0x1A0]  }
0x4a8: {  	[tilespmem:s8+$0x0] =	vst v4;
	v12 =	vld [tilespmem:s10+$0x1A0]  }
0x4a9: {  	v9 =	vld [tilespmem:s10+$0x10]  }
0x4aa: {  	v7 =	vld [tilespmem:s8+$0xFFFFFE00]  }
0x4ab: {  	[tilespmem:s8+$0xFFFFFF80] =	vst v1;
	v1 =	vld [tilespmem:s10+$0xFFFFFF10]  }
0x4ac: {  	v4 =	vld [tilespmem:s10+$0xFFFFFF90];
	v8 =	vadd.f32 v8, v10  }
0x4ad: {  	v5 =	vadd.f32 v11, v5;
	v11 =	vld [tilespmem:s8+$0xFFFFFF10];
	v0 =	vadd.f32 v12, v0  }
0x4ae: {  	v10 =	vld [tilespmem:s8+$0x110];
	[tilespmem:s8+$0xFFFFFE90] =	vst v8  }
0x4af: {  	v8 =	vld [tilespmem:s10+$0xFFFFFEA0];
	[tilespmem:s8+$0x1A0] =	vst v0;
	v0 =	vadd.f32 v2, v7  }
0x4b0: {  	[tilespmem:s8+$0x80] =	vst v5;
	v7 =	vld [tilespmem:s8+$0x1B0];
	v2 =	vadd.f32 v6, v3  }
0x4b1: {  	v5 =	vld [tilespmem:s10+$0x1B0];
	[tilespmem:s8+$0xFFFFFE00] =	vst v0  }
0x4b2: {  	v1 =	vadd.f32 v1, v11;
	[tilespmem:s8+$0x100] =	vst v2;
	v2 =	vld [tilespmem:s8+$0xFFFFFE10]  }
0x4b3: {  	v3 =	vld [tilespmem:s10+$0xFFFFFE10]  }
0x4b4: {  	[tilespmem:s8+$0xFFFFFF10] =	vst v1;
	v1 =	vadd.f32 v9, v13;
	v6 =	vld [tilespmem:s10+$0x110]  }
0x4b5: {  	v4 =	vadd.f32 v4, v60;
	v0 =	vld [tilespmem:s10+$0x90]  }
0x4b6: {  	v9 =	vld [tilespmem:s10+$0xFFFFFF20];
	[tilespmem:s8+$0x10] =	vst v1  }
0x4b7: {  	[tilespmem:s8+$0xFFFFFF90] =	vst v4;
	v4 =	vld [tilespmem:s10+$0x20]  }
0x4b8: {  	v2 =	vadd.f32 v3, v2;
	v3 =	vld [tilespmem:s8+$0x90]  }
0x4b9: {  	v1 =	vadd.f32 v6, v10;
	v10 =	vld [tilespmem:s8+$0xFFFFFF20]  }
0x4ba: {  	[tilespmem:s8+$0xFFFFFE10] =	vst v2;
	v2 =	vld [tilespmem:s8+$0xFFFFFE20]  }
0x4bb: {  	v11 =	vld [tilespmem:s10+$0xFFFFFE20]  }
0x4bc: {  	v5 =	vadd.f32 v5, v7;
	[tilespmem:s8+$0x110] =	vst v1;
	v1 =	vld [tilespmem:s8+$0xFFFFFEA0]  }
0x4bd: {  	v7 =	vld [tilespmem:s8+$0x30]  }
0x4be: {  	[tilespmem:s8+$0x1B0] =	vst v5;
	v5 =	vld [tilespmem:s8+$0xB0]  }
0x4bf: {  	v6 =	vld [tilespmem:s10+$0x120]  }
0x4c0: {  	v0 =	vadd.f32 v0, v3;
	v3 =	vld [tilespmem:s10+$0xFFFFFFA0];
	v2 =	vadd.f32 v11, v2  }
0x4c1: {  	v1 =	vadd.f32 v8, v1;
	v8 =	vadd.f32 v9, v10;
	v9 =	vld [tilespmem:s8+$0xFFFFFF30]  }
0x4c2: {  	[tilespmem:s8+$0xFFFFFE20] =	vst v2;
	v2 =	vld [tilespmem:s8+$0x120]  }
0x4c3: {  	[tilespmem:s8+$0x90] =	vst v0;
	v11 =	vld [tilespmem:s8+$0x20]  }
0x4c4: {  	v0 =	vld [tilespmem:s10+$0xA0];
	[tilespmem:s8+$0xFFFFFEA0] =	vst v1  }
0x4c5: {  	[tilespmem:s8+$0xFFFFFF20] =	vst v8;
	v8 =	vld [tilespmem:s8+$0xFFFFFFB0]  }
0x4c6: {  	v1 =	vadd.f32 v3, v61;
	v14 =	vld [tilespmem:s10+$0xFFFFFEB0]  }
0x4c7: {  	v10 =	vld [tilespmem:s10+$0xFFFFFE30];
	v6 =	vadd.f32 v6, v2  }
0x4c8: {  	[tilespmem:s8+$0xFFFFFFA0] =	vst v1;
	v3 =	vadd.f32 v4, v11;
	v4 =	vld [tilespmem:s10+$0xFFFFFF30]  }
0x4c9: {  	v0 =	vadd.f32 v0, v62;
	[tilespmem:s8+$0x120] =	vst v6;
	v6 =	vld [tilespmem:s8+$0xFFFFFEB0]  }
0x4ca: {  	v1 =	vld [tilespmem:s10+$0xFFFFFFB0];
	[tilespmem:s8+$0x20] =	vst v3  }
0x4cb: {  	[tilespmem:s8+$0xA0] =	vst v0;
	v2 =	vld [tilespmem:s10+$0x30]  }
0x4cc: {  	v3 =	vld [tilespmem:s10+$0xB0];
	v10 =	vadd.f32 v10, v63  }
0x4cd: {  	v0 =	vld [tilespmem:s10+$0x130]  }
0x4ce: {  	s11 =	simm.s32 $0x0;
	s13 =	simm.s32 $0x6D00;
	[tilespmem:s8+$0xFFFFFE30] =	vst v10;
	v10 =	vadd.f32 v14, v6;
	v6 =	vld [tilespmem:s8+$0x130]  }
.LBB2_18:
0x4cf: {  	v11 =	vld [tilespmem:s13+$0x180];
	v4 =	vadd.f32 v4, v9;
	s10 =	sadd.s32 $0x400, s10  }
0x4d0: {  	s11 =	sadd.s32 $0x8, s11;
	v9 =	vld [tilespmem:s10+$0x180];
	[tilespmem:s8+$0xFFFFFEB0] =	vst v10;
	v1 =	vadd.f32 v1, v8  }
0x4d1: {  	p0 =	slt.u32 s11, $0xC0;
	v8 =	vld [tilespmem:s10+$0xFFFFFE00];
	[tilespmem:s8+$0xFFFFFF30] =	vst v4;
	v2 =	vadd.f32 v2, v7  }
0x4d2: {  	v4 =	vld [tilespmem:s13+$0xFFFFFE80];
	[tilespmem:s8+$0xFFFFFFB0] =	vst v1;
	v1 =	vadd.f32 v3, v5  }
0x4d3: {  	v3 =	vld [tilespmem:s10+$0xFFFFFE80];
	[tilespmem:s8+$0x30] =	vst v2;
	v0 =	vadd.f32 v0, v6  }
0x4d4: {  	v2 =	vld [tilespmem:s13+$0xFFFFFF00];
	[tilespmem:s8+$0xB0] =	vst v1  }
0x4d5: {  	v1 =	vld [tilespmem:s10+$0xFFFFFF00];
	v5 =	vadd.f32 v9, v11;
	[tilespmem:s8+$0x130] =	vst v0;
	s8 =	smov.u32 s13  }
0x4d6: {  	v0 =	vld [tilespmem:s13+$0xFFFFFF80]  }
0x4d7: {  	[tilespmem:s13+$0x180] =	vst v5;
	v5 =	vld [tilespmem:s13+$0x190]  }
0x4d8: {  	v3 =	vadd.f32 v3, v4;
	v4 =	vld [tilespmem:s10+$0x190]  }
0x4d9: {  	v6 =	vld [tilespmem:s10+$0xFFFFFF80]  }
0x4da: {  	[tilespmem:s13+$0xFFFFFE80] =	vst v3;
	v1 =	vadd.f32 v1, v2;
	v2 =	vld [tilespmem:s13+$0x0]  }
0x4db: {  	v3 =	vld [tilespmem:s10+$0x0]  }
0x4dc: {  	[tilespmem:s13+$0xFFFFFF00] =	vst v1;
	v1 =	vld [tilespmem:s13+$0x80]  }
0x4dd: {  	v7 =	vld [tilespmem:s10+$0x80];
	v4 =	vadd.f32 v4, v5  }
0x4de: {  	v0 =	vadd.f32 v6, v0;
	v5 =	vld [tilespmem:s13+$0x100]  }
0x4df: {  	[tilespmem:s13+$0x190] =	vst v4;
	v4 =	vld [tilespmem:s13+$0x1A0]  }
0x4e0: {  	[tilespmem:s13+$0xFFFFFF80] =	vst v0;
	v0 =	vadd.f32 v3, v2;
	v2 =	vld [tilespmem:s10+$0x1A0]  }
0x4e1: {  	v3 =	vld [tilespmem:s10+$0x100]  }
0x4e2: {  	v6 =	vld [tilespmem:s13+$0xFFFFFE00];
	[tilespmem:s13+$0x0] =	vst v0;
	v0 =	vadd.f32 v7, v1  }
0x4e3: {  	v1 =	vld [tilespmem:s10+$0xFFFFFE90]  }
0x4e4: {  	v7 =	vld [tilespmem:s10+$0xFFFFFF10];
	[tilespmem:s13+$0x80] =	vst v0  }
0x4e5: {  	v0 =	vld [tilespmem:s10+$0xFFFFFF90];
	v2 =	vadd.f32 v2, v4  }
0x4e6: {  	v4 =	vld [tilespmem:s10+$0x10];
	v3 =	vadd.f32 v3, v5  }
0x4e7: {  	v5 =	vadd.f32 v8, v6;
	[tilespmem:s13+$0x1A0] =	vst v2;
	v2 =	vld [tilespmem:s13+$0x1B0]  }
0x4e8: {  	[tilespmem:s13+$0x100] =	vst v3;
	v3 =	vld [tilespmem:s10+$0x1B0]  }
0x4e9: {  	[tilespmem:s13+$0xFFFFFE00] =	vst v5;
	v5 =	vld [tilespmem:s10+$0x90]  }
0x4ea: {  	v6 =	vld [tilespmem:s10+$0xFFFFFE10]  }
0x4eb: {  	v8 =	vld [tilespmem:s10+$0x110]  }
0x4ec: {  	v9 =	vld [tilespmem:s13+$0xFFFFFE10]  }
0x4ed: {  	v10 =	vld [tilespmem:s13+$0xFFFFFE90];
	v2 =	vadd.f32 v3, v2  }
0x4ee: {  	v3 =	vld [tilespmem:s13+$0xFFFFFF10]  }
0x4ef: {  	v11 =	vld [tilespmem:s13+$0xFFFFFF90];
	[tilespmem:s13+$0x1B0] =	vst v2  }
0x4f0: {  	v2 =	vld [tilespmem:s13+$0x10]  }
0x4f1: {  	v6 =	vadd.f32 v6, v9;
	v9 =	vld [tilespmem:s13+$0x90]  }
0x4f2: {  	v1 =	vadd.f32 v1, v10;
	v10 =	vld [tilespmem:s13+$0x110]  }
0x4f3: {  	[tilespmem:s13+$0xFFFFFE10] =	vst v6;
	v6 =	vld [tilespmem:s13+$0xFFFFFE20];
	v3 =	vadd.f32 v7, v3  }
0x4f4: {  	v7 =	vld [tilespmem:s10+$0xFFFFFE20];
	[tilespmem:s13+$0xFFFFFE90] =	vst v1;
	v0 =	vadd.f32 v0, v11  }
0x4f5: {  	v1 =	vld [tilespmem:s10+$0xFFFFFEA0];
	[tilespmem:s13+$0xFFFFFF10] =	vst v3;
	v2 =	vadd.f32 v4, v2  }
0x4f6: {  	v3 =	vld [tilespmem:s10+$0xFFFFFF20];
	[tilespmem:s13+$0xFFFFFF90] =	vst v0;
	v0 =	vadd.f32 v5, v9  }
0x4f7: {  	v4 =	vld [tilespmem:s10+$0xFFFFFFA0];
	[tilespmem:s13+$0x10] =	vst v2;
	v2 =	vadd.f32 v8, v10  }
0x4f8: {  	v5 =	vld [tilespmem:s10+$0x20];
	[tilespmem:s13+$0x90] =	vst v0  }
0x4f9: {  	v0 =	vadd.f32 v7, v6;
	v6 =	vld [tilespmem:s10+$0xA0];
	[tilespmem:s13+$0x110] =	vst v2  }
0x4fa: {  	v2 =	vld [tilespmem:s10+$0x120]  }
0x4fb: {  	[tilespmem:s13+$0xFFFFFE20] =	vst v0;
	v0 =	vld [tilespmem:s13+$0xFFFFFEA0]  }
0x4fc: {  	v7 =	vld [tilespmem:s13+$0xFFFFFF20]  }
0x4fd: {  	v8 =	vld [tilespmem:s13+$0xFFFFFFA0]  }
0x4fe: {  	v9 =	vld [tilespmem:s13+$0x20]  }
0x4ff: {  	v10 =	vld [tilespmem:s13+$0xA0]  }
0x500: {  	v0 =	vadd.f32 v1, v0;
	v11 =	vld [tilespmem:s13+$0x120]  }
0x501: {  	v12 =	vld [tilespmem:s10+$0xFFFFFE30];
	v1 =	vadd.f32 v3, v7  }
0x502: {  	v3 =	vld [tilespmem:s13+$0xFFFFFE30];
	[tilespmem:s13+$0xFFFFFEA0] =	vst v0;
	v0 =	vadd.f32 v4, v8  }
0x503: {  	v13 =	vld [tilespmem:s10+$0xFFFFFEB0];
	[tilespmem:s13+$0xFFFFFF20] =	vst v1;
	v5 =	vadd.f32 v5, v9  }
0x504: {  	v4 =	vld [tilespmem:s10+$0xFFFFFF30];
	[tilespmem:s13+$0xFFFFFFA0] =	vst v0;
	v0 =	vadd.f32 v6, v10  }
0x505: {  	v1 =	vld [tilespmem:s10+$0xFFFFFFB0];
	[tilespmem:s13+$0x20] =	vst v5;
	v5 =	vadd.f32 v2, v11  }
0x506: {  	v2 =	vld [tilespmem:s10+$0x30];
	[tilespmem:s13+$0xA0] =	vst v0  }
0x507: {  	v6 =	vadd.f32 v12, v3;
	v3 =	vld [tilespmem:s10+$0xB0];
	[tilespmem:s13+$0x120] =	vst v5  }
0x508: {  	v0 =	vld [tilespmem:s10+$0x130]  }
0x509: {  	[tilespmem:s13+$0xFFFFFE30] =	vst v6;
	v6 =	vld [tilespmem:s13+$0xFFFFFEB0]  }
.Ltmp8:
0x50a: {  	v9 =	vld [tilespmem:s13+$0xFFFFFF30];
	(pc) =	sbr.rel @p0 .LBB2_18-.Ltmp8, $4  }
0x50b: {  	v8 =	vld [tilespmem:s13+$0xFFFFFFB0]  }
0x50c: {  	v7 =	vld [tilespmem:s13+$0x30]  }
0x50d: {  	v5 =	vld [tilespmem:s13+$0xB0]  }
0x50e: {  	s13 =	sadd.s32 $0x400, s13;
	v10 =	vadd.f32 v13, v6;
	v6 =	vld [tilespmem:s8+$0x130]  }
0x50f: {  	v4 =	vadd.f32 v4, v9  }
0x510: {  	[tilespmem:s8+$0xFFFFFEB0] =	vst v10;
	v1 =	vadd.f32 v1, v8  }
0x511: {  	[tilespmem:s8+$0xFFFFFF30] =	vst v4;
	v2 =	vadd.f32 v2, v7  }
0x512: {  	[tilespmem:s8+$0xFFFFFFB0] =	vst v1;
	v1 =	vadd.f32 v3, v5  }
0x513: {  	[tilespmem:s8+$0x30] =	vst v2;
	v0 =	vadd.f32 v0, v6  }
0x514: {  	[tilespmem:s8+$0xB0] =	vst v1  }
0x515: {  	[tilespmem:s8+$0x130] =	vst v0  }
0x516: {  	s8 =	rddreg [dreg:$0xe]  }
0x517: {  	[hbm4b:s8+s3] =	stream.linear.scatter [tilespmem:s20], [sflag:$0x5], $0x6400, $0x38;
	[tilespmem:$0x19300] =	vst v63  }
0x518: {  	_ =	swait.ge [sflag:s29], $0x6400  }
0x519: {  	[sflag:s29] =	ssyncset.done $0x0  }
0x51a: {  	s18 =	rddreg [dreg:$0x1b];
	[sflag:s29] =	ssyncadd.s32 $0xFFFF9C00  }
0x51b: {  	[tilespmem:s3], [sflag:$0x7] =	stream.linear.gather [hbm4b:s18+s3], $0x80, $0x38;
	[tilespmem:$0x19300] =	vst v63  }
0x51c: {  	_ =	swait.ge [sflag:s12], $0x80  }
0x51d: {  	[sflag:s12] =	ssyncset.done $0x0  }
0x51e: {  	s21 =	rddreg [dreg:$0x1c];
	[sflag:s12] =	ssyncadd.s32 $0xFFFFFF80  }
0x51f: {  	[tilespmem:s14], [sflag:$0x7] =	stream.linear.gather [hbm4b:s21+s3], $0x48, $0x38;
	[tilespmem:$0x19300] =	vst v63  }
0x520: {  	_ =	swait.ge [sflag:s12], $0x48  }
0x521: {  	[sflag:s12] =	ssyncset.done $0x0  }
0x522: {  	[sflag:s12] =	ssyncadd.s32 $0xFFFFFFB8  }
0x523: {  	[tilespmem:s16], [sflag:$0x1] =	stream.indirect.gather [hbm4b:s5+s15], $0x80, s3, s15, $0xb8;
	[tilespmem:$0x19300] =	vst v63  }
0x524: {  	s26 =	simm.s32 $0x4300  }
0x525: {  	[tilespmem:s26], [sflag:$0x1] =	stream.indirect.gather [hbm4b:s5+s17], $0x80, s14, s17, $0xb8;
	[tilespmem:$0x19300] =	vst v63  }
0x526: {  	_ =	swait.ge [sflag:s30], $0x4000  }
0x527: {  	[sflag:s30] =	ssyncset.done $0x0  }
0x528: {  	[sflag:s30] =	ssyncadd.s32 $0xFFFFC000  }
0x529: {  	_ =	swait.ge [sflag:s30], $0x2400  }
0x52a: {  	[sflag:s30] =	ssyncset.done $0x0  }
0x52b: {  	s8 =	simm.s32 $0xCD00;
	[sflag:s30] =	ssyncadd.s32 $0xFFFFDC00  }
0x52c: {  	s10 =	simm.s32 $0x13100;
	v0 =	vld [tilespmem:s8+$0x180]  }
0x52d: {  	v1 =	vld [tilespmem:s10+$0x180]  }
0x52e: {  	v2 =	vld [tilespmem:s10+$0xFFFFFE00]  }
0x52f: {  	v3 =	vld [tilespmem:s8+$0xFFFFFE80]  }
0x530: {  	v4 =	vld [tilespmem:s8+$0xFFFFFF00]  }
0x531: {  	v6 =	vld [tilespmem:s10+$0xFFFFFF00]  }
0x532: {  	v7 =	vld [tilespmem:s8+$0xFFFFFF80]  }
0x533: {  	v8 =	vld [tilespmem:s10+$0xFFFFFF80]  }
0x534: {  	v9 =	vld [tilespmem:s8+$0x0]  }
0x535: {  	v10 =	vld [tilespmem:s10+$0x0]  }
0x536: {  	v11 =	vld [tilespmem:s10+$0x80]  }
0x537: {  	v60 =	vld [tilespmem:s8+$0xFFFFFF90]  }
0x538: {  	v13 =	vld [tilespmem:s8+$0x10]  }
0x539: {  	v61 =	vld [tilespmem:s8+$0xFFFFFFA0]  }
0x53a: {  	v62 =	vld [tilespmem:s8+$0xA0];
	v0 =	vadd.f32 v1, v0  }
0x53b: {  	v1 =	vld [tilespmem:s10+$0xFFFFFE80]  }
0x53c: {  	[tilespmem:s8+$0x180] =	vst v0;
	v0 =	vld [tilespmem:s8+$0x190]  }
0x53d: {  	v5 =	vld [tilespmem:s10+$0x190]  }
0x53e: {  	v63 =	vld [tilespmem:s8+$0xFFFFFE30];
	v4 =	vadd.f32 v6, v4  }
0x53f: {  	v6 =	vld [tilespmem:s10+$0x100]  }
0x540: {  	[tilespmem:s8+$0xFFFFFF00] =	vst v4;
	v4 =	vadd.f32 v10, v9;
	v10 =	vld [tilespmem:s8+$0xFFFFFE90];
	v1 =	vadd.f32 v1, v3  }
0x541: {  	v3 =	vld [tilespmem:s8+$0x100]  }
0x542: {  	[tilespmem:s8+$0xFFFFFE80] =	vst v1;
	v0 =	vadd.f32 v5, v0;
	v5 =	vld [tilespmem:s8+$0x80]  }
0x543: {  	v1 =	vadd.f32 v8, v7;
	v8 =	vld [tilespmem:s10+$0xFFFFFE90]  }
0x544: {  	[tilespmem:s8+$0x190] =	vst v0;
	v0 =	vld [tilespmem:s8+$0x1A0]  }
0x545: {  	[tilespmem:s8+$0x0] =	vst v4;
	v12 =	vld [tilespmem:s10+$0x1A0]  }
0x546: {  	v9 =	vld [tilespmem:s10+$0x10]  }
0x547: {  	v7 =	vld [tilespmem:s8+$0xFFFFFE00]  }
0x548: {  	[tilespmem:s8+$0xFFFFFF80] =	vst v1;
	v1 =	vld [tilespmem:s10+$0xFFFFFF10]  }
0x549: {  	v4 =	vld [tilespmem:s10+$0xFFFFFF90];
	v8 =	vadd.f32 v8, v10  }
0x54a: {  	v5 =	vadd.f32 v11, v5;
	v11 =	vld [tilespmem:s8+$0xFFFFFF10];
	v0 =	vadd.f32 v12, v0  }
0x54b: {  	v10 =	vld [tilespmem:s8+$0x110];
	[tilespmem:s8+$0xFFFFFE90] =	vst v8  }
0x54c: {  	v8 =	vld [tilespmem:s10+$0xFFFFFEA0];
	[tilespmem:s8+$0x1A0] =	vst v0;
	v0 =	vadd.f32 v2, v7  }
0x54d: {  	[tilespmem:s8+$0x80] =	vst v5;
	v7 =	vld [tilespmem:s8+$0x1B0];
	v2 =	vadd.f32 v6, v3  }
0x54e: {  	v5 =	vld [tilespmem:s10+$0x1B0];
	[tilespmem:s8+$0xFFFFFE00] =	vst v0  }
0x54f: {  	v1 =	vadd.f32 v1, v11;
	[tilespmem:s8+$0x100] =	vst v2;
	v2 =	vld [tilespmem:s8+$0xFFFFFE10]  }
0x550: {  	v3 =	vld [tilespmem:s10+$0xFFFFFE10]  }
0x551: {  	[tilespmem:s8+$0xFFFFFF10] =	vst v1;
	v1 =	vadd.f32 v9, v13;
	v6 =	vld [tilespmem:s10+$0x110]  }
0x552: {  	v4 =	vadd.f32 v4, v60;
	v0 =	vld [tilespmem:s10+$0x90]  }
0x553: {  	v9 =	vld [tilespmem:s10+$0xFFFFFF20];
	[tilespmem:s8+$0x10] =	vst v1  }
0x554: {  	[tilespmem:s8+$0xFFFFFF90] =	vst v4;
	v4 =	vld [tilespmem:s10+$0x20]  }
0x555: {  	v2 =	vadd.f32 v3, v2;
	v3 =	vld [tilespmem:s8+$0x90]  }
0x556: {  	v1 =	vadd.f32 v6, v10;
	v10 =	vld [tilespmem:s8+$0xFFFFFF20]  }
0x557: {  	[tilespmem:s8+$0xFFFFFE10] =	vst v2;
	v2 =	vld [tilespmem:s8+$0xFFFFFE20]  }
0x558: {  	v11 =	vld [tilespmem:s10+$0xFFFFFE20]  }
0x559: {  	v5 =	vadd.f32 v5, v7;
	[tilespmem:s8+$0x110] =	vst v1;
	v1 =	vld [tilespmem:s8+$0xFFFFFEA0]  }
0x55a: {  	v7 =	vld [tilespmem:s8+$0x30]  }
0x55b: {  	[tilespmem:s8+$0x1B0] =	vst v5;
	v5 =	vld [tilespmem:s8+$0xB0]  }
0x55c: {  	v6 =	vld [tilespmem:s10+$0x120]  }
0x55d: {  	v0 =	vadd.f32 v0, v3;
	v3 =	vld [tilespmem:s10+$0xFFFFFFA0];
	v2 =	vadd.f32 v11, v2  }
0x55e: {  	v1 =	vadd.f32 v8, v1;
	v8 =	vadd.f32 v9, v10;
	v9 =	vld [tilespmem:s8+$0xFFFFFF30]  }
0x55f: {  	[tilespmem:s8+$0xFFFFFE20] =	vst v2;
	v2 =	vld [tilespmem:s8+$0x120]  }
0x560: {  	[tilespmem:s8+$0x90] =	vst v0;
	v11 =	vld [tilespmem:s8+$0x20]  }
0x561: {  	v0 =	vld [tilespmem:s10+$0xA0];
	[tilespmem:s8+$0xFFFFFEA0] =	vst v1  }
0x562: {  	[tilespmem:s8+$0xFFFFFF20] =	vst v8;
	v8 =	vld [tilespmem:s8+$0xFFFFFFB0]  }
0x563: {  	v1 =	vadd.f32 v3, v61;
	v14 =	vld [tilespmem:s10+$0xFFFFFEB0]  }
0x564: {  	v10 =	vld [tilespmem:s10+$0xFFFFFE30];
	v6 =	vadd.f32 v6, v2  }
0x565: {  	[tilespmem:s8+$0xFFFFFFA0] =	vst v1;
	v3 =	vadd.f32 v4, v11;
	v4 =	vld [tilespmem:s10+$0xFFFFFF30]  }
0x566: {  	v0 =	vadd.f32 v0, v62;
	[tilespmem:s8+$0x120] =	vst v6;
	v6 =	vld [tilespmem:s8+$0xFFFFFEB0]  }
0x567: {  	v1 =	vld [tilespmem:s10+$0xFFFFFFB0];
	[tilespmem:s8+$0x20] =	vst v3  }
0x568: {  	[tilespmem:s8+$0xA0] =	vst v0;
	v2 =	vld [tilespmem:s10+$0x30]  }
0x569: {  	v3 =	vld [tilespmem:s10+$0xB0];
	v10 =	vadd.f32 v10, v63  }
0x56a: {  	v0 =	vld [tilespmem:s10+$0x130]  }
0x56b: {  	s11 =	simm.s32 $0x0;
	s13 =	simm.s32 $0xD100;
	[tilespmem:s8+$0xFFFFFE30] =	vst v10;
	v10 =	vadd.f32 v14, v6;
	v6 =	vld [tilespmem:s8+$0x130]  }
.LBB2_20:
0x56c: {  	v11 =	vld [tilespmem:s13+$0x180];
	v4 =	vadd.f32 v4, v9;
	s10 =	sadd.s32 $0x400, s10  }
0x56d: {  	s11 =	sadd.s32 $0x8, s11;
	v9 =	vld [tilespmem:s10+$0x180];
	[tilespmem:s8+$0xFFFFFEB0] =	vst v10;
	v1 =	vadd.f32 v1, v8  }
0x56e: {  	p0 =	slt.u32 s11, $0xC0;
	v8 =	vld [tilespmem:s10+$0xFFFFFE00];
	[tilespmem:s8+$0xFFFFFF30] =	vst v4;
	v2 =	vadd.f32 v2, v7  }
0x56f: {  	v4 =	vld [tilespmem:s13+$0xFFFFFE80];
	[tilespmem:s8+$0xFFFFFFB0] =	vst v1;
	v1 =	vadd.f32 v3, v5  }
0x570: {  	v3 =	vld [tilespmem:s10+$0xFFFFFE80];
	[tilespmem:s8+$0x30] =	vst v2;
	v0 =	vadd.f32 v0, v6  }
0x571: {  	v2 =	vld [tilespmem:s13+$0xFFFFFF00];
	[tilespmem:s8+$0xB0] =	vst v1  }
0x572: {  	v1 =	vld [tilespmem:s10+$0xFFFFFF00];
	v5 =	vadd.f32 v9, v11;
	[tilespmem:s8+$0x130] =	vst v0;
	s8 =	smov.u32 s13  }
0x573: {  	v0 =	vld [tilespmem:s13+$0xFFFFFF80]  }
0x574: {  	[tilespmem:s13+$0x180] =	vst v5;
	v5 =	vld [tilespmem:s13+$0x190]  }
0x575: {  	v3 =	vadd.f32 v3, v4;
	v4 =	vld [tilespmem:s10+$0x190]  }
0x576: {  	v6 =	vld [tilespmem:s10+$0xFFFFFF80]  }
0x577: {  	[tilespmem:s13+$0xFFFFFE80] =	vst v3;
	v1 =	vadd.f32 v1, v2;
	v2 =	vld [tilespmem:s13+$0x0]  }
0x578: {  	v3 =	vld [tilespmem:s10+$0x0]  }
0x579: {  	[tilespmem:s13+$0xFFFFFF00] =	vst v1;
	v1 =	vld [tilespmem:s13+$0x80]  }
0x57a: {  	v7 =	vld [tilespmem:s10+$0x80];
	v4 =	vadd.f32 v4, v5  }
0x57b: {  	v0 =	vadd.f32 v6, v0;
	v5 =	vld [tilespmem:s13+$0x100]  }
0x57c: {  	[tilespmem:s13+$0x190] =	vst v4;
	v4 =	vld [tilespmem:s13+$0x1A0]  }
0x57d: {  	[tilespmem:s13+$0xFFFFFF80] =	vst v0;
	v0 =	vadd.f32 v3, v2;
	v2 =	vld [tilespmem:s10+$0x1A0]  }
0x57e: {  	v3 =	vld [tilespmem:s10+$0x100]  }
0x57f: {  	v6 =	vld [tilespmem:s13+$0xFFFFFE00];
	[tilespmem:s13+$0x0] =	vst v0;
	v0 =	vadd.f32 v7, v1  }
0x580: {  	v1 =	vld [tilespmem:s10+$0xFFFFFE90]  }
0x581: {  	v7 =	vld [tilespmem:s10+$0xFFFFFF10];
	[tilespmem:s13+$0x80] =	vst v0  }
0x582: {  	v0 =	vld [tilespmem:s10+$0xFFFFFF90];
	v2 =	vadd.f32 v2, v4  }
0x583: {  	v4 =	vld [tilespmem:s10+$0x10];
	v3 =	vadd.f32 v3, v5  }
0x584: {  	v5 =	vadd.f32 v8, v6;
	[tilespmem:s13+$0x1A0] =	vst v2;
	v2 =	vld [tilespmem:s13+$0x1B0]  }
0x585: {  	[tilespmem:s13+$0x100] =	vst v3;
	v3 =	vld [tilespmem:s10+$0x1B0]  }
0x586: {  	[tilespmem:s13+$0xFFFFFE00] =	vst v5;
	v5 =	vld [tilespmem:s10+$0x90]  }
0x587: {  	v6 =	vld [tilespmem:s10+$0xFFFFFE10]  }
0x588: {  	v8 =	vld [tilespmem:s10+$0x110]  }
0x589: {  	v9 =	vld [tilespmem:s13+$0xFFFFFE10]  }
0x58a: {  	v10 =	vld [tilespmem:s13+$0xFFFFFE90];
	v2 =	vadd.f32 v3, v2  }
0x58b: {  	v3 =	vld [tilespmem:s13+$0xFFFFFF10]  }
0x58c: {  	v11 =	vld [tilespmem:s13+$0xFFFFFF90];
	[tilespmem:s13+$0x1B0] =	vst v2  }
0x58d: {  	v2 =	vld [tilespmem:s13+$0x10]  }
0x58e: {  	v6 =	vadd.f32 v6, v9;
	v9 =	vld [tilespmem:s13+$0x90]  }
0x58f: {  	v1 =	vadd.f32 v1, v10;
	v10 =	vld [tilespmem:s13+$0x110]  }
0x590: {  	[tilespmem:s13+$0xFFFFFE10] =	vst v6;
	v6 =	vld [tilespmem:s13+$0xFFFFFE20];
	v3 =	vadd.f32 v7, v3  }
0x591: {  	v7 =	vld [tilespmem:s10+$0xFFFFFE20];
	[tilespmem:s13+$0xFFFFFE90] =	vst v1;
	v0 =	vadd.f32 v0, v11  }
0x592: {  	v1 =	vld [tilespmem:s10+$0xFFFFFEA0];
	[tilespmem:s13+$0xFFFFFF10] =	vst v3;
	v2 =	vadd.f32 v4, v2  }
0x593: {  	v3 =	vld [tilespmem:s10+$0xFFFFFF20];
	[tilespmem:s13+$0xFFFFFF90] =	vst v0;
	v0 =	vadd.f32 v5, v9  }
0x594: {  	v4 =	vld [tilespmem:s10+$0xFFFFFFA0];
	[tilespmem:s13+$0x10] =	vst v2;
	v2 =	vadd.f32 v8, v10  }
0x595: {  	v5 =	vld [tilespmem:s10+$0x20];
	[tilespmem:s13+$0x90] =	vst v0  }
0x596: {  	v0 =	vadd.f32 v7, v6;
	v6 =	vld [tilespmem:s10+$0xA0];
	[tilespmem:s13+$0x110] =	vst v2  }
0x597: {  	v2 =	vld [tilespmem:s10+$0x120]  }
0x598: {  	[tilespmem:s13+$0xFFFFFE20] =	vst v0;
	v0 =	vld [tilespmem:s13+$0xFFFFFEA0]  }
0x599: {  	v7 =	vld [tilespmem:s13+$0xFFFFFF20]  }
0x59a: {  	v8 =	vld [tilespmem:s13+$0xFFFFFFA0]  }
0x59b: {  	v9 =	vld [tilespmem:s13+$0x20]  }
0x59c: {  	v10 =	vld [tilespmem:s13+$0xA0]  }
0x59d: {  	v0 =	vadd.f32 v1, v0;
	v11 =	vld [tilespmem:s13+$0x120]  }
0x59e: {  	v12 =	vld [tilespmem:s10+$0xFFFFFE30];
	v1 =	vadd.f32 v3, v7  }
0x59f: {  	v3 =	vld [tilespmem:s13+$0xFFFFFE30];
	[tilespmem:s13+$0xFFFFFEA0] =	vst v0;
	v0 =	vadd.f32 v4, v8  }
0x5a0: {  	v13 =	vld [tilespmem:s10+$0xFFFFFEB0];
	[tilespmem:s13+$0xFFFFFF20] =	vst v1;
	v5 =	vadd.f32 v5, v9  }
0x5a1: {  	v4 =	vld [tilespmem:s10+$0xFFFFFF30];
	[tilespmem:s13+$0xFFFFFFA0] =	vst v0;
	v0 =	vadd.f32 v6, v10  }
0x5a2: {  	v1 =	vld [tilespmem:s10+$0xFFFFFFB0];
	[tilespmem:s13+$0x20] =	vst v5;
	v5 =	vadd.f32 v2, v11  }
0x5a3: {  	v2 =	vld [tilespmem:s10+$0x30];
	[tilespmem:s13+$0xA0] =	vst v0  }
0x5a4: {  	v6 =	vadd.f32 v12, v3;
	v3 =	vld [tilespmem:s10+$0xB0];
	[tilespmem:s13+$0x120] =	vst v5  }
0x5a5: {  	v0 =	vld [tilespmem:s10+$0x130]  }
0x5a6: {  	[tilespmem:s13+$0xFFFFFE30] =	vst v6;
	v6 =	vld [tilespmem:s13+$0xFFFFFEB0]  }
.Ltmp9:
0x5a7: {  	v9 =	vld [tilespmem:s13+$0xFFFFFF30];
	(pc) =	sbr.rel @p0 .LBB2_20-.Ltmp9, $4  }
0x5a8: {  	v8 =	vld [tilespmem:s13+$0xFFFFFFB0]  }
0x5a9: {  	v7 =	vld [tilespmem:s13+$0x30]  }
0x5aa: {  	v5 =	vld [tilespmem:s13+$0xB0]  }
0x5ab: {  	s13 =	sadd.s32 $0x400, s13;
	v10 =	vadd.f32 v13, v6;
	v6 =	vld [tilespmem:s8+$0x130]  }
0x5ac: {  	v4 =	vadd.f32 v4, v9  }
0x5ad: {  	[tilespmem:s8+$0xFFFFFEB0] =	vst v10;
	v1 =	vadd.f32 v1, v8  }
0x5ae: {  	[tilespmem:s8+$0xFFFFFF30] =	vst v4;
	v2 =	vadd.f32 v2, v7  }
0x5af: {  	[tilespmem:s8+$0xFFFFFFB0] =	vst v1;
	v1 =	vadd.f32 v3, v5  }
0x5b0: {  	[tilespmem:s8+$0x30] =	vst v2;
	v0 =	vadd.f32 v0, v6  }
0x5b1: {  	[tilespmem:s8+$0xB0] =	vst v1  }
0x5b2: {  	[tilespmem:s8+$0x130] =	vst v0  }
0x5b3: {  	s8 =	rddreg [dreg:$0xf]  }
0x5b4: {  	[hbm4b:s8+s3] =	stream.linear.scatter [tilespmem:s25], [sflag:$0x6], $0x6400, $0x38;
	[tilespmem:$0x19300] =	vst v63  }
0x5b5: {  	_ =	swait.ge [sflag:s0], $0x6400  }
0x5b6: {  	[sflag:s0] =	ssyncset.done $0x0  }
0x5b7: {  	s18 =	rddreg [dreg:$0x10];
	[sflag:s0] =	ssyncadd.s32 $0xFFFF9C00  }
0x5b8: {  	[tilespmem:s15], [sflag:$0x7] =	stream.linear.gather [hbm4b:s18+s3], $0x80, $0x38;
	[tilespmem:$0x19300] =	vst v63  }
0x5b9: {  	_ =	swait.ge [sflag:s12], $0x80  }
0x5ba: {  	[sflag:s12] =	ssyncset.done $0x0  }
0x5bb: {  	s21 =	rddreg [dreg:$0x11];
	[sflag:s12] =	ssyncadd.s32 $0xFFFFFF80  }
0x5bc: {  	[tilespmem:s19], [sflag:$0x7] =	stream.linear.gather [hbm4b:s21+s3], $0x48, $0x38;
	[tilespmem:$0x19300] =	vst v63  }
0x5bd: {  	_ =	swait.ge [sflag:s12], $0x48  }
0x5be: {  	[sflag:s12] =	ssyncset.done $0x0  }
0x5bf: {  	[sflag:s12] =	ssyncadd.s32 $0xFFFFFFB8  }
0x5c0: {  	[tilespmem:s20], [sflag:$0x2] =	stream.indirect.gather [hbm4b:s5+s15], $0x80, s15, s15, $0xb8;
	[tilespmem:$0x19300] =	vst v63  }
0x5c1: {  	s26 =	simm.s32 $0xA700  }
0x5c2: {  	[tilespmem:s26], [sflag:$0x2] =	stream.indirect.gather [hbm4b:s5+s17], $0x80, s19, s17, $0xb8;
	[tilespmem:$0x19300] =	vst v63  }
0x5c3: {  	_ =	swait.ge [sflag:s22], $0x4000  }
0x5c4: {  	[sflag:s22] =	ssyncset.done $0x0  }
0x5c5: {  	[sflag:s22] =	ssyncadd.s32 $0xFFFFC000  }
0x5c6: {  	_ =	swait.ge [sflag:s22], $0x2400  }
0x5c7: {  	[sflag:s22] =	ssyncset.done $0x0  }
0x5c8: {  	s8 =	simm.s32 $0x500;
	[sflag:s22] =	ssyncadd.s32 $0xFFFFDC00  }
0x5c9: {  	s10 =	simm.s32 $0x13100;
	v0 =	vld [tilespmem:s8+$0x180]  }
0x5ca: {  	v1 =	vld [tilespmem:s10+$0x180]  }
0x5cb: {  	v2 =	vld [tilespmem:s10+$0xFFFFFE00]  }
0x5cc: {  	v3 =	vld [tilespmem:s8+$0xFFFFFE80]  }
0x5cd: {  	v4 =	vld [tilespmem:s8+$0xFFFFFF00]  }
0x5ce: {  	v6 =	vld [tilespmem:s10+$0xFFFFFF00]  }
0x5cf: {  	v7 =	vld [tilespmem:s8+$0xFFFFFF80]  }
0x5d0: {  	v8 =	vld [tilespmem:s10+$0xFFFFFF80]  }
0x5d1: {  	v9 =	vld [tilespmem:s8+$0x0]  }
0x5d2: {  	v10 =	vld [tilespmem:s10+$0x0]  }
0x5d3: {  	v11 =	vld [tilespmem:s10+$0x80]  }
0x5d4: {  	v60 =	vld [tilespmem:s8+$0xFFFFFF90]  }
0x5d5: {  	v13 =	vld [tilespmem:s8+$0x10]  }
0x5d6: {  	v61 =	vld [tilespmem:s8+$0xFFFFFFA0]  }
0x5d7: {  	v62 =	vld [tilespmem:s8+$0xA0];
	v0 =	vadd.f32 v1, v0  }
0x5d8: {  	v1 =	vld [tilespmem:s10+$0xFFFFFE80]  }
0x5d9: {  	[tilespmem:s8+$0x180] =	vst v0;
	v0 =	vld [tilespmem:s8+$0x190]  }
0x5da: {  	v5 =	vld [tilespmem:s10+$0x190]  }
0x5db: {  	v63 =	vld [tilespmem:s8+$0xFFFFFE30];
	v4 =	vadd.f32 v6, v4  }
0x5dc: {  	v6 =	vld [tilespmem:s10+$0x100]  }
0x5dd: {  	[tilespmem:s8+$0xFFFFFF00] =	vst v4;
	v4 =	vadd.f32 v10, v9;
	v10 =	vld [tilespmem:s8+$0xFFFFFE90];
	v1 =	vadd.f32 v1, v3  }
0x5de: {  	v3 =	vld [tilespmem:s8+$0x100]  }
0x5df: {  	[tilespmem:s8+$0xFFFFFE80] =	vst v1;
	v0 =	vadd.f32 v5, v0;
	v5 =	vld [tilespmem:s8+$0x80]  }
0x5e0: {  	v1 =	vadd.f32 v8, v7;
	v8 =	vld [tilespmem:s10+$0xFFFFFE90]  }
0x5e1: {  	[tilespmem:s8+$0x190] =	vst v0;
	v0 =	vld [tilespmem:s8+$0x1A0]  }
0x5e2: {  	[tilespmem:s8+$0x0] =	vst v4;
	v12 =	vld [tilespmem:s10+$0x1A0]  }
0x5e3: {  	v9 =	vld [tilespmem:s10+$0x10]  }
0x5e4: {  	v7 =	vld [tilespmem:s8+$0xFFFFFE00]  }
0x5e5: {  	[tilespmem:s8+$0xFFFFFF80] =	vst v1;
	v1 =	vld [tilespmem:s10+$0xFFFFFF10]  }
0x5e6: {  	v4 =	vld [tilespmem:s10+$0xFFFFFF90];
	v8 =	vadd.f32 v8, v10  }
0x5e7: {  	v5 =	vadd.f32 v11, v5;
	v11 =	vld [tilespmem:s8+$0xFFFFFF10];
	v0 =	vadd.f32 v12, v0  }
0x5e8: {  	v10 =	vld [tilespmem:s8+$0x110];
	[tilespmem:s8+$0xFFFFFE90] =	vst v8  }
0x5e9: {  	v8 =	vld [tilespmem:s10+$0xFFFFFEA0];
	[tilespmem:s8+$0x1A0] =	vst v0;
	v0 =	vadd.f32 v2, v7  }
0x5ea: {  	[tilespmem:s8+$0x80] =	vst v5;
	v7 =	vld [tilespmem:s8+$0x1B0];
	v2 =	vadd.f32 v6, v3  }
0x5eb: {  	v5 =	vld [tilespmem:s10+$0x1B0];
	[tilespmem:s8+$0xFFFFFE00] =	vst v0  }
0x5ec: {  	v1 =	vadd.f32 v1, v11;
	[tilespmem:s8+$0x100] =	vst v2;
	v2 =	vld [tilespmem:s8+$0xFFFFFE10]  }
0x5ed: {  	v3 =	vld [tilespmem:s10+$0xFFFFFE10]  }
0x5ee: {  	[tilespmem:s8+$0xFFFFFF10] =	vst v1;
	v1 =	vadd.f32 v9, v13;
	v6 =	vld [tilespmem:s10+$0x110]  }
0x5ef: {  	v4 =	vadd.f32 v4, v60;
	v0 =	vld [tilespmem:s10+$0x90]  }
0x5f0: {  	v9 =	vld [tilespmem:s10+$0xFFFFFF20];
	[tilespmem:s8+$0x10] =	vst v1  }
0x5f1: {  	[tilespmem:s8+$0xFFFFFF90] =	vst v4;
	v4 =	vld [tilespmem:s10+$0x20]  }
0x5f2: {  	v2 =	vadd.f32 v3, v2;
	v3 =	vld [tilespmem:s8+$0x90]  }
0x5f3: {  	v1 =	vadd.f32 v6, v10;
	v10 =	vld [tilespmem:s8+$0xFFFFFF20]  }
0x5f4: {  	[tilespmem:s8+$0xFFFFFE10] =	vst v2;
	v2 =	vld [tilespmem:s8+$0xFFFFFE20]  }
0x5f5: {  	v11 =	vld [tilespmem:s10+$0xFFFFFE20]  }
0x5f6: {  	v5 =	vadd.f32 v5, v7;
	[tilespmem:s8+$0x110] =	vst v1;
	v1 =	vld [tilespmem:s8+$0xFFFFFEA0]  }
0x5f7: {  	v7 =	vld [tilespmem:s8+$0x30]  }
0x5f8: {  	[tilespmem:s8+$0x1B0] =	vst v5;
	v5 =	vld [tilespmem:s8+$0xB0]  }
0x5f9: {  	v6 =	vld [tilespmem:s10+$0x120]  }
0x5fa: {  	v0 =	vadd.f32 v0, v3;
	v3 =	vld [tilespmem:s10+$0xFFFFFFA0];
	v2 =	vadd.f32 v11, v2  }
0x5fb: {  	v1 =	vadd.f32 v8, v1;
	v8 =	vadd.f32 v9, v10;
	v9 =	vld [tilespmem:s8+$0xFFFFFF30]  }
0x5fc: {  	[tilespmem:s8+$0xFFFFFE20] =	vst v2;
	v2 =	vld [tilespmem:s8+$0x120]  }
0x5fd: {  	[tilespmem:s8+$0x90] =	vst v0;
	v11 =	vld [tilespmem:s8+$0x20]  }
0x5fe: {  	v0 =	vld [tilespmem:s10+$0xA0];
	[tilespmem:s8+$0xFFFFFEA0] =	vst v1  }
0x5ff: {  	[tilespmem:s8+$0xFFFFFF20] =	vst v8;
	v8 =	vld [tilespmem:s8+$0xFFFFFFB0]  }
0x600: {  	v1 =	vadd.f32 v3, v61;
	v14 =	vld [tilespmem:s10+$0xFFFFFEB0]  }
0x601: {  	v10 =	vld [tilespmem:s10+$0xFFFFFE30];
	v6 =	vadd.f32 v6, v2  }
0x602: {  	[tilespmem:s8+$0xFFFFFFA0] =	vst v1;
	v3 =	vadd.f32 v4, v11;
	v4 =	vld [tilespmem:s10+$0xFFFFFF30]  }
0x603: {  	v0 =	vadd.f32 v0, v62;
	[tilespmem:s8+$0x120] =	vst v6;
	v6 =	vld [tilespmem:s8+$0xFFFFFEB0]  }
0x604: {  	v1 =	vld [tilespmem:s10+$0xFFFFFFB0];
	[tilespmem:s8+$0x20] =	vst v3  }
0x605: {  	[tilespmem:s8+$0xA0] =	vst v0;
	v2 =	vld [tilespmem:s10+$0x30]  }
0x606: {  	v3 =	vld [tilespmem:s10+$0xB0];
	v10 =	vadd.f32 v10, v63  }
0x607: {  	v0 =	vld [tilespmem:s10+$0x130]  }
0x608: {  	s11 =	simm.s32 $0x0;
	s13 =	simm.s32 $0x900;
	[tilespmem:s8+$0xFFFFFE30] =	vst v10;
	v10 =	vadd.f32 v14, v6;
	v6 =	vld [tilespmem:s8+$0x130]  }
.LBB2_22:
0x609: {  	v11 =	vld [tilespmem:s13+$0x180];
	v4 =	vadd.f32 v4, v9;
	s10 =	sadd.s32 $0x400, s10  }
0x60a: {  	s11 =	sadd.s32 $0x8, s11;
	v9 =	vld [tilespmem:s10+$0x180];
	[tilespmem:s8+$0xFFFFFEB0] =	vst v10;
	v1 =	vadd.f32 v1, v8  }
0x60b: {  	p0 =	slt.u32 s11, $0xC0;
	v8 =	vld [tilespmem:s10+$0xFFFFFE00];
	[tilespmem:s8+$0xFFFFFF30] =	vst v4;
	v2 =	vadd.f32 v2, v7  }
0x60c: {  	v4 =	vld [tilespmem:s13+$0xFFFFFE80];
	[tilespmem:s8+$0xFFFFFFB0] =	vst v1;
	v1 =	vadd.f32 v3, v5  }
0x60d: {  	v3 =	vld [tilespmem:s10+$0xFFFFFE80];
	[tilespmem:s8+$0x30] =	vst v2;
	v0 =	vadd.f32 v0, v6  }
0x60e: {  	v2 =	vld [tilespmem:s13+$0xFFFFFF00];
	[tilespmem:s8+$0xB0] =	vst v1  }
0x60f: {  	v1 =	vld [tilespmem:s10+$0xFFFFFF00];
	v5 =	vadd.f32 v9, v11;
	[tilespmem:s8+$0x130] =	vst v0;
	s8 =	smov.u32 s13  }
0x610: {  	v0 =	vld [tilespmem:s13+$0xFFFFFF80]  }
0x611: {  	[tilespmem:s13+$0x180] =	vst v5;
	v5 =	vld [tilespmem:s13+$0x190]  }
0x612: {  	v3 =	vadd.f32 v3, v4;
	v4 =	vld [tilespmem:s10+$0x190]  }
0x613: {  	v6 =	vld [tilespmem:s10+$0xFFFFFF80]  }
0x614: {  	[tilespmem:s13+$0xFFFFFE80] =	vst v3;
	v1 =	vadd.f32 v1, v2;
	v2 =	vld [tilespmem:s13+$0x0]  }
0x615: {  	v3 =	vld [tilespmem:s10+$0x0]  }
0x616: {  	[tilespmem:s13+$0xFFFFFF00] =	vst v1;
	v1 =	vld [tilespmem:s13+$0x80]  }
0x617: {  	v7 =	vld [tilespmem:s10+$0x80];
	v4 =	vadd.f32 v4, v5  }
0x618: {  	v0 =	vadd.f32 v6, v0;
	v5 =	vld [tilespmem:s13+$0x100]  }
0x619: {  	[tilespmem:s13+$0x190] =	vst v4;
	v4 =	vld [tilespmem:s13+$0x1A0]  }
0x61a: {  	[tilespmem:s13+$0xFFFFFF80] =	vst v0;
	v0 =	vadd.f32 v3, v2;
	v2 =	vld [tilespmem:s10+$0x1A0]  }
0x61b: {  	v3 =	vld [tilespmem:s10+$0x100]  }
0x61c: {  	v6 =	vld [tilespmem:s13+$0xFFFFFE00];
	[tilespmem:s13+$0x0] =	vst v0;
	v0 =	vadd.f32 v7, v1  }
0x61d: {  	v1 =	vld [tilespmem:s10+$0xFFFFFE90]  }
0x61e: {  	v7 =	vld [tilespmem:s10+$0xFFFFFF10];
	[tilespmem:s13+$0x80] =	vst v0  }
0x61f: {  	v0 =	vld [tilespmem:s10+$0xFFFFFF90];
	v2 =	vadd.f32 v2, v4  }
0x620: {  	v4 =	vld [tilespmem:s10+$0x10];
	v3 =	vadd.f32 v3, v5  }
0x621: {  	v5 =	vadd.f32 v8, v6;
	[tilespmem:s13+$0x1A0] =	vst v2;
	v2 =	vld [tilespmem:s13+$0x1B0]  }
0x622: {  	[tilespmem:s13+$0x100] =	vst v3;
	v3 =	vld [tilespmem:s10+$0x1B0]  }
0x623: {  	[tilespmem:s13+$0xFFFFFE00] =	vst v5;
	v5 =	vld [tilespmem:s10+$0x90]  }
0x624: {  	v6 =	vld [tilespmem:s10+$0xFFFFFE10]  }
0x625: {  	v8 =	vld [tilespmem:s10+$0x110]  }
0x626: {  	v9 =	vld [tilespmem:s13+$0xFFFFFE10]  }
0x627: {  	v10 =	vld [tilespmem:s13+$0xFFFFFE90];
	v2 =	vadd.f32 v3, v2  }
0x628: {  	v3 =	vld [tilespmem:s13+$0xFFFFFF10]  }
0x629: {  	v11 =	vld [tilespmem:s13+$0xFFFFFF90];
	[tilespmem:s13+$0x1B0] =	vst v2  }
0x62a: {  	v2 =	vld [tilespmem:s13+$0x10]  }
0x62b: {  	v6 =	vadd.f32 v6, v9;
	v9 =	vld [tilespmem:s13+$0x90]  }
0x62c: {  	v1 =	vadd.f32 v1, v10;
	v10 =	vld [tilespmem:s13+$0x110]  }
0x62d: {  	[tilespmem:s13+$0xFFFFFE10] =	vst v6;
	v6 =	vld [tilespmem:s13+$0xFFFFFE20];
	v3 =	vadd.f32 v7, v3  }
0x62e: {  	v7 =	vld [tilespmem:s10+$0xFFFFFE20];
	[tilespmem:s13+$0xFFFFFE90] =	vst v1;
	v0 =	vadd.f32 v0, v11  }
0x62f: {  	v1 =	vld [tilespmem:s10+$0xFFFFFEA0];
	[tilespmem:s13+$0xFFFFFF10] =	vst v3;
	v2 =	vadd.f32 v4, v2  }
0x630: {  	v3 =	vld [tilespmem:s10+$0xFFFFFF20];
	[tilespmem:s13+$0xFFFFFF90] =	vst v0;
	v0 =	vadd.f32 v5, v9  }
0x631: {  	v4 =	vld [tilespmem:s10+$0xFFFFFFA0];
	[tilespmem:s13+$0x10] =	vst v2;
	v2 =	vadd.f32 v8, v10  }
0x632: {  	v5 =	vld [tilespmem:s10+$0x20];
	[tilespmem:s13+$0x90] =	vst v0  }
0x633: {  	v0 =	vadd.f32 v7, v6;
	v6 =	vld [tilespmem:s10+$0xA0];
	[tilespmem:s13+$0x110] =	vst v2  }
0x634: {  	v2 =	vld [tilespmem:s10+$0x120]  }
0x635: {  	[tilespmem:s13+$0xFFFFFE20] =	vst v0;
	v0 =	vld [tilespmem:s13+$0xFFFFFEA0]  }
0x636: {  	v7 =	vld [tilespmem:s13+$0xFFFFFF20]  }
0x637: {  	v8 =	vld [tilespmem:s13+$0xFFFFFFA0]  }
0x638: {  	v9 =	vld [tilespmem:s13+$0x20]  }
0x639: {  	v10 =	vld [tilespmem:s13+$0xA0]  }
0x63a: {  	v0 =	vadd.f32 v1, v0;
	v11 =	vld [tilespmem:s13+$0x120]  }
0x63b: {  	v12 =	vld [tilespmem:s10+$0xFFFFFE30];
	v1 =	vadd.f32 v3, v7  }
0x63c: {  	v3 =	vld [tilespmem:s13+$0xFFFFFE30];
	[tilespmem:s13+$0xFFFFFEA0] =	vst v0;
	v0 =	vadd.f32 v4, v8  }
0x63d: {  	v13 =	vld [tilespmem:s10+$0xFFFFFEB0];
	[tilespmem:s13+$0xFFFFFF20] =	vst v1;
	v5 =	vadd.f32 v5, v9  }
0x63e: {  	v4 =	vld [tilespmem:s10+$0xFFFFFF30];
	[tilespmem:s13+$0xFFFFFFA0] =	vst v0;
	v0 =	vadd.f32 v6, v10  }
0x63f: {  	v1 =	vld [tilespmem:s10+$0xFFFFFFB0];
	[tilespmem:s13+$0x20] =	vst v5;
	v5 =	vadd.f32 v2, v11  }
0x640: {  	v2 =	vld [tilespmem:s10+$0x30];
	[tilespmem:s13+$0xA0] =	vst v0  }
0x641: {  	v6 =	vadd.f32 v12, v3;
	v3 =	vld [tilespmem:s10+$0xB0];
	[tilespmem:s13+$0x120] =	vst v5  }
0x642: {  	v0 =	vld [tilespmem:s10+$0x130]  }
0x643: {  	[tilespmem:s13+$0xFFFFFE30] =	vst v6;
	v6 =	vld [tilespmem:s13+$0xFFFFFEB0]  }
.Ltmp10:
0x644: {  	v9 =	vld [tilespmem:s13+$0xFFFFFF30];
	(pc) =	sbr.rel @p0 .LBB2_22-.Ltmp10, $4  }
0x645: {  	v8 =	vld [tilespmem:s13+$0xFFFFFFB0]  }
0x646: {  	v7 =	vld [tilespmem:s13+$0x30]  }
0x647: {  	v5 =	vld [tilespmem:s13+$0xB0]  }
0x648: {  	s13 =	sadd.s32 $0x400, s13;
	v10 =	vadd.f32 v13, v6;
	v6 =	vld [tilespmem:s8+$0x130]  }
0x649: {  	v4 =	vadd.f32 v4, v9  }
0x64a: {  	[tilespmem:s8+$0xFFFFFEB0] =	vst v10;
	v1 =	vadd.f32 v1, v8  }
0x64b: {  	[tilespmem:s8+$0xFFFFFF30] =	vst v4;
	v2 =	vadd.f32 v2, v7  }
0x64c: {  	[tilespmem:s8+$0xFFFFFFB0] =	vst v1;
	v1 =	vadd.f32 v3, v5  }
0x64d: {  	[tilespmem:s8+$0x30] =	vst v2;
	v0 =	vadd.f32 v0, v6  }
0x64e: {  	[tilespmem:s8+$0xB0] =	vst v1  }
0x64f: {  	[tilespmem:s8+$0x130] =	vst v0  }
0x650: {  	s8 =	rddreg [dreg:$0x12]  }
0x651: {  	[hbm4b:s8+s3] =	stream.linear.scatter [tilespmem:s16], [sflag:$0x4], $0x6400, $0x38;
	[tilespmem:$0x19300] =	vst v63  }
0x652: {  	_ =	swait.ge [sflag:s28], $0x4000  }
0x653: {  	[sflag:s28] =	ssyncset.done $0x0  }
0x654: {  	[sflag:s28] =	ssyncadd.s32 $0xFFFFC000  }
0x655: {  	_ =	swait.ge [sflag:s28], $0x2400  }
0x656: {  	[sflag:s28] =	ssyncset.done $0x0  }
0x657: {  	s8 =	simm.s32 $0x6900;
	[sflag:s28] =	ssyncadd.s32 $0xFFFFDC00  }
0x658: {  	s10 =	simm.s32 $0x13100;
	v0 =	vld [tilespmem:s8+$0x180]  }
0x659: {  	v1 =	vld [tilespmem:s10+$0x180]  }
0x65a: {  	v2 =	vld [tilespmem:s10+$0xFFFFFE00]  }
0x65b: {  	v3 =	vld [tilespmem:s8+$0xFFFFFE80]  }
0x65c: {  	v4 =	vld [tilespmem:s8+$0xFFFFFF00]  }
0x65d: {  	v6 =	vld [tilespmem:s10+$0xFFFFFF00]  }
0x65e: {  	v7 =	vld [tilespmem:s8+$0xFFFFFF80]  }
0x65f: {  	v8 =	vld [tilespmem:s10+$0xFFFFFF80]  }
0x660: {  	v9 =	vld [tilespmem:s8+$0x0]  }
0x661: {  	v10 =	vld [tilespmem:s10+$0x0]  }
0x662: {  	v11 =	vld [tilespmem:s10+$0x80]  }
0x663: {  	v60 =	vld [tilespmem:s8+$0xFFFFFF90]  }
0x664: {  	v13 =	vld [tilespmem:s8+$0x10]  }
0x665: {  	v61 =	vld [tilespmem:s8+$0xFFFFFFA0]  }
0x666: {  	v62 =	vld [tilespmem:s8+$0xA0];
	v0 =	vadd.f32 v1, v0  }
0x667: {  	v1 =	vld [tilespmem:s10+$0xFFFFFE80]  }
0x668: {  	[tilespmem:s8+$0x180] =	vst v0;
	v0 =	vld [tilespmem:s8+$0x190]  }
0x669: {  	v5 =	vld [tilespmem:s10+$0x190]  }
0x66a: {  	v63 =	vld [tilespmem:s8+$0xFFFFFE30];
	v4 =	vadd.f32 v6, v4  }
0x66b: {  	v6 =	vld [tilespmem:s10+$0x100]  }
0x66c: {  	[tilespmem:s8+$0xFFFFFF00] =	vst v4;
	v4 =	vadd.f32 v10, v9;
	v10 =	vld [tilespmem:s8+$0xFFFFFE90];
	v1 =	vadd.f32 v1, v3  }
0x66d: {  	v3 =	vld [tilespmem:s8+$0x100]  }
0x66e: {  	[tilespmem:s8+$0xFFFFFE80] =	vst v1;
	v0 =	vadd.f32 v5, v0;
	v5 =	vld [tilespmem:s8+$0x80]  }
0x66f: {  	v1 =	vadd.f32 v8, v7;
	v8 =	vld [tilespmem:s10+$0xFFFFFE90]  }
0x670: {  	[tilespmem:s8+$0x190] =	vst v0;
	v0 =	vld [tilespmem:s8+$0x1A0]  }
0x671: {  	[tilespmem:s8+$0x0] =	vst v4;
	v12 =	vld [tilespmem:s10+$0x1A0]  }
0x672: {  	v9 =	vld [tilespmem:s10+$0x10]  }
0x673: {  	v7 =	vld [tilespmem:s8+$0xFFFFFE00]  }
0x674: {  	[tilespmem:s8+$0xFFFFFF80] =	vst v1;
	v1 =	vld [tilespmem:s10+$0xFFFFFF10]  }
0x675: {  	v4 =	vld [tilespmem:s10+$0xFFFFFF90];
	v8 =	vadd.f32 v8, v10  }
0x676: {  	v5 =	vadd.f32 v11, v5;
	v11 =	vld [tilespmem:s8+$0xFFFFFF10];
	v0 =	vadd.f32 v12, v0  }
0x677: {  	v10 =	vld [tilespmem:s8+$0x110];
	[tilespmem:s8+$0xFFFFFE90] =	vst v8  }
0x678: {  	v8 =	vld [tilespmem:s10+$0xFFFFFEA0];
	[tilespmem:s8+$0x1A0] =	vst v0;
	v0 =	vadd.f32 v2, v7  }
0x679: {  	[tilespmem:s8+$0x80] =	vst v5;
	v7 =	vld [tilespmem:s8+$0x1B0];
	v2 =	vadd.f32 v6, v3  }
0x67a: {  	v5 =	vld [tilespmem:s10+$0x1B0];
	[tilespmem:s8+$0xFFFFFE00] =	vst v0  }
0x67b: {  	v1 =	vadd.f32 v1, v11;
	[tilespmem:s8+$0x100] =	vst v2;
	v2 =	vld [tilespmem:s8+$0xFFFFFE10]  }
0x67c: {  	v3 =	vld [tilespmem:s10+$0xFFFFFE10]  }
0x67d: {  	[tilespmem:s8+$0xFFFFFF10] =	vst v1;
	v1 =	vadd.f32 v9, v13;
	v6 =	vld [tilespmem:s10+$0x110]  }
0x67e: {  	v4 =	vadd.f32 v4, v60;
	v0 =	vld [tilespmem:s10+$0x90]  }
0x67f: {  	v9 =	vld [tilespmem:s10+$0xFFFFFF20];
	[tilespmem:s8+$0x10] =	vst v1  }
0x680: {  	[tilespmem:s8+$0xFFFFFF90] =	vst v4;
	v4 =	vld [tilespmem:s10+$0x20]  }
0x681: {  	v2 =	vadd.f32 v3, v2;
	v3 =	vld [tilespmem:s8+$0x90]  }
0x682: {  	v1 =	vadd.f32 v6, v10;
	v10 =	vld [tilespmem:s8+$0xFFFFFF20]  }
0x683: {  	[tilespmem:s8+$0xFFFFFE10] =	vst v2;
	v2 =	vld [tilespmem:s8+$0xFFFFFE20]  }
0x684: {  	v11 =	vld [tilespmem:s10+$0xFFFFFE20]  }
0x685: {  	v5 =	vadd.f32 v5, v7;
	[tilespmem:s8+$0x110] =	vst v1;
	v1 =	vld [tilespmem:s8+$0xFFFFFEA0]  }
0x686: {  	v7 =	vld [tilespmem:s8+$0x30]  }
0x687: {  	[tilespmem:s8+$0x1B0] =	vst v5;
	v5 =	vld [tilespmem:s8+$0xB0]  }
0x688: {  	v6 =	vld [tilespmem:s10+$0x120]  }
0x689: {  	v0 =	vadd.f32 v0, v3;
	v3 =	vld [tilespmem:s10+$0xFFFFFFA0];
	v2 =	vadd.f32 v11, v2  }
0x68a: {  	v1 =	vadd.f32 v8, v1;
	v8 =	vadd.f32 v9, v10;
	v9 =	vld [tilespmem:s8+$0xFFFFFF30]  }
0x68b: {  	[tilespmem:s8+$0xFFFFFE20] =	vst v2;
	v2 =	vld [tilespmem:s8+$0x120]  }
0x68c: {  	[tilespmem:s8+$0x90] =	vst v0;
	v11 =	vld [tilespmem:s8+$0x20]  }
0x68d: {  	v0 =	vld [tilespmem:s10+$0xA0];
	[tilespmem:s8+$0xFFFFFEA0] =	vst v1  }
0x68e: {  	[tilespmem:s8+$0xFFFFFF20] =	vst v8;
	v8 =	vld [tilespmem:s8+$0xFFFFFFB0]  }
0x68f: {  	v1 =	vadd.f32 v3, v61;
	v14 =	vld [tilespmem:s10+$0xFFFFFEB0]  }
0x690: {  	v10 =	vld [tilespmem:s10+$0xFFFFFE30];
	v6 =	vadd.f32 v6, v2  }
0x691: {  	[tilespmem:s8+$0xFFFFFFA0] =	vst v1;
	v3 =	vadd.f32 v4, v11;
	v4 =	vld [tilespmem:s10+$0xFFFFFF30]  }
0x692: {  	v0 =	vadd.f32 v0, v62;
	[tilespmem:s8+$0x120] =	vst v6;
	v6 =	vld [tilespmem:s8+$0xFFFFFEB0]  }
0x693: {  	v1 =	vld [tilespmem:s10+$0xFFFFFFB0];
	[tilespmem:s8+$0x20] =	vst v3  }
0x694: {  	[tilespmem:s8+$0xA0] =	vst v0;
	v2 =	vld [tilespmem:s10+$0x30]  }
0x695: {  	v3 =	vld [tilespmem:s10+$0xB0];
	v10 =	vadd.f32 v10, v63  }
0x696: {  	v0 =	vld [tilespmem:s10+$0x130]  }
0x697: {  	s11 =	simm.s32 $0x0;
	s13 =	simm.s32 $0x6D00;
	[tilespmem:s8+$0xFFFFFE30] =	vst v10;
	v10 =	vadd.f32 v14, v6;
	v6 =	vld [tilespmem:s8+$0x130]  }
.LBB2_24:
0x698: {  	v11 =	vld [tilespmem:s13+$0x180];
	v4 =	vadd.f32 v4, v9;
	s10 =	sadd.s32 $0x400, s10  }
0x699: {  	s11 =	sadd.s32 $0x8, s11;
	v9 =	vld [tilespmem:s10+$0x180];
	[tilespmem:s8+$0xFFFFFEB0] =	vst v10;
	v1 =	vadd.f32 v1, v8  }
0x69a: {  	p0 =	slt.u32 s11, $0xC0;
	v8 =	vld [tilespmem:s10+$0xFFFFFE00];
	[tilespmem:s8+$0xFFFFFF30] =	vst v4;
	v2 =	vadd.f32 v2, v7  }
0x69b: {  	v4 =	vld [tilespmem:s13+$0xFFFFFE80];
	[tilespmem:s8+$0xFFFFFFB0] =	vst v1;
	v1 =	vadd.f32 v3, v5  }
0x69c: {  	v3 =	vld [tilespmem:s10+$0xFFFFFE80];
	[tilespmem:s8+$0x30] =	vst v2;
	v0 =	vadd.f32 v0, v6  }
0x69d: {  	v2 =	vld [tilespmem:s13+$0xFFFFFF00];
	[tilespmem:s8+$0xB0] =	vst v1  }
0x69e: {  	v1 =	vld [tilespmem:s10+$0xFFFFFF00];
	v5 =	vadd.f32 v9, v11;
	[tilespmem:s8+$0x130] =	vst v0;
	s8 =	smov.u32 s13  }
0x69f: {  	v0 =	vld [tilespmem:s13+$0xFFFFFF80]  }
0x6a0: {  	[tilespmem:s13+$0x180] =	vst v5;
	v5 =	vld [tilespmem:s13+$0x190]  }
0x6a1: {  	v3 =	vadd.f32 v3, v4;
	v4 =	vld [tilespmem:s10+$0x190]  }
0x6a2: {  	v6 =	vld [tilespmem:s10+$0xFFFFFF80]  }
0x6a3: {  	[tilespmem:s13+$0xFFFFFE80] =	vst v3;
	v1 =	vadd.f32 v1, v2;
	v2 =	vld [tilespmem:s13+$0x0]  }
0x6a4: {  	v3 =	vld [tilespmem:s10+$0x0]  }
0x6a5: {  	[tilespmem:s13+$0xFFFFFF00] =	vst v1;
	v1 =	vld [tilespmem:s13+$0x80]  }
0x6a6: {  	v7 =	vld [tilespmem:s10+$0x80];
	v4 =	vadd.f32 v4, v5  }
0x6a7: {  	v0 =	vadd.f32 v6, v0;
	v5 =	vld [tilespmem:s13+$0x100]  }
0x6a8: {  	[tilespmem:s13+$0x190] =	vst v4;
	v4 =	vld [tilespmem:s13+$0x1A0]  }
0x6a9: {  	[tilespmem:s13+$0xFFFFFF80] =	vst v0;
	v0 =	vadd.f32 v3, v2;
	v2 =	vld [tilespmem:s10+$0x1A0]  }
0x6aa: {  	v3 =	vld [tilespmem:s10+$0x100]  }
0x6ab: {  	v6 =	vld [tilespmem:s13+$0xFFFFFE00];
	[tilespmem:s13+$0x0] =	vst v0;
	v0 =	vadd.f32 v7, v1  }
0x6ac: {  	v1 =	vld [tilespmem:s10+$0xFFFFFE90]  }
0x6ad: {  	v7 =	vld [tilespmem:s10+$0xFFFFFF10];
	[tilespmem:s13+$0x80] =	vst v0  }
0x6ae: {  	v0 =	vld [tilespmem:s10+$0xFFFFFF90];
	v2 =	vadd.f32 v2, v4  }
0x6af: {  	v4 =	vld [tilespmem:s10+$0x10];
	v3 =	vadd.f32 v3, v5  }
0x6b0: {  	v5 =	vadd.f32 v8, v6;
	[tilespmem:s13+$0x1A0] =	vst v2;
	v2 =	vld [tilespmem:s13+$0x1B0]  }
0x6b1: {  	[tilespmem:s13+$0x100] =	vst v3;
	v3 =	vld [tilespmem:s10+$0x1B0]  }
0x6b2: {  	[tilespmem:s13+$0xFFFFFE00] =	vst v5;
	v5 =	vld [tilespmem:s10+$0x90]  }
0x6b3: {  	v6 =	vld [tilespmem:s10+$0xFFFFFE10]  }
0x6b4: {  	v8 =	vld [tilespmem:s10+$0x110]  }
0x6b5: {  	v9 =	vld [tilespmem:s13+$0xFFFFFE10]  }
0x6b6: {  	v10 =	vld [tilespmem:s13+$0xFFFFFE90];
	v2 =	vadd.f32 v3, v2  }
0x6b7: {  	v3 =	vld [tilespmem:s13+$0xFFFFFF10]  }
0x6b8: {  	v11 =	vld [tilespmem:s13+$0xFFFFFF90];
	[tilespmem:s13+$0x1B0] =	vst v2  }
0x6b9: {  	v2 =	vld [tilespmem:s13+$0x10]  }
0x6ba: {  	v6 =	vadd.f32 v6, v9;
	v9 =	vld [tilespmem:s13+$0x90]  }
0x6bb: {  	v1 =	vadd.f32 v1, v10;
	v10 =	vld [tilespmem:s13+$0x110]  }
0x6bc: {  	[tilespmem:s13+$0xFFFFFE10] =	vst v6;
	v6 =	vld [tilespmem:s13+$0xFFFFFE20];
	v3 =	vadd.f32 v7, v3  }
0x6bd: {  	v7 =	vld [tilespmem:s10+$0xFFFFFE20];
	[tilespmem:s13+$0xFFFFFE90] =	vst v1;
	v0 =	vadd.f32 v0, v11  }
0x6be: {  	v1 =	vld [tilespmem:s10+$0xFFFFFEA0];
	[tilespmem:s13+$0xFFFFFF10] =	vst v3;
	v2 =	vadd.f32 v4, v2  }
0x6bf: {  	v3 =	vld [tilespmem:s10+$0xFFFFFF20];
	[tilespmem:s13+$0xFFFFFF90] =	vst v0;
	v0 =	vadd.f32 v5, v9  }
0x6c0: {  	v4 =	vld [tilespmem:s10+$0xFFFFFFA0];
	[tilespmem:s13+$0x10] =	vst v2;
	v2 =	vadd.f32 v8, v10  }
0x6c1: {  	v5 =	vld [tilespmem:s10+$0x20];
	[tilespmem:s13+$0x90] =	vst v0  }
0x6c2: {  	v0 =	vadd.f32 v7, v6;
	v6 =	vld [tilespmem:s10+$0xA0];
	[tilespmem:s13+$0x110] =	vst v2  }
0x6c3: {  	v2 =	vld [tilespmem:s10+$0x120]  }
0x6c4: {  	[tilespmem:s13+$0xFFFFFE20] =	vst v0;
	v0 =	vld [tilespmem:s13+$0xFFFFFEA0]  }
0x6c5: {  	v7 =	vld [tilespmem:s13+$0xFFFFFF20]  }
0x6c6: {  	v8 =	vld [tilespmem:s13+$0xFFFFFFA0]  }
0x6c7: {  	v9 =	vld [tilespmem:s13+$0x20]  }
0x6c8: {  	v10 =	vld [tilespmem:s13+$0xA0]  }
0x6c9: {  	v0 =	vadd.f32 v1, v0;
	v11 =	vld [tilespmem:s13+$0x120]  }
0x6ca: {  	v12 =	vld [tilespmem:s10+$0xFFFFFE30];
	v1 =	vadd.f32 v3, v7  }
0x6cb: {  	v3 =	vld [tilespmem:s13+$0xFFFFFE30];
	[tilespmem:s13+$0xFFFFFEA0] =	vst v0;
	v0 =	vadd.f32 v4, v8  }
0x6cc: {  	v13 =	vld [tilespmem:s10+$0xFFFFFEB0];
	[tilespmem:s13+$0xFFFFFF20] =	vst v1;
	v5 =	vadd.f32 v5, v9  }
0x6cd: {  	v4 =	vld [tilespmem:s10+$0xFFFFFF30];
	[tilespmem:s13+$0xFFFFFFA0] =	vst v0;
	v0 =	vadd.f32 v6, v10  }
0x6ce: {  	v1 =	vld [tilespmem:s10+$0xFFFFFFB0];
	[tilespmem:s13+$0x20] =	vst v5;
	v5 =	vadd.f32 v2, v11  }
0x6cf: {  	v2 =	vld [tilespmem:s10+$0x30];
	[tilespmem:s13+$0xA0] =	vst v0  }
0x6d0: {  	v6 =	vadd.f32 v12, v3;
	v3 =	vld [tilespmem:s10+$0xB0];
	[tilespmem:s13+$0x120] =	vst v5  }
0x6d1: {  	v0 =	vld [tilespmem:s10+$0x130]  }
0x6d2: {  	[tilespmem:s13+$0xFFFFFE30] =	vst v6;
	v6 =	vld [tilespmem:s13+$0xFFFFFEB0]  }
.Ltmp11:
0x6d3: {  	v9 =	vld [tilespmem:s13+$0xFFFFFF30];
	(pc) =	sbr.rel @p0 .LBB2_24-.Ltmp11, $4  }
0x6d4: {  	v8 =	vld [tilespmem:s13+$0xFFFFFFB0]  }
0x6d5: {  	v7 =	vld [tilespmem:s13+$0x30]  }
0x6d6: {  	v5 =	vld [tilespmem:s13+$0xB0]  }
0x6d7: {  	s13 =	sadd.s32 $0x400, s13;
	v10 =	vadd.f32 v13, v6;
	v6 =	vld [tilespmem:s8+$0x130]  }
0x6d8: {  	v4 =	vadd.f32 v4, v9  }
0x6d9: {  	[tilespmem:s8+$0xFFFFFEB0] =	vst v10;
	v1 =	vadd.f32 v1, v8  }
0x6da: {  	[tilespmem:s8+$0xFFFFFF30] =	vst v4;
	v2 =	vadd.f32 v2, v7  }
0x6db: {  	[tilespmem:s8+$0xFFFFFFB0] =	vst v1;
	v63 =	vadd.f32 v3, v5  }
0x6dc: {  	[tilespmem:s8+$0x30] =	vst v2;
	v0 =	vadd.f32 v0, v6  }
0x6dd: {  	[tilespmem:s8+$0xB0] =	vst v63  }
0x6de: {  	[tilespmem:s8+$0x130] =	vst v0  }
0x6df: {  	s8 =	rddreg [dreg:$0x13]  }
0x6e0: {  	[hbm4b:s8+s3] =	stream.linear.scatter [tilespmem:s20], [sflag:$0x5], $0x6400, $0x38;
	[tilespmem:$0x19300] =	vst v63  }
0x6e1: {  	_ =	swait.ge [sflag:s29], $0x6400  }
0x6e2: {  	[sflag:s29] =	ssyncset.done $0x0  }
0x6e3: {  	[sflag:s29] =	ssyncadd.s32 $0xFFFF9C00  }
0x6e4: {  	_ =	swait.ge [sflag:s0], $0x6400  }
0x6e5: {  	[sflag:s0] =	ssyncset.done $0x0  }
0x6e6: {  	[sflag:s0] =	ssyncadd.s32 $0xFFFF9C00  }
0x6e7: {  	_ =	swait.ge [sflag:s6], $0x6400  }
0x6e8: {  	s10 =	rddreg [dreg:$0x1d]  }
0x6e9: {  	s26 =	rddreg [dreg:$0x14];
	s10 =	sadd.s32 $0x1, s10  }
0x6ea: {  	p0 =	sne.s32 s10, s26  }
.Ltmp12:
0x6eb: {  	_ = 	snop;
	(pc) =	sbr.rel @p0 .LBB2_1-.Ltmp12, $3  }
0x6ec: {  	_ =	sdelay $0x1  }
0x6ed: {  	[sflag:s6] =	ssyncset.done $0x0  }
0x6ee: {  	[sflag:s6] =	ssyncadd.s32 $0xFFFF9C00  }
0x6ef: {  	_ =	sfence.sel $0x180000  }
0x6f0: {  	[bflag:$0x0] =	sbarrier.arrive $0xFFFF  }
0x6f1: {  	_ =	strace $0x90000047  }
0x6f2: {  	s0 =	stileid.u32;
	[bflag:$0x2] =	sbarrier.arrive $0xFFFF  }
0x6f3: {  	p0 =	sne.s32 s0, $0x0;
	s0 =	rddreg [dreg:$0x2]  }
0x6f4: {  	s0 =	sadd.s32 @!p0 $0x100000, s0  }
0x6f5: {  	[sflag:s0] =	ssyncadd.tile.s32 @!p0 $0x1;
	_ =	shalt  }
.Lfunc_end2:
_tile_overlayer_lowered:
.L_overlay_start_2:
0x6f6: {  	(tag) =	ssettag $0x2  }
0x6f7: {  	s0 =	rddreg [dreg:$0x0];
	s2 =	stileid.u32  }
0x6f8: {  	s1 =	rddreg [dreg:$0x1];
	p0 =	sne.s32 s2, $0x0  }
0x6f9: {  	s3 =	rddreg [dreg:$0x2];
	[bflag:$0x3] =	sbarrier.arrive $0xFFFF;
	s2 =	simm.s32 @!p0 $0x1C07  }
0x6fa: {  	[timem:s3], [sflag:s2] =	dma.local @!p0 [hbm:s0], s1  }
0x6fb: {  	s0 =	simm.s32 @!p0 $0x7  }
0x6fc: {  	_ =	swait.ge @!p0 [sflag:s0], s1  }
0x6fd: {  	s1 =	ssub.s32 @!p0 $0x0, s1;
	[sflag:s0] =	ssyncset.done @!p0 $0x0  }
0x6fe: {  	[sflag:s0] =	ssyncadd.s32 @!p0 s1  }
0x6ff: {  	[bflag:$0x3] =	sbarrier.arrive $0xFFFF  }
0x700: {  	_ =	shalt  }

// kernel: sparse-core-data-format-call.cloned.1.call-start
scs
called_computation_lowered:
.L_overlay_start_0:
0x0: {  	s2 =	sld [smem:$0x3FD9]  }
0x1: {  	s3 =	sld [smem:$0x3FFE];
	_ =	sdelay $0x1  }
0x2: {  	s1 =	srdreg.scid  }
0x3: {  	s0 =	sand.u32 $0x1, s1  }
0x4: {  	s18 =	sshll.u32 s0, $0xA;
	s2 =	sadd.s32 s3, s2  }
0x5: {  	s2 =	sadd.s32 s2, s18  }
0x6: {  	[smem:$0x3FC5] =	sst s2  }
0x7: {  	_ = 	snop  }
0x8: {  	s2 =	sld [smem:$0x3FD0];
	(tm) =	ssettm $0x1  }
0x9: {  	s19 =	sld [smem:$0x3FFB];
	_ =	sdelay $0x3  }
0xa: {  	_ =	strace s19  }
0xb: {  	s3 =	sld [smem:$0x3FFC];
	_ =	sdelay $0x3  }
0xc: {  	_ =	strace s3  }
0xd: {  	s3 =	sld [smem:$0x3FFD];
	_ =	sdelay $0x3  }
0xe: {  	_ =	strace s3  }
0xf: {  	_ =	strace $0x8FFFFFFF  }
0x10: {  	s20 =	sld [smem:$0x3FDB];
	_ =	sdelay $0x1  }
0x11: {  	s4 =	simm.s32 $_scs_section_size  }
0x12: {  	s5 =	simm.s32 $_size__tile_overlayer_lowered;
	s6 =	simm.s32 $_tile_overlayer_lowered  }
0x13: {  	s23 =	simm.s32 $0x1BFF;
	s22 =	sshll.u32 s6, $0x1;
	s3 =	sadd.s32 s4, s20  }
0x14: {  	s7 =	simm.s32 $0x0;
	s21 =	sshll.u32 s5, $0x1;
	s5 =	sadd.s32 s22, s3  }
0x15: {  	[timem:s7], [sflag:s23] =	dma.local [hbm:s5], s21  }
0x16: {  	_ =	swait.ge [sflag:s23], s21  }
0x17: {  	s4 =	ssub.s32 $0x0, s21;
	[sflag:s23] =	ssyncset.done $0x0  }
0x18: {  	[sflag:s23] =	ssyncadd.s32 s4;
	_ =	sdelay $0x1  }
0x19: {  	s24 =	simm.s32 $0x1B8B  }
0x1a: {  	_ =	swait.ge [sflag:s24], $0x1  }
0x1b: {  	[sflag:s24] =	ssyncset.done $0x0  }
0x1c: {  	s26 =	simm.s32 $0x1B8E;
	s25 =	sld [smem:$0x3FFE];
	[sflag:s24] =	ssyncadd.s32 $0xFFFFFFFF  }
0x1d: {  	s27 =	simm.s32 $execute0_lowered;
	[smem:$0x3FD2] =	sst s26  }
0x1e: {  	s5 =	sshll.u32 s27, $0x1;
	_ =	strace $0x80000049;
	[dreg:$0x1] =	wrdreg $0xFFFFFFFF  }
0x1f: {  	s28 =	simm.s32 $_size_execute0_lowered;
	s3 =	sadd.s32 s3, s5;
	[dreg:$0x0] =	wrdreg $0x0  }
0x20: {  	s5 =	sshll.u32 s28, $0x1;
	[dreg:$0x2] =	wrdreg s3  }
0x21: {  	[dreg:$0x3] =	wrdreg s5  }
0x22: {  	[dreg:$0x4] =	wrdreg $0xC0  }
0x23: {  	_ =	task [dreg:s7], $0x5FFFF  }
0x24: {  	[dreg:$0x1] =	wrdreg $0xFFFFFFFF  }
0x25: {  	[dreg:$0x0] =	wrdreg $0x60  }
0x26: {  	[dreg:$0x2] =	wrdreg s25  }
0x27: {  	[dreg:$0x3] =	wrdreg s2  }
0x28: {  	[dreg:$0x4] =	wrdreg $0x9  }
0x29: {  	_ =	task.clear_ibuf [dreg:s7], $0x5FFFF;
	_ =	strace $0x90000049  }
0x2a: {  	s29 =	simm.s32 $0x9;
	_ =	strace $0x8000004B  }
0x2b: {  	_ =	swait.ge [sflag:s29], $0x1  }
0x2c: {  	[sflag:s29] =	ssyncadd.s32 $0xFFFFFFFF  }
0x2d: {  	_ =	strace $0x9000004B  }
0x2e: {  	_ =	sfence  }
0x2f: {  	s30 =	sld [smem:$0x0];
	_ =	sdelay $0x2  }
0x30: {  	s31 =	sshll.u32 s1, $0xD;
	s1 =	sshrl.u32 s1, $0x2  }
0x31: {  	s3 =	sand.u32 $0x4000, s31;
	s1 =	sadd.s32 s1, s30  }
0x32: {  	s0 =	sor.u32 s3, s0;
	s1 =	sshll.u32 s1, $0x11  }
0x33: {  	s0 =	sor.u32 s1, s0  }
0x34: {  	s0 =	sadd.s32 $0x8F2B, s0  }
0x35: {  	[sflag:s0] =	ssyncadd.remote.s32 $0x1  }
0x36: {  	_ =	sfence.sel $0xFFFF  }
0x37: {  	[dreg:$0x0] =	wrdreg $0xFFFFFFFF;
	(pc) =	sbr.abs _section_cstart, $3  }
0x38: {  	[dreg:$0x1] =	wrdreg $0xFFFFFFFF  }
0x39: {  	_ =	task.clear_ibuf [dreg:s7], $0x2FFFF;
	_ =	strace $0x9FFFFFFF  }
0x3a: {  	(tm) =	ssettm $0x7FFFFFFF  }
0x3b: {  	_ =	shalt  }
tec
execute0_lowered:
.L_overlay_start_1:
0x0: {  	(tag) =	ssettag $0x1  }
0x1: {  	s0 =	srdreg.scid  }
0x2: {  	s1 =	sshll.u32 s0, $0x4  }
0x3: {  	s0 =	stileid.u32;
	s1 =	sand.u32 $0x10, s1  }
0x4: {  	s1 =	sor.u32 s0, s1  }
0x5: {  	s6 =	rddreg [dreg:$0x0];
	s4 =	simm.s32 $0x1;
	s2 =	sshll.u32 s1, $0x7  }
0x6: {  	s7 =	simm.s32 $0x2;
	s12 =	simm.s32 $0x0;
	s1 =	ssub.s32 $0x1000, s2  }
0x7: {  	s8 =	simm.s32 $0x8000;
	s13 =	simm.s32 $0x0;
	s3 =	sand.u32 $0xF80, s1  }
0x8: {  	s9 =	simm.s32 $0x0;
	s5 =	sshrl.u32 s1, $0xC;
	p0 =	sne.s32 s3, $0x0  }
.Ltmp0:
0x9: {  	s1 =	rddreg [dreg:$0x2];
	s4 =	simm.s32 @!p0 $0x0;
	(pc) =	sbr.rel .LBB1_1-.Ltmp0, $4  }
0xa: {  	s11 =	simm.s32 $0x0;
	s3 =	rddreg [dreg:$0x1];
	s5 =	sadd.s32 s4, s5  }
0xb: {  	_ =	strace $0x8000004A;
	s4 =	simm.s32 $0x1;
	s5 =	smul.u32 $0xC8, s5  }
0xc: {  	s6 =	sadd.s32 $0xF43A00, s6;
	s10 =	smov.u32 s2;
	[sflag:s4] =	ssyncpa.u1 $0x0  }
0xd: {  	p0 =	por $0x0, $0x0;
	[sflag:s7] =	ssyncpa.u1 $0x0;
	s7 =	sor.u32 $0x1, s5  }
.LBB1_4:
0xe: {  	s16 =	sshll.u32 s13, $0x3;
	s17 =	sand.u32 $0x78, s13  }
0xf: {  	s30 =	sand.u32 $0x7E00, s13;
	s12 =	sshll.u32 s12, $0xF;
	s16 =	sand.u32 $0xC00, s16  }
0x10: {  	[tilespmem:s15+$0x810 ss:$0x81] =	vst.msk $0xffff, v2;
	s31 =	sand.u32 $0x7, s13;
	s16 =	sor.u32 s17, s16;
	s17 =	sadd.s32 s3, s30  }
0x11: {  	[tilespmem:s15+$0x1020 ss:$0x81] =	vst.msk $0xffff, v0;
	s13 =	sshll.u32 s31, $0x12;
	s12 =	sadd.s32 s12, s17;
	s16 =	sshrl.u32 s16, $0x3  }
0x12: {  	[tilespmem:s15+$0x0 ss:$0x81] =	vst.msk $0xffff, v1;
	s13 =	sor.u32 $0x400, s13;
	s12 =	sadd.s32 s16, s12  }
0x13: {  	[hbm4b:s12+s13] =	stream.strided.scatter [tilespmem:s14], [sflag:$0x2], $0x2000, s8, s13, $0x20;
	[tilespmem:$0x8080] =	vst v63  }
.LBB1_5:
0x14: {  	s14 =	sadd.s32 $0x1, s9  }
0x15: {  	s12 =	sadd.s32 $0x1000, s10;
	s16 =	smov.u32 s10;
	p2 =	sgt.s32 s14, $0xC7  }
0x16: {  	s16 =	smov.u32 @p2 s12  }
0x17: {  	s14 =	simm.s32 @p2 $0x0;
	p2 =	sgt.s32 s16, $0xFFF  }
0x18: {  	s16 =	smov.u32 @p2 s2;
	p2 =	sne.s32 s11, s7  }
.Ltmp1:
0x19: {  	p1 =	slt.u32 s11, $0x2;
	(pc) =	sbr.rel @!p2 .LBB1_6-.Ltmp1, $4  }
0x1a: {  	s15 =	simm.s32 @!p1 $0x2  }
0x1b: {  	s13 =	smov.u32 s10;
	p0 =	por !p0, !p0;
	_ =	swait.ge @!p1 [sflag:s15], $0x2000  }
0x1c: {  	s12 =	smov.u32 s9;
	[sflag:s15] =	ssyncset.done @!p1 $0x0;
	s9 =	smov.u32 s14  }
0x1d: {  	s11 =	sadd.s32 $0x1, s11;
	[sflag:s15] =	ssyncadd.s32 @!p1 $0xFFFFE000;
	s10 =	smov.u32 s16  }
.LBB1_1:
0x1e: {  	p1 =	sge.u32 s11, s5  }
0x1f: {  	s14 =	sand.u32 @!p1 $0x1FFFFFF, s9  }
0x20: {  	s15 =	smulhi.u32 @!p1 $0x147AE15, s14;
	_ =	sdelay $0x1  }
0x21: {  	s15 =	smul.u32 @!p1 $0xC8, s15  }
0x22: {  	s16 =	sxor.u32 @!p1 $0xFFFFFFFF, s11;
	s17 =	smul.u32 @!p1 $0xC80, s10  }
0x23: {  	s31 =	sadd.s32 $0xFFFFFFFF, s11;
	s16 =	sshll.u32 @!p1 s16, $0xD;
	s14 =	ssub.s32 @!p1 s14, s15  }
0x24: {  	s15 =	sand.u32 @!p1 $0x2000, s16;
	s16 =	sadd.s32 @!p1 s6, s17;
	s14 =	sshll.u32 @!p1 s14, $0x4  }
0x25: {  	s17 =	simm.s32 @!p1 $0x6400;
	s14 =	sadd.s32 @!p1 s14, s16;
	s16 =	simm.s32 @!p1 $0x40  }
0x26: {  	[tilespmem:s15], [sflag:$0x1] =	stream.strided.gather @!p1 [hbm4b:s14+s16], $0x2000, s17, s16, $0x38;
	[tilespmem:$0x8080] =	vst v63  }
0x27: {  	p1 =	sge.u32 s31, s5  }
.Ltmp2:
0x28: {  	_ = 	snop;
	(pc) =	sbr.rel @p1 .LBB1_5-.Ltmp2, $1  }
0x29: {  	_ =	sdelay $0x3  }
0x2a: {  	s14 =	simm.s32 $0x1  }
0x2b: {  	_ =	swait.ge [sflag:s4], $0x2000;
	s14 =	simm.s32 @!p0 $0x0  }
0x2c: {  	[sflag:s4] =	ssyncset.done $0x0;
	s15 =	sshll.u32 s14, $0xD  }
0x2d: {  	[sflag:s4] =	ssyncadd.s32 $0xFFFFE000;
	s18 =	sor.u32 $0x20, s15  }
0x2e: {  	s14 =	smul.u32 $0x8100, s14;
	v3 =	vld [tilespmem:s18+$0x10]  }
0x2f: {  	s30 =	sand.u32 $0x1, s11;
	v2 =	vld [tilespmem:s18+$0xFFFFFFF0]  }
0x30: {  	s15 =	smul.u32 $0x8100, s30;
	s14 =	sshrl.u32 s14, $0x2;
	v0 =	vld [tilespmem:s18+$0x0]  }
0x31: {  	v1 =	vld [tilespmem:s18+$0xFFFFFFE0];
	s16 =	sor.u32 $0x4000, s14  }
0x32: {  	s31 =	sshrl.u32 s15, $0x2;
	s15 =	sadd.s32 $0x0, s16  }
0x33: {  	s17 =	simm.s32 $0x4;
	s18 =	sadd.s32 $0x40, s18;
	s14 =	sor.u32 $0x4000, s31;
	[tilespmem:s15+$0x1830 ss:$0x81] =	vst.msk $0xffff, v3  }
.LBB1_3:
0x34: {  	v3 =	vld [tilespmem:s18+$0x10];
	p1 =	sne.s32 s17, $0x1FC;
	[tilespmem:s15+$0x810 ss:$0x81] =	vst.msk $0xffff, v2;
	s19 =	smov.u32 s17;
	s17 =	sadd.s32 $0x4, s17  }
.Ltmp3:
0x35: {  	v2 =	vld [tilespmem:s18+$0xFFFFFFF0];
	[tilespmem:s15+$0x1020 ss:$0x81] =	vst.msk $0xffff, v0;
	(pc) =	sbr.rel @p1 .LBB1_3-.Ltmp3, $4  }
0x36: {  	v0 =	vld [tilespmem:s18+$0x0];
	[tilespmem:s15+$0x0 ss:$0x81] =	vst.msk $0xffff, v1  }
0x37: {  	s15 =	sshra.s32 s19, $0x2;
	v1 =	vld [tilespmem:s18+$0xFFFFFFE0]  }
0x38: {  	s15 =	sadd.s32 s15, s16  }
0x39: {  	s18 =	sadd.s32 $0x40, s18;
	[tilespmem:s15+$0x1830 ss:$0x81] =	vst.msk $0xffff, v3  }
.Ltmp4:
0x3a: {  	_ = 	snop;
	(pc) =	sbr.rel .LBB1_4-.Ltmp4, $1  }
0x3b: {  	_ =	sdelay $0x3  }
.LBB1_6:
0x3c: {  	_ =	sfence.sel $0x180000  }
0x3d: {  	s2 =	simm.s32 $0x1;
	[bflag:$0x0] =	sbarrier.arrive $0xFFFF  }
0x3e: {  	s31 =	simm.s32 $0x2;
	[sflag:s2] =	ssyncpa.u1 $0x1  }
0x3f: {  	[sflag:s31] =	ssyncpa.u1 $0x1  }
0x40: {  	p0 =	sne.s32 s0, $0x0;
	_ =	strace $0x9000004A  }
0x41: {  	s0 =	sadd.s32 @!p0 $0x100000, s1;
	[bflag:$0x2] =	sbarrier.arrive $0xFFFF  }
0x42: {  	[sflag:s0] =	ssyncadd.tile.s32 @!p0 $0x1;
	_ =	shalt  }
.Lfunc_end1:
_tile_overlayer_lowered:
.L_overlay_start_2:
0x43: {  	(tag) =	ssettag $0x2  }
0x44: {  	s0 =	rddreg [dreg:$0x0];
	s2 =	stileid.u32  }
0x45: {  	s1 =	rddreg [dreg:$0x1];
	p0 =	sne.s32 s2, $0x0  }
0x46: {  	s3 =	rddreg [dreg:$0x2];
	[bflag:$0x3] =	sbarrier.arrive $0xFFFF;
	s2 =	simm.s32 @!p0 $0x1C01  }
0x47: {  	[timem:s3], [sflag:s2] =	dma.local @!p0 [hbm:s0], s1  }
0x48: {  	s0 =	simm.s32 @!p0 $0x1  }
0x49: {  	_ =	swait.ge @!p0 [sflag:s0], s1  }
0x4a: {  	s1 =	ssub.s32 @!p0 $0x0, s1;
	[sflag:s0] =	ssyncset.done @!p0 $0x0  }
0x4b: {  	[sflag:s0] =	ssyncadd.s32 @!p0 s1  }
0x4c: {  	[bflag:$0x3] =	sbarrier.arrive $0xFFFF  }
0x4d: {  	_ =	shalt  }

</sc_bundles>
